<compile_context>
chip_gen: v7x
topology: tpu7x:2x2x1
jax: 0.10.2.dev20260603
libtpu: 0.0.44.dev20260713+nightly
codegen_flags: <defaults>
</compile_context>

<pallas_src>
import functools

import jax
import jax.numpy as jnp
from jax import lax
from jax.experimental import pallas as pl
from jax.experimental.pallas import tpu as pltpu
from jax.experimental.pallas import tpu_sc as plsc

N = 10000
NPAD = 10240
E = 320000
NC, NS = 2, 16
D_HID = 16
EPT = E // (NC * NS)
CH = 80
NCH = EPT // CH
NBUF = 10
RPT = NPAD // NS
DCH = 128
DNF = EPT // DCH
DTL = EPT - DNF * DCH
NGRP = RPT // 16

_mesh = plsc.VectorSubcoreMesh(
    core_axis_name="c", subcore_axis_name="s", num_cores=NC, num_subcores=NS)


def _fill_1d(ref, n, value):
    v = jnp.full((16,), value, jnp.float32)

    def body(i, _):
        ref[pl.ds(i * 16, 16)] = v
        return 0

    lax.fori_loop(0, n // 16, body, 0)


def _fill_2d(ref, n, value):
    v = jnp.full((16,), value, jnp.float32)

    def body(i, _):
        ref[i, :] = v
        return 0

    lax.fori_loop(0, n, body, 0)


def _fast_rsqrt(v):
    i = lax.bitcast_convert_type(v, jnp.int32)
    i = jnp.int32(0x5F3759DF) - lax.shift_right_arithmetic(i, 1)
    y = lax.bitcast_convert_type(i, jnp.float32)
    for _ in range(3):
        y = y * (1.5 - 0.5 * v * y * y)
    return y


def _edge_loop(q_sp, acc_sp, src_v, dst_v, rows, gsems, ssems):
    ngrp = NCH // NBUF
    ntail = NCH - ngrp * NBUF
    for b in range(NBUF):
        pltpu.async_copy(q_sp.at[src_v.at[pl.ds(b * CH, CH)]], rows[b], gsems[b])

    def eloop(g, _):
        for b in range(NBUF):
            j = g * NBUF + b
            pltpu.make_async_copy(q_sp.at[src_v.at[pl.ds(pl.multiple_of(j * CH, 8), CH)]], rows[b], gsems[b]).wait()
            pltpu.async_copy(rows[b], acc_sp.at[dst_v.at[pl.ds(pl.multiple_of(j * CH, 8), CH)]], ssems[b], add=True)
        for b in range(NBUF):
            j = g * NBUF + b
            pltpu.make_async_copy(rows[b], acc_sp.at[dst_v.at[pl.ds(pl.multiple_of(j * CH, 8), CH)]], ssems[b]).wait()
            nj = j + NBUF

            @pl.when(nj < NCH)
            def _():
                pltpu.async_copy(q_sp.at[src_v.at[pl.ds(pl.multiple_of(nj * CH, 8), CH)]], rows[b], gsems[b])
        return 0

    lax.fori_loop(0, ngrp, eloop, 0)
    for b in range(ntail):
        j = ngrp * NBUF + b
        pltpu.make_async_copy(q_sp.at[src_v.at[pl.ds(j * CH, CH)]], rows[b], gsems[b]).wait()
        pltpu.async_copy(rows[b], acc_sp.at[dst_v.at[pl.ds(j * CH, CH)]], ssems[b], add=True)
    for b in range(ntail):
        j = ngrp * NBUF + b
        pltpu.make_async_copy(rows[b], acc_sp.at[dst_v.at[pl.ds(j * CH, CH)]], ssems[b]).wait()


@functools.partial(
    pl.kernel,
    out_type=(
        jax.ShapeDtypeStruct((NC, NPAD), jnp.float32),
        jax.ShapeDtypeStruct((NC, NPAD), jnp.float32),
    ),
    mesh=_mesh,
    scratch_types=[
        pltpu.VMEM((EPT,), jnp.int32),
        pltpu.VMEM((EPT,), jnp.int32),
        pltpu.VMEM((DCH,), jnp.float32),
        pltpu.VMEM((DCH,), jnp.float32),
        pltpu.SemaphoreType.DMA,
        pltpu.SemaphoreType.DMA,
        pltpu.VMEM_SHARED((NPAD,), jnp.float32),
        pltpu.VMEM_SHARED((NPAD,), jnp.float32),
    ],
    compiler_params=pltpu.CompilerParams(use_tc_tiling_on_sc=False, needs_layout_passes=False),
)
def _deg_kernel(srcr, dstr, dego_out, degi_out,
                src_v, dst_v, ones_v, zb_v, sem0, sem1, dego_sp, degi_sp):
    c = lax.axis_index("c")
    s = lax.axis_index("s")
    _fill_1d(ones_v, DCH, 1.0)
    _fill_1d(zb_v, DCH, 0.0)

    base = pl.multiple_of(s * RPT, 8)

    def zloop(k, _):
        off = pl.multiple_of(base + k * DCH, 8)
        pltpu.sync_copy(zb_v, dego_sp.at[pl.ds(off, DCH)])
        pltpu.sync_copy(zb_v, degi_sp.at[pl.ds(off, DCH)])
        return 0

    lax.fori_loop(0, RPT // DCH, zloop, 0)
    plsc.subcore_barrier()

    ebase = pl.multiple_of((c * NS + s) * EPT, 8)
    pltpu.sync_copy(srcr.at[pl.ds(ebase, EPT)], src_v)
    pltpu.sync_copy(dstr.at[pl.ds(ebase, EPT)], dst_v)

    def sloop(j, _):
        pltpu.async_copy(ones_v, dego_sp.at[src_v.at[pl.ds(pl.multiple_of(j * DCH, 8), DCH)]], sem0, add=True)
        pltpu.async_copy(ones_v, degi_sp.at[dst_v.at[pl.ds(pl.multiple_of(j * DCH, 8), DCH)]], sem1, add=True)
        return 0

    lax.fori_loop(0, DNF, sloop, 0)
    ot = ones_v.at[pl.ds(0, DTL)]
    pltpu.async_copy(ot, dego_sp.at[src_v.at[pl.ds(DNF * DCH, DTL)]], sem0, add=True)
    pltpu.async_copy(ot, degi_sp.at[dst_v.at[pl.ds(DNF * DCH, DTL)]], sem1, add=True)

    def dloop(j, _):
        pltpu.make_async_copy(ones_v, dego_sp.at[src_v.at[pl.ds(pl.multiple_of(j * DCH, 8), DCH)]], sem0).wait()
        pltpu.make_async_copy(ones_v, degi_sp.at[dst_v.at[pl.ds(pl.multiple_of(j * DCH, 8), DCH)]], sem1).wait()
        return 0

    lax.fori_loop(0, DNF, dloop, 0)
    pltpu.make_async_copy(ot, dego_sp.at[src_v.at[pl.ds(DNF * DCH, DTL)]], sem0).wait()
    pltpu.make_async_copy(ot, degi_sp.at[dst_v.at[pl.ds(DNF * DCH, DTL)]], sem1).wait()
    plsc.subcore_barrier()

    pltpu.sync_copy(dego_sp.at[pl.ds(base, RPT)], dego_out.at[c, pl.ds(base, RPT)])
    pltpu.sync_copy(degi_sp.at[pl.ds(base, RPT)], degi_out.at[c, pl.ds(base, RPT)])


@functools.partial(
    pl.kernel,
    out_type=jax.ShapeDtypeStruct((NC, NPAD, D_HID), jnp.float32),
    mesh=_mesh,
    scratch_types=[
        pltpu.VMEM((EPT,), jnp.int32),
        pltpu.VMEM((EPT,), jnp.int32),
        [pltpu.VMEM((CH, D_HID), jnp.float32)] * NBUF,
        pltpu.VMEM((CH, D_HID), jnp.float32),
        pltpu.VMEM((RPT, D_HID), jnp.float32),
        pltpu.VMEM((RPT,), jnp.float32),
        pltpu.VMEM((RPT,), jnp.float32),
        [pltpu.SemaphoreType.DMA] * NBUF,
        [pltpu.SemaphoreType.DMA] * NBUF,
        pltpu.VMEM_SHARED((NPAD, D_HID), jnp.float32),
        pltpu.VMEM_SHARED((NPAD, D_HID), jnp.float32),
    ],
    compiler_params=pltpu.CompilerParams(use_tc_tiling_on_sc=False, needs_layout_passes=False),
)
def _agg1_kernel(p_hbm, dego, srcr, dstr, out_hbm,
                 src_v, dst_v, rows, zb_v, pv, da, db, gsems, ssems,
                 q_sp, acc_sp):
    c = lax.axis_index("c")
    s = lax.axis_index("s")
    _fill_2d(zb_v, CH, 0.0)

    base = pl.multiple_of(s * RPT, 8)

    def zloop(k, _):
        off = pl.multiple_of(base + k * CH, 8)
        pltpu.sync_copy(zb_v, acc_sp.at[pl.ds(off, CH)])
        return 0

    lax.fori_loop(0, RPT // CH, zloop, 0)

    pltpu.sync_copy(p_hbm.at[pl.ds(base, RPT)], pv)
    pltpu.sync_copy(dego.at[0, pl.ds(base, RPT)], da)
    pltpu.sync_copy(dego.at[1, pl.ds(base, RPT)], db)

    iota16 = lax.iota(jnp.int32, 16)

    def scale(g, _):
        o = g * 16
        ns16 = _fast_rsqrt(jnp.maximum(da[pl.ds(o, 16)] + db[pl.ds(o, 16)], 1.0))
        rows16 = o + iota16
        for f in range(D_HID):
            fidx = jnp.full((16,), f, jnp.int32)
            col = plsc.load_gather(pv, [rows16, fidx])
            plsc.store_scatter(pv, [rows16, fidx], col * ns16)
        return 0

    lax.fori_loop(0, NGRP, scale, 0)
    pltpu.sync_copy(pv, q_sp.at[pl.ds(base, RPT)])
    plsc.subcore_barrier()

    ebase = pl.multiple_of((c * NS + s) * EPT, 8)
    pltpu.sync_copy(srcr.at[pl.ds(ebase, EPT)], src_v)
    pltpu.sync_copy(dstr.at[pl.ds(ebase, EPT)], dst_v)
    _edge_loop(q_sp, acc_sp, src_v, dst_v, rows, gsems, ssems)
    plsc.subcore_barrier()

    pltpu.sync_copy(acc_sp.at[pl.ds(base, RPT)], out_hbm.at[c, pl.ds(base, RPT)])


@functools.partial(
    pl.kernel,
    out_type=jax.ShapeDtypeStruct((NC, NPAD, D_HID), jnp.float32),
    mesh=_mesh,
    scratch_types=[
        pltpu.VMEM((EPT,), jnp.int32),
        pltpu.VMEM((EPT,), jnp.int32),
        [pltpu.VMEM((CH, D_HID), jnp.float32)] * NBUF,
        pltpu.VMEM((CH, D_HID), jnp.float32),
        pltpu.VMEM((RPT, D_HID), jnp.float32),
        pltpu.VMEM((RPT, D_HID), jnp.float32),
        pltpu.VMEM((RPT,), jnp.float32),
        pltpu.VMEM((RPT,), jnp.float32),
        pltpu.VMEM((RPT,), jnp.float32),
        pltpu.VMEM((16,), jnp.float32),
        [pltpu.SemaphoreType.DMA] * NBUF,
        [pltpu.SemaphoreType.DMA] * NBUF,
        pltpu.VMEM_SHARED((NPAD, D_HID), jnp.float32),
        pltpu.VMEM_SHARED((NPAD, D_HID), jnp.float32),
    ],
    compiler_params=pltpu.CompilerParams(use_tc_tiling_on_sc=False, needs_layout_passes=False),
)
def _agg2_kernel(p1, dego, degi, b1, srcr, dstr, out_hbm,
                 src_v, dst_v, rows, zb_v, p0v, p1v, da, db, dc, b1v,
                 gsems, ssems, q_sp, acc_sp):
    c = lax.axis_index("c")
    s = lax.axis_index("s")
    _fill_2d(zb_v, CH, 0.0)

    base = pl.multiple_of(s * RPT, 8)

    def zloop(k, _):
        off = pl.multiple_of(base + k * CH, 8)
        pltpu.sync_copy(zb_v, acc_sp.at[pl.ds(off, CH)])
        return 0

    lax.fori_loop(0, RPT // CH, zloop, 0)

    pltpu.sync_copy(p1.at[0, pl.ds(base, RPT)], p0v)
    pltpu.sync_copy(p1.at[1, pl.ds(base, RPT)], p1v)
    pltpu.sync_copy(b1, b1v)

    pltpu.sync_copy(dego.at[0, pl.ds(base, RPT)], da)
    pltpu.sync_copy(dego.at[1, pl.ds(base, RPT)], dc)

    def nsl(i, _):
        o = i * 16
        da[pl.ds(o, 16)] = _fast_rsqrt(
            jnp.maximum(da[pl.ds(o, 16)] + dc[pl.ds(o, 16)], 1.0))
        return 0

    lax.fori_loop(0, RPT // 16, nsl, 0)
    pltpu.sync_copy(degi.at[0, pl.ds(base, RPT)], db)
    pltpu.sync_copy(degi.at[1, pl.ds(base, RPT)], dc)

    def ndl(i, _):
        o = i * 16
        db[pl.ds(o, 16)] = _fast_rsqrt(
            jnp.maximum(db[pl.ds(o, 16)] + dc[pl.ds(o, 16)], 1.0))
        return 0

    lax.fori_loop(0, RPT // 16, ndl, 0)

    iota16 = lax.iota(jnp.int32, 16)
    bexp = [plsc.load_gather(b1v, [jnp.full((16,), f, jnp.int32)])
            for f in range(D_HID)]

    def mid(g, _):
        o = g * 16
        ns16 = da[pl.ds(o, 16)]
        nd16 = db[pl.ds(o, 16)]
        rows16 = o + iota16
        for f in range(D_HID):
            fidx = jnp.full((16,), f, jnp.int32)
            g0 = plsc.load_gather(p0v, [rows16, fidx])
            g1 = plsc.load_gather(p1v, [rows16, fidx])
            v = jnp.maximum((g0 + g1) * nd16 + bexp[f], 0.0) * ns16
            plsc.store_scatter(p0v, [rows16, fidx], v)
        return 0

    lax.fori_loop(0, NGRP, mid, 0)
    pltpu.sync_copy(p0v, q_sp.at[pl.ds(base, RPT)])
    plsc.subcore_barrier()

    ebase = pl.multiple_of((c * NS + s) * EPT, 8)
    pltpu.sync_copy(srcr.at[pl.ds(ebase, EPT)], src_v)
    pltpu.sync_copy(dstr.at[pl.ds(ebase, EPT)], dst_v)
    _edge_loop(q_sp, acc_sp, src_v, dst_v, rows, gsems, ssems)
    plsc.subcore_barrier()

    pltpu.sync_copy(acc_sp.at[pl.ds(base, RPT)], out_hbm.at[c, pl.ds(base, RPT)])


def _p_body(x_ref, w_ref, ei_ref, o_ref, os_ref, od_ref):
    p = jnp.dot(x_ref[...], w_ref[...], preferred_element_type=jnp.float32)
    o_ref[...] = jnp.concatenate(
        [p, jnp.zeros((NPAD - N, D_HID), jnp.float32)], axis=0)
    os_ref[...] = ei_ref[0]
    od_ref[...] = ei_ref[1]


_p_call = pl.pallas_call(
    _p_body,
    out_shape=(
        jax.ShapeDtypeStruct((NPAD, D_HID), jnp.float32),
        jax.ShapeDtypeStruct((E,), jnp.int32),
        jax.ShapeDtypeStruct((E,), jnp.int32),
    ))


def _out_body(p_ref, degi_ref, w_ref, b_ref, o_ref):
    agg = p_ref[0] + p_ref[1]
    nd = lax.rsqrt(jnp.maximum(degi_ref[0] + degi_ref[1], 1.0))
    o_ref[...] = jnp.dot(agg * nd[:, None], w_ref[...],
                         preferred_element_type=jnp.float32) + b_ref[...][None, :]


_out_call = pl.pallas_call(
    _out_body, out_shape=jax.ShapeDtypeStruct((NPAD, 40), jnp.float32))


def kernel(x, edge_index, W1, b1, W2, b2):
    ei = edge_index.astype(jnp.int32)

    P, srcp, dstp = _p_call(x, W1, ei)
    dego, degi = _deg_kernel(srcp, dstp)
    p1 = _agg1_kernel(P, dego, srcp, dstp)
    p2 = _agg2_kernel(p1, dego, degi, b1, srcp, dstp)
    out = _out_call(p2, degi, W2, b2)
    return out[:N]

# --- scband reference (transcript-rebuilt; emitter-appended) ---
"""Pipeline reference for scband-gcnnet-69097433858684 (READ-ONLY COPY).

The authoritative reference and input builder live on the scoring server;
editing this copy changes nothing except your own understanding.
"""

import jax, jax.numpy as jnp
import numpy as np

N_NODES = 10000
N_EDGES = 320000
D_IN = 128
D_HID = 16
D_OUT = 40


def _glorot(key, shape):
    fan_in, fan_out = shape[0], shape[1]
    limit = np.sqrt(6.0 / (fan_in + fan_out))
    return jax.random.uniform(key, shape, dtype=jnp.float32, minval=-limit, maxval=limit)


def setup_inputs(seed: int = 0) -> dict:
    key = jax.random.key(seed)
    k_x, k_e, k_w1, k_w2 = jax.random.split(key, 4)
    x = jax.random.normal(k_x, (N_NODES, D_IN), dtype=jnp.float32)
    edge_index = jax.random.randint(k_e, (2, N_EDGES), 0, N_NODES, dtype=jnp.int64)
    W1 = _glorot(k_w1, (D_IN, D_HID))
    b1 = jnp.zeros((D_HID,), dtype=jnp.float32)
    W2 = _glorot(k_w2, (D_HID, D_OUT))
    b2 = jnp.zeros((D_OUT,), dtype=jnp.float32)
    return {"x": x, "edge_index": edge_index, "W1": W1, "b1": b1, "W2": W2, "b2": b2}


def _graph_conv(x, src, dst, W, b):
    # DGL GraphConv with norm='both', bias=True (default):
    # out = D_dst^{-1/2} * A * D_src^{-1/2} * x * W + b
    ones = jnp.ones((src.shape[0],), dtype=jnp.float32)
    deg_out = jax.ops.segment_sum(ones, src, num_segments=N_NODES)
    deg_in = jax.ops.segment_sum(ones, dst, num_segments=N_NODES)
    deg_out = jnp.clip(deg_out, 1.0, None)
    deg_in = jnp.clip(deg_in, 1.0, None)
    norm_src = jax.lax.rsqrt(deg_out)
    norm_dst = jax.lax.rsqrt(deg_in)
    # mult W first when in_feats > out_feats (same math either way)
    h = x @ W
    h = h * norm_src[:, None]
    msgs = jnp.take(h, src, axis=0)
    agg = jax.ops.segment_sum(msgs, dst, num_segments=N_NODES)
    agg = agg * norm_dst[:, None]
    return agg + b


def reference(x, edge_index, W1, b1, W2, b2):
    src = edge_index[0]
    dst = edge_index[1]
    h = _graph_conv(x, src, dst, W1, b1)
    h = jax.nn.relu(h)
    # dropout(p=0.5) is identity in eval mode
    out = _graph_conv(h, src, dst, W2, b2)
    return out

if __name__ == "__main__":
    import jax
    _d = setup_inputs()
    print(jax.jit(kernel)(*tuple(_d.values())))

</pallas_src>

<mosaic_0001>
#map = affine_map<(d0, d1) -> (0)>
#map1 = affine_map<(d0, d1) -> (0, 0)>
module attributes {stable_mosaic.version = 14 : i64} {
  func.func @_deg_kernel(%arg0: i32, %arg1: i32, %arg2: memref<320000xi32, #tpu.memory_space<hbm>>, %arg3: memref<320000xi32, #tpu.memory_space<hbm>>, %arg4: memref<2x10240xf32, #tpu.memory_space<hbm>>, %arg5: memref<2x10240xf32, #tpu.memory_space<hbm>>, %arg6: memref<10000xi32, #tpu.memory_space<vmem>>, %arg7: memref<10000xi32, #tpu.memory_space<vmem>>, %arg8: memref<128xf32, #tpu.memory_space<vmem>>, %arg9: memref<128xf32, #tpu.memory_space<vmem>>, %arg10: memref<!tpu.dma_semaphore, #tpu.memory_space<semaphore_mem>>, %arg11: memref<!tpu.dma_semaphore, #tpu.memory_space<semaphore_mem>>, %arg12: memref<10240xf32, #tpu.memory_space<vmem_shared>>, %arg13: memref<10240xf32, #tpu.memory_space<vmem_shared>>) attributes {dimension_semantics = [#tpu.dimension_semantics<core_parallel>, #tpu.dimension_semantics<subcore_parallel>], iteration_bounds = array<i64: 2, 16>, scalar_prefetch = 0 : i64, scratch_operands = 8 : i64, tpu.core_type = #tpu.core_type<sc_vector_subcore>, window_params = [{transform_indices = #map}, {transform_indices = #map}, {transform_indices = #map1}, {transform_indices = #map1}]} {
    %broadcast_in_dim3A = arith.constant 1.000000e+00 : f32
    %broadcast_in_dim3A_0 = vector.broadcast %broadcast_in_dim3A : f32 to vector<16xf32>
    %scan3A = arith.constant 0 : i32
    %scan3A_1 = arith.constant 0 : i32
    %scan3A_2 = arith.constant 8 : i32
    %scan3A_3 = arith.addi %scan3A_1, %scan3A_2 : i32
    %scan3A_4 = arith.constant 1 : i32
    %scan3A_5 = scf.for %scan3A_66 = %scan3A_1 to %scan3A_3 step %scan3A_4 iter_args(%scan3A_67 = %scan3A) -> (i32)  : i32 {
      %mul3A_68 = arith.constant 16 : i32
      %mul3A_69 = arith.muli %scan3A_66, %mul3A_68 : i32
      %swap3A = arith.index_cast %mul3A_69 : i32 to index
      %swap3A_70 = tpu.vector_load %arg8[%swap3A] {strides = array<i32>} : memref<128xf32, #tpu.memory_space<vmem>>, vector<16xf32>,
      tpu.vector_store %arg8[%swap3A], %broadcast_in_dim3A_0 {strides = array<i32>} : memref<128xf32, #tpu.memory_space<vmem>>, vector<16xf32>,
      %scan3A_71 = arith.constant 0 : i32
      scf.yield %scan3A_71 : i32
    }
    %scan3A_6 = arith.constant 8 : i32
    %broadcast_in_dim3A_7 = arith.constant 0.000000e+00 : f32
    %broadcast_in_dim3A_8 = vector.broadcast %broadcast_in_dim3A_7 : f32 to vector<16xf32>
    %scan3A_9 = arith.constant 0 : i32
    %scan3A_10 = arith.constant 0 : i32
    %scan3A_11 = arith.constant 8 : i32
    %scan3A_12 = arith.addi %scan3A_10, %scan3A_11 : i32
    %scan3A_13 = arith.constant 1 : i32
    %scan3A_14 = scf.for %scan3A_66 = %scan3A_10 to %scan3A_12 step %scan3A_13 iter_args(%scan3A_67 = %scan3A_9) -> (i32)  : i32 {
      %mul3A_68 = arith.constant 16 : i32
      %mul3A_69 = arith.muli %scan3A_66, %mul3A_68 : i32
      %swap3A = arith.index_cast %mul3A_69 : i32 to index
      %swap3A_70 = tpu.vector_load %arg9[%swap3A] {strides = array<i32>} : memref<128xf32, #tpu.memory_space<vmem>>, vector<16xf32>,
      tpu.vector_store %arg9[%swap3A], %broadcast_in_dim3A_8 {strides = array<i32>} : memref<128xf32, #tpu.memory_space<vmem>>, vector<16xf32>,
      %scan3A_71 = arith.constant 0 : i32
      scf.yield %scan3A_71 : i32
    }
    %scan3A_15 = arith.constant 8 : i32
    %mul3A = arith.constant 640 : i32
    %mul3A_16 = arith.muli %arg1, %mul3A : i32
    %multiple_of3A = tpu.assume_multiple %mul3A_16, 8 : i32
    %scan3A_17 = arith.constant 0 : i32
    %scan3A_18 = arith.constant 0 : i32
    %scan3A_19 = arith.constant 5 : i32
    %scan3A_20 = arith.addi %scan3A_18, %scan3A_19 : i32
    %scan3A_21 = arith.constant 1 : i32
    %scan3A_22 = scf.for %scan3A_66 = %scan3A_18 to %scan3A_20 step %scan3A_21 iter_args(%scan3A_67 = %scan3A_17) -> (i32)  : i32 {
      %mul3A_68 = arith.constant 128 : i32
      %mul3A_69 = arith.muli %scan3A_66, %mul3A_68 : i32
      %add3A_70 = arith.addi %multiple_of3A, %mul3A_69 : i32
      %multiple_of3A_71 = tpu.assume_multiple %add3A_70, 8 : i32
      "tpu.region"() ({
        %run_scoped3A = tpu.sem_alloc : memref<!tpu.dma_semaphore, #tpu.memory_space<semaphore_mem>>
        %dma_start3A_73 = tpu.memref_slice %arg12[%multiple_of3A_71] : memref<10240xf32, #tpu.memory_space<vmem_shared>> -> memref<128xf32, #tpu.memory_space<vmem_shared>>
        %dma_start3A_74 = tpu.memref_slice %arg12[%multiple_of3A_71] : memref<10240xf32, #tpu.memory_space<vmem_shared>> -> memref<128xf32, #tpu.memory_space<vmem_shared>>
        tpu.enqueue_dma source(%arg9 : memref<128xf32, #tpu.memory_space<vmem>>) target(%dma_start3A_74 : memref<128xf32, #tpu.memory_space<vmem_shared>>) target_semaphore(%run_scoped3A : memref<!tpu.dma_semaphore, #tpu.memory_space<semaphore_mem>>)
        %dma_wait3A_75 = tpu.memref_slice %arg12[%multiple_of3A_71] : memref<10240xf32, #tpu.memory_space<vmem_shared>> -> memref<128xf32, #tpu.memory_space<vmem_shared>>
        %dma_wait3A_76 = tpu.memref_slice %arg12[%multiple_of3A_71] : memref<10240xf32, #tpu.memory_space<vmem_shared>> -> memref<128xf32, #tpu.memory_space<vmem_shared>>
        tpu.wait_dma2 semaphore(%run_scoped3A : memref<!tpu.dma_semaphore, #tpu.memory_space<semaphore_mem>>) src(%arg9 : memref<128xf32, #tpu.memory_space<vmem>>) dst(%dma_wait3A_76 : memref<128xf32, #tpu.memory_space<vmem_shared>>)
        tpu.yield
      }) : () -> ()
      "tpu.region"() ({
        %run_scoped3A = tpu.sem_alloc : memref<!tpu.dma_semaphore, #tpu.memory_space<semaphore_mem>>
        %dma_start3A_73 = tpu.memref_slice %arg13[%multiple_of3A_71] : memref<10240xf32, #tpu.memory_space<vmem_shared>> -> memref<128xf32, #tpu.memory_space<vmem_shared>>
        %dma_start3A_74 = tpu.memref_slice %arg13[%multiple_of3A_71] : memref<10240xf32, #tpu.memory_space<vmem_shared>> -> memref<128xf32, #tpu.memory_space<vmem_shared>>
        tpu.enqueue_dma source(%arg9 : memref<128xf32, #tpu.memory_space<vmem>>) target(%dma_start3A_74 : memref<128xf32, #tpu.memory_space<vmem_shared>>) target_semaphore(%run_scoped3A : memref<!tpu.dma_semaphore, #tpu.memory_space<semaphore_mem>>)
        %dma_wait3A_75 = tpu.memref_slice %arg13[%multiple_of3A_71] : memref<10240xf32, #tpu.memory_space<vmem_shared>> -> memref<128xf32, #tpu.memory_space<vmem_shared>>
        %dma_wait3A_76 = tpu.memref_slice %arg13[%multiple_of3A_71] : memref<10240xf32, #tpu.memory_space<vmem_shared>> -> memref<128xf32, #tpu.memory_space<vmem_shared>>
        tpu.wait_dma2 semaphore(%run_scoped3A : memref<!tpu.dma_semaphore, #tpu.memory_space<semaphore_mem>>) src(%arg9 : memref<128xf32, #tpu.memory_space<vmem>>) dst(%dma_wait3A_76 : memref<128xf32, #tpu.memory_space<vmem_shared>>)
        tpu.yield
      }) : () -> ()
      %scan3A_72 = arith.constant 0 : i32
      scf.yield %scan3A_72 : i32
    }
    %scan3A_23 = arith.constant 5 : i32
    %barrier3A = arith.constant 0 : index
    tpu.barrier barrier_id(%barrier3A)
    %mul3A_24 = arith.constant 16 : i32
    %mul3A_25 = arith.muli %arg0, %mul3A_24 : i32
    %add3A = arith.addi %mul3A_25, %arg1 : i32
    %mul3A_26 = arith.constant 10000 : i32
    %mul3A_27 = arith.muli %add3A, %mul3A_26 : i32
    %multiple_of3A_28 = tpu.assume_multiple %mul3A_27, 8 : i32
    "tpu.region"() ({
      %run_scoped3A = tpu.sem_alloc : memref<!tpu.dma_semaphore, #tpu.memory_space<semaphore_mem>>
      %dma_start3A_66 = tpu.memref_slice %arg2[%multiple_of3A_28] : memref<320000xi32, #tpu.memory_space<hbm>> -> memref<10000xi32, #tpu.memory_space<hbm>>
      %dma_start3A_67 = tpu.memref_slice %arg2[%multiple_of3A_28] : memref<320000xi32, #tpu.memory_space<hbm>> -> memref<10000xi32, #tpu.memory_space<hbm>>
      tpu.enqueue_dma source(%dma_start3A_67 : memref<10000xi32, #tpu.memory_space<hbm>>) target(%arg6 : memref<10000xi32, #tpu.memory_space<vmem>>) target_semaphore(%run_scoped3A : memref<!tpu.dma_semaphore, #tpu.memory_space<semaphore_mem>>)
      %dma_wait3A_68 = tpu.memref_slice %arg2[%multiple_of3A_28] : memref<320000xi32, #tpu.memory_space<hbm>> -> memref<10000xi32, #tpu.memory_space<hbm>>
      %dma_wait3A_69 = tpu.memref_slice %arg2[%multiple_of3A_28] : memref<320000xi32, #tpu.memory_space<hbm>> -> memref<10000xi32, #tpu.memory_space<hbm>>
      tpu.wait_dma2 semaphore(%run_scoped3A : memref<!tpu.dma_semaphore, #tpu.memory_space<semaphore_mem>>) src(%dma_wait3A_69 : memref<10000xi32, #tpu.memory_space<hbm>>) dst(%arg6 : memref<10000xi32, #tpu.memory_space<vmem>>)
      tpu.yield
    }) : () -> ()
    "tpu.region"() ({
      %run_scoped3A = tpu.sem_alloc : memref<!tpu.dma_semaphore, #tpu.memory_space<semaphore_mem>>
      %dma_start3A_66 = tpu.memref_slice %arg3[%multiple_of3A_28] : memref<320000xi32, #tpu.memory_space<hbm>> -> memref<10000xi32, #tpu.memory_space<hbm>>
      %dma_start3A_67 = tpu.memref_slice %arg3[%multiple_of3A_28] : memref<320000xi32, #tpu.memory_space<hbm>> -> memref<10000xi32, #tpu.memory_space<hbm>>
      tpu.enqueue_dma source(%dma_start3A_67 : memref<10000xi32, #tpu.memory_space<hbm>>) target(%arg7 : memref<10000xi32, #tpu.memory_space<vmem>>) target_semaphore(%run_scoped3A : memref<!tpu.dma_semaphore, #tpu.memory_space<semaphore_mem>>)
      %dma_wait3A_68 = tpu.memref_slice %arg3[%multiple_of3A_28] : memref<320000xi32, #tpu.memory_space<hbm>> -> memref<10000xi32, #tpu.memory_space<hbm>>
      %dma_wait3A_69 = tpu.memref_slice %arg3[%multiple_of3A_28] : memref<320000xi32, #tpu.memory_space<hbm>> -> memref<10000xi32, #tpu.memory_space<hbm>>
      tpu.wait_dma2 semaphore(%run_scoped3A : memref<!tpu.dma_semaphore, #tpu.memory_space<semaphore_mem>>) src(%dma_wait3A_69 : memref<10000xi32, #tpu.memory_space<hbm>>) dst(%arg7 : memref<10000xi32, #tpu.memory_space<vmem>>)
      tpu.yield
    }) : () -> ()
    %scan3A_29 = arith.constant 0 : i32
    %scan3A_30 = arith.constant 0 : i32
    %scan3A_31 = arith.constant 78 : i32
    %scan3A_32 = arith.addi %scan3A_30, %scan3A_31 : i32
    %scan3A_33 = arith.constant 1 : i32
    %scan3A_34 = scf.for %scan3A_66 = %scan3A_30 to %scan3A_32 step %scan3A_33 iter_args(%scan3A_67 = %scan3A_29) -> (i32)  : i32 {
      %mul3A_68 = arith.constant 128 : i32
      %mul3A_69 = arith.muli %scan3A_66, %mul3A_68 : i32
      %multiple_of3A_70 = tpu.assume_multiple %mul3A_69, 8 : i32
      %dma_start3A_71 = tpu.memref_slice %arg6[%multiple_of3A_70] : memref<10000xi32, #tpu.memory_space<vmem>> -> memref<128xi32, #tpu.memory_space<vmem>>
      %dma_start3A_72 = arith.constant 0 : i32
      %dma_start3A_73 = tpu.memref_slice %arg12[%dma_start3A_72] : memref<10240xf32, #tpu.memory_space<vmem_shared>> -> memref<10240xf32, #tpu.memory_space<vmem_shared>>
      tpu.enqueue_indirect_dma source(%arg8 : memref<128xf32, #tpu.memory_space<vmem>>) target(%dma_start3A_73 : memref<10240xf32, #tpu.memory_space<vmem_shared>>) offsets(%dma_start3A_71 : memref<128xi32, #tpu.memory_space<vmem>>) semaphore(%arg10 : memref<!tpu.dma_semaphore, #tpu.memory_space<semaphore_mem>>) {add = true}
      %mul3A_74 = arith.constant 128 : i32
      %mul3A_75 = arith.muli %scan3A_66, %mul3A_74 : i32
      %multiple_of3A_76 = tpu.assume_multiple %mul3A_75, 8 : i32
      %dma_start3A_77 = tpu.memref_slice %arg7[%multiple_of3A_76] : memref<10000xi32, #tpu.memory_space<vmem>> -> memref<128xi32, #tpu.memory_space<vmem>>
      %dma_start3A_78 = arith.constant 0 : i32
      %dma_start3A_79 = tpu.memref_slice %arg13[%dma_start3A_78] : memref<10240xf32, #tpu.memory_space<vmem_shared>> -> memref<10240xf32, #tpu.memory_space<vmem_shared>>
      tpu.enqueue_indirect_dma source(%arg8 : memref<128xf32, #tpu.memory_space<vmem>>) target(%dma_start3A_79 : memref<10240xf32, #tpu.memory_space<vmem_shared>>) offsets(%dma_start3A_77 : memref<128xi32, #tpu.memory_space<vmem>>) semaphore(%arg11 : memref<!tpu.dma_semaphore, #tpu.memory_space<semaphore_mem>>) {add = true}
      %scan3A_80 = arith.constant 0 : i32
      scf.yield %scan3A_80 : i32
    }
    %scan3A_35 = arith.constant 78 : i32
    %dma_start3A = arith.constant 0 : i32
    %dma_start3A_36 = tpu.memref_slice %arg8[%dma_start3A] : memref<128xf32, #tpu.memory_space<vmem>> -> memref<16xf32, #tpu.memory_space<vmem>>
    %dma_start3A_37 = arith.constant 9984 : i32
    %dma_start3A_38 = tpu.memref_slice %arg6[%dma_start3A_37] : memref<10000xi32, #tpu.memory_space<vmem>> -> memref<16xi32, #tpu.memory_space<vmem>>
    %dma_start3A_39 = arith.constant 0 : i32
    %dma_start3A_40 = tpu.memref_slice %arg12[%dma_start3A_39] : memref<10240xf32, #tpu.memory_space<vmem_shared>> -> memref<10240xf32, #tpu.memory_space<vmem_shared>>
    tpu.enqueue_indirect_dma source(%dma_start3A_36 : memref<16xf32, #tpu.memory_space<vmem>>) target(%dma_start3A_40 : memref<10240xf32, #tpu.memory_space<vmem_shared>>) offsets(%dma_start3A_38 : memref<16xi32, #tpu.memory_space<vmem>>) semaphore(%arg10 : memref<!tpu.dma_semaphore, #tpu.memory_space<semaphore_mem>>) {add = true}
    %dma_start3A_41 = arith.constant 0 : i32
    %dma_start3A_42 = tpu.memref_slice %arg8[%dma_start3A_41] : memref<128xf32, #tpu.memory_space<vmem>> -> memref<16xf32, #tpu.memory_space<vmem>>
    %dma_start3A_43 = arith.constant 9984 : i32
    %dma_start3A_44 = tpu.memref_slice %arg7[%dma_start3A_43] : memref<10000xi32, #tpu.memory_space<vmem>> -> memref<16xi32, #tpu.memory_space<vmem>>
    %dma_start3A_45 = arith.constant 0 : i32
    %dma_start3A_46 = tpu.memref_slice %arg13[%dma_start3A_45] : memref<10240xf32, #tpu.memory_space<vmem_shared>> -> memref<10240xf32, #tpu.memory_space<vmem_shared>>
    tpu.enqueue_indirect_dma source(%dma_start3A_42 : memref<16xf32, #tpu.memory_space<vmem>>) target(%dma_start3A_46 : memref<10240xf32, #tpu.memory_space<vmem_shared>>) offsets(%dma_start3A_44 : memref<16xi32, #tpu.memory_space<vmem>>) semaphore(%arg11 : memref<!tpu.dma_semaphore, #tpu.memory_space<semaphore_mem>>) {add = true}
    %scan3A_47 = arith.constant 0 : i32
    %scan3A_48 = arith.constant 0 : i32
    %scan3A_49 = arith.constant 78 : i32
    %scan3A_50 = arith.addi %scan3A_48, %scan3A_49 : i32
    %scan3A_51 = arith.constant 1 : i32
    %scan3A_52 = scf.for %scan3A_66 = %scan3A_48 to %scan3A_50 step %scan3A_51 iter_args(%scan3A_67 = %scan3A_47) -> (i32)  : i32 {
      %mul3A_68 = arith.constant 128 : i32
      %mul3A_69 = arith.muli %scan3A_66, %mul3A_68 : i32
      %multiple_of3A_70 = tpu.assume_multiple %mul3A_69, 8 : i32
      %dma_wait3A_71 = tpu.memref_slice %arg6[%multiple_of3A_70] : memref<10000xi32, #tpu.memory_space<vmem>> -> memref<128xi32, #tpu.memory_space<vmem>>
      %dma_wait3A_72 = arith.constant 0 : i32
      %dma_wait3A_73 = tpu.memref_slice %arg12[%dma_wait3A_72] : memref<10240xf32, #tpu.memory_space<vmem_shared>> -> memref<10240xf32, #tpu.memory_space<vmem_shared>>
      tpu.wait_indirect_dma semaphore(%arg10 : memref<!tpu.dma_semaphore, #tpu.memory_space<semaphore_mem>>) src(%arg8 : memref<128xf32, #tpu.memory_space<vmem>>) dst(%dma_wait3A_73 : memref<10240xf32, #tpu.memory_space<vmem_shared>>)
      %mul3A_74 = arith.constant 128 : i32
      %mul3A_75 = arith.muli %scan3A_66, %mul3A_74 : i32
      %multiple_of3A_76 = tpu.assume_multiple %mul3A_75, 8 : i32
      %dma_wait3A_77 = tpu.memref_slice %arg7[%multiple_of3A_76] : memref<10000xi32, #tpu.memory_space<vmem>> -> memref<128xi32, #tpu.memory_space<vmem>>
      %dma_wait3A_78 = arith.constant 0 : i32
      %dma_wait3A_79 = tpu.memref_slice %arg13[%dma_wait3A_78] : memref<10240xf32, #tpu.memory_space<vmem_shared>> -> memref<10240xf32, #tpu.memory_space<vmem_shared>>
      tpu.wait_indirect_dma semaphore(%arg11 : memref<!tpu.dma_semaphore, #tpu.memory_space<semaphore_mem>>) src(%arg8 : memref<128xf32, #tpu.memory_space<vmem>>) dst(%dma_wait3A_79 : memref<10240xf32, #tpu.memory_space<vmem_shared>>)
      %scan3A_80 = arith.constant 0 : i32
      scf.yield %scan3A_80 : i32
    }
    %scan3A_53 = arith.constant 78 : i32
    %dma_wait3A = arith.constant 0 : i32
    %dma_wait3A_54 = tpu.memref_slice %arg8[%dma_wait3A] : memref<128xf32, #tpu.memory_space<vmem>> -> memref<16xf32, #tpu.memory_space<vmem>>
    %dma_wait3A_55 = arith.constant 9984 : i32
    %dma_wait3A_56 = tpu.memref_slice %arg6[%dma_wait3A_55] : memref<10000xi32, #tpu.memory_space<vmem>> -> memref<16xi32, #tpu.memory_space<vmem>>
    %dma_wait3A_57 = arith.constant 0 : i32
    %dma_wait3A_58 = tpu.memref_slice %arg12[%dma_wait3A_57] : memref<10240xf32, #tpu.memory_space<vmem_shared>> -> memref<10240xf32, #tpu.memory_space<vmem_shared>>
    tpu.wait_indirect_dma semaphore(%arg10 : memref<!tpu.dma_semaphore, #tpu.memory_space<semaphore_mem>>) src(%dma_wait3A_54 : memref<16xf32, #tpu.memory_space<vmem>>) dst(%dma_wait3A_58 : memref<10240xf32, #tpu.memory_space<vmem_shared>>)
    %dma_wait3A_59 = arith.constant 0 : i32
    %dma_wait3A_60 = tpu.memref_slice %arg8[%dma_wait3A_59] : memref<128xf32, #tpu.memory_space<vmem>> -> memref<16xf32, #tpu.memory_space<vmem>>
    %dma_wait3A_61 = arith.constant 9984 : i32
    %dma_wait3A_62 = tpu.memref_slice %arg7[%dma_wait3A_61] : memref<10000xi32, #tpu.memory_space<vmem>> -> memref<16xi32, #tpu.memory_space<vmem>>
    %dma_wait3A_63 = arith.constant 0 : i32
    %dma_wait3A_64 = tpu.memref_slice %arg13[%dma_wait3A_63] : memref<10240xf32, #tpu.memory_space<vmem_shared>> -> memref<10240xf32, #tpu.memory_space<vmem_shared>>
    tpu.wait_indirect_dma semaphore(%arg11 : memref<!tpu.dma_semaphore, #tpu.memory_space<semaphore_mem>>) src(%dma_wait3A_60 : memref<16xf32, #tpu.memory_space<vmem>>) dst(%dma_wait3A_64 : memref<10240xf32, #tpu.memory_space<vmem_shared>>)
    %barrier3A_65 = arith.constant 0 : index
    tpu.barrier barrier_id(%barrier3A_65)
    "tpu.region"() ({
      %run_scoped3A = tpu.sem_alloc : memref<!tpu.dma_semaphore, #tpu.memory_space<semaphore_mem>>
      %dma_start3A_66 = tpu.memref_slice %arg4[%arg0, %multiple_of3A] : memref<2x10240xf32, #tpu.memory_space<hbm>> -> memref<1x640xf32, #tpu.memory_space<hbm>>
      %dma_start3A_67 = tpu.memref_squeeze %dma_start3A_66 : memref<1x640xf32, #tpu.memory_space<hbm>> -> memref<640xf32, #tpu.memory_space<hbm>>
      %dma_start3A_68 = tpu.memref_slice %arg12[%multiple_of3A] : memref<10240xf32, #tpu.memory_space<vmem_shared>> -> memref<640xf32, #tpu.memory_space<vmem_shared>>
      tpu.enqueue_dma source(%dma_start3A_68 : memref<640xf32, #tpu.memory_space<vmem_shared>>) target(%dma_start3A_67 : memref<640xf32, #tpu.memory_space<hbm>>) target_semaphore(%run_scoped3A : memref<!tpu.dma_semaphore, #tpu.memory_space<semaphore_mem>>)
      %dma_wait3A_69 = tpu.memref_slice %arg4[%arg0, %multiple_of3A] : memref<2x10240xf32, #tpu.memory_space<hbm>> -> memref<1x640xf32, #tpu.memory_space<hbm>>
      %dma_wait3A_70 = tpu.memref_squeeze %dma_wait3A_69 : memref<1x640xf32, #tpu.memory_space<hbm>> -> memref<640xf32, #tpu.memory_space<hbm>>
      %dma_wait3A_71 = tpu.memref_slice %arg12[%multiple_of3A] : memref<10240xf32, #tpu.memory_space<vmem_shared>> -> memref<640xf32, #tpu.memory_space<vmem_shared>>
      tpu.wait_dma2 semaphore(%run_scoped3A : memref<!tpu.dma_semaphore, #tpu.memory_space<semaphore_mem>>) src(%dma_wait3A_71 : memref<640xf32, #tpu.memory_space<vmem_shared>>) dst(%dma_wait3A_70 : memref<640xf32, #tpu.memory_space<hbm>>)
      tpu.yield
    }) : () -> ()
    "tpu.region"() ({
      %run_scoped3A = tpu.sem_alloc : memref<!tpu.dma_semaphore, #tpu.memory_space<semaphore_mem>>
      %dma_start3A_66 = tpu.memref_slice %arg5[%arg0, %multiple_of3A] : memref<2x10240xf32, #tpu.memory_space<hbm>> -> memref<1x640xf32, #tpu.memory_space<hbm>>
      %dma_start3A_67 = tpu.memref_squeeze %dma_start3A_66 : memref<1x640xf32, #tpu.memory_space<hbm>> -> memref<640xf32, #tpu.memory_space<hbm>>
      %dma_start3A_68 = tpu.memref_slice %arg13[%multiple_of3A] : memref<10240xf32, #tpu.memory_space<vmem_shared>> -> memref<640xf32, #tpu.memory_space<vmem_shared>>
      tpu.enqueue_dma source(%dma_start3A_68 : memref<640xf32, #tpu.memory_space<vmem_shared>>) target(%dma_start3A_67 : memref<640xf32, #tpu.memory_space<hbm>>) target_semaphore(%run_scoped3A : memref<!tpu.dma_semaphore, #tpu.memory_space<semaphore_mem>>)
      %dma_wait3A_69 = tpu.memref_slice %arg5[%arg0, %multiple_of3A] : memref<2x10240xf32, #tpu.memory_space<hbm>> -> memref<1x640xf32, #tpu.memory_space<hbm>>
      %dma_wait3A_70 = tpu.memref_squeeze %dma_wait3A_69 : memref<1x640xf32, #tpu.memory_space<hbm>> -> memref<640xf32, #tpu.memory_space<hbm>>
      %dma_wait3A_71 = tpu.memref_slice %arg13[%multiple_of3A] : memref<10240xf32, #tpu.memory_space<vmem_shared>> -> memref<640xf32, #tpu.memory_space<vmem_shared>>
      tpu.wait_dma2 semaphore(%run_scoped3A : memref<!tpu.dma_semaphore, #tpu.memory_space<semaphore_mem>>) src(%dma_wait3A_71 : memref<640xf32, #tpu.memory_space<vmem_shared>>) dst(%dma_wait3A_70 : memref<640xf32, #tpu.memory_space<hbm>>)
      tpu.yield
    }) : () -> ()
    return
  }
}

#map = affine_map<(d0, d1) -> (0, 0, 0)>
#map1 = affine_map<(d0, d1) -> (0, 0)>
#map2 = affine_map<(d0, d1) -> (0)>
module attributes {stable_mosaic.version = 14 : i64} {
  func.func @_agg2_kernel(%arg0: i32, %arg1: i32, %arg2: memref<2x10240x16xf32, #tpu.memory_space<hbm>>, %arg3: memref<2x10240xf32, #tpu.memory_space<hbm>>, %arg4: memref<2x10240xf32, #tpu.memory_space<hbm>>, %arg5: memref<16xf32, #tpu.memory_space<hbm>>, %arg6: memref<320000xi32, #tpu.memory_space<hbm>>, %arg7: memref<320000xi32, #tpu.memory_space<hbm>>, %arg8: memref<2x10240x16xf32, #tpu.memory_space<hbm>>, %arg9: memref<10000xi32, #tpu.memory_space<vmem>>, %arg10: memref<10000xi32, #tpu.memory_space<vmem>>, %arg11: memref<80x16xf32, #tpu.memory_space<vmem>>, %arg12: memref<80x16xf32, #tpu.memory_space<vmem>>, %arg13: memref<80x16xf32, #tpu.memory_space<vmem>>, %arg14: memref<80x16xf32, #tpu.memory_space<vmem>>, %arg15: memref<80x16xf32, #tpu.memory_space<vmem>>, %arg16: memref<80x16xf32, #tpu.memory_space<vmem>>, %arg17: memref<80x16xf32, #tpu.memory_space<vmem>>, %arg18: memref<80x16xf32, #tpu.memory_space<vmem>>, %arg19: memref<80x16xf32, #tpu.memory_space<vmem>>, %arg20: memref<80x16xf32, #tpu.memory_space<vmem>>, %arg21: memref<80x16xf32, #tpu.memory_space<vmem>>, %arg22: memref<640x16xf32, #tpu.memory_space<vmem>>, %arg23: memref<640x16xf32, #tpu.memory_space<vmem>>, %arg24: memref<640xf32, #tpu.memory_space<vmem>>, %arg25: memref<640xf32, #tpu.memory_space<vmem>>, %arg26: memref<640xf32, #tpu.memory_space<vmem>>, %arg27: memref<16xf32, #tpu.memory_space<vmem>>, %arg28: memref<!tpu.dma_semaphore, #tpu.memory_space<semaphore_mem>>, %arg29: memref<!tpu.dma_semaphore, #tpu.memory_space<semaphore_mem>>, %arg30: memref<!tpu.dma_semaphore, #tpu.memory_space<semaphore_mem>>, %arg31: memref<!tpu.dma_semaphore, #tpu.memory_space<semaphore_mem>>, %arg32: memref<!tpu.dma_semaphore, #tpu.memory_space<semaphore_mem>>, %arg33: memref<!tpu.dma_semaphore, #tpu.memory_space<semaphore_mem>>, %arg34: memref<!tpu.dma_semaphore, #tpu.memory_space<semaphore_mem>>, %arg35: memref<!tpu.dma_semaphore, #tpu.memory_space<semaphore_mem>>, %arg36: memref<!tpu.dma_semaphore, #tpu.memory_space<semaphore_mem>>, %arg37: memref<!tpu.dma_semaphore, #tpu.memory_space<semaphore_mem>>, %arg38: memref<!tpu.dma_semaphore, #tpu.memory_space<semaphore_mem>>, %arg39: memref<!tpu.dma_semaphore, #tpu.memory_space<semaphore_mem>>, %arg40: memref<!tpu.dma_semaphore, #tpu.memory_space<semaphore_mem>>, %arg41: memref<!tpu.dma_semaphore, #tpu.memory_space<semaphore_mem>>, %arg42: memref<!tpu.dma_semaphore, #tpu.memory_space<semaphore_mem>>, %arg43: memref<!tpu.dma_semaphore, #tpu.memory_space<semaphore_mem>>, %arg44: memref<!tpu.dma_semaphore, #tpu.memory_space<semaphore_mem>>, %arg45: memref<!tpu.dma_semaphore, #tpu.memory_space<semaphore_mem>>, %arg46: memref<!tpu.dma_semaphore, #tpu.memory_space<semaphore_mem>>, %arg47: memref<!tpu.dma_semaphore, #tpu.memory_space<semaphore_mem>>, %arg48: memref<10240x16xf32, #tpu.memory_space<vmem_shared>>, %arg49: memref<10240x16xf32, #tpu.memory_space<vmem_shared>>) attributes {dimension_semantics = [#tpu.dimension_semantics<core_parallel>, #tpu.dimension_semantics<subcore_parallel>], iteration_bounds = array<i64: 2, 16>, scalar_prefetch = 0 : i64, scratch_operands = 41 : i64, tpu.core_type = #tpu.core_type<sc_vector_subcore>, window_params = [{transform_indices = #map}, {transform_indices = #map1}, {transform_indices = #map1}, {transform_indices = #map2}, {transform_indices = #map2}, {transform_indices = #map2}, {transform_indices = #map}]} {
    %broadcast_in_dim3A = arith.constant 0.000000e+00 : f32
    %broadcast_in_dim3A_0 = vector.broadcast %broadcast_in_dim3A : f32 to vector<16xf32>
    %scan3A = arith.constant 0 : i32
    %scan3A_1 = arith.constant 0 : i32
    %scan3A_2 = arith.constant 80 : i32
    %scan3A_3 = arith.addi %scan3A_1, %scan3A_2 : i32
    %scan3A_4 = arith.constant 1 : i32
    %scan3A_5 = scf.for %scan3A_224 = %scan3A_1 to %scan3A_3 step %scan3A_4 iter_args(%scan3A_225 = %scan3A) -> (i32)  : i32 {
      %swap3A = arith.index_cast %scan3A_224 : i32 to index
      %swap3A_226 = arith.constant 0 : index
      %swap3A_227 = tpu.vector_load %arg21[%swap3A, %swap3A_226] {strides = array<i32>} : memref<80x16xf32, #tpu.memory_space<vmem>>, vector<16xf32>,
      tpu.vector_store %arg21[%swap3A, %swap3A_226], %broadcast_in_dim3A_0 {strides = array<i32>} : memref<80x16xf32, #tpu.memory_space<vmem>>, vector<16xf32>,
      %scan3A_228 = arith.constant 0 : i32
      scf.yield %scan3A_228 : i32
    }
    %scan3A_6 = arith.constant 80 : i32
    %mul3A = arith.constant 640 : i32
    %mul3A_7 = arith.muli %arg1, %mul3A : i32
    %multiple_of3A = tpu.assume_multiple %mul3A_7, 8 : i32
    %scan3A_8 = arith.constant 0 : i32
    %scan3A_9 = arith.constant 0 : i32
    %scan3A_10 = arith.constant 8 : i32
    %scan3A_11 = arith.addi %scan3A_9, %scan3A_10 : i32
    %scan3A_12 = arith.constant 1 : i32
    %scan3A_13 = scf.for %scan3A_224 = %scan3A_9 to %scan3A_11 step %scan3A_12 iter_args(%scan3A_225 = %scan3A_8) -> (i32)  : i32 {
      %mul3A_226 = arith.constant 80 : i32
      %mul3A_227 = arith.muli %scan3A_224, %mul3A_226 : i32
      %add3A_228 = arith.addi %multiple_of3A, %mul3A_227 : i32
      %multiple_of3A_229 = tpu.assume_multiple %add3A_228, 8 : i32
      "tpu.region"() ({
        %run_scoped3A_231 = tpu.sem_alloc : memref<!tpu.dma_semaphore, #tpu.memory_space<semaphore_mem>>
        %dma_start3A_232 = arith.constant 0 : i32
        %dma_start3A_233 = tpu.memref_slice %arg49[%multiple_of3A_229, %dma_start3A_232] : memref<10240x16xf32, #tpu.memory_space<vmem_shared>> -> memref<80x16xf32, #tpu.memory_space<vmem_shared>>
        %dma_start3A_234 = arith.constant 0 : i32
        %dma_start3A_235 = tpu.memref_slice %arg49[%multiple_of3A_229, %dma_start3A_234] : memref<10240x16xf32, #tpu.memory_space<vmem_shared>> -> memref<80x16xf32, #tpu.memory_space<vmem_shared>>
        tpu.enqueue_dma source(%arg21 : memref<80x16xf32, #tpu.memory_space<vmem>>) target(%dma_start3A_235 : memref<80x16xf32, #tpu.memory_space<vmem_shared>>) target_semaphore(%run_scoped3A_231 : memref<!tpu.dma_semaphore, #tpu.memory_space<semaphore_mem>>)
        %dma_wait3A_236 = arith.constant 0 : i32
        %dma_wait3A_237 = tpu.memref_slice %arg49[%multiple_of3A_229, %dma_wait3A_236] : memref<10240x16xf32, #tpu.memory_space<vmem_shared>> -> memref<80x16xf32, #tpu.memory_space<vmem_shared>>
        %dma_wait3A_238 = arith.constant 0 : i32
        %dma_wait3A_239 = tpu.memref_slice %arg49[%multiple_of3A_229, %dma_wait3A_238] : memref<10240x16xf32, #tpu.memory_space<vmem_shared>> -> memref<80x16xf32, #tpu.memory_space<vmem_shared>>
        tpu.wait_dma2 semaphore(%run_scoped3A_231 : memref<!tpu.dma_semaphore, #tpu.memory_space<semaphore_mem>>) src(%arg21 : memref<80x16xf32, #tpu.memory_space<vmem>>) dst(%dma_wait3A_239 : memref<80x16xf32, #tpu.memory_space<vmem_shared>>)
        tpu.yield
      }) : () -> ()
      %scan3A_230 = arith.constant 0 : i32
      scf.yield %scan3A_230 : i32
    }
    %scan3A_14 = arith.constant 8 : i32
    %run_scoped3A = arith.constant 0 : i32
    "tpu.region"() ({
      %run_scoped3A_224 = tpu.sem_alloc : memref<!tpu.dma_semaphore, #tpu.memory_space<semaphore_mem>>
      %dma_start3A_225 = arith.constant 0 : i32
      %dma_start3A_226 = tpu.memref_slice %arg2[%run_scoped3A, %multiple_of3A, %dma_start3A_225] : memref<2x10240x16xf32, #tpu.memory_space<hbm>> -> memref<1x640x16xf32, #tpu.memory_space<hbm>>
      %dma_start3A_227 = tpu.memref_squeeze %dma_start3A_226 : memref<1x640x16xf32, #tpu.memory_space<hbm>> -> memref<640x16xf32, #tpu.memory_space<hbm>>
      %dma_start3A_228 = arith.constant 0 : i32
      %dma_start3A_229 = tpu.memref_slice %arg2[%run_scoped3A, %multiple_of3A, %dma_start3A_228] : memref<2x10240x16xf32, #tpu.memory_space<hbm>> -> memref<1x640x16xf32, #tpu.memory_space<hbm>>
      %dma_start3A_230 = tpu.memref_squeeze %dma_start3A_229 : memref<1x640x16xf32, #tpu.memory_space<hbm>> -> memref<640x16xf32, #tpu.memory_space<hbm>>
      tpu.enqueue_dma source(%dma_start3A_230 : memref<640x16xf32, #tpu.memory_space<hbm>>) target(%arg22 : memref<640x16xf32, #tpu.memory_space<vmem>>) target_semaphore(%run_scoped3A_224 : memref<!tpu.dma_semaphore, #tpu.memory_space<semaphore_mem>>)
      %dma_wait3A_231 = arith.constant 0 : i32
      %dma_wait3A_232 = tpu.memref_slice %arg2[%run_scoped3A, %multiple_of3A, %dma_wait3A_231] : memref<2x10240x16xf32, #tpu.memory_space<hbm>> -> memref<1x640x16xf32, #tpu.memory_space<hbm>>
      %dma_wait3A_233 = tpu.memref_squeeze %dma_wait3A_232 : memref<1x640x16xf32, #tpu.memory_space<hbm>> -> memref<640x16xf32, #tpu.memory_space<hbm>>
      %dma_wait3A_234 = arith.constant 0 : i32
      %dma_wait3A_235 = tpu.memref_slice %arg2[%run_scoped3A, %multiple_of3A, %dma_wait3A_234] : memref<2x10240x16xf32, #tpu.memory_space<hbm>> -> memref<1x640x16xf32, #tpu.memory_space<hbm>>
      %dma_wait3A_236 = tpu.memref_squeeze %dma_wait3A_235 : memref<1x640x16xf32, #tpu.memory_space<hbm>> -> memref<640x16xf32, #tpu.memory_space<hbm>>
      tpu.wait_dma2 semaphore(%run_scoped3A_224 : memref<!tpu.dma_semaphore, #tpu.memory_space<semaphore_mem>>) src(%dma_wait3A_236 : memref<640x16xf32, #tpu.memory_space<hbm>>) dst(%arg22 : memref<640x16xf32, #tpu.memory_space<vmem>>)
      tpu.yield
    }) : () -> ()
    %run_scoped3A_15 = arith.constant 1 : i32
    "tpu.region"() ({
      %run_scoped3A_224 = tpu.sem_alloc : memref<!tpu.dma_semaphore, #tpu.memory_space<semaphore_mem>>
      %dma_start3A_225 = arith.constant 0 : i32
      %dma_start3A_226 = tpu.memref_slice %arg2[%run_scoped3A_15, %multiple_of3A, %dma_start3A_225] : memref<2x10240x16xf32, #tpu.memory_space<hbm>> -> memref<1x640x16xf32, #tpu.memory_space<hbm>>
      %dma_start3A_227 = tpu.memref_squeeze %dma_start3A_226 : memref<1x640x16xf32, #tpu.memory_space<hbm>> -> memref<640x16xf32, #tpu.memory_space<hbm>>
      %dma_start3A_228 = arith.constant 0 : i32
      %dma_start3A_229 = tpu.memref_slice %arg2[%run_scoped3A_15, %multiple_of3A, %dma_start3A_228] : memref<2x10240x16xf32, #tpu.memory_space<hbm>> -> memref<1x640x16xf32, #tpu.memory_space<hbm>>
      %dma_start3A_230 = tpu.memref_squeeze %dma_start3A_229 : memref<1x640x16xf32, #tpu.memory_space<hbm>> -> memref<640x16xf32, #tpu.memory_space<hbm>>
      tpu.enqueue_dma source(%dma_start3A_230 : memref<640x16xf32, #tpu.memory_space<hbm>>) target(%arg23 : memref<640x16xf32, #tpu.memory_space<vmem>>) target_semaphore(%run_scoped3A_224 : memref<!tpu.dma_semaphore, #tpu.memory_space<semaphore_mem>>)
      %dma_wait3A_231 = arith.constant 0 : i32
      %dma_wait3A_232 = tpu.memref_slice %arg2[%run_scoped3A_15, %multiple_of3A, %dma_wait3A_231] : memref<2x10240x16xf32, #tpu.memory_space<hbm>> -> memref<1x640x16xf32, #tpu.memory_space<hbm>>
      %dma_wait3A_233 = tpu.memref_squeeze %dma_wait3A_232 : memref<1x640x16xf32, #tpu.memory_space<hbm>> -> memref<640x16xf32, #tpu.memory_space<hbm>>
      %dma_wait3A_234 = arith.constant 0 : i32
      %dma_wait3A_235 = tpu.memref_slice %arg2[%run_scoped3A_15, %multiple_of3A, %dma_wait3A_234] : memref<2x10240x16xf32, #tpu.memory_space<hbm>> -> memref<1x640x16xf32, #tpu.memory_space<hbm>>
      %dma_wait3A_236 = tpu.memref_squeeze %dma_wait3A_235 : memref<1x640x16xf32, #tpu.memory_space<hbm>> -> memref<640x16xf32, #tpu.memory_space<hbm>>
      tpu.wait_dma2 semaphore(%run_scoped3A_224 : memref<!tpu.dma_semaphore, #tpu.memory_space<semaphore_mem>>) src(%dma_wait3A_236 : memref<640x16xf32, #tpu.memory_space<hbm>>) dst(%arg23 : memref<640x16xf32, #tpu.memory_space<vmem>>)
      tpu.yield
    }) : () -> ()
    "tpu.region"() ({
      %run_scoped3A_224 = tpu.sem_alloc : memref<!tpu.dma_semaphore, #tpu.memory_space<semaphore_mem>>
      tpu.enqueue_dma source(%arg5 : memref<16xf32, #tpu.memory_space<hbm>>) target(%arg27 : memref<16xf32, #tpu.memory_space<vmem>>) target_semaphore(%run_scoped3A_224 : memref<!tpu.dma_semaphore, #tpu.memory_space<semaphore_mem>>)
      tpu.wait_dma2 semaphore(%run_scoped3A_224 : memref<!tpu.dma_semaphore, #tpu.memory_space<semaphore_mem>>) src(%arg5 : memref<16xf32, #tpu.memory_space<hbm>>) dst(%arg27 : memref<16xf32, #tpu.memory_space<vmem>>)
      tpu.yield
    }) : () -> ()
    %run_scoped3A_16 = arith.constant 0 : i32
    "tpu.region"() ({
      %run_scoped3A_224 = tpu.sem_alloc : memref<!tpu.dma_semaphore, #tpu.memory_space<semaphore_mem>>
      %dma_start3A_225 = tpu.memref_slice %arg3[%run_scoped3A_16, %multiple_of3A] : memref<2x10240xf32, #tpu.memory_space<hbm>> -> memref<1x640xf32, #tpu.memory_space<hbm>>
      %dma_start3A_226 = tpu.memref_squeeze %dma_start3A_225 : memref<1x640xf32, #tpu.memory_space<hbm>> -> memref<640xf32, #tpu.memory_space<hbm>>
      %dma_start3A_227 = tpu.memref_slice %arg3[%run_scoped3A_16, %multiple_of3A] : memref<2x10240xf32, #tpu.memory_space<hbm>> -> memref<1x640xf32, #tpu.memory_space<hbm>>
      %dma_start3A_228 = tpu.memref_squeeze %dma_start3A_227 : memref<1x640xf32, #tpu.memory_space<hbm>> -> memref<640xf32, #tpu.memory_space<hbm>>
      tpu.enqueue_dma source(%dma_start3A_228 : memref<640xf32, #tpu.memory_space<hbm>>) target(%arg24 : memref<640xf32, #tpu.memory_space<vmem>>) target_semaphore(%run_scoped3A_224 : memref<!tpu.dma_semaphore, #tpu.memory_space<semaphore_mem>>)
      %dma_wait3A_229 = tpu.memref_slice %arg3[%run_scoped3A_16, %multiple_of3A] : memref<2x10240xf32, #tpu.memory_space<hbm>> -> memref<1x640xf32, #tpu.memory_space<hbm>>
      %dma_wait3A_230 = tpu.memref_squeeze %dma_wait3A_229 : memref<1x640xf32, #tpu.memory_space<hbm>> -> memref<640xf32, #tpu.memory_space<hbm>>
      %dma_wait3A_231 = tpu.memref_slice %arg3[%run_scoped3A_16, %multiple_of3A] : memref<2x10240xf32, #tpu.memory_space<hbm>> -> memref<1x640xf32, #tpu.memory_space<hbm>>
      %dma_wait3A_232 = tpu.memref_squeeze %dma_wait3A_231 : memref<1x640xf32, #tpu.memory_space<hbm>> -> memref<640xf32, #tpu.memory_space<hbm>>
      tpu.wait_dma2 semaphore(%run_scoped3A_224 : memref<!tpu.dma_semaphore, #tpu.memory_space<semaphore_mem>>) src(%dma_wait3A_232 : memref<640xf32, #tpu.memory_space<hbm>>) dst(%arg24 : memref<640xf32, #tpu.memory_space<vmem>>)
      tpu.yield
    }) : () -> ()
    %run_scoped3A_17 = arith.constant 1 : i32
    "tpu.region"() ({
      %run_scoped3A_224 = tpu.sem_alloc : memref<!tpu.dma_semaphore, #tpu.memory_space<semaphore_mem>>
      %dma_start3A_225 = tpu.memref_slice %arg3[%run_scoped3A_17, %multiple_of3A] : memref<2x10240xf32, #tpu.memory_space<hbm>> -> memref<1x640xf32, #tpu.memory_space<hbm>>
      %dma_start3A_226 = tpu.memref_squeeze %dma_start3A_225 : memref<1x640xf32, #tpu.memory_space<hbm>> -> memref<640xf32, #tpu.memory_space<hbm>>
      %dma_start3A_227 = tpu.memref_slice %arg3[%run_scoped3A_17, %multiple_of3A] : memref<2x10240xf32, #tpu.memory_space<hbm>> -> memref<1x640xf32, #tpu.memory_space<hbm>>
      %dma_start3A_228 = tpu.memref_squeeze %dma_start3A_227 : memref<1x640xf32, #tpu.memory_space<hbm>> -> memref<640xf32, #tpu.memory_space<hbm>>
      tpu.enqueue_dma source(%dma_start3A_228 : memref<640xf32, #tpu.memory_space<hbm>>) target(%arg26 : memref<640xf32, #tpu.memory_space<vmem>>) target_semaphore(%run_scoped3A_224 : memref<!tpu.dma_semaphore, #tpu.memory_space<semaphore_mem>>)
      %dma_wait3A_229 = tpu.memref_slice %arg3[%run_scoped3A_17, %multiple_of3A] : memref<2x10240xf32, #tpu.memory_space<hbm>> -> memref<1x640xf32, #tpu.memory_space<hbm>>
      %dma_wait3A_230 = tpu.memref_squeeze %dma_wait3A_229 : memref<1x640xf32, #tpu.memory_space<hbm>> -> memref<640xf32, #tpu.memory_space<hbm>>
      %dma_wait3A_231 = tpu.memref_slice %arg3[%run_scoped3A_17, %multiple_of3A] : memref<2x10240xf32, #tpu.memory_space<hbm>> -> memref<1x640xf32, #tpu.memory_space<hbm>>
      %dma_wait3A_232 = tpu.memref_squeeze %dma_wait3A_231 : memref<1x640xf32, #tpu.memory_space<hbm>> -> memref<640xf32, #tpu.memory_space<hbm>>
      tpu.wait_dma2 semaphore(%run_scoped3A_224 : memref<!tpu.dma_semaphore, #tpu.memory_space<semaphore_mem>>) src(%dma_wait3A_232 : memref<640xf32, #tpu.memory_space<hbm>>) dst(%arg26 : memref<640xf32, #tpu.memory_space<vmem>>)
      tpu.yield
    }) : () -> ()
    %scan3A_18 = arith.constant 0 : i32
    %scan3A_19 = arith.constant 0 : i32
    %scan3A_20 = arith.constant 40 : i32
    %scan3A_21 = arith.addi %scan3A_19, %scan3A_20 : i32
    %scan3A_22 = arith.constant 1 : i32
    %scan3A_23 = scf.for %scan3A_224 = %scan3A_19 to %scan3A_21 step %scan3A_22 iter_args(%scan3A_225 = %scan3A_18) -> (i32)  : i32 {
      %mul3A_226 = arith.constant 16 : i32
      %mul3A_227 = arith.muli %scan3A_224, %mul3A_226 : i32
      %get3A = arith.index_cast %mul3A_227 : i32 to index
      %get3A_228 = tpu.vector_load %arg24[%get3A] {strides = array<i32>} : memref<640xf32, #tpu.memory_space<vmem>>, vector<16xf32>,
      %get3A_229 = arith.index_cast %mul3A_227 : i32 to index
      %get3A_230 = tpu.vector_load %arg26[%get3A_229] {strides = array<i32>} : memref<640xf32, #tpu.memory_space<vmem>>, vector<16xf32>,
      %add3A_231 = arith.addf %get3A_228, %get3A_230 : vector<16xf32>
      %max3A = arith.constant 1.000000e+00 : f32
      %max3A_232 = vector.broadcast %max3A : f32 to vector<16xf32>
      %max3A_233 = arith.maximumf %add3A_231, %max3A_232 : vector<16xf32>
      %bitcast_convert_type3A = tpu.bitcast %max3A_233 : vector<16xf32> -> vector<16xi32>
      %shift_right_arithmetic3A = arith.constant 1 : i32
      %shift_right_arithmetic3A_234 = vector.broadcast %shift_right_arithmetic3A : i32 to vector<16xi32>
      %shift_right_arithmetic3A_235 = arith.shrsi %bitcast_convert_type3A, %shift_right_arithmetic3A_234 : vector<16xi32>
      %sub3A = arith.constant 1597463007 : i32
      %sub3A_236 = vector.broadcast %sub3A : i32 to vector<16xi32>
      %sub3A_237 = arith.subi %sub3A_236, %shift_right_arithmetic3A_235 : vector<16xi32>
      %bitcast_convert_type3A_238 = tpu.bitcast %sub3A_237 : vector<16xi32> -> vector<16xf32>
      %mul3A_239 = arith.constant 5.000000e-01 : f32
      %mul3A_240 = vector.broadcast %mul3A_239 : f32 to vector<16xf32>
      %mul3A_241 = arith.mulf %mul3A_240, %max3A_233 : vector<16xf32>
      %mul3A_242 = arith.mulf %mul3A_241, %bitcast_convert_type3A_238 : vector<16xf32>
      %mul3A_243 = arith.mulf %mul3A_242, %bitcast_convert_type3A_238 : vector<16xf32>
      %sub3A_244 = arith.constant 1.500000e+00 : f32
      %sub3A_245 = vector.broadcast %sub3A_244 : f32 to vector<16xf32>
      %sub3A_246 = arith.subf %sub3A_245, %mul3A_243 : vector<16xf32>
      %mul3A_247 = arith.mulf %bitcast_convert_type3A_238, %sub3A_246 : vector<16xf32>
      %mul3A_248 = arith.constant 5.000000e-01 : f32
      %mul3A_249 = vector.broadcast %mul3A_248 : f32 to vector<16xf32>
      %mul3A_250 = arith.mulf %mul3A_249, %max3A_233 : vector<16xf32>
      %mul3A_251 = arith.mulf %mul3A_250, %mul3A_247 : vector<16xf32>
      %mul3A_252 = arith.mulf %mul3A_251, %mul3A_247 : vector<16xf32>
      %sub3A_253 = arith.constant 1.500000e+00 : f32
      %sub3A_254 = vector.broadcast %sub3A_253 : f32 to vector<16xf32>
      %sub3A_255 = arith.subf %sub3A_254, %mul3A_252 : vector<16xf32>
      %mul3A_256 = arith.mulf %mul3A_247, %sub3A_255 : vector<16xf32>
      %mul3A_257 = arith.constant 5.000000e-01 : f32
      %mul3A_258 = vector.broadcast %mul3A_257 : f32 to vector<16xf32>
      %mul3A_259 = arith.mulf %mul3A_258, %max3A_233 : vector<16xf32>
      %mul3A_260 = arith.mulf %mul3A_259, %mul3A_256 : vector<16xf32>
      %mul3A_261 = arith.mulf %mul3A_260, %mul3A_256 : vector<16xf32>
      %sub3A_262 = arith.constant 1.500000e+00 : f32
      %sub3A_263 = vector.broadcast %sub3A_262 : f32 to vector<16xf32>
      %sub3A_264 = arith.subf %sub3A_263, %mul3A_261 : vector<16xf32>
      %mul3A_265 = arith.mulf %mul3A_256, %sub3A_264 : vector<16xf32>
      %swap3A = arith.index_cast %mul3A_227 : i32 to index
      %swap3A_266 = tpu.vector_load %arg24[%swap3A] {strides = array<i32>} : memref<640xf32, #tpu.memory_space<vmem>>, vector<16xf32>,
      tpu.vector_store %arg24[%swap3A], %mul3A_265 {strides = array<i32>} : memref<640xf32, #tpu.memory_space<vmem>>, vector<16xf32>,
      %scan3A_267 = arith.constant 0 : i32
      scf.yield %scan3A_267 : i32
    }
    %scan3A_24 = arith.constant 40 : i32
    %run_scoped3A_25 = arith.constant 0 : i32
    "tpu.region"() ({
      %run_scoped3A_224 = tpu.sem_alloc : memref<!tpu.dma_semaphore, #tpu.memory_space<semaphore_mem>>
      %dma_start3A_225 = tpu.memref_slice %arg4[%run_scoped3A_25, %multiple_of3A] : memref<2x10240xf32, #tpu.memory_space<hbm>> -> memref<1x640xf32, #tpu.memory_space<hbm>>
      %dma_start3A_226 = tpu.memref_squeeze %dma_start3A_225 : memref<1x640xf32, #tpu.memory_space<hbm>> -> memref<640xf32, #tpu.memory_space<hbm>>
      %dma_start3A_227 = tpu.memref_slice %arg4[%run_scoped3A_25, %multiple_of3A] : memref<2x10240xf32, #tpu.memory_space<hbm>> -> memref<1x640xf32, #tpu.memory_space<hbm>>
      %dma_start3A_228 = tpu.memref_squeeze %dma_start3A_227 : memref<1x640xf32, #tpu.memory_space<hbm>> -> memref<640xf32, #tpu.memory_space<hbm>>
      tpu.enqueue_dma source(%dma_start3A_228 : memref<640xf32, #tpu.memory_space<hbm>>) target(%arg25 : memref<640xf32, #tpu.memory_space<vmem>>) target_semaphore(%run_scoped3A_224 : memref<!tpu.dma_semaphore, #tpu.memory_space<semaphore_mem>>)
      %dma_wait3A_229 = tpu.memref_slice %arg4[%run_scoped3A_25, %multiple_of3A] : memref<2x10240xf32, #tpu.memory_space<hbm>> -> memref<1x640xf32, #tpu.memory_space<hbm>>
      %dma_wait3A_230 = tpu.memref_squeeze %dma_wait3A_229 : memref<1x640xf32, #tpu.memory_space<hbm>> -> memref<640xf32, #tpu.memory_space<hbm>>
      %dma_wait3A_231 = tpu.memref_slice %arg4[%run_scoped3A_25, %multiple_of3A] : memref<2x10240xf32, #tpu.memory_space<hbm>> -> memref<1x640xf32, #tpu.memory_space<hbm>>
      %dma_wait3A_232 = tpu.memref_squeeze %dma_wait3A_231 : memref<1x640xf32, #tpu.memory_space<hbm>> -> memref<640xf32, #tpu.memory_space<hbm>>
      tpu.wait_dma2 semaphore(%run_scoped3A_224 : memref<!tpu.dma_semaphore, #tpu.memory_space<semaphore_mem>>) src(%dma_wait3A_232 : memref<640xf32, #tpu.memory_space<hbm>>) dst(%arg25 : memref<640xf32, #tpu.memory_space<vmem>>)
      tpu.yield
    }) : () -> ()
    %run_scoped3A_26 = arith.constant 1 : i32
    "tpu.region"() ({
      %run_scoped3A_224 = tpu.sem_alloc : memref<!tpu.dma_semaphore, #tpu.memory_space<semaphore_mem>>
      %dma_start3A_225 = tpu.memref_slice %arg4[%run_scoped3A_26, %multiple_of3A] : memref<2x10240xf32, #tpu.memory_space<hbm>> -> memref<1x640xf32, #tpu.memory_space<hbm>>
      %dma_start3A_226 = tpu.memref_squeeze %dma_start3A_225 : memref<1x640xf32, #tpu.memory_space<hbm>> -> memref<640xf32, #tpu.memory_space<hbm>>
      %dma_start3A_227 = tpu.memref_slice %arg4[%run_scoped3A_26, %multiple_of3A] : memref<2x10240xf32, #tpu.memory_space<hbm>> -> memref<1x640xf32, #tpu.memory_space<hbm>>
      %dma_start3A_228 = tpu.memref_squeeze %dma_start3A_227 : memref<1x640xf32, #tpu.memory_space<hbm>> -> memref<640xf32, #tpu.memory_space<hbm>>
      tpu.enqueue_dma source(%dma_start3A_228 : memref<640xf32, #tpu.memory_space<hbm>>) target(%arg26 : memref<640xf32, #tpu.memory_space<vmem>>) target_semaphore(%run_scoped3A_224 : memref<!tpu.dma_semaphore, #tpu.memory_space<semaphore_mem>>)
      %dma_wait3A_229 = tpu.memref_slice %arg4[%run_scoped3A_26, %multiple_of3A] : memref<2x10240xf32, #tpu.memory_space<hbm>> -> memref<1x640xf32, #tpu.memory_space<hbm>>
      %dma_wait3A_230 = tpu.memref_squeeze %dma_wait3A_229 : memref<1x640xf32, #tpu.memory_space<hbm>> -> memref<640xf32, #tpu.memory_space<hbm>>
      %dma_wait3A_231 = tpu.memref_slice %arg4[%run_scoped3A_26, %multiple_of3A] : memref<2x10240xf32, #tpu.memory_space<hbm>> -> memref<1x640xf32, #tpu.memory_space<hbm>>
      %dma_wait3A_232 = tpu.memref_squeeze %dma_wait3A_231 : memref<1x640xf32, #tpu.memory_space<hbm>> -> memref<640xf32, #tpu.memory_space<hbm>>
      tpu.wait_dma2 semaphore(%run_scoped3A_224 : memref<!tpu.dma_semaphore, #tpu.memory_space<semaphore_mem>>) src(%dma_wait3A_232 : memref<640xf32, #tpu.memory_space<hbm>>) dst(%arg26 : memref<640xf32, #tpu.memory_space<vmem>>)
      tpu.yield
    }) : () -> ()
    %scan3A_27 = arith.constant 0 : i32
    %scan3A_28 = arith.constant 0 : i32
    %scan3A_29 = arith.constant 40 : i32
    %scan3A_30 = arith.addi %scan3A_28, %scan3A_29 : i32
    %scan3A_31 = arith.constant 1 : i32
    %scan3A_32 = scf.for %scan3A_224 = %scan3A_28 to %scan3A_30 step %scan3A_31 iter_args(%scan3A_225 = %scan3A_27) -> (i32)  : i32 {
      %mul3A_226 = arith.constant 16 : i32
      %mul3A_227 = arith.muli %scan3A_224, %mul3A_226 : i32
      %get3A = arith.index_cast %mul3A_227 : i32 to index
      %get3A_228 = tpu.vector_load %arg25[%get3A] {strides = array<i32>} : memref<640xf32, #tpu.memory_space<vmem>>, vector<16xf32>,
      %get3A_229 = arith.index_cast %mul3A_227 : i32 to index
      %get3A_230 = tpu.vector_load %arg26[%get3A_229] {strides = array<i32>} : memref<640xf32, #tpu.memory_space<vmem>>, vector<16xf32>,
      %add3A_231 = arith.addf %get3A_228, %get3A_230 : vector<16xf32>
      %max3A = arith.constant 1.000000e+00 : f32
      %max3A_232 = vector.broadcast %max3A : f32 to vector<16xf32>
      %max3A_233 = arith.maximumf %add3A_231, %max3A_232 : vector<16xf32>
      %bitcast_convert_type3A = tpu.bitcast %max3A_233 : vector<16xf32> -> vector<16xi32>
      %shift_right_arithmetic3A = arith.constant 1 : i32
      %shift_right_arithmetic3A_234 = vector.broadcast %shift_right_arithmetic3A : i32 to vector<16xi32>
      %shift_right_arithmetic3A_235 = arith.shrsi %bitcast_convert_type3A, %shift_right_arithmetic3A_234 : vector<16xi32>
      %sub3A = arith.constant 1597463007 : i32
      %sub3A_236 = vector.broadcast %sub3A : i32 to vector<16xi32>
      %sub3A_237 = arith.subi %sub3A_236, %shift_right_arithmetic3A_235 : vector<16xi32>
      %bitcast_convert_type3A_238 = tpu.bitcast %sub3A_237 : vector<16xi32> -> vector<16xf32>
      %mul3A_239 = arith.constant 5.000000e-01 : f32
      %mul3A_240 = vector.broadcast %mul3A_239 : f32 to vector<16xf32>
      %mul3A_241 = arith.mulf %mul3A_240, %max3A_233 : vector<16xf32>
      %mul3A_242 = arith.mulf %mul3A_241, %bitcast_convert_type3A_238 : vector<16xf32>
      %mul3A_243 = arith.mulf %mul3A_242, %bitcast_convert_type3A_238 : vector<16xf32>
      %sub3A_244 = arith.constant 1.500000e+00 : f32
      %sub3A_245 = vector.broadcast %sub3A_244 : f32 to vector<16xf32>
      %sub3A_246 = arith.subf %sub3A_245, %mul3A_243 : vector<16xf32>
      %mul3A_247 = arith.mulf %bitcast_convert_type3A_238, %sub3A_246 : vector<16xf32>
      %mul3A_248 = arith.constant 5.000000e-01 : f32
      %mul3A_249 = vector.broadcast %mul3A_248 : f32 to vector<16xf32>
      %mul3A_250 = arith.mulf %mul3A_249, %max3A_233 : vector<16xf32>
      %mul3A_251 = arith.mulf %mul3A_250, %mul3A_247 : vector<16xf32>
      %mul3A_252 = arith.mulf %mul3A_251, %mul3A_247 : vector<16xf32>
      %sub3A_253 = arith.constant 1.500000e+00 : f32
      %sub3A_254 = vector.broadcast %sub3A_253 : f32 to vector<16xf32>
      %sub3A_255 = arith.subf %sub3A_254, %mul3A_252 : vector<16xf32>
      %mul3A_256 = arith.mulf %mul3A_247, %sub3A_255 : vector<16xf32>
      %mul3A_257 = arith.constant 5.000000e-01 : f32
      %mul3A_258 = vector.broadcast %mul3A_257 : f32 to vector<16xf32>
      %mul3A_259 = arith.mulf %mul3A_258, %max3A_233 : vector<16xf32>
      %mul3A_260 = arith.mulf %mul3A_259, %mul3A_256 : vector<16xf32>
      %mul3A_261 = arith.mulf %mul3A_260, %mul3A_256 : vector<16xf32>
      %sub3A_262 = arith.constant 1.500000e+00 : f32
      %sub3A_263 = vector.broadcast %sub3A_262 : f32 to vector<16xf32>
      %sub3A_264 = arith.subf %sub3A_263, %mul3A_261 : vector<16xf32>
      %mul3A_265 = arith.mulf %mul3A_256, %sub3A_264 : vector<16xf32>
      %swap3A = arith.index_cast %mul3A_227 : i32 to index
      %swap3A_266 = tpu.vector_load %arg25[%swap3A] {strides = array<i32>} : memref<640xf32, #tpu.memory_space<vmem>>, vector<16xf32>,
      tpu.vector_store %arg25[%swap3A], %mul3A_265 {strides = array<i32>} : memref<640xf32, #tpu.memory_space<vmem>>, vector<16xf32>,
      %scan3A_267 = arith.constant 0 : i32
      scf.yield %scan3A_267 : i32
    }
    %scan3A_33 = arith.constant 40 : i32
    %iota3A = tpu.iota {dimensions = array<i32: 0>} : vector<16xi32>
    %broadcast_in_dim3A_34 = arith.constant 0 : i32
    %broadcast_in_dim3A_35 = vector.broadcast %broadcast_in_dim3A_34 : i32 to vector<16xi32>
    %gather3A = tpu.vector_load_idx %arg27[%broadcast_in_dim3A_35] : memref<16xf32, #tpu.memory_space<vmem>>[vector<16xi32>], vector<16xf32>,
    %broadcast_in_dim3A_36 = arith.constant 1 : i32
    %broadcast_in_dim3A_37 = vector.broadcast %broadcast_in_dim3A_36 : i32 to vector<16xi32>
    %gather3A_38 = tpu.vector_load_idx %arg27[%broadcast_in_dim3A_37] : memref<16xf32, #tpu.memory_space<vmem>>[vector<16xi32>], vector<16xf32>,
    %broadcast_in_dim3A_39 = arith.constant 2 : i32
    %broadcast_in_dim3A_40 = vector.broadcast %broadcast_in_dim3A_39 : i32 to vector<16xi32>
    %gather3A_41 = tpu.vector_load_idx %arg27[%broadcast_in_dim3A_40] : memref<16xf32, #tpu.memory_space<vmem>>[vector<16xi32>], vector<16xf32>,
    %broadcast_in_dim3A_42 = arith.constant 3 : i32
    %broadcast_in_dim3A_43 = vector.broadcast %broadcast_in_dim3A_42 : i32 to vector<16xi32>
    %gather3A_44 = tpu.vector_load_idx %arg27[%broadcast_in_dim3A_43] : memref<16xf32, #tpu.memory_space<vmem>>[vector<16xi32>], vector<16xf32>,
    %broadcast_in_dim3A_45 = arith.constant 4 : i32
    %broadcast_in_dim3A_46 = vector.broadcast %broadcast_in_dim3A_45 : i32 to vector<16xi32>
    %gather3A_47 = tpu.vector_load_idx %arg27[%broadcast_in_dim3A_46] : memref<16xf32, #tpu.memory_space<vmem>>[vector<16xi32>], vector<16xf32>,
    %broadcast_in_dim3A_48 = arith.constant 5 : i32
    %broadcast_in_dim3A_49 = vector.broadcast %broadcast_in_dim3A_48 : i32 to vector<16xi32>
    %gather3A_50 = tpu.vector_load_idx %arg27[%broadcast_in_dim3A_49] : memref<16xf32, #tpu.memory_space<vmem>>[vector<16xi32>], vector<16xf32>,
    %broadcast_in_dim3A_51 = arith.constant 6 : i32
    %broadcast_in_dim3A_52 = vector.broadcast %broadcast_in_dim3A_51 : i32 to vector<16xi32>
    %gather3A_53 = tpu.vector_load_idx %arg27[%broadcast_in_dim3A_52] : memref<16xf32, #tpu.memory_space<vmem>>[vector<16xi32>], vector<16xf32>,
    %broadcast_in_dim3A_54 = arith.constant 7 : i32
    %broadcast_in_dim3A_55 = vector.broadcast %broadcast_in_dim3A_54 : i32 to vector<16xi32>
    %gather3A_56 = tpu.vector_load_idx %arg27[%broadcast_in_dim3A_55] : memref<16xf32, #tpu.memory_space<vmem>>[vector<16xi32>], vector<16xf32>,
    %broadcast_in_dim3A_57 = arith.constant 8 : i32
    %broadcast_in_dim3A_58 = vector.broadcast %broadcast_in_dim3A_57 : i32 to vector<16xi32>
    %gather3A_59 = tpu.vector_load_idx %arg27[%broadcast_in_dim3A_58] : memref<16xf32, #tpu.memory_space<vmem>>[vector<16xi32>], vector<16xf32>,
    %broadcast_in_dim3A_60 = arith.constant 9 : i32
    %broadcast_in_dim3A_61 = vector.broadcast %broadcast_in_dim3A_60 : i32 to vector<16xi32>
    %gather3A_62 = tpu.vector_load_idx %arg27[%broadcast_in_dim3A_61] : memref<16xf32, #tpu.memory_space<vmem>>[vector<16xi32>], vector<16xf32>,
    %broadcast_in_dim3A_63 = arith.constant 10 : i32
    %broadcast_in_dim3A_64 = vector.broadcast %broadcast_in_dim3A_63 : i32 to vector<16xi32>
    %gather3A_65 = tpu.vector_load_idx %arg27[%broadcast_in_dim3A_64] : memref<16xf32, #tpu.memory_space<vmem>>[vector<16xi32>], vector<16xf32>,
    %broadcast_in_dim3A_66 = arith.constant 11 : i32
    %broadcast_in_dim3A_67 = vector.broadcast %broadcast_in_dim3A_66 : i32 to vector<16xi32>
    %gather3A_68 = tpu.vector_load_idx %arg27[%broadcast_in_dim3A_67] : memref<16xf32, #tpu.memory_space<vmem>>[vector<16xi32>], vector<16xf32>,
    %broadcast_in_dim3A_69 = arith.constant 12 : i32
    %broadcast_in_dim3A_70 = vector.broadcast %broadcast_in_dim3A_69 : i32 to vector<16xi32>
    %gather3A_71 = tpu.vector_load_idx %arg27[%broadcast_in_dim3A_70] : memref<16xf32, #tpu.memory_space<vmem>>[vector<16xi32>], vector<16xf32>,
    %broadcast_in_dim3A_72 = arith.constant 13 : i32
    %broadcast_in_dim3A_73 = vector.broadcast %broadcast_in_dim3A_72 : i32 to vector<16xi32>
    %gather3A_74 = tpu.vector_load_idx %arg27[%broadcast_in_dim3A_73] : memref<16xf32, #tpu.memory_space<vmem>>[vector<16xi32>], vector<16xf32>,
    %broadcast_in_dim3A_75 = arith.constant 14 : i32
    %broadcast_in_dim3A_76 = vector.broadcast %broadcast_in_dim3A_75 : i32 to vector<16xi32>
    %gather3A_77 = tpu.vector_load_idx %arg27[%broadcast_in_dim3A_76] : memref<16xf32, #tpu.memory_space<vmem>>[vector<16xi32>], vector<16xf32>,
    %broadcast_in_dim3A_78 = arith.constant 15 : i32
    %broadcast_in_dim3A_79 = vector.broadcast %broadcast_in_dim3A_78 : i32 to vector<16xi32>
    %gather3A_80 = tpu.vector_load_idx %arg27[%broadcast_in_dim3A_79] : memref<16xf32, #tpu.memory_space<vmem>>[vector<16xi32>], vector<16xf32>,
    %scan3A_81 = arith.constant 0 : i32
    %scan3A_82 = arith.constant 0 : i32
    %scan3A_83 = arith.constant 40 : i32
    %scan3A_84 = arith.addi %scan3A_82, %scan3A_83 : i32
    %scan3A_85 = arith.constant 1 : i32
    %scan3A_86 = scf.for %scan3A_224 = %scan3A_82 to %scan3A_84 step %scan3A_85 iter_args(%scan3A_225 = %scan3A_81) -> (i32)  : i32 {
      %mul3A_226 = arith.constant 16 : i32
      %mul3A_227 = arith.muli %scan3A_224, %mul3A_226 : i32
      %get3A = arith.index_cast %mul3A_227 : i32 to index
      %get3A_228 = tpu.vector_load %arg24[%get3A] {strides = array<i32>} : memref<640xf32, #tpu.memory_space<vmem>>, vector<16xf32>,
      %get3A_229 = arith.index_cast %mul3A_227 : i32 to index
      %get3A_230 = tpu.vector_load %arg25[%get3A_229] {strides = array<i32>} : memref<640xf32, #tpu.memory_space<vmem>>, vector<16xf32>,
      %add3A_231 = vector.broadcast %mul3A_227 : i32 to vector<16xi32>
      %add3A_232 = arith.addi %add3A_231, %iota3A : vector<16xi32>
      %broadcast_in_dim3A_233 = arith.constant 0 : i32
      %broadcast_in_dim3A_234 = vector.broadcast %broadcast_in_dim3A_233 : i32 to vector<16xi32>
      %gather3A_235 = tpu.vector_load_idx %arg22[%add3A_232, %broadcast_in_dim3A_234] : memref<640x16xf32, #tpu.memory_space<vmem>>[vector<16xi32>, vector<16xi32>], vector<16xf32>,
      %gather3A_236 = tpu.vector_load_idx %arg23[%add3A_232, %broadcast_in_dim3A_234] : memref<640x16xf32, #tpu.memory_space<vmem>>[vector<16xi32>, vector<16xi32>], vector<16xf32>,
      %add3A_237 = arith.addf %gather3A_235, %gather3A_236 : vector<16xf32>
      %mul3A_238 = arith.mulf %add3A_237, %get3A_230 : vector<16xf32>
      %add3A_239 = arith.addf %mul3A_238, %gather3A : vector<16xf32>
      %max3A = arith.constant 0.000000e+00 : f32
      %max3A_240 = vector.broadcast %max3A : f32 to vector<16xf32>
      %max3A_241 = arith.maximumf %add3A_239, %max3A_240 : vector<16xf32>
      %mul3A_242 = arith.mulf %max3A_241, %get3A_228 : vector<16xf32>
      tpu.vector_store_idx %arg22[%add3A_232, %broadcast_in_dim3A_234], %mul3A_242 : memref<640x16xf32, #tpu.memory_space<vmem>>[vector<16xi32>, vector<16xi32>], vector<16xf32>,
      %broadcast_in_dim3A_243 = arith.constant 1 : i32
      %broadcast_in_dim3A_244 = vector.broadcast %broadcast_in_dim3A_243 : i32 to vector<16xi32>
      %gather3A_245 = tpu.vector_load_idx %arg22[%add3A_232, %broadcast_in_dim3A_244] : memref<640x16xf32, #tpu.memory_space<vmem>>[vector<16xi32>, vector<16xi32>], vector<16xf32>,
      %gather3A_246 = tpu.vector_load_idx %arg23[%add3A_232, %broadcast_in_dim3A_244] : memref<640x16xf32, #tpu.memory_space<vmem>>[vector<16xi32>, vector<16xi32>], vector<16xf32>,
      %add3A_247 = arith.addf %gather3A_245, %gather3A_246 : vector<16xf32>
      %mul3A_248 = arith.mulf %add3A_247, %get3A_230 : vector<16xf32>
      %add3A_249 = arith.addf %mul3A_248, %gather3A_38 : vector<16xf32>
      %max3A_250 = arith.constant 0.000000e+00 : f32
      %max3A_251 = vector.broadcast %max3A_250 : f32 to vector<16xf32>
      %max3A_252 = arith.maximumf %add3A_249, %max3A_251 : vector<16xf32>
      %mul3A_253 = arith.mulf %max3A_252, %get3A_228 : vector<16xf32>
      tpu.vector_store_idx %arg22[%add3A_232, %broadcast_in_dim3A_244], %mul3A_253 : memref<640x16xf32, #tpu.memory_space<vmem>>[vector<16xi32>, vector<16xi32>], vector<16xf32>,
      %broadcast_in_dim3A_254 = arith.constant 2 : i32
      %broadcast_in_dim3A_255 = vector.broadcast %broadcast_in_dim3A_254 : i32 to vector<16xi32>
      %gather3A_256 = tpu.vector_load_idx %arg22[%add3A_232, %broadcast_in_dim3A_255] : memref<640x16xf32, #tpu.memory_space<vmem>>[vector<16xi32>, vector<16xi32>], vector<16xf32>,
      %gather3A_257 = tpu.vector_load_idx %arg23[%add3A_232, %broadcast_in_dim3A_255] : memref<640x16xf32, #tpu.memory_space<vmem>>[vector<16xi32>, vector<16xi32>], vector<16xf32>,
      %add3A_258 = arith.addf %gather3A_256, %gather3A_257 : vector<16xf32>
      %mul3A_259 = arith.mulf %add3A_258, %get3A_230 : vector<16xf32>
      %add3A_260 = arith.addf %mul3A_259, %gather3A_41 : vector<16xf32>
      %max3A_261 = arith.constant 0.000000e+00 : f32
      %max3A_262 = vector.broadcast %max3A_261 : f32 to vector<16xf32>
      %max3A_263 = arith.maximumf %add3A_260, %max3A_262 : vector<16xf32>
      %mul3A_264 = arith.mulf %max3A_263, %get3A_228 : vector<16xf32>
      tpu.vector_store_idx %arg22[%add3A_232, %broadcast_in_dim3A_255], %mul3A_264 : memref<640x16xf32, #tpu.memory_space<vmem>>[vector<16xi32>, vector<16xi32>], vector<16xf32>,
      %broadcast_in_dim3A_265 = arith.constant 3 : i32
      %broadcast_in_dim3A_266 = vector.broadcast %broadcast_in_dim3A_265 : i32 to vector<16xi32>
      %gather3A_267 = tpu.vector_load_idx %arg22[%add3A_232, %broadcast_in_dim3A_266] : memref<640x16xf32, #tpu.memory_space<vmem>>[vector<16xi32>, vector<16xi32>], vector<16xf32>,
      %gather3A_268 = tpu.vector_load_idx %arg23[%add3A_232, %broadcast_in_dim3A_266] : memref<640x16xf32, #tpu.memory_space<vmem>>[vector<16xi32>, vector<16xi32>], vector<16xf32>,
      %add3A_269 = arith.addf %gather3A_267, %gather3A_268 : vector<16xf32>
      %mul3A_270 = arith.mulf %add3A_269, %get3A_230 : vector<16xf32>
      %add3A_271 = arith.addf %mul3A_270, %gather3A_44 : vector<16xf32>
      %max3A_272 = arith.constant 0.000000e+00 : f32
      %max3A_273 = vector.broadcast %max3A_272 : f32 to vector<16xf32>
      %max3A_274 = arith.maximumf %add3A_271, %max3A_273 : vector<16xf32>
      %mul3A_275 = arith.mulf %max3A_274, %get3A_228 : vector<16xf32>
      tpu.vector_store_idx %arg22[%add3A_232, %broadcast_in_dim3A_266], %mul3A_275 : memref<640x16xf32, #tpu.memory_space<vmem>>[vector<16xi32>, vector<16xi32>], vector<16xf32>,
      %broadcast_in_dim3A_276 = arith.constant 4 : i32
      %broadcast_in_dim3A_277 = vector.broadcast %broadcast_in_dim3A_276 : i32 to vector<16xi32>
      %gather3A_278 = tpu.vector_load_idx %arg22[%add3A_232, %broadcast_in_dim3A_277] : memref<640x16xf32, #tpu.memory_space<vmem>>[vector<16xi32>, vector<16xi32>], vector<16xf32>,
      %gather3A_279 = tpu.vector_load_idx %arg23[%add3A_232, %broadcast_in_dim3A_277] : memref<640x16xf32, #tpu.memory_space<vmem>>[vector<16xi32>, vector<16xi32>], vector<16xf32>,
      %add3A_280 = arith.addf %gather3A_278, %gather3A_279 : vector<16xf32>
      %mul3A_281 = arith.mulf %add3A_280, %get3A_230 : vector<16xf32>
      %add3A_282 = arith.addf %mul3A_281, %gather3A_47 : vector<16xf32>
      %max3A_283 = arith.constant 0.000000e+00 : f32
      %max3A_284 = vector.broadcast %max3A_283 : f32 to vector<16xf32>
      %max3A_285 = arith.maximumf %add3A_282, %max3A_284 : vector<16xf32>
      %mul3A_286 = arith.mulf %max3A_285, %get3A_228 : vector<16xf32>
      tpu.vector_store_idx %arg22[%add3A_232, %broadcast_in_dim3A_277], %mul3A_286 : memref<640x16xf32, #tpu.memory_space<vmem>>[vector<16xi32>, vector<16xi32>], vector<16xf32>,
      %broadcast_in_dim3A_287 = arith.constant 5 : i32
      %broadcast_in_dim3A_288 = vector.broadcast %broadcast_in_dim3A_287 : i32 to vector<16xi32>
      %gather3A_289 = tpu.vector_load_idx %arg22[%add3A_232, %broadcast_in_dim3A_288] : memref<640x16xf32, #tpu.memory_space<vmem>>[vector<16xi32>, vector<16xi32>], vector<16xf32>,
      %gather3A_290 = tpu.vector_load_idx %arg23[%add3A_232, %broadcast_in_dim3A_288] : memref<640x16xf32, #tpu.memory_space<vmem>>[vector<16xi32>, vector<16xi32>], vector<16xf32>,
      %add3A_291 = arith.addf %gather3A_289, %gather3A_290 : vector<16xf32>
      %mul3A_292 = arith.mulf %add3A_291, %get3A_230 : vector<16xf32>
      %add3A_293 = arith.addf %mul3A_292, %gather3A_50 : vector<16xf32>
      %max3A_294 = arith.constant 0.000000e+00 : f32
      %max3A_295 = vector.broadcast %max3A_294 : f32 to vector<16xf32>
      %max3A_296 = arith.maximumf %add3A_293, %max3A_295 : vector<16xf32>
      %mul3A_297 = arith.mulf %max3A_296, %get3A_228 : vector<16xf32>
      tpu.vector_store_idx %arg22[%add3A_232, %broadcast_in_dim3A_288], %mul3A_297 : memref<640x16xf32, #tpu.memory_space<vmem>>[vector<16xi32>, vector<16xi32>], vector<16xf32>,
      %broadcast_in_dim3A_298 = arith.constant 6 : i32
      %broadcast_in_dim3A_299 = vector.broadcast %broadcast_in_dim3A_298 : i32 to vector<16xi32>
      %gather3A_300 = tpu.vector_load_idx %arg22[%add3A_232, %broadcast_in_dim3A_299] : memref<640x16xf32, #tpu.memory_space<vmem>>[vector<16xi32>, vector<16xi32>], vector<16xf32>,
      %gather3A_301 = tpu.vector_load_idx %arg23[%add3A_232, %broadcast_in_dim3A_299] : memref<640x16xf32, #tpu.memory_space<vmem>>[vector<16xi32>, vector<16xi32>], vector<16xf32>,
      %add3A_302 = arith.addf %gather3A_300, %gather3A_301 : vector<16xf32>
      %mul3A_303 = arith.mulf %add3A_302, %get3A_230 : vector<16xf32>
      %add3A_304 = arith.addf %mul3A_303, %gather3A_53 : vector<16xf32>
      %max3A_305 = arith.constant 0.000000e+00 : f32
      %max3A_306 = vector.broadcast %max3A_305 : f32 to vector<16xf32>
      %max3A_307 = arith.maximumf %add3A_304, %max3A_306 : vector<16xf32>
      %mul3A_308 = arith.mulf %max3A_307, %get3A_228 : vector<16xf32>
      tpu.vector_store_idx %arg22[%add3A_232, %broadcast_in_dim3A_299], %mul3A_308 : memref<640x16xf32, #tpu.memory_space<vmem>>[vector<16xi32>, vector<16xi32>], vector<16xf32>,
      %broadcast_in_dim3A_309 = arith.constant 7 : i32
      %broadcast_in_dim3A_310 = vector.broadcast %broadcast_in_dim3A_309 : i32 to vector<16xi32>
      %gather3A_311 = tpu.vector_load_idx %arg22[%add3A_232, %broadcast_in_dim3A_310] : memref<640x16xf32, #tpu.memory_space<vmem>>[vector<16xi32>, vector<16xi32>], vector<16xf32>,
      %gather3A_312 = tpu.vector_load_idx %arg23[%add3A_232, %broadcast_in_dim3A_310] : memref<640x16xf32, #tpu.memory_space<vmem>>[vector<16xi32>, vector<16xi32>], vector<16xf32>,
      %add3A_313 = arith.addf %gather3A_311, %gather3A_312 : vector<16xf32>
      %mul3A_314 = arith.mulf %add3A_313, %get3A_230 : vector<16xf32>
      %add3A_315 = arith.addf %mul3A_314, %gather3A_56 : vector<16xf32>
      %max3A_316 = arith.constant 0.000000e+00 : f32
      %max3A_317 = vector.broadcast %max3A_316 : f32 to vector<16xf32>
      %max3A_318 = arith.maximumf %add3A_315, %max3A_317 : vector<16xf32>
      %mul3A_319 = arith.mulf %max3A_318, %get3A_228 : vector<16xf32>
      tpu.vector_store_idx %arg22[%add3A_232, %broadcast_in_dim3A_310], %mul3A_319 : memref<640x16xf32, #tpu.memory_space<vmem>>[vector<16xi32>, vector<16xi32>], vector<16xf32>,
      %broadcast_in_dim3A_320 = arith.constant 8 : i32
      %broadcast_in_dim3A_321 = vector.broadcast %broadcast_in_dim3A_320 : i32 to vector<16xi32>
      %gather3A_322 = tpu.vector_load_idx %arg22[%add3A_232, %broadcast_in_dim3A_321] : memref<640x16xf32, #tpu.memory_space<vmem>>[vector<16xi32>, vector<16xi32>], vector<16xf32>,
      %gather3A_323 = tpu.vector_load_idx %arg23[%add3A_232, %broadcast_in_dim3A_321] : memref<640x16xf32, #tpu.memory_space<vmem>>[vector<16xi32>, vector<16xi32>], vector<16xf32>,
      %add3A_324 = arith.addf %gather3A_322, %gather3A_323 : vector<16xf32>
      %mul3A_325 = arith.mulf %add3A_324, %get3A_230 : vector<16xf32>
      %add3A_326 = arith.addf %mul3A_325, %gather3A_59 : vector<16xf32>
      %max3A_327 = arith.constant 0.000000e+00 : f32
      %max3A_328 = vector.broadcast %max3A_327 : f32 to vector<16xf32>
      %max3A_329 = arith.maximumf %add3A_326, %max3A_328 : vector<16xf32>
      %mul3A_330 = arith.mulf %max3A_329, %get3A_228 : vector<16xf32>
      tpu.vector_store_idx %arg22[%add3A_232, %broadcast_in_dim3A_321], %mul3A_330 : memref<640x16xf32, #tpu.memory_space<vmem>>[vector<16xi32>, vector<16xi32>], vector<16xf32>,
      %broadcast_in_dim3A_331 = arith.constant 9 : i32
      %broadcast_in_dim3A_332 = vector.broadcast %broadcast_in_dim3A_331 : i32 to vector<16xi32>
      %gather3A_333 = tpu.vector_load_idx %arg22[%add3A_232, %broadcast_in_dim3A_332] : memref<640x16xf32, #tpu.memory_space<vmem>>[vector<16xi32>, vector<16xi32>], vector<16xf32>,
      %gather3A_334 = tpu.vector_load_idx %arg23[%add3A_232, %broadcast_in_dim3A_332] : memref<640x16xf32, #tpu.memory_space<vmem>>[vector<16xi32>, vector<16xi32>], vector<16xf32>,
      %add3A_335 = arith.addf %gather3A_333, %gather3A_334 : vector<16xf32>
      %mul3A_336 = arith.mulf %add3A_335, %get3A_230 : vector<16xf32>
      %add3A_337 = arith.addf %mul3A_336, %gather3A_62 : vector<16xf32>
      %max3A_338 = arith.constant 0.000000e+00 : f32
      %max3A_339 = vector.broadcast %max3A_338 : f32 to vector<16xf32>
      %max3A_340 = arith.maximumf %add3A_337, %max3A_339 : vector<16xf32>
      %mul3A_341 = arith.mulf %max3A_340, %get3A_228 : vector<16xf32>
      tpu.vector_store_idx %arg22[%add3A_232, %broadcast_in_dim3A_332], %mul3A_341 : memref<640x16xf32, #tpu.memory_space<vmem>>[vector<16xi32>, vector<16xi32>], vector<16xf32>,
      %broadcast_in_dim3A_342 = arith.constant 10 : i32
      %broadcast_in_dim3A_343 = vector.broadcast %broadcast_in_dim3A_342 : i32 to vector<16xi32>
      %gather3A_344 = tpu.vector_load_idx %arg22[%add3A_232, %broadcast_in_dim3A_343] : memref<640x16xf32, #tpu.memory_space<vmem>>[vector<16xi32>, vector<16xi32>], vector<16xf32>,
      %gather3A_345 = tpu.vector_load_idx %arg23[%add3A_232, %broadcast_in_dim3A_343] : memref<640x16xf32, #tpu.memory_space<vmem>>[vector<16xi32>, vector<16xi32>], vector<16xf32>,
      %add3A_346 = arith.addf %gather3A_344, %gather3A_345 : vector<16xf32>
      %mul3A_347 = arith.mulf %add3A_346, %get3A_230 : vector<16xf32>
      %add3A_348 = arith.addf %mul3A_347, %gather3A_65 : vector<16xf32>
      %max3A_349 = arith.constant 0.000000e+00 : f32
      %max3A_350 = vector.broadcast %max3A_349 : f32 to vector<16xf32>
      %max3A_351 = arith.maximumf %add3A_348, %max3A_350 : vector<16xf32>
      %mul3A_352 = arith.mulf %max3A_351, %get3A_228 : vector<16xf32>
      tpu.vector_store_idx %arg22[%add3A_232, %broadcast_in_dim3A_343], %mul3A_352 : memref<640x16xf32, #tpu.memory_space<vmem>>[vector<16xi32>, vector<16xi32>], vector<16xf32>,
      %broadcast_in_dim3A_353 = arith.constant 11 : i32
      %broadcast_in_dim3A_354 = vector.broadcast %broadcast_in_dim3A_353 : i32 to vector<16xi32>
      %gather3A_355 = tpu.vector_load_idx %arg22[%add3A_232, %broadcast_in_dim3A_354] : memref<640x16xf32, #tpu.memory_space<vmem>>[vector<16xi32>, vector<16xi32>], vector<16xf32>,
      %gather3A_356 = tpu.vector_load_idx %arg23[%add3A_232, %broadcast_in_dim3A_354] : memref<640x16xf32, #tpu.memory_space<vmem>>[vector<16xi32>, vector<16xi32>], vector<16xf32>,
      %add3A_357 = arith.addf %gather3A_355, %gather3A_356 : vector<16xf32>
      %mul3A_358 = arith.mulf %add3A_357, %get3A_230 : vector<16xf32>
      %add3A_359 = arith.addf %mul3A_358, %gather3A_68 : vector<16xf32>
      %max3A_360 = arith.constant 0.000000e+00 : f32
      %max3A_361 = vector.broadcast %max3A_360 : f32 to vector<16xf32>
      %max3A_362 = arith.maximumf %add3A_359, %max3A_361 : vector<16xf32>
      %mul3A_363 = arith.mulf %max3A_362, %get3A_228 : vector<16xf32>
      tpu.vector_store_idx %arg22[%add3A_232, %broadcast_in_dim3A_354], %mul3A_363 : memref<640x16xf32, #tpu.memory_space<vmem>>[vector<16xi32>, vector<16xi32>], vector<16xf32>,
      %broadcast_in_dim3A_364 = arith.constant 12 : i32
      %broadcast_in_dim3A_365 = vector.broadcast %broadcast_in_dim3A_364 : i32 to vector<16xi32>
      %gather3A_366 = tpu.vector_load_idx %arg22[%add3A_232, %broadcast_in_dim3A_365] : memref<640x16xf32, #tpu.memory_space<vmem>>[vector<16xi32>, vector<16xi32>], vector<16xf32>,
      %gather3A_367 = tpu.vector_load_idx %arg23[%add3A_232, %broadcast_in_dim3A_365] : memref<640x16xf32, #tpu.memory_space<vmem>>[vector<16xi32>, vector<16xi32>], vector<16xf32>,
      %add3A_368 = arith.addf %gather3A_366, %gather3A_367 : vector<16xf32>
      %mul3A_369 = arith.mulf %add3A_368, %get3A_230 : vector<16xf32>
      %add3A_370 = arith.addf %mul3A_369, %gather3A_71 : vector<16xf32>
      %max3A_371 = arith.constant 0.000000e+00 : f32
      %max3A_372 = vector.broadcast %max3A_371 : f32 to vector<16xf32>
      %max3A_373 = arith.maximumf %add3A_370, %max3A_372 : vector<16xf32>
      %mul3A_374 = arith.mulf %max3A_373, %get3A_228 : vector<16xf32>
      tpu.vector_store_idx %arg22[%add3A_232, %broadcast_in_dim3A_365], %mul3A_374 : memref<640x16xf32, #tpu.memory_space<vmem>>[vector<16xi32>, vector<16xi32>], vector<16xf32>,
      %broadcast_in_dim3A_375 = arith.constant 13 : i32
      %broadcast_in_dim3A_376 = vector.broadcast %broadcast_in_dim3A_375 : i32 to vector<16xi32>
      %gather3A_377 = tpu.vector_load_idx %arg22[%add3A_232, %broadcast_in_dim3A_376] : memref<640x16xf32, #tpu.memory_space<vmem>>[vector<16xi32>, vector<16xi32>], vector<16xf32>,
      %gather3A_378 = tpu.vector_load_idx %arg23[%add3A_232, %broadcast_in_dim3A_376] : memref<640x16xf32, #tpu.memory_space<vmem>>[vector<16xi32>, vector<16xi32>], vector<16xf32>,
      %add3A_379 = arith.addf %gather3A_377, %gather3A_378 : vector<16xf32>
      %mul3A_380 = arith.mulf %add3A_379, %get3A_230 : vector<16xf32>
      %add3A_381 = arith.addf %mul3A_380, %gather3A_74 : vector<16xf32>
      %max3A_382 = arith.constant 0.000000e+00 : f32
      %max3A_383 = vector.broadcast %max3A_382 : f32 to vector<16xf32>
      %max3A_384 = arith.maximumf %add3A_381, %max3A_383 : vector<16xf32>
      %mul3A_385 = arith.mulf %max3A_384, %get3A_228 : vector<16xf32>
      tpu.vector_store_idx %arg22[%add3A_232, %broadcast_in_dim3A_376], %mul3A_385 : memref<640x16xf32, #tpu.memory_space<vmem>>[vector<16xi32>, vector<16xi32>], vector<16xf32>,
      %broadcast_in_dim3A_386 = arith.constant 14 : i32
      %broadcast_in_dim3A_387 = vector.broadcast %broadcast_in_dim3A_386 : i32 to vector<16xi32>
      %gather3A_388 = tpu.vector_load_idx %arg22[%add3A_232, %broadcast_in_dim3A_387] : memref<640x16xf32, #tpu.memory_space<vmem>>[vector<16xi32>, vector<16xi32>], vector<16xf32>,
      %gather3A_389 = tpu.vector_load_idx %arg23[%add3A_232, %broadcast_in_dim3A_387] : memref<640x16xf32, #tpu.memory_space<vmem>>[vector<16xi32>, vector<16xi32>], vector<16xf32>,
      %add3A_390 = arith.addf %gather3A_388, %gather3A_389 : vector<16xf32>
      %mul3A_391 = arith.mulf %add3A_390, %get3A_230 : vector<16xf32>
      %add3A_392 = arith.addf %mul3A_391, %gather3A_77 : vector<16xf32>
      %max3A_393 = arith.constant 0.000000e+00 : f32
      %max3A_394 = vector.broadcast %max3A_393 : f32 to vector<16xf32>
      %max3A_395 = arith.maximumf %add3A_392, %max3A_394 : vector<16xf32>
      %mul3A_396 = arith.mulf %max3A_395, %get3A_228 : vector<16xf32>
      tpu.vector_store_idx %arg22[%add3A_232, %broadcast_in_dim3A_387], %mul3A_396 : memref<640x16xf32, #tpu.memory_space<vmem>>[vector<16xi32>, vector<16xi32>], vector<16xf32>,
      %broadcast_in_dim3A_397 = arith.constant 15 : i32
      %broadcast_in_dim3A_398 = vector.broadcast %broadcast_in_dim3A_397 : i32 to vector<16xi32>
      %gather3A_399 = tpu.vector_load_idx %arg22[%add3A_232, %broadcast_in_dim3A_398] : memref<640x16xf32, #tpu.memory_space<vmem>>[vector<16xi32>, vector<16xi32>], vector<16xf32>,
      %gather3A_400 = tpu.vector_load_idx %arg23[%add3A_232, %broadcast_in_dim3A_398] : memref<640x16xf32, #tpu.memory_space<vmem>>[vector<16xi32>, vector<16xi32>], vector<16xf32>,
      %add3A_401 = arith.addf %gather3A_399, %gather3A_400 : vector<16xf32>
      %mul3A_402 = arith.mulf %add3A_401, %get3A_230 : vector<16xf32>
      %add3A_403 = arith.addf %mul3A_402, %gather3A_80 : vector<16xf32>
      %max3A_404 = arith.constant 0.000000e+00 : f32
      %max3A_405 = vector.broadcast %max3A_404 : f32 to vector<16xf32>
      %max3A_406 = arith.maximumf %add3A_403, %max3A_405 : vector<16xf32>
      %mul3A_407 = arith.mulf %max3A_406, %get3A_228 : vector<16xf32>
      tpu.vector_store_idx %arg22[%add3A_232, %broadcast_in_dim3A_398], %mul3A_407 : memref<640x16xf32, #tpu.memory_space<vmem>>[vector<16xi32>, vector<16xi32>], vector<16xf32>,
      %scan3A_408 = arith.constant 0 : i32
      scf.yield %scan3A_408 : i32
    }
    %scan3A_87 = arith.constant 40 : i32
    "tpu.region"() ({
      %run_scoped3A_224 = tpu.sem_alloc : memref<!tpu.dma_semaphore, #tpu.memory_space<semaphore_mem>>
      %dma_start3A_225 = arith.constant 0 : i32
      %dma_start3A_226 = tpu.memref_slice %arg48[%multiple_of3A, %dma_start3A_225] : memref<10240x16xf32, #tpu.memory_space<vmem_shared>> -> memref<640x16xf32, #tpu.memory_space<vmem_shared>>
      %dma_start3A_227 = arith.constant 0 : i32
      %dma_start3A_228 = tpu.memref_slice %arg48[%multiple_of3A, %dma_start3A_227] : memref<10240x16xf32, #tpu.memory_space<vmem_shared>> -> memref<640x16xf32, #tpu.memory_space<vmem_shared>>
      tpu.enqueue_dma source(%arg22 : memref<640x16xf32, #tpu.memory_space<vmem>>) target(%dma_start3A_228 : memref<640x16xf32, #tpu.memory_space<vmem_shared>>) target_semaphore(%run_scoped3A_224 : memref<!tpu.dma_semaphore, #tpu.memory_space<semaphore_mem>>)
      %dma_wait3A_229 = arith.constant 0 : i32
      %dma_wait3A_230 = tpu.memref_slice %arg48[%multiple_of3A, %dma_wait3A_229] : memref<10240x16xf32, #tpu.memory_space<vmem_shared>> -> memref<640x16xf32, #tpu.memory_space<vmem_shared>>
      %dma_wait3A_231 = arith.constant 0 : i32
      %dma_wait3A_232 = tpu.memref_slice %arg48[%multiple_of3A, %dma_wait3A_231] : memref<10240x16xf32, #tpu.memory_space<vmem_shared>> -> memref<640x16xf32, #tpu.memory_space<vmem_shared>>
      tpu.wait_dma2 semaphore(%run_scoped3A_224 : memref<!tpu.dma_semaphore, #tpu.memory_space<semaphore_mem>>) src(%arg22 : memref<640x16xf32, #tpu.memory_space<vmem>>) dst(%dma_wait3A_232 : memref<640x16xf32, #tpu.memory_space<vmem_shared>>)
      tpu.yield
    }) : () -> ()
    %barrier3A = arith.constant 0 : index
    tpu.barrier barrier_id(%barrier3A)
    %mul3A_88 = arith.constant 16 : i32
    %mul3A_89 = arith.muli %arg0, %mul3A_88 : i32
    %add3A = arith.addi %mul3A_89, %arg1 : i32
    %mul3A_90 = arith.constant 10000 : i32
    %mul3A_91 = arith.muli %add3A, %mul3A_90 : i32
    %multiple_of3A_92 = tpu.assume_multiple %mul3A_91, 8 : i32
    "tpu.region"() ({
      %run_scoped3A_224 = tpu.sem_alloc : memref<!tpu.dma_semaphore, #tpu.memory_space<semaphore_mem>>
      %dma_start3A_225 = tpu.memref_slice %arg6[%multiple_of3A_92] : memref<320000xi32, #tpu.memory_space<hbm>> -> memref<10000xi32, #tpu.memory_space<hbm>>
      %dma_start3A_226 = tpu.memref_slice %arg6[%multiple_of3A_92] : memref<320000xi32, #tpu.memory_space<hbm>> -> memref<10000xi32, #tpu.memory_space<hbm>>
      tpu.enqueue_dma source(%dma_start3A_226 : memref<10000xi32, #tpu.memory_space<hbm>>) target(%arg9 : memref<10000xi32, #tpu.memory_space<vmem>>) target_semaphore(%run_scoped3A_224 : memref<!tpu.dma_semaphore, #tpu.memory_space<semaphore_mem>>)
      %dma_wait3A_227 = tpu.memref_slice %arg6[%multiple_of3A_92] : memref<320000xi32, #tpu.memory_space<hbm>> -> memref<10000xi32, #tpu.memory_space<hbm>>
      %dma_wait3A_228 = tpu.memref_slice %arg6[%multiple_of3A_92] : memref<320000xi32, #tpu.memory_space<hbm>> -> memref<10000xi32, #tpu.memory_space<hbm>>
      tpu.wait_dma2 semaphore(%run_scoped3A_224 : memref<!tpu.dma_semaphore, #tpu.memory_space<semaphore_mem>>) src(%dma_wait3A_228 : memref<10000xi32, #tpu.memory_space<hbm>>) dst(%arg9 : memref<10000xi32, #tpu.memory_space<vmem>>)
      tpu.yield
    }) : () -> ()
    "tpu.region"() ({
      %run_scoped3A_224 = tpu.sem_alloc : memref<!tpu.dma_semaphore, #tpu.memory_space<semaphore_mem>>
      %dma_start3A_225 = tpu.memref_slice %arg7[%multiple_of3A_92] : memref<320000xi32, #tpu.memory_space<hbm>> -> memref<10000xi32, #tpu.memory_space<hbm>>
      %dma_start3A_226 = tpu.memref_slice %arg7[%multiple_of3A_92] : memref<320000xi32, #tpu.memory_space<hbm>> -> memref<10000xi32, #tpu.memory_space<hbm>>
      tpu.enqueue_dma source(%dma_start3A_226 : memref<10000xi32, #tpu.memory_space<hbm>>) target(%arg10 : memref<10000xi32, #tpu.memory_space<vmem>>) target_semaphore(%run_scoped3A_224 : memref<!tpu.dma_semaphore, #tpu.memory_space<semaphore_mem>>)
      %dma_wait3A_227 = tpu.memref_slice %arg7[%multiple_of3A_92] : memref<320000xi32, #tpu.memory_space<hbm>> -> memref<10000xi32, #tpu.memory_space<hbm>>
      %dma_wait3A_228 = tpu.memref_slice %arg7[%multiple_of3A_92] : memref<320000xi32, #tpu.memory_space<hbm>> -> memref<10000xi32, #tpu.memory_space<hbm>>
      tpu.wait_dma2 semaphore(%run_scoped3A_224 : memref<!tpu.dma_semaphore, #tpu.memory_space<semaphore_mem>>) src(%dma_wait3A_228 : memref<10000xi32, #tpu.memory_space<hbm>>) dst(%arg10 : memref<10000xi32, #tpu.memory_space<vmem>>)
      tpu.yield
    }) : () -> ()
    %dma_start3A = arith.constant 0 : i32
    %dma_start3A_93 = tpu.memref_slice %arg9[%dma_start3A] : memref<10000xi32, #tpu.memory_space<vmem>> -> memref<80xi32, #tpu.memory_space<vmem>>
    %dma_start3A_94 = arith.constant 0 : i32
    %dma_start3A_95 = arith.constant 0 : i32
    %dma_start3A_96 = tpu.memref_slice %arg48[%dma_start3A_94, %dma_start3A_95] : memref<10240x16xf32, #tpu.memory_space<vmem_shared>> -> memref<10240x16xf32, #tpu.memory_space<vmem_shared>>
    tpu.enqueue_indirect_dma source(%dma_start3A_96 : memref<10240x16xf32, #tpu.memory_space<vmem_shared>>) target(%arg11 : memref<80x16xf32, #tpu.memory_space<vmem>>) offsets(%dma_start3A_93 : memref<80xi32, #tpu.memory_space<vmem>>) semaphore(%arg28 : memref<!tpu.dma_semaphore, #tpu.memory_space<semaphore_mem>>)
    %dma_start3A_97 = arith.constant 80 : i32
    %dma_start3A_98 = tpu.memref_slice %arg9[%dma_start3A_97] : memref<10000xi32, #tpu.memory_space<vmem>> -> memref<80xi32, #tpu.memory_space<vmem>>
    %dma_start3A_99 = arith.constant 0 : i32
    %dma_start3A_100 = arith.constant 0 : i32
    %dma_start3A_101 = tpu.memref_slice %arg48[%dma_start3A_99, %dma_start3A_100] : memref<10240x16xf32, #tpu.memory_space<vmem_shared>> -> memref<10240x16xf32, #tpu.memory_space<vmem_shared>>
    tpu.enqueue_indirect_dma source(%dma_start3A_101 : memref<10240x16xf32, #tpu.memory_space<vmem_shared>>) target(%arg12 : memref<80x16xf32, #tpu.memory_space<vmem>>) offsets(%dma_start3A_98 : memref<80xi32, #tpu.memory_space<vmem>>) semaphore(%arg29 : memref<!tpu.dma_semaphore, #tpu.memory_space<semaphore_mem>>)
    %dma_start3A_102 = arith.constant 160 : i32
    %dma_start3A_103 = tpu.memref_slice %arg9[%dma_start3A_102] : memref<10000xi32, #tpu.memory_space<vmem>> -> memref<80xi32, #tpu.memory_space<vmem>>
    %dma_start3A_104 = arith.constant 0 : i32
    %dma_start3A_105 = arith.constant 0 : i32
    %dma_start3A_106 = tpu.memref_slice %arg48[%dma_start3A_104, %dma_start3A_105] : memref<10240x16xf32, #tpu.memory_space<vmem_shared>> -> memref<10240x16xf32, #tpu.memory_space<vmem_shared>>
    tpu.enqueue_indirect_dma source(%dma_start3A_106 : memref<10240x16xf32, #tpu.memory_space<vmem_shared>>) target(%arg13 : memref<80x16xf32, #tpu.memory_space<vmem>>) offsets(%dma_start3A_103 : memref<80xi32, #tpu.memory_space<vmem>>) semaphore(%arg30 : memref<!tpu.dma_semaphore, #tpu.memory_space<semaphore_mem>>)
    %dma_start3A_107 = arith.constant 240 : i32
    %dma_start3A_108 = tpu.memref_slice %arg9[%dma_start3A_107] : memref<10000xi32, #tpu.memory_space<vmem>> -> memref<80xi32, #tpu.memory_space<vmem>>
    %dma_start3A_109 = arith.constant 0 : i32
    %dma_start3A_110 = arith.constant 0 : i32
    %dma_start3A_111 = tpu.memref_slice %arg48[%dma_start3A_109, %dma_start3A_110] : memref<10240x16xf32, #tpu.memory_space<vmem_shared>> -> memref<10240x16xf32, #tpu.memory_space<vmem_shared>>
    tpu.enqueue_indirect_dma source(%dma_start3A_111 : memref<10240x16xf32, #tpu.memory_space<vmem_shared>>) target(%arg14 : memref<80x16xf32, #tpu.memory_space<vmem>>) offsets(%dma_start3A_108 : memref<80xi32, #tpu.memory_space<vmem>>) semaphore(%arg31 : memref<!tpu.dma_semaphore, #tpu.memory_space<semaphore_mem>>)
    %dma_start3A_112 = arith.constant 320 : i32
    %dma_start3A_113 = tpu.memref_slice %arg9[%dma_start3A_112] : memref<10000xi32, #tpu.memory_space<vmem>> -> memref<80xi32, #tpu.memory_space<vmem>>
    %dma_start3A_114 = arith.constant 0 : i32
    %dma_start3A_115 = arith.constant 0 : i32
    %dma_start3A_116 = tpu.memref_slice %arg48[%dma_start3A_114, %dma_start3A_115] : memref<10240x16xf32, #tpu.memory_space<vmem_shared>> -> memref<10240x16xf32, #tpu.memory_space<vmem_shared>>
    tpu.enqueue_indirect_dma source(%dma_start3A_116 : memref<10240x16xf32, #tpu.memory_space<vmem_shared>>) target(%arg15 : memref<80x16xf32, #tpu.memory_space<vmem>>) offsets(%dma_start3A_113 : memref<80xi32, #tpu.memory_space<vmem>>) semaphore(%arg32 : memref<!tpu.dma_semaphore, #tpu.memory_space<semaphore_mem>>)
    %dma_start3A_117 = arith.constant 400 : i32
    %dma_start3A_118 = tpu.memref_slice %arg9[%dma_start3A_117] : memref<10000xi32, #tpu.memory_space<vmem>> -> memref<80xi32, #tpu.memory_space<vmem>>
    %dma_start3A_119 = arith.constant 0 : i32
    %dma_start3A_120 = arith.constant 0 : i32
    %dma_start3A_121 = tpu.memref_slice %arg48[%dma_start3A_119, %dma_start3A_120] : memref<10240x16xf32, #tpu.memory_space<vmem_shared>> -> memref<10240x16xf32, #tpu.memory_space<vmem_shared>>
    tpu.enqueue_indirect_dma source(%dma_start3A_121 : memref<10240x16xf32, #tpu.memory_space<vmem_shared>>) target(%arg16 : memref<80x16xf32, #tpu.memory_space<vmem>>) offsets(%dma_start3A_118 : memref<80xi32, #tpu.memory_space<vmem>>) semaphore(%arg33 : memref<!tpu.dma_semaphore, #tpu.memory_space<semaphore_mem>>)
    %dma_start3A_122 = arith.constant 480 : i32
    %dma_start3A_123 = tpu.memref_slice %arg9[%dma_start3A_122] : memref<10000xi32, #tpu.memory_space<vmem>> -> memref<80xi32, #tpu.memory_space<vmem>>
    %dma_start3A_124 = arith.constant 0 : i32
    %dma_start3A_125 = arith.constant 0 : i32
    %dma_start3A_126 = tpu.memref_slice %arg48[%dma_start3A_124, %dma_start3A_125] : memref<10240x16xf32, #tpu.memory_space<vmem_shared>> -> memref<10240x16xf32, #tpu.memory_space<vmem_shared>>
    tpu.enqueue_indirect_dma source(%dma_start3A_126 : memref<10240x16xf32, #tpu.memory_space<vmem_shared>>) target(%arg17 : memref<80x16xf32, #tpu.memory_space<vmem>>) offsets(%dma_start3A_123 : memref<80xi32, #tpu.memory_space<vmem>>) semaphore(%arg34 : memref<!tpu.dma_semaphore, #tpu.memory_space<semaphore_mem>>)
    %dma_start3A_127 = arith.constant 560 : i32
    %dma_start3A_128 = tpu.memref_slice %arg9[%dma_start3A_127] : memref<10000xi32, #tpu.memory_space<vmem>> -> memref<80xi32, #tpu.memory_space<vmem>>
    %dma_start3A_129 = arith.constant 0 : i32
    %dma_start3A_130 = arith.constant 0 : i32
    %dma_start3A_131 = tpu.memref_slice %arg48[%dma_start3A_129, %dma_start3A_130] : memref<10240x16xf32, #tpu.memory_space<vmem_shared>> -> memref<10240x16xf32, #tpu.memory_space<vmem_shared>>
    tpu.enqueue_indirect_dma source(%dma_start3A_131 : memref<10240x16xf32, #tpu.memory_space<vmem_shared>>) target(%arg18 : memref<80x16xf32, #tpu.memory_space<vmem>>) offsets(%dma_start3A_128 : memref<80xi32, #tpu.memory_space<vmem>>) semaphore(%arg35 : memref<!tpu.dma_semaphore, #tpu.memory_space<semaphore_mem>>)
    %dma_start3A_132 = arith.constant 640 : i32
    %dma_start3A_133 = tpu.memref_slice %arg9[%dma_start3A_132] : memref<10000xi32, #tpu.memory_space<vmem>> -> memref<80xi32, #tpu.memory_space<vmem>>
    %dma_start3A_134 = arith.constant 0 : i32
    %dma_start3A_135 = arith.constant 0 : i32
    %dma_start3A_136 = tpu.memref_slice %arg48[%dma_start3A_134, %dma_start3A_135] : memref<10240x16xf32, #tpu.memory_space<vmem_shared>> -> memref<10240x16xf32, #tpu.memory_space<vmem_shared>>
    tpu.enqueue_indirect_dma source(%dma_start3A_136 : memref<10240x16xf32, #tpu.memory_space<vmem_shared>>) target(%arg19 : memref<80x16xf32, #tpu.memory_space<vmem>>) offsets(%dma_start3A_133 : memref<80xi32, #tpu.memory_space<vmem>>) semaphore(%arg36 : memref<!tpu.dma_semaphore, #tpu.memory_space<semaphore_mem>>)
    %dma_start3A_137 = arith.constant 720 : i32
    %dma_start3A_138 = tpu.memref_slice %arg9[%dma_start3A_137] : memref<10000xi32, #tpu.memory_space<vmem>> -> memref<80xi32, #tpu.memory_space<vmem>>
    %dma_start3A_139 = arith.constant 0 : i32
    %dma_start3A_140 = arith.constant 0 : i32
    %dma_start3A_141 = tpu.memref_slice %arg48[%dma_start3A_139, %dma_start3A_140] : memref<10240x16xf32, #tpu.memory_space<vmem_shared>> -> memref<10240x16xf32, #tpu.memory_space<vmem_shared>>
    tpu.enqueue_indirect_dma source(%dma_start3A_141 : memref<10240x16xf32, #tpu.memory_space<vmem_shared>>) target(%arg20 : memref<80x16xf32, #tpu.memory_space<vmem>>) offsets(%dma_start3A_138 : memref<80xi32, #tpu.memory_space<vmem>>) semaphore(%arg37 : memref<!tpu.dma_semaphore, #tpu.memory_space<semaphore_mem>>)
    %scan3A_142 = arith.constant 0 : i32
    %scan3A_143 = arith.constant 0 : i32
    %scan3A_144 = arith.constant 12 : i32
    %scan3A_145 = arith.addi %scan3A_143, %scan3A_144 : i32
    %scan3A_146 = arith.constant 1 : i32
    %scan3A_147 = scf.for %scan3A_224 = %scan3A_143 to %scan3A_145 step %scan3A_146 iter_args(%scan3A_225 = %scan3A_142) -> (i32)  : i32 {
      %mul3A_226 = arith.constant 10 : i32
      %mul3A_227 = arith.muli %scan3A_224, %mul3A_226 : i32
      %add3A_228 = arith.constant 0 : i32
      %add3A_229 = arith.addi %mul3A_227, %add3A_228 : i32
      %mul3A_230 = arith.constant 80 : i32
      %mul3A_231 = arith.muli %add3A_229, %mul3A_230 : i32
      %multiple_of3A_232 = tpu.assume_multiple %mul3A_231, 8 : i32
      %dma_wait3A_233 = tpu.memref_slice %arg9[%multiple_of3A_232] : memref<10000xi32, #tpu.memory_space<vmem>> -> memref<80xi32, #tpu.memory_space<vmem>>
      %dma_wait3A_234 = arith.constant 0 : i32
      %dma_wait3A_235 = arith.constant 0 : i32
      %dma_wait3A_236 = tpu.memref_slice %arg48[%dma_wait3A_234, %dma_wait3A_235] : memref<10240x16xf32, #tpu.memory_space<vmem_shared>> -> memref<10240x16xf32, #tpu.memory_space<vmem_shared>>
      tpu.wait_indirect_dma semaphore(%arg28 : memref<!tpu.dma_semaphore, #tpu.memory_space<semaphore_mem>>) src(%dma_wait3A_236 : memref<10240x16xf32, #tpu.memory_space<vmem_shared>>) dst(%arg11 : memref<80x16xf32, #tpu.memory_space<vmem>>)
      %mul3A_237 = arith.constant 80 : i32
      %mul3A_238 = arith.muli %add3A_229, %mul3A_237 : i32
      %multiple_of3A_239 = tpu.assume_multiple %mul3A_238, 8 : i32
      %dma_start3A_240 = tpu.memref_slice %arg10[%multiple_of3A_239] : memref<10000xi32, #tpu.memory_space<vmem>> -> memref<80xi32, #tpu.memory_space<vmem>>
      %dma_start3A_241 = arith.constant 0 : i32
      %dma_start3A_242 = arith.constant 0 : i32
      %dma_start3A_243 = tpu.memref_slice %arg49[%dma_start3A_241, %dma_start3A_242] : memref<10240x16xf32, #tpu.memory_space<vmem_shared>> -> memref<10240x16xf32, #tpu.memory_space<vmem_shared>>
      tpu.enqueue_indirect_dma source(%arg11 : memref<80x16xf32, #tpu.memory_space<vmem>>) target(%dma_start3A_243 : memref<10240x16xf32, #tpu.memory_space<vmem_shared>>) offsets(%dma_start3A_240 : memref<80xi32, #tpu.memory_space<vmem>>) semaphore(%arg38 : memref<!tpu.dma_semaphore, #tpu.memory_space<semaphore_mem>>) {add = true}
      %mul3A_244 = arith.constant 10 : i32
      %mul3A_245 = arith.muli %scan3A_224, %mul3A_244 : i32
      %add3A_246 = arith.constant 1 : i32
      %add3A_247 = arith.addi %mul3A_245, %add3A_246 : i32
      %mul3A_248 = arith.constant 80 : i32
      %mul3A_249 = arith.muli %add3A_247, %mul3A_248 : i32
      %multiple_of3A_250 = tpu.assume_multiple %mul3A_249, 8 : i32
      %dma_wait3A_251 = tpu.memref_slice %arg9[%multiple_of3A_250] : memref<10000xi32, #tpu.memory_space<vmem>> -> memref<80xi32, #tpu.memory_space<vmem>>
      %dma_wait3A_252 = arith.constant 0 : i32
      %dma_wait3A_253 = arith.constant 0 : i32
      %dma_wait3A_254 = tpu.memref_slice %arg48[%dma_wait3A_252, %dma_wait3A_253] : memref<10240x16xf32, #tpu.memory_space<vmem_shared>> -> memref<10240x16xf32, #tpu.memory_space<vmem_shared>>
      tpu.wait_indirect_dma semaphore(%arg29 : memref<!tpu.dma_semaphore, #tpu.memory_space<semaphore_mem>>) src(%dma_wait3A_254 : memref<10240x16xf32, #tpu.memory_space<vmem_shared>>) dst(%arg12 : memref<80x16xf32, #tpu.memory_space<vmem>>)
      %mul3A_255 = arith.constant 80 : i32
      %mul3A_256 = arith.muli %add3A_247, %mul3A_255 : i32
      %multiple_of3A_257 = tpu.assume_multiple %mul3A_256, 8 : i32
      %dma_start3A_258 = tpu.memref_slice %arg10[%multiple_of3A_257] : memref<10000xi32, #tpu.memory_space<vmem>> -> memref<80xi32, #tpu.memory_space<vmem>>
      %dma_start3A_259 = arith.constant 0 : i32
      %dma_start3A_260 = arith.constant 0 : i32
      %dma_start3A_261 = tpu.memref_slice %arg49[%dma_start3A_259, %dma_start3A_260] : memref<10240x16xf32, #tpu.memory_space<vmem_shared>> -> memref<10240x16xf32, #tpu.memory_space<vmem_shared>>
      tpu.enqueue_indirect_dma source(%arg12 : memref<80x16xf32, #tpu.memory_space<vmem>>) target(%dma_start3A_261 : memref<10240x16xf32, #tpu.memory_space<vmem_shared>>) offsets(%dma_start3A_258 : memref<80xi32, #tpu.memory_space<vmem>>) semaphore(%arg39 : memref<!tpu.dma_semaphore, #tpu.memory_space<semaphore_mem>>) {add = true}
      %mul3A_262 = arith.constant 10 : i32
      %mul3A_263 = arith.muli %scan3A_224, %mul3A_262 : i32
      %add3A_264 = arith.constant 2 : i32
      %add3A_265 = arith.addi %mul3A_263, %add3A_264 : i32
      %mul3A_266 = arith.constant 80 : i32
      %mul3A_267 = arith.muli %add3A_265, %mul3A_266 : i32
      %multiple_of3A_268 = tpu.assume_multiple %mul3A_267, 8 : i32
      %dma_wait3A_269 = tpu.memref_slice %arg9[%multiple_of3A_268] : memref<10000xi32, #tpu.memory_space<vmem>> -> memref<80xi32, #tpu.memory_space<vmem>>
      %dma_wait3A_270 = arith.constant 0 : i32
      %dma_wait3A_271 = arith.constant 0 : i32
      %dma_wait3A_272 = tpu.memref_slice %arg48[%dma_wait3A_270, %dma_wait3A_271] : memref<10240x16xf32, #tpu.memory_space<vmem_shared>> -> memref<10240x16xf32, #tpu.memory_space<vmem_shared>>
      tpu.wait_indirect_dma semaphore(%arg30 : memref<!tpu.dma_semaphore, #tpu.memory_space<semaphore_mem>>) src(%dma_wait3A_272 : memref<10240x16xf32, #tpu.memory_space<vmem_shared>>) dst(%arg13 : memref<80x16xf32, #tpu.memory_space<vmem>>)
      %mul3A_273 = arith.constant 80 : i32
      %mul3A_274 = arith.muli %add3A_265, %mul3A_273 : i32
      %multiple_of3A_275 = tpu.assume_multiple %mul3A_274, 8 : i32
      %dma_start3A_276 = tpu.memref_slice %arg10[%multiple_of3A_275] : memref<10000xi32, #tpu.memory_space<vmem>> -> memref<80xi32, #tpu.memory_space<vmem>>
      %dma_start3A_277 = arith.constant 0 : i32
      %dma_start3A_278 = arith.constant 0 : i32
      %dma_start3A_279 = tpu.memref_slice %arg49[%dma_start3A_277, %dma_start3A_278] : memref<10240x16xf32, #tpu.memory_space<vmem_shared>> -> memref<10240x16xf32, #tpu.memory_space<vmem_shared>>
      tpu.enqueue_indirect_dma source(%arg13 : memref<80x16xf32, #tpu.memory_space<vmem>>) target(%dma_start3A_279 : memref<10240x16xf32, #tpu.memory_space<vmem_shared>>) offsets(%dma_start3A_276 : memref<80xi32, #tpu.memory_space<vmem>>) semaphore(%arg40 : memref<!tpu.dma_semaphore, #tpu.memory_space<semaphore_mem>>) {add = true}
      %mul3A_280 = arith.constant 10 : i32
      %mul3A_281 = arith.muli %scan3A_224, %mul3A_280 : i32
      %add3A_282 = arith.constant 3 : i32
      %add3A_283 = arith.addi %mul3A_281, %add3A_282 : i32
      %mul3A_284 = arith.constant 80 : i32
      %mul3A_285 = arith.muli %add3A_283, %mul3A_284 : i32
      %multiple_of3A_286 = tpu.assume_multiple %mul3A_285, 8 : i32
      %dma_wait3A_287 = tpu.memref_slice %arg9[%multiple_of3A_286] : memref<10000xi32, #tpu.memory_space<vmem>> -> memref<80xi32, #tpu.memory_space<vmem>>
      %dma_wait3A_288 = arith.constant 0 : i32
      %dma_wait3A_289 = arith.constant 0 : i32
      %dma_wait3A_290 = tpu.memref_slice %arg48[%dma_wait3A_288, %dma_wait3A_289] : memref<10240x16xf32, #tpu.memory_space<vmem_shared>> -> memref<10240x16xf32, #tpu.memory_space<vmem_shared>>
      tpu.wait_indirect_dma semaphore(%arg31 : memref<!tpu.dma_semaphore, #tpu.memory_space<semaphore_mem>>) src(%dma_wait3A_290 : memref<10240x16xf32, #tpu.memory_space<vmem_shared>>) dst(%arg14 : memref<80x16xf32, #tpu.memory_space<vmem>>)
      %mul3A_291 = arith.constant 80 : i32
      %mul3A_292 = arith.muli %add3A_283, %mul3A_291 : i32
      %multiple_of3A_293 = tpu.assume_multiple %mul3A_292, 8 : i32
      %dma_start3A_294 = tpu.memref_slice %arg10[%multiple_of3A_293] : memref<10000xi32, #tpu.memory_space<vmem>> -> memref<80xi32, #tpu.memory_space<vmem>>
      %dma_start3A_295 = arith.constant 0 : i32
      %dma_start3A_296 = arith.constant 0 : i32
      %dma_start3A_297 = tpu.memref_slice %arg49[%dma_start3A_295, %dma_start3A_296] : memref<10240x16xf32, #tpu.memory_space<vmem_shared>> -> memref<10240x16xf32, #tpu.memory_space<vmem_shared>>
      tpu.enqueue_indirect_dma source(%arg14 : memref<80x16xf32, #tpu.memory_space<vmem>>) target(%dma_start3A_297 : memref<10240x16xf32, #tpu.memory_space<vmem_shared>>) offsets(%dma_start3A_294 : memref<80xi32, #tpu.memory_space<vmem>>) semaphore(%arg41 : memref<!tpu.dma_semaphore, #tpu.memory_space<semaphore_mem>>) {add = true}
      %mul3A_298 = arith.constant 10 : i32
      %mul3A_299 = arith.muli %scan3A_224, %mul3A_298 : i32
      %add3A_300 = arith.constant 4 : i32
      %add3A_301 = arith.addi %mul3A_299, %add3A_300 : i32
      %mul3A_302 = arith.constant 80 : i32
      %mul3A_303 = arith.muli %add3A_301, %mul3A_302 : i32
      %multiple_of3A_304 = tpu.assume_multiple %mul3A_303, 8 : i32
      %dma_wait3A_305 = tpu.memref_slice %arg9[%multiple_of3A_304] : memref<10000xi32, #tpu.memory_space<vmem>> -> memref<80xi32, #tpu.memory_space<vmem>>
      %dma_wait3A_306 = arith.constant 0 : i32
      %dma_wait3A_307 = arith.constant 0 : i32
      %dma_wait3A_308 = tpu.memref_slice %arg48[%dma_wait3A_306, %dma_wait3A_307] : memref<10240x16xf32, #tpu.memory_space<vmem_shared>> -> memref<10240x16xf32, #tpu.memory_space<vmem_shared>>
      tpu.wait_indirect_dma semaphore(%arg32 : memref<!tpu.dma_semaphore, #tpu.memory_space<semaphore_mem>>) src(%dma_wait3A_308 : memref<10240x16xf32, #tpu.memory_space<vmem_shared>>) dst(%arg15 : memref<80x16xf32, #tpu.memory_space<vmem>>)
      %mul3A_309 = arith.constant 80 : i32
      %mul3A_310 = arith.muli %add3A_301, %mul3A_309 : i32
      %multiple_of3A_311 = tpu.assume_multiple %mul3A_310, 8 : i32
      %dma_start3A_312 = tpu.memref_slice %arg10[%multiple_of3A_311] : memref<10000xi32, #tpu.memory_space<vmem>> -> memref<80xi32, #tpu.memory_space<vmem>>
      %dma_start3A_313 = arith.constant 0 : i32
      %dma_start3A_314 = arith.constant 0 : i32
      %dma_start3A_315 = tpu.memref_slice %arg49[%dma_start3A_313, %dma_start3A_314] : memref<10240x16xf32, #tpu.memory_space<vmem_shared>> -> memref<10240x16xf32, #tpu.memory_space<vmem_shared>>
      tpu.enqueue_indirect_dma source(%arg15 : memref<80x16xf32, #tpu.memory_space<vmem>>) target(%dma_start3A_315 : memref<10240x16xf32, #tpu.memory_space<vmem_shared>>) offsets(%dma_start3A_312 : memref<80xi32, #tpu.memory_space<vmem>>) semaphore(%arg42 : memref<!tpu.dma_semaphore, #tpu.memory_space<semaphore_mem>>) {add = true}
      %mul3A_316 = arith.constant 10 : i32
      %mul3A_317 = arith.muli %scan3A_224, %mul3A_316 : i32
      %add3A_318 = arith.constant 5 : i32
      %add3A_319 = arith.addi %mul3A_317, %add3A_318 : i32
      %mul3A_320 = arith.constant 80 : i32
      %mul3A_321 = arith.muli %add3A_319, %mul3A_320 : i32
      %multiple_of3A_322 = tpu.assume_multiple %mul3A_321, 8 : i32
      %dma_wait3A_323 = tpu.memref_slice %arg9[%multiple_of3A_322] : memref<10000xi32, #tpu.memory_space<vmem>> -> memref<80xi32, #tpu.memory_space<vmem>>
      %dma_wait3A_324 = arith.constant 0 : i32
      %dma_wait3A_325 = arith.constant 0 : i32
      %dma_wait3A_326 = tpu.memref_slice %arg48[%dma_wait3A_324, %dma_wait3A_325] : memref<10240x16xf32, #tpu.memory_space<vmem_shared>> -> memref<10240x16xf32, #tpu.memory_space<vmem_shared>>
      tpu.wait_indirect_dma semaphore(%arg33 : memref<!tpu.dma_semaphore, #tpu.memory_space<semaphore_mem>>) src(%dma_wait3A_326 : memref<10240x16xf32, #tpu.memory_space<vmem_shared>>) dst(%arg16 : memref<80x16xf32, #tpu.memory_space<vmem>>)
      %mul3A_327 = arith.constant 80 : i32
      %mul3A_328 = arith.muli %add3A_319, %mul3A_327 : i32
      %multiple_of3A_329 = tpu.assume_multiple %mul3A_328, 8 : i32
      %dma_start3A_330 = tpu.memref_slice %arg10[%multiple_of3A_329] : memref<10000xi32, #tpu.memory_space<vmem>> -> memref<80xi32, #tpu.memory_space<vmem>>
      %dma_start3A_331 = arith.constant 0 : i32
      %dma_start3A_332 = arith.constant 0 : i32
      %dma_start3A_333 = tpu.memref_slice %arg49[%dma_start3A_331, %dma_start3A_332] : memref<10240x16xf32, #tpu.memory_space<vmem_shared>> -> memref<10240x16xf32, #tpu.memory_space<vmem_shared>>
      tpu.enqueue_indirect_dma source(%arg16 : memref<80x16xf32, #tpu.memory_space<vmem>>) target(%dma_start3A_333 : memref<10240x16xf32, #tpu.memory_space<vmem_shared>>) offsets(%dma_start3A_330 : memref<80xi32, #tpu.memory_space<vmem>>) semaphore(%arg43 : memref<!tpu.dma_semaphore, #tpu.memory_space<semaphore_mem>>) {add = true}
      %mul3A_334 = arith.constant 10 : i32
      %mul3A_335 = arith.muli %scan3A_224, %mul3A_334 : i32
      %add3A_336 = arith.constant 6 : i32
      %add3A_337 = arith.addi %mul3A_335, %add3A_336 : i32
      %mul3A_338 = arith.constant 80 : i32
      %mul3A_339 = arith.muli %add3A_337, %mul3A_338 : i32
      %multiple_of3A_340 = tpu.assume_multiple %mul3A_339, 8 : i32
      %dma_wait3A_341 = tpu.memref_slice %arg9[%multiple_of3A_340] : memref<10000xi32, #tpu.memory_space<vmem>> -> memref<80xi32, #tpu.memory_space<vmem>>
      %dma_wait3A_342 = arith.constant 0 : i32
      %dma_wait3A_343 = arith.constant 0 : i32
      %dma_wait3A_344 = tpu.memref_slice %arg48[%dma_wait3A_342, %dma_wait3A_343] : memref<10240x16xf32, #tpu.memory_space<vmem_shared>> -> memref<10240x16xf32, #tpu.memory_space<vmem_shared>>
      tpu.wait_indirect_dma semaphore(%arg34 : memref<!tpu.dma_semaphore, #tpu.memory_space<semaphore_mem>>) src(%dma_wait3A_344 : memref<10240x16xf32, #tpu.memory_space<vmem_shared>>) dst(%arg17 : memref<80x16xf32, #tpu.memory_space<vmem>>)
      %mul3A_345 = arith.constant 80 : i32
      %mul3A_346 = arith.muli %add3A_337, %mul3A_345 : i32
      %multiple_of3A_347 = tpu.assume_multiple %mul3A_346, 8 : i32
      %dma_start3A_348 = tpu.memref_slice %arg10[%multiple_of3A_347] : memref<10000xi32, #tpu.memory_space<vmem>> -> memref<80xi32, #tpu.memory_space<vmem>>
      %dma_start3A_349 = arith.constant 0 : i32
      %dma_start3A_350 = arith.constant 0 : i32
      %dma_start3A_351 = tpu.memref_slice %arg49[%dma_start3A_349, %dma_start3A_350] : memref<10240x16xf32, #tpu.memory_space<vmem_shared>> -> memref<10240x16xf32, #tpu.memory_space<vmem_shared>>
      tpu.enqueue_indirect_dma source(%arg17 : memref<80x16xf32, #tpu.memory_space<vmem>>) target(%dma_start3A_351 : memref<10240x16xf32, #tpu.memory_space<vmem_shared>>) offsets(%dma_start3A_348 : memref<80xi32, #tpu.memory_space<vmem>>) semaphore(%arg44 : memref<!tpu.dma_semaphore, #tpu.memory_space<semaphore_mem>>) {add = true}
      %mul3A_352 = arith.constant 10 : i32
      %mul3A_353 = arith.muli %scan3A_224, %mul3A_352 : i32
      %add3A_354 = arith.constant 7 : i32
      %add3A_355 = arith.addi %mul3A_353, %add3A_354 : i32
      %mul3A_356 = arith.constant 80 : i32
      %mul3A_357 = arith.muli %add3A_355, %mul3A_356 : i32
      %multiple_of3A_358 = tpu.assume_multiple %mul3A_357, 8 : i32
      %dma_wait3A_359 = tpu.memref_slice %arg9[%multiple_of3A_358] : memref<10000xi32, #tpu.memory_space<vmem>> -> memref<80xi32, #tpu.memory_space<vmem>>
      %dma_wait3A_360 = arith.constant 0 : i32
      %dma_wait3A_361 = arith.constant 0 : i32
      %dma_wait3A_362 = tpu.memref_slice %arg48[%dma_wait3A_360, %dma_wait3A_361] : memref<10240x16xf32, #tpu.memory_space<vmem_shared>> -> memref<10240x16xf32, #tpu.memory_space<vmem_shared>>
      tpu.wait_indirect_dma semaphore(%arg35 : memref<!tpu.dma_semaphore, #tpu.memory_space<semaphore_mem>>) src(%dma_wait3A_362 : memref<10240x16xf32, #tpu.memory_space<vmem_shared>>) dst(%arg18 : memref<80x16xf32, #tpu.memory_space<vmem>>)
      %mul3A_363 = arith.constant 80 : i32
      %mul3A_364 = arith.muli %add3A_355, %mul3A_363 : i32
      %multiple_of3A_365 = tpu.assume_multiple %mul3A_364, 8 : i32
      %dma_start3A_366 = tpu.memref_slice %arg10[%multiple_of3A_365] : memref<10000xi32, #tpu.memory_space<vmem>> -> memref<80xi32, #tpu.memory_space<vmem>>
      %dma_start3A_367 = arith.constant 0 : i32
      %dma_start3A_368 = arith.constant 0 : i32
      %dma_start3A_369 = tpu.memref_slice %arg49[%dma_start3A_367, %dma_start3A_368] : memref<10240x16xf32, #tpu.memory_space<vmem_shared>> -> memref<10240x16xf32, #tpu.memory_space<vmem_shared>>
      tpu.enqueue_indirect_dma source(%arg18 : memref<80x16xf32, #tpu.memory_space<vmem>>) target(%dma_start3A_369 : memref<10240x16xf32, #tpu.memory_space<vmem_shared>>) offsets(%dma_start3A_366 : memref<80xi32, #tpu.memory_space<vmem>>) semaphore(%arg45 : memref<!tpu.dma_semaphore, #tpu.memory_space<semaphore_mem>>) {add = true}
      %mul3A_370 = arith.constant 10 : i32
      %mul3A_371 = arith.muli %scan3A_224, %mul3A_370 : i32
      %add3A_372 = arith.constant 8 : i32
      %add3A_373 = arith.addi %mul3A_371, %add3A_372 : i32
      %mul3A_374 = arith.constant 80 : i32
      %mul3A_375 = arith.muli %add3A_373, %mul3A_374 : i32
      %multiple_of3A_376 = tpu.assume_multiple %mul3A_375, 8 : i32
      %dma_wait3A_377 = tpu.memref_slice %arg9[%multiple_of3A_376] : memref<10000xi32, #tpu.memory_space<vmem>> -> memref<80xi32, #tpu.memory_space<vmem>>
      %dma_wait3A_378 = arith.constant 0 : i32
      %dma_wait3A_379 = arith.constant 0 : i32
      %dma_wait3A_380 = tpu.memref_slice %arg48[%dma_wait3A_378, %dma_wait3A_379] : memref<10240x16xf32, #tpu.memory_space<vmem_shared>> -> memref<10240x16xf32, #tpu.memory_space<vmem_shared>>
      tpu.wait_indirect_dma semaphore(%arg36 : memref<!tpu.dma_semaphore, #tpu.memory_space<semaphore_mem>>) src(%dma_wait3A_380 : memref<10240x16xf32, #tpu.memory_space<vmem_shared>>) dst(%arg19 : memref<80x16xf32, #tpu.memory_space<vmem>>)
      %mul3A_381 = arith.constant 80 : i32
      %mul3A_382 = arith.muli %add3A_373, %mul3A_381 : i32
      %multiple_of3A_383 = tpu.assume_multiple %mul3A_382, 8 : i32
      %dma_start3A_384 = tpu.memref_slice %arg10[%multiple_of3A_383] : memref<10000xi32, #tpu.memory_space<vmem>> -> memref<80xi32, #tpu.memory_space<vmem>>
      %dma_start3A_385 = arith.constant 0 : i32
      %dma_start3A_386 = arith.constant 0 : i32
      %dma_start3A_387 = tpu.memref_slice %arg49[%dma_start3A_385, %dma_start3A_386] : memref<10240x16xf32, #tpu.memory_space<vmem_shared>> -> memref<10240x16xf32, #tpu.memory_space<vmem_shared>>
      tpu.enqueue_indirect_dma source(%arg19 : memref<80x16xf32, #tpu.memory_space<vmem>>) target(%dma_start3A_387 : memref<10240x16xf32, #tpu.memory_space<vmem_shared>>) offsets(%dma_start3A_384 : memref<80xi32, #tpu.memory_space<vmem>>) semaphore(%arg46 : memref<!tpu.dma_semaphore, #tpu.memory_space<semaphore_mem>>) {add = true}
      %mul3A_388 = arith.constant 10 : i32
      %mul3A_389 = arith.muli %scan3A_224, %mul3A_388 : i32
      %add3A_390 = arith.constant 9 : i32
      %add3A_391 = arith.addi %mul3A_389, %add3A_390 : i32
      %mul3A_392 = arith.constant 80 : i32
      %mul3A_393 = arith.muli %add3A_391, %mul3A_392 : i32
      %multiple_of3A_394 = tpu.assume_multiple %mul3A_393, 8 : i32
      %dma_wait3A_395 = tpu.memref_slice %arg9[%multiple_of3A_394] : memref<10000xi32, #tpu.memory_space<vmem>> -> memref<80xi32, #tpu.memory_space<vmem>>
      %dma_wait3A_396 = arith.constant 0 : i32
      %dma_wait3A_397 = arith.constant 0 : i32
      %dma_wait3A_398 = tpu.memref_slice %arg48[%dma_wait3A_396, %dma_wait3A_397] : memref<10240x16xf32, #tpu.memory_space<vmem_shared>> -> memref<10240x16xf32, #tpu.memory_space<vmem_shared>>
      tpu.wait_indirect_dma semaphore(%arg37 : memref<!tpu.dma_semaphore, #tpu.memory_space<semaphore_mem>>) src(%dma_wait3A_398 : memref<10240x16xf32, #tpu.memory_space<vmem_shared>>) dst(%arg20 : memref<80x16xf32, #tpu.memory_space<vmem>>)
      %mul3A_399 = arith.constant 80 : i32
      %mul3A_400 = arith.muli %add3A_391, %mul3A_399 : i32
      %multiple_of3A_401 = tpu.assume_multiple %mul3A_400, 8 : i32
      %dma_start3A_402 = tpu.memref_slice %arg10[%multiple_of3A_401] : memref<10000xi32, #tpu.memory_space<vmem>> -> memref<80xi32, #tpu.memory_space<vmem>>
      %dma_start3A_403 = arith.constant 0 : i32
      %dma_start3A_404 = arith.constant 0 : i32
      %dma_start3A_405 = tpu.memref_slice %arg49[%dma_start3A_403, %dma_start3A_404] : memref<10240x16xf32, #tpu.memory_space<vmem_shared>> -> memref<10240x16xf32, #tpu.memory_space<vmem_shared>>
      tpu.enqueue_indirect_dma source(%arg20 : memref<80x16xf32, #tpu.memory_space<vmem>>) target(%dma_start3A_405 : memref<10240x16xf32, #tpu.memory_space<vmem_shared>>) offsets(%dma_start3A_402 : memref<80xi32, #tpu.memory_space<vmem>>) semaphore(%arg47 : memref<!tpu.dma_semaphore, #tpu.memory_space<semaphore_mem>>) {add = true}
      %mul3A_406 = arith.constant 10 : i32
      %mul3A_407 = arith.muli %scan3A_224, %mul3A_406 : i32
      %add3A_408 = arith.constant 0 : i32
      %add3A_409 = arith.addi %mul3A_407, %add3A_408 : i32
      %mul3A_410 = arith.constant 80 : i32
      %mul3A_411 = arith.muli %add3A_409, %mul3A_410 : i32
      %multiple_of3A_412 = tpu.assume_multiple %mul3A_411, 8 : i32
      %dma_wait3A_413 = tpu.memref_slice %arg10[%multiple_of3A_412] : memref<10000xi32, #tpu.memory_space<vmem>> -> memref<80xi32, #tpu.memory_space<vmem>>
      %dma_wait3A_414 = arith.constant 0 : i32
      %dma_wait3A_415 = arith.constant 0 : i32
      %dma_wait3A_416 = tpu.memref_slice %arg49[%dma_wait3A_414, %dma_wait3A_415] : memref<10240x16xf32, #tpu.memory_space<vmem_shared>> -> memref<10240x16xf32, #tpu.memory_space<vmem_shared>>
      tpu.wait_indirect_dma semaphore(%arg38 : memref<!tpu.dma_semaphore, #tpu.memory_space<semaphore_mem>>) src(%arg11 : memref<80x16xf32, #tpu.memory_space<vmem>>) dst(%dma_wait3A_416 : memref<10240x16xf32, #tpu.memory_space<vmem_shared>>)
      %add3A_417 = arith.constant 10 : i32
      %add3A_418 = arith.addi %add3A_409, %add3A_417 : i32
      %lt3A = arith.constant 125 : i32
      %lt3A_419 = arith.cmpi slt, %add3A_418, %lt3A : i32
      %convert_element_type3A = arith.extui %lt3A_419 : i1 to i32
      %cond3A = arith.constant 0 : i32
      %cond3A_420 = arith.cmpi ne, %convert_element_type3A, %cond3A : i32
      scf.if %cond3A_420 {
        %mul3A_584 = arith.constant 80 : i32
        %mul3A_585 = arith.muli %add3A_418, %mul3A_584 : i32
        %multiple_of3A_586 = tpu.assume_multiple %mul3A_585, 8 : i32
        %dma_start3A_587 = tpu.memref_slice %arg9[%multiple_of3A_586] : memref<10000xi32, #tpu.memory_space<vmem>> -> memref<80xi32, #tpu.memory_space<vmem>>
        %dma_start3A_588 = arith.constant 0 : i32
        %dma_start3A_589 = arith.constant 0 : i32
        %dma_start3A_590 = tpu.memref_slice %arg48[%dma_start3A_588, %dma_start3A_589] : memref<10240x16xf32, #tpu.memory_space<vmem_shared>> -> memref<10240x16xf32, #tpu.memory_space<vmem_shared>>
        tpu.enqueue_indirect_dma source(%dma_start3A_590 : memref<10240x16xf32, #tpu.memory_space<vmem_shared>>) target(%arg11 : memref<80x16xf32, #tpu.memory_space<vmem>>) offsets(%dma_start3A_587 : memref<80xi32, #tpu.memory_space<vmem>>) semaphore(%arg28 : memref<!tpu.dma_semaphore, #tpu.memory_space<semaphore_mem>>)
      } else {
      }
      %mul3A_421 = arith.constant 10 : i32
      %mul3A_422 = arith.muli %scan3A_224, %mul3A_421 : i32
      %add3A_423 = arith.constant 1 : i32
      %add3A_424 = arith.addi %mul3A_422, %add3A_423 : i32
      %mul3A_425 = arith.constant 80 : i32
      %mul3A_426 = arith.muli %add3A_424, %mul3A_425 : i32
      %multiple_of3A_427 = tpu.assume_multiple %mul3A_426, 8 : i32
      %dma_wait3A_428 = tpu.memref_slice %arg10[%multiple_of3A_427] : memref<10000xi32, #tpu.memory_space<vmem>> -> memref<80xi32, #tpu.memory_space<vmem>>
      %dma_wait3A_429 = arith.constant 0 : i32
      %dma_wait3A_430 = arith.constant 0 : i32
      %dma_wait3A_431 = tpu.memref_slice %arg49[%dma_wait3A_429, %dma_wait3A_430] : memref<10240x16xf32, #tpu.memory_space<vmem_shared>> -> memref<10240x16xf32, #tpu.memory_space<vmem_shared>>
      tpu.wait_indirect_dma semaphore(%arg39 : memref<!tpu.dma_semaphore, #tpu.memory_space<semaphore_mem>>) src(%arg12 : memref<80x16xf32, #tpu.memory_space<vmem>>) dst(%dma_wait3A_431 : memref<10240x16xf32, #tpu.memory_space<vmem_shared>>)
      %add3A_432 = arith.constant 10 : i32
      %add3A_433 = arith.addi %add3A_424, %add3A_432 : i32
      %lt3A_434 = arith.constant 125 : i32
      %lt3A_435 = arith.cmpi slt, %add3A_433, %lt3A_434 : i32
      %convert_element_type3A_436 = arith.extui %lt3A_435 : i1 to i32
      %cond3A_437 = arith.constant 0 : i32
      %cond3A_438 = arith.cmpi ne, %convert_element_type3A_436, %cond3A_437 : i32
      scf.if %cond3A_438 {
        %mul3A_584 = arith.constant 80 : i32
        %mul3A_585 = arith.muli %add3A_433, %mul3A_584 : i32
        %multiple_of3A_586 = tpu.assume_multiple %mul3A_585, 8 : i32
        %dma_start3A_587 = tpu.memref_slice %arg9[%multiple_of3A_586] : memref<10000xi32, #tpu.memory_space<vmem>> -> memref<80xi32, #tpu.memory_space<vmem>>
        %dma_start3A_588 = arith.constant 0 : i32
        %dma_start3A_589 = arith.constant 0 : i32
        %dma_start3A_590 = tpu.memref_slice %arg48[%dma_start3A_588, %dma_start3A_589] : memref<10240x16xf32, #tpu.memory_space<vmem_shared>> -> memref<10240x16xf32, #tpu.memory_space<vmem_shared>>
        tpu.enqueue_indirect_dma source(%dma_start3A_590 : memref<10240x16xf32, #tpu.memory_space<vmem_shared>>) target(%arg12 : memref<80x16xf32, #tpu.memory_space<vmem>>) offsets(%dma_start3A_587 : memref<80xi32, #tpu.memory_space<vmem>>) semaphore(%arg29 : memref<!tpu.dma_semaphore, #tpu.memory_space<semaphore_mem>>)
      } else {
      }
      %mul3A_439 = arith.constant 10 : i32
      %mul3A_440 = arith.muli %scan3A_224, %mul3A_439 : i32
      %add3A_441 = arith.constant 2 : i32
      %add3A_442 = arith.addi %mul3A_440, %add3A_441 : i32
      %mul3A_443 = arith.constant 80 : i32
      %mul3A_444 = arith.muli %add3A_442, %mul3A_443 : i32
      %multiple_of3A_445 = tpu.assume_multiple %mul3A_444, 8 : i32
      %dma_wait3A_446 = tpu.memref_slice %arg10[%multiple_of3A_445] : memref<10000xi32, #tpu.memory_space<vmem>> -> memref<80xi32, #tpu.memory_space<vmem>>
      %dma_wait3A_447 = arith.constant 0 : i32
      %dma_wait3A_448 = arith.constant 0 : i32
      %dma_wait3A_449 = tpu.memref_slice %arg49[%dma_wait3A_447, %dma_wait3A_448] : memref<10240x16xf32, #tpu.memory_space<vmem_shared>> -> memref<10240x16xf32, #tpu.memory_space<vmem_shared>>
      tpu.wait_indirect_dma semaphore(%arg40 : memref<!tpu.dma_semaphore, #tpu.memory_space<semaphore_mem>>) src(%arg13 : memref<80x16xf32, #tpu.memory_space<vmem>>) dst(%dma_wait3A_449 : memref<10240x16xf32, #tpu.memory_space<vmem_shared>>)
      %add3A_450 = arith.constant 10 : i32
      %add3A_451 = arith.addi %add3A_442, %add3A_450 : i32
      %lt3A_452 = arith.constant 125 : i32
      %lt3A_453 = arith.cmpi slt, %add3A_451, %lt3A_452 : i32
      %convert_element_type3A_454 = arith.extui %lt3A_453 : i1 to i32
      %cond3A_455 = arith.constant 0 : i32
      %cond3A_456 = arith.cmpi ne, %convert_element_type3A_454, %cond3A_455 : i32
      scf.if %cond3A_456 {
        %mul3A_584 = arith.constant 80 : i32
        %mul3A_585 = arith.muli %add3A_451, %mul3A_584 : i32
        %multiple_of3A_586 = tpu.assume_multiple %mul3A_585, 8 : i32
        %dma_start3A_587 = tpu.memref_slice %arg9[%multiple_of3A_586] : memref<10000xi32, #tpu.memory_space<vmem>> -> memref<80xi32, #tpu.memory_space<vmem>>
        %dma_start3A_588 = arith.constant 0 : i32
        %dma_start3A_589 = arith.constant 0 : i32
        %dma_start3A_590 = tpu.memref_slice %arg48[%dma_start3A_588, %dma_start3A_589] : memref<10240x16xf32, #tpu.memory_space<vmem_shared>> -> memref<10240x16xf32, #tpu.memory_space<vmem_shared>>
        tpu.enqueue_indirect_dma source(%dma_start3A_590 : memref<10240x16xf32, #tpu.memory_space<vmem_shared>>) target(%arg13 : memref<80x16xf32, #tpu.memory_space<vmem>>) offsets(%dma_start3A_587 : memref<80xi32, #tpu.memory_space<vmem>>) semaphore(%arg30 : memref<!tpu.dma_semaphore, #tpu.memory_space<semaphore_mem>>)
      } else {
      }
      %mul3A_457 = arith.constant 10 : i32
      %mul3A_458 = arith.muli %scan3A_224, %mul3A_457 : i32
      %add3A_459 = arith.constant 3 : i32
      %add3A_460 = arith.addi %mul3A_458, %add3A_459 : i32
      %mul3A_461 = arith.constant 80 : i32
      %mul3A_462 = arith.muli %add3A_460, %mul3A_461 : i32
      %multiple_of3A_463 = tpu.assume_multiple %mul3A_462, 8 : i32
      %dma_wait3A_464 = tpu.memref_slice %arg10[%multiple_of3A_463] : memref<10000xi32, #tpu.memory_space<vmem>> -> memref<80xi32, #tpu.memory_space<vmem>>
      %dma_wait3A_465 = arith.constant 0 : i32
      %dma_wait3A_466 = arith.constant 0 : i32
      %dma_wait3A_467 = tpu.memref_slice %arg49[%dma_wait3A_465, %dma_wait3A_466] : memref<10240x16xf32, #tpu.memory_space<vmem_shared>> -> memref<10240x16xf32, #tpu.memory_space<vmem_shared>>
      tpu.wait_indirect_dma semaphore(%arg41 : memref<!tpu.dma_semaphore, #tpu.memory_space<semaphore_mem>>) src(%arg14 : memref<80x16xf32, #tpu.memory_space<vmem>>) dst(%dma_wait3A_467 : memref<10240x16xf32, #tpu.memory_space<vmem_shared>>)
      %add3A_468 = arith.constant 10 : i32
      %add3A_469 = arith.addi %add3A_460, %add3A_468 : i32
      %lt3A_470 = arith.constant 125 : i32
      %lt3A_471 = arith.cmpi slt, %add3A_469, %lt3A_470 : i32
      %convert_element_type3A_472 = arith.extui %lt3A_471 : i1 to i32
      %cond3A_473 = arith.constant 0 : i32
      %cond3A_474 = arith.cmpi ne, %convert_element_type3A_472, %cond3A_473 : i32
      scf.if %cond3A_474 {
        %mul3A_584 = arith.constant 80 : i32
        %mul3A_585 = arith.muli %add3A_469, %mul3A_584 : i32
        %multiple_of3A_586 = tpu.assume_multiple %mul3A_585, 8 : i32
        %dma_start3A_587 = tpu.memref_slice %arg9[%multiple_of3A_586] : memref<10000xi32, #tpu.memory_space<vmem>> -> memref<80xi32, #tpu.memory_space<vmem>>
        %dma_start3A_588 = arith.constant 0 : i32
        %dma_start3A_589 = arith.constant 0 : i32
        %dma_start3A_590 = tpu.memref_slice %arg48[%dma_start3A_588, %dma_start3A_589] : memref<10240x16xf32, #tpu.memory_space<vmem_shared>> -> memref<10240x16xf32, #tpu.memory_space<vmem_shared>>
        tpu.enqueue_indirect_dma source(%dma_start3A_590 : memref<10240x16xf32, #tpu.memory_space<vmem_shared>>) target(%arg14 : memref<80x16xf32, #tpu.memory_space<vmem>>) offsets(%dma_start3A_587 : memref<80xi32, #tpu.memory_space<vmem>>) semaphore(%arg31 : memref<!tpu.dma_semaphore, #tpu.memory_space<semaphore_mem>>)
      } else {
      }
      %mul3A_475 = arith.constant 10 : i32
      %mul3A_476 = arith.muli %scan3A_224, %mul3A_475 : i32
      %add3A_477 = arith.constant 4 : i32
      %add3A_478 = arith.addi %mul3A_476, %add3A_477 : i32
      %mul3A_479 = arith.constant 80 : i32
      %mul3A_480 = arith.muli %add3A_478, %mul3A_479 : i32
      %multiple_of3A_481 = tpu.assume_multiple %mul3A_480, 8 : i32
      %dma_wait3A_482 = tpu.memref_slice %arg10[%multiple_of3A_481] : memref<10000xi32, #tpu.memory_space<vmem>> -> memref<80xi32, #tpu.memory_space<vmem>>
      %dma_wait3A_483 = arith.constant 0 : i32
      %dma_wait3A_484 = arith.constant 0 : i32
      %dma_wait3A_485 = tpu.memref_slice %arg49[%dma_wait3A_483, %dma_wait3A_484] : memref<10240x16xf32, #tpu.memory_space<vmem_shared>> -> memref<10240x16xf32, #tpu.memory_space<vmem_shared>>
      tpu.wait_indirect_dma semaphore(%arg42 : memref<!tpu.dma_semaphore, #tpu.memory_space<semaphore_mem>>) src(%arg15 : memref<80x16xf32, #tpu.memory_space<vmem>>) dst(%dma_wait3A_485 : memref<10240x16xf32, #tpu.memory_space<vmem_shared>>)
      %add3A_486 = arith.constant 10 : i32
      %add3A_487 = arith.addi %add3A_478, %add3A_486 : i32
      %lt3A_488 = arith.constant 125 : i32
      %lt3A_489 = arith.cmpi slt, %add3A_487, %lt3A_488 : i32
      %convert_element_type3A_490 = arith.extui %lt3A_489 : i1 to i32
      %cond3A_491 = arith.constant 0 : i32
      %cond3A_492 = arith.cmpi ne, %convert_element_type3A_490, %cond3A_491 : i32
      scf.if %cond3A_492 {
        %mul3A_584 = arith.constant 80 : i32
        %mul3A_585 = arith.muli %add3A_487, %mul3A_584 : i32
        %multiple_of3A_586 = tpu.assume_multiple %mul3A_585, 8 : i32
        %dma_start3A_587 = tpu.memref_slice %arg9[%multiple_of3A_586] : memref<10000xi32, #tpu.memory_space<vmem>> -> memref<80xi32, #tpu.memory_space<vmem>>
        %dma_start3A_588 = arith.constant 0 : i32
        %dma_start3A_589 = arith.constant 0 : i32
        %dma_start3A_590 = tpu.memref_slice %arg48[%dma_start3A_588, %dma_start3A_589] : memref<10240x16xf32, #tpu.memory_space<vmem_shared>> -> memref<10240x16xf32, #tpu.memory_space<vmem_shared>>
        tpu.enqueue_indirect_dma source(%dma_start3A_590 : memref<10240x16xf32, #tpu.memory_space<vmem_shared>>) target(%arg15 : memref<80x16xf32, #tpu.memory_space<vmem>>) offsets(%dma_start3A_587 : memref<80xi32, #tpu.memory_space<vmem>>) semaphore(%arg32 : memref<!tpu.dma_semaphore, #tpu.memory_space<semaphore_mem>>)
      } else {
      }
      %mul3A_493 = arith.constant 10 : i32
      %mul3A_494 = arith.muli %scan3A_224, %mul3A_493 : i32
      %add3A_495 = arith.constant 5 : i32
      %add3A_496 = arith.addi %mul3A_494, %add3A_495 : i32
      %mul3A_497 = arith.constant 80 : i32
      %mul3A_498 = arith.muli %add3A_496, %mul3A_497 : i32
      %multiple_of3A_499 = tpu.assume_multiple %mul3A_498, 8 : i32
      %dma_wait3A_500 = tpu.memref_slice %arg10[%multiple_of3A_499] : memref<10000xi32, #tpu.memory_space<vmem>> -> memref<80xi32, #tpu.memory_space<vmem>>
      %dma_wait3A_501 = arith.constant 0 : i32
      %dma_wait3A_502 = arith.constant 0 : i32
      %dma_wait3A_503 = tpu.memref_slice %arg49[%dma_wait3A_501, %dma_wait3A_502] : memref<10240x16xf32, #tpu.memory_space<vmem_shared>> -> memref<10240x16xf32, #tpu.memory_space<vmem_shared>>
      tpu.wait_indirect_dma semaphore(%arg43 : memref<!tpu.dma_semaphore, #tpu.memory_space<semaphore_mem>>) src(%arg16 : memref<80x16xf32, #tpu.memory_space<vmem>>) dst(%dma_wait3A_503 : memref<10240x16xf32, #tpu.memory_space<vmem_shared>>)
      %add3A_504 = arith.constant 10 : i32
      %add3A_505 = arith.addi %add3A_496, %add3A_504 : i32
      %lt3A_506 = arith.constant 125 : i32
      %lt3A_507 = arith.cmpi slt, %add3A_505, %lt3A_506 : i32
      %convert_element_type3A_508 = arith.extui %lt3A_507 : i1 to i32
      %cond3A_509 = arith.constant 0 : i32
      %cond3A_510 = arith.cmpi ne, %convert_element_type3A_508, %cond3A_509 : i32
      scf.if %cond3A_510 {
        %mul3A_584 = arith.constant 80 : i32
        %mul3A_585 = arith.muli %add3A_505, %mul3A_584 : i32
        %multiple_of3A_586 = tpu.assume_multiple %mul3A_585, 8 : i32
        %dma_start3A_587 = tpu.memref_slice %arg9[%multiple_of3A_586] : memref<10000xi32, #tpu.memory_space<vmem>> -> memref<80xi32, #tpu.memory_space<vmem>>
        %dma_start3A_588 = arith.constant 0 : i32
        %dma_start3A_589 = arith.constant 0 : i32
        %dma_start3A_590 = tpu.memref_slice %arg48[%dma_start3A_588, %dma_start3A_589] : memref<10240x16xf32, #tpu.memory_space<vmem_shared>> -> memref<10240x16xf32, #tpu.memory_space<vmem_shared>>
        tpu.enqueue_indirect_dma source(%dma_start3A_590 : memref<10240x16xf32, #tpu.memory_space<vmem_shared>>) target(%arg16 : memref<80x16xf32, #tpu.memory_space<vmem>>) offsets(%dma_start3A_587 : memref<80xi32, #tpu.memory_space<vmem>>) semaphore(%arg33 : memref<!tpu.dma_semaphore, #tpu.memory_space<semaphore_mem>>)
      } else {
      }
      %mul3A_511 = arith.constant 10 : i32
      %mul3A_512 = arith.muli %scan3A_224, %mul3A_511 : i32
      %add3A_513 = arith.constant 6 : i32
      %add3A_514 = arith.addi %mul3A_512, %add3A_513 : i32
      %mul3A_515 = arith.constant 80 : i32
      %mul3A_516 = arith.muli %add3A_514, %mul3A_515 : i32
      %multiple_of3A_517 = tpu.assume_multiple %mul3A_516, 8 : i32
      %dma_wait3A_518 = tpu.memref_slice %arg10[%multiple_of3A_517] : memref<10000xi32, #tpu.memory_space<vmem>> -> memref<80xi32, #tpu.memory_space<vmem>>
      %dma_wait3A_519 = arith.constant 0 : i32
      %dma_wait3A_520 = arith.constant 0 : i32
      %dma_wait3A_521 = tpu.memref_slice %arg49[%dma_wait3A_519, %dma_wait3A_520] : memref<10240x16xf32, #tpu.memory_space<vmem_shared>> -> memref<10240x16xf32, #tpu.memory_space<vmem_shared>>
      tpu.wait_indirect_dma semaphore(%arg44 : memref<!tpu.dma_semaphore, #tpu.memory_space<semaphore_mem>>) src(%arg17 : memref<80x16xf32, #tpu.memory_space<vmem>>) dst(%dma_wait3A_521 : memref<10240x16xf32, #tpu.memory_space<vmem_shared>>)
      %add3A_522 = arith.constant 10 : i32
      %add3A_523 = arith.addi %add3A_514, %add3A_522 : i32
      %lt3A_524 = arith.constant 125 : i32
      %lt3A_525 = arith.cmpi slt, %add3A_523, %lt3A_524 : i32
      %convert_element_type3A_526 = arith.extui %lt3A_525 : i1 to i32
      %cond3A_527 = arith.constant 0 : i32
      %cond3A_528 = arith.cmpi ne, %convert_element_type3A_526, %cond3A_527 : i32
      scf.if %cond3A_528 {
        %mul3A_584 = arith.constant 80 : i32
        %mul3A_585 = arith.muli %add3A_523, %mul3A_584 : i32
        %multiple_of3A_586 = tpu.assume_multiple %mul3A_585, 8 : i32
        %dma_start3A_587 = tpu.memref_slice %arg9[%multiple_of3A_586] : memref<10000xi32, #tpu.memory_space<vmem>> -> memref<80xi32, #tpu.memory_space<vmem>>
        %dma_start3A_588 = arith.constant 0 : i32
        %dma_start3A_589 = arith.constant 0 : i32
        %dma_start3A_590 = tpu.memref_slice %arg48[%dma_start3A_588, %dma_start3A_589] : memref<10240x16xf32, #tpu.memory_space<vmem_shared>> -> memref<10240x16xf32, #tpu.memory_space<vmem_shared>>
        tpu.enqueue_indirect_dma source(%dma_start3A_590 : memref<10240x16xf32, #tpu.memory_space<vmem_shared>>) target(%arg17 : memref<80x16xf32, #tpu.memory_space<vmem>>) offsets(%dma_start3A_587 : memref<80xi32, #tpu.memory_space<vmem>>) semaphore(%arg34 : memref<!tpu.dma_semaphore, #tpu.memory_space<semaphore_mem>>)
      } else {
      }
      %mul3A_529 = arith.constant 10 : i32
      %mul3A_530 = arith.muli %scan3A_224, %mul3A_529 : i32
      %add3A_531 = arith.constant 7 : i32
      %add3A_532 = arith.addi %mul3A_530, %add3A_531 : i32
      %mul3A_533 = arith.constant 80 : i32
      %mul3A_534 = arith.muli %add3A_532, %mul3A_533 : i32
      %multiple_of3A_535 = tpu.assume_multiple %mul3A_534, 8 : i32
      %dma_wait3A_536 = tpu.memref_slice %arg10[%multiple_of3A_535] : memref<10000xi32, #tpu.memory_space<vmem>> -> memref<80xi32, #tpu.memory_space<vmem>>
      %dma_wait3A_537 = arith.constant 0 : i32
      %dma_wait3A_538 = arith.constant 0 : i32
      %dma_wait3A_539 = tpu.memref_slice %arg49[%dma_wait3A_537, %dma_wait3A_538] : memref<10240x16xf32, #tpu.memory_space<vmem_shared>> -> memref<10240x16xf32, #tpu.memory_space<vmem_shared>>
      tpu.wait_indirect_dma semaphore(%arg45 : memref<!tpu.dma_semaphore, #tpu.memory_space<semaphore_mem>>) src(%arg18 : memref<80x16xf32, #tpu.memory_space<vmem>>) dst(%dma_wait3A_539 : memref<10240x16xf32, #tpu.memory_space<vmem_shared>>)
      %add3A_540 = arith.constant 10 : i32
      %add3A_541 = arith.addi %add3A_532, %add3A_540 : i32
      %lt3A_542 = arith.constant 125 : i32
      %lt3A_543 = arith.cmpi slt, %add3A_541, %lt3A_542 : i32
      %convert_element_type3A_544 = arith.extui %lt3A_543 : i1 to i32
      %cond3A_545 = arith.constant 0 : i32
      %cond3A_546 = arith.cmpi ne, %convert_element_type3A_544, %cond3A_545 : i32
      scf.if %cond3A_546 {
        %mul3A_584 = arith.constant 80 : i32
        %mul3A_585 = arith.muli %add3A_541, %mul3A_584 : i32
        %multiple_of3A_586 = tpu.assume_multiple %mul3A_585, 8 : i32
        %dma_start3A_587 = tpu.memref_slice %arg9[%multiple_of3A_586] : memref<10000xi32, #tpu.memory_space<vmem>> -> memref<80xi32, #tpu.memory_space<vmem>>
        %dma_start3A_588 = arith.constant 0 : i32
        %dma_start3A_589 = arith.constant 0 : i32
        %dma_start3A_590 = tpu.memref_slice %arg48[%dma_start3A_588, %dma_start3A_589] : memref<10240x16xf32, #tpu.memory_space<vmem_shared>> -> memref<10240x16xf32, #tpu.memory_space<vmem_shared>>
        tpu.enqueue_indirect_dma source(%dma_start3A_590 : memref<10240x16xf32, #tpu.memory_space<vmem_shared>>) target(%arg18 : memref<80x16xf32, #tpu.memory_space<vmem>>) offsets(%dma_start3A_587 : memref<80xi32, #tpu.memory_space<vmem>>) semaphore(%arg35 : memref<!tpu.dma_semaphore, #tpu.memory_space<semaphore_mem>>)
      } else {
      }
      %mul3A_547 = arith.constant 10 : i32
      %mul3A_548 = arith.muli %scan3A_224, %mul3A_547 : i32
      %add3A_549 = arith.constant 8 : i32
      %add3A_550 = arith.addi %mul3A_548, %add3A_549 : i32
      %mul3A_551 = arith.constant 80 : i32
      %mul3A_552 = arith.muli %add3A_550, %mul3A_551 : i32
      %multiple_of3A_553 = tpu.assume_multiple %mul3A_552, 8 : i32
      %dma_wait3A_554 = tpu.memref_slice %arg10[%multiple_of3A_553] : memref<10000xi32, #tpu.memory_space<vmem>> -> memref<80xi32, #tpu.memory_space<vmem>>
      %dma_wait3A_555 = arith.constant 0 : i32
      %dma_wait3A_556 = arith.constant 0 : i32
      %dma_wait3A_557 = tpu.memref_slice %arg49[%dma_wait3A_555, %dma_wait3A_556] : memref<10240x16xf32, #tpu.memory_space<vmem_shared>> -> memref<10240x16xf32, #tpu.memory_space<vmem_shared>>
      tpu.wait_indirect_dma semaphore(%arg46 : memref<!tpu.dma_semaphore, #tpu.memory_space<semaphore_mem>>) src(%arg19 : memref<80x16xf32, #tpu.memory_space<vmem>>) dst(%dma_wait3A_557 : memref<10240x16xf32, #tpu.memory_space<vmem_shared>>)
      %add3A_558 = arith.constant 10 : i32
      %add3A_559 = arith.addi %add3A_550, %add3A_558 : i32
      %lt3A_560 = arith.constant 125 : i32
      %lt3A_561 = arith.cmpi slt, %add3A_559, %lt3A_560 : i32
      %convert_element_type3A_562 = arith.extui %lt3A_561 : i1 to i32
      %cond3A_563 = arith.constant 0 : i32
      %cond3A_564 = arith.cmpi ne, %convert_element_type3A_562, %cond3A_563 : i32
      scf.if %cond3A_564 {
        %mul3A_584 = arith.constant 80 : i32
        %mul3A_585 = arith.muli %add3A_559, %mul3A_584 : i32
        %multiple_of3A_586 = tpu.assume_multiple %mul3A_585, 8 : i32
        %dma_start3A_587 = tpu.memref_slice %arg9[%multiple_of3A_586] : memref<10000xi32, #tpu.memory_space<vmem>> -> memref<80xi32, #tpu.memory_space<vmem>>
        %dma_start3A_588 = arith.constant 0 : i32
        %dma_start3A_589 = arith.constant 0 : i32
        %dma_start3A_590 = tpu.memref_slice %arg48[%dma_start3A_588, %dma_start3A_589] : memref<10240x16xf32, #tpu.memory_space<vmem_shared>> -> memref<10240x16xf32, #tpu.memory_space<vmem_shared>>
        tpu.enqueue_indirect_dma source(%dma_start3A_590 : memref<10240x16xf32, #tpu.memory_space<vmem_shared>>) target(%arg19 : memref<80x16xf32, #tpu.memory_space<vmem>>) offsets(%dma_start3A_587 : memref<80xi32, #tpu.memory_space<vmem>>) semaphore(%arg36 : memref<!tpu.dma_semaphore, #tpu.memory_space<semaphore_mem>>)
      } else {
      }
      %mul3A_565 = arith.constant 10 : i32
      %mul3A_566 = arith.muli %scan3A_224, %mul3A_565 : i32
      %add3A_567 = arith.constant 9 : i32
      %add3A_568 = arith.addi %mul3A_566, %add3A_567 : i32
      %mul3A_569 = arith.constant 80 : i32
      %mul3A_570 = arith.muli %add3A_568, %mul3A_569 : i32
      %multiple_of3A_571 = tpu.assume_multiple %mul3A_570, 8 : i32
      %dma_wait3A_572 = tpu.memref_slice %arg10[%multiple_of3A_571] : memref<10000xi32, #tpu.memory_space<vmem>> -> memref<80xi32, #tpu.memory_space<vmem>>
      %dma_wait3A_573 = arith.constant 0 : i32
      %dma_wait3A_574 = arith.constant 0 : i32
      %dma_wait3A_575 = tpu.memref_slice %arg49[%dma_wait3A_573, %dma_wait3A_574] : memref<10240x16xf32, #tpu.memory_space<vmem_shared>> -> memref<10240x16xf32, #tpu.memory_space<vmem_shared>>
      tpu.wait_indirect_dma semaphore(%arg47 : memref<!tpu.dma_semaphore, #tpu.memory_space<semaphore_mem>>) src(%arg20 : memref<80x16xf32, #tpu.memory_space<vmem>>) dst(%dma_wait3A_575 : memref<10240x16xf32, #tpu.memory_space<vmem_shared>>)
      %add3A_576 = arith.constant 10 : i32
      %add3A_577 = arith.addi %add3A_568, %add3A_576 : i32
      %lt3A_578 = arith.constant 125 : i32
      %lt3A_579 = arith.cmpi slt, %add3A_577, %lt3A_578 : i32
      %convert_element_type3A_580 = arith.extui %lt3A_579 : i1 to i32
      %cond3A_581 = arith.constant 0 : i32
      %cond3A_582 = arith.cmpi ne, %convert_element_type3A_580, %cond3A_581 : i32
      scf.if %cond3A_582 {
        %mul3A_584 = arith.constant 80 : i32
        %mul3A_585 = arith.muli %add3A_577, %mul3A_584 : i32
        %multiple_of3A_586 = tpu.assume_multiple %mul3A_585, 8 : i32
        %dma_start3A_587 = tpu.memref_slice %arg9[%multiple_of3A_586] : memref<10000xi32, #tpu.memory_space<vmem>> -> memref<80xi32, #tpu.memory_space<vmem>>
        %dma_start3A_588 = arith.constant 0 : i32
        %dma_start3A_589 = arith.constant 0 : i32
        %dma_start3A_590 = tpu.memref_slice %arg48[%dma_start3A_588, %dma_start3A_589] : memref<10240x16xf32, #tpu.memory_space<vmem_shared>> -> memref<10240x16xf32, #tpu.memory_space<vmem_shared>>
        tpu.enqueue_indirect_dma source(%dma_start3A_590 : memref<10240x16xf32, #tpu.memory_space<vmem_shared>>) target(%arg20 : memref<80x16xf32, #tpu.memory_space<vmem>>) offsets(%dma_start3A_587 : memref<80xi32, #tpu.memory_space<vmem>>) semaphore(%arg37 : memref<!tpu.dma_semaphore, #tpu.memory_space<semaphore_mem>>)
      } else {
      }
      %scan3A_583 = arith.constant 0 : i32
      scf.yield %scan3A_583 : i32
    }
    %scan3A_148 = arith.constant 12 : i32
    %dma_wait3A = arith.constant 9600 : i32
    %dma_wait3A_149 = tpu.memref_slice %arg9[%dma_wait3A] : memref<10000xi32, #tpu.memory_space<vmem>> -> memref<80xi32, #tpu.memory_space<vmem>>
    %dma_wait3A_150 = arith.constant 0 : i32
    %dma_wait3A_151 = arith.constant 0 : i32
    %dma_wait3A_152 = tpu.memref_slice %arg48[%dma_wait3A_150, %dma_wait3A_151] : memref<10240x16xf32, #tpu.memory_space<vmem_shared>> -> memref<10240x16xf32, #tpu.memory_space<vmem_shared>>
    tpu.wait_indirect_dma semaphore(%arg28 : memref<!tpu.dma_semaphore, #tpu.memory_space<semaphore_mem>>) src(%dma_wait3A_152 : memref<10240x16xf32, #tpu.memory_space<vmem_shared>>) dst(%arg11 : memref<80x16xf32, #tpu.memory_space<vmem>>)
    %dma_start3A_153 = arith.constant 9600 : i32
    %dma_start3A_154 = tpu.memref_slice %arg10[%dma_start3A_153] : memref<10000xi32, #tpu.memory_space<vmem>> -> memref<80xi32, #tpu.memory_space<vmem>>
    %dma_start3A_155 = arith.constant 0 : i32
    %dma_start3A_156 = arith.constant 0 : i32
    %dma_start3A_157 = tpu.memref_slice %arg49[%dma_start3A_155, %dma_start3A_156] : memref<10240x16xf32, #tpu.memory_space<vmem_shared>> -> memref<10240x16xf32, #tpu.memory_space<vmem_shared>>
    tpu.enqueue_indirect_dma source(%arg11 : memref<80x16xf32, #tpu.memory_space<vmem>>) target(%dma_start3A_157 : memref<10240x16xf32, #tpu.memory_space<vmem_shared>>) offsets(%dma_start3A_154 : memref<80xi32, #tpu.memory_space<vmem>>) semaphore(%arg38 : memref<!tpu.dma_semaphore, #tpu.memory_space<semaphore_mem>>) {add = true}
    %dma_wait3A_158 = arith.constant 9680 : i32
    %dma_wait3A_159 = tpu.memref_slice %arg9[%dma_wait3A_158] : memref<10000xi32, #tpu.memory_space<vmem>> -> memref<80xi32, #tpu.memory_space<vmem>>
    %dma_wait3A_160 = arith.constant 0 : i32
    %dma_wait3A_161 = arith.constant 0 : i32
    %dma_wait3A_162 = tpu.memref_slice %arg48[%dma_wait3A_160, %dma_wait3A_161] : memref<10240x16xf32, #tpu.memory_space<vmem_shared>> -> memref<10240x16xf32, #tpu.memory_space<vmem_shared>>
    tpu.wait_indirect_dma semaphore(%arg29 : memref<!tpu.dma_semaphore, #tpu.memory_space<semaphore_mem>>) src(%dma_wait3A_162 : memref<10240x16xf32, #tpu.memory_space<vmem_shared>>) dst(%arg12 : memref<80x16xf32, #tpu.memory_space<vmem>>)
    %dma_start3A_163 = arith.constant 9680 : i32
    %dma_start3A_164 = tpu.memref_slice %arg10[%dma_start3A_163] : memref<10000xi32, #tpu.memory_space<vmem>> -> memref<80xi32, #tpu.memory_space<vmem>>
    %dma_start3A_165 = arith.constant 0 : i32
    %dma_start3A_166 = arith.constant 0 : i32
    %dma_start3A_167 = tpu.memref_slice %arg49[%dma_start3A_165, %dma_start3A_166] : memref<10240x16xf32, #tpu.memory_space<vmem_shared>> -> memref<10240x16xf32, #tpu.memory_space<vmem_shared>>
    tpu.enqueue_indirect_dma source(%arg12 : memref<80x16xf32, #tpu.memory_space<vmem>>) target(%dma_start3A_167 : memref<10240x16xf32, #tpu.memory_space<vmem_shared>>) offsets(%dma_start3A_164 : memref<80xi32, #tpu.memory_space<vmem>>) semaphore(%arg39 : memref<!tpu.dma_semaphore, #tpu.memory_space<semaphore_mem>>) {add = true}
    %dma_wait3A_168 = arith.constant 9760 : i32
    %dma_wait3A_169 = tpu.memref_slice %arg9[%dma_wait3A_168] : memref<10000xi32, #tpu.memory_space<vmem>> -> memref<80xi32, #tpu.memory_space<vmem>>
    %dma_wait3A_170 = arith.constant 0 : i32
    %dma_wait3A_171 = arith.constant 0 : i32
    %dma_wait3A_172 = tpu.memref_slice %arg48[%dma_wait3A_170, %dma_wait3A_171] : memref<10240x16xf32, #tpu.memory_space<vmem_shared>> -> memref<10240x16xf32, #tpu.memory_space<vmem_shared>>
    tpu.wait_indirect_dma semaphore(%arg30 : memref<!tpu.dma_semaphore, #tpu.memory_space<semaphore_mem>>) src(%dma_wait3A_172 : memref<10240x16xf32, #tpu.memory_space<vmem_shared>>) dst(%arg13 : memref<80x16xf32, #tpu.memory_space<vmem>>)
    %dma_start3A_173 = arith.constant 9760 : i32
    %dma_start3A_174 = tpu.memref_slice %arg10[%dma_start3A_173] : memref<10000xi32, #tpu.memory_space<vmem>> -> memref<80xi32, #tpu.memory_space<vmem>>
    %dma_start3A_175 = arith.constant 0 : i32
    %dma_start3A_176 = arith.constant 0 : i32
    %dma_start3A_177 = tpu.memref_slice %arg49[%dma_start3A_175, %dma_start3A_176] : memref<10240x16xf32, #tpu.memory_space<vmem_shared>> -> memref<10240x16xf32, #tpu.memory_space<vmem_shared>>
    tpu.enqueue_indirect_dma source(%arg13 : memref<80x16xf32, #tpu.memory_space<vmem>>) target(%dma_start3A_177 : memref<10240x16xf32, #tpu.memory_space<vmem_shared>>) offsets(%dma_start3A_174 : memref<80xi32, #tpu.memory_space<vmem>>) semaphore(%arg40 : memref<!tpu.dma_semaphore, #tpu.memory_space<semaphore_mem>>) {add = true}
    %dma_wait3A_178 = arith.constant 9840 : i32
    %dma_wait3A_179 = tpu.memref_slice %arg9[%dma_wait3A_178] : memref<10000xi32, #tpu.memory_space<vmem>> -> memref<80xi32, #tpu.memory_space<vmem>>
    %dma_wait3A_180 = arith.constant 0 : i32
    %dma_wait3A_181 = arith.constant 0 : i32
    %dma_wait3A_182 = tpu.memref_slice %arg48[%dma_wait3A_180, %dma_wait3A_181] : memref<10240x16xf32, #tpu.memory_space<vmem_shared>> -> memref<10240x16xf32, #tpu.memory_space<vmem_shared>>
    tpu.wait_indirect_dma semaphore(%arg31 : memref<!tpu.dma_semaphore, #tpu.memory_space<semaphore_mem>>) src(%dma_wait3A_182 : memref<10240x16xf32, #tpu.memory_space<vmem_shared>>) dst(%arg14 : memref<80x16xf32, #tpu.memory_space<vmem>>)
    %dma_start3A_183 = arith.constant 9840 : i32
    %dma_start3A_184 = tpu.memref_slice %arg10[%dma_start3A_183] : memref<10000xi32, #tpu.memory_space<vmem>> -> memref<80xi32, #tpu.memory_space<vmem>>
    %dma_start3A_185 = arith.constant 0 : i32
    %dma_start3A_186 = arith.constant 0 : i32
    %dma_start3A_187 = tpu.memref_slice %arg49[%dma_start3A_185, %dma_start3A_186] : memref<10240x16xf32, #tpu.memory_space<vmem_shared>> -> memref<10240x16xf32, #tpu.memory_space<vmem_shared>>
    tpu.enqueue_indirect_dma source(%arg14 : memref<80x16xf32, #tpu.memory_space<vmem>>) target(%dma_start3A_187 : memref<10240x16xf32, #tpu.memory_space<vmem_shared>>) offsets(%dma_start3A_184 : memref<80xi32, #tpu.memory_space<vmem>>) semaphore(%arg41 : memref<!tpu.dma_semaphore, #tpu.memory_space<semaphore_mem>>) {add = true}
    %dma_wait3A_188 = arith.constant 9920 : i32
    %dma_wait3A_189 = tpu.memref_slice %arg9[%dma_wait3A_188] : memref<10000xi32, #tpu.memory_space<vmem>> -> memref<80xi32, #tpu.memory_space<vmem>>
    %dma_wait3A_190 = arith.constant 0 : i32
    %dma_wait3A_191 = arith.constant 0 : i32
    %dma_wait3A_192 = tpu.memref_slice %arg48[%dma_wait3A_190, %dma_wait3A_191] : memref<10240x16xf32, #tpu.memory_space<vmem_shared>> -> memref<10240x16xf32, #tpu.memory_space<vmem_shared>>
    tpu.wait_indirect_dma semaphore(%arg32 : memref<!tpu.dma_semaphore, #tpu.memory_space<semaphore_mem>>) src(%dma_wait3A_192 : memref<10240x16xf32, #tpu.memory_space<vmem_shared>>) dst(%arg15 : memref<80x16xf32, #tpu.memory_space<vmem>>)
    %dma_start3A_193 = arith.constant 9920 : i32
    %dma_start3A_194 = tpu.memref_slice %arg10[%dma_start3A_193] : memref<10000xi32, #tpu.memory_space<vmem>> -> memref<80xi32, #tpu.memory_space<vmem>>
    %dma_start3A_195 = arith.constant 0 : i32
    %dma_start3A_196 = arith.constant 0 : i32
    %dma_start3A_197 = tpu.memref_slice %arg49[%dma_start3A_195, %dma_start3A_196] : memref<10240x16xf32, #tpu.memory_space<vmem_shared>> -> memref<10240x16xf32, #tpu.memory_space<vmem_shared>>
    tpu.enqueue_indirect_dma source(%arg15 : memref<80x16xf32, #tpu.memory_space<vmem>>) target(%dma_start3A_197 : memref<10240x16xf32, #tpu.memory_space<vmem_shared>>) offsets(%dma_start3A_194 : memref<80xi32, #tpu.memory_space<vmem>>) semaphore(%arg42 : memref<!tpu.dma_semaphore, #tpu.memory_space<semaphore_mem>>) {add = true}
    %dma_wait3A_198 = arith.constant 9600 : i32
    %dma_wait3A_199 = tpu.memref_slice %arg10[%dma_wait3A_198] : memref<10000xi32, #tpu.memory_space<vmem>> -> memref<80xi32, #tpu.memory_space<vmem>>
    %dma_wait3A_200 = arith.constant 0 : i32
    %dma_wait3A_201 = arith.constant 0 : i32
    %dma_wait3A_202 = tpu.memref_slice %arg49[%dma_wait3A_200, %dma_wait3A_201] : memref<10240x16xf32, #tpu.memory_space<vmem_shared>> -> memref<10240x16xf32, #tpu.memory_space<vmem_shared>>
    tpu.wait_indirect_dma semaphore(%arg38 : memref<!tpu.dma_semaphore, #tpu.memory_space<semaphore_mem>>) src(%arg11 : memref<80x16xf32, #tpu.memory_space<vmem>>) dst(%dma_wait3A_202 : memref<10240x16xf32, #tpu.memory_space<vmem_shared>>)
    %dma_wait3A_203 = arith.constant 9680 : i32
    %dma_wait3A_204 = tpu.memref_slice %arg10[%dma_wait3A_203] : memref<10000xi32, #tpu.memory_space<vmem>> -> memref<80xi32, #tpu.memory_space<vmem>>
    %dma_wait3A_205 = arith.constant 0 : i32
    %dma_wait3A_206 = arith.constant 0 : i32
    %dma_wait3A_207 = tpu.memref_slice %arg49[%dma_wait3A_205, %dma_wait3A_206] : memref<10240x16xf32, #tpu.memory_space<vmem_shared>> -> memref<10240x16xf32, #tpu.memory_space<vmem_shared>>
    tpu.wait_indirect_dma semaphore(%arg39 : memref<!tpu.dma_semaphore, #tpu.memory_space<semaphore_mem>>) src(%arg12 : memref<80x16xf32, #tpu.memory_space<vmem>>) dst(%dma_wait3A_207 : memref<10240x16xf32, #tpu.memory_space<vmem_shared>>)
    %dma_wait3A_208 = arith.constant 9760 : i32
    %dma_wait3A_209 = tpu.memref_slice %arg10[%dma_wait3A_208] : memref<10000xi32, #tpu.memory_space<vmem>> -> memref<80xi32, #tpu.memory_space<vmem>>
    %dma_wait3A_210 = arith.constant 0 : i32
    %dma_wait3A_211 = arith.constant 0 : i32
    %dma_wait3A_212 = tpu.memref_slice %arg49[%dma_wait3A_210, %dma_wait3A_211] : memref<10240x16xf32, #tpu.memory_space<vmem_shared>> -> memref<10240x16xf32, #tpu.memory_space<vmem_shared>>
    tpu.wait_indirect_dma semaphore(%arg40 : memref<!tpu.dma_semaphore, #tpu.memory_space<semaphore_mem>>) src(%arg13 : memref<80x16xf32, #tpu.memory_space<vmem>>) dst(%dma_wait3A_212 : memref<10240x16xf32, #tpu.memory_space<vmem_shared>>)
    %dma_wait3A_213 = arith.constant 9840 : i32
    %dma_wait3A_214 = tpu.memref_slice %arg10[%dma_wait3A_213] : memref<10000xi32, #tpu.memory_space<vmem>> -> memref<80xi32, #tpu.memory_space<vmem>>
    %dma_wait3A_215 = arith.constant 0 : i32
    %dma_wait3A_216 = arith.constant 0 : i32
    %dma_wait3A_217 = tpu.memref_slice %arg49[%dma_wait3A_215, %dma_wait3A_216] : memref<10240x16xf32, #tpu.memory_space<vmem_shared>> -> memref<10240x16xf32, #tpu.memory_space<vmem_shared>>
    tpu.wait_indirect_dma semaphore(%arg41 : memref<!tpu.dma_semaphore, #tpu.memory_space<semaphore_mem>>) src(%arg14 : memref<80x16xf32, #tpu.memory_space<vmem>>) dst(%dma_wait3A_217 : memref<10240x16xf32, #tpu.memory_space<vmem_shared>>)
    %dma_wait3A_218 = arith.constant 9920 : i32
    %dma_wait3A_219 = tpu.memref_slice %arg10[%dma_wait3A_218] : memref<10000xi32, #tpu.memory_space<vmem>> -> memref<80xi32, #tpu.memory_space<vmem>>
    %dma_wait3A_220 = arith.constant 0 : i32
    %dma_wait3A_221 = arith.constant 0 : i32
    %dma_wait3A_222 = tpu.memref_slice %arg49[%dma_wait3A_220, %dma_wait3A_221] : memref<10240x16xf32, #tpu.memory_space<vmem_shared>> -> memref<10240x16xf32, #tpu.memory_space<vmem_shared>>
    tpu.wait_indirect_dma semaphore(%arg42 : memref<!tpu.dma_semaphore, #tpu.memory_space<semaphore_mem>>) src(%arg15 : memref<80x16xf32, #tpu.memory_space<vmem>>) dst(%dma_wait3A_222 : memref<10240x16xf32, #tpu.memory_space<vmem_shared>>)
    %barrier3A_223 = arith.constant 0 : index
    tpu.barrier barrier_id(%barrier3A_223)
    "tpu.region"() ({
      %run_scoped3A_224 = tpu.sem_alloc : memref<!tpu.dma_semaphore, #tpu.memory_space<semaphore_mem>>
      %dma_start3A_225 = arith.constant 0 : i32
      %dma_start3A_226 = tpu.memref_slice %arg8[%arg0, %multiple_of3A, %dma_start3A_225] : memref<2x10240x16xf32, #tpu.memory_space<hbm>> -> memref<1x640x16xf32, #tpu.memory_space<hbm>>
      %dma_start3A_227 = tpu.memref_squeeze %dma_start3A_226 : memref<1x640x16xf32, #tpu.memory_space<hbm>> -> memref<640x16xf32, #tpu.memory_space<hbm>>
      %dma_start3A_228 = arith.constant 0 : i32
      %dma_start3A_229 = tpu.memref_slice %arg49[%multiple_of3A, %dma_start3A_228] : memref<10240x16xf32, #tpu.memory_space<vmem_shared>> -> memref<640x16xf32, #tpu.memory_space<vmem_shared>>
      tpu.enqueue_dma source(%dma_start3A_229 : memref<640x16xf32, #tpu.memory_space<vmem_shared>>) target(%dma_start3A_227 : memref<640x16xf32, #tpu.memory_space<hbm>>) target_semaphore(%run_scoped3A_224 : memref<!tpu.dma_semaphore, #tpu.memory_space<semaphore_mem>>)
      %dma_wait3A_230 = arith.constant 0 : i32
      %dma_wait3A_231 = tpu.memref_slice %arg8[%arg0, %multiple_of3A, %dma_wait3A_230] : memref<2x10240x16xf32, #tpu.memory_space<hbm>> -> memref<1x640x16xf32, #tpu.memory_space<hbm>>
      %dma_wait3A_232 = tpu.memref_squeeze %dma_wait3A_231 : memref<1x640x16xf32, #tpu.memory_space<hbm>> -> memref<640x16xf32, #tpu.memory_space<hbm>>
      %dma_wait3A_233 = arith.constant 0 : i32
      %dma_wait3A_234 = tpu.memref_slice %arg49[%multiple_of3A, %dma_wait3A_233] : memref<10240x16xf32, #tpu.memory_space<vmem_shared>> -> memref<640x16xf32, #tpu.memory_space<vmem_shared>>
      tpu.wait_dma2 semaphore(%run_scoped3A_224 : memref<!tpu.dma_semaphore, #tpu.memory_space<semaphore_mem>>) src(%dma_wait3A_234 : memref<640x16xf32, #tpu.memory_space<vmem_shared>>) dst(%dma_wait3A_232 : memref<640x16xf32, #tpu.memory_space<hbm>>)
      tpu.yield
    }) : () -> ()
    return
  }
}

#map = affine_map<(d0, d1) -> (0, 0)>
#map1 = affine_map<(d0, d1) -> (0)>
#map2 = affine_map<(d0, d1) -> (0, 0, 0)>
module attributes {stable_mosaic.version = 14 : i64} {
  func.func @_agg1_kernel(%arg0: i32, %arg1: i32, %arg2: memref<10240x16xf32, #tpu.memory_space<hbm>>, %arg3: memref<2x10240xf32, #tpu.memory_space<hbm>>, %arg4: memref<320000xi32, #tpu.memory_space<hbm>>, %arg5: memref<320000xi32, #tpu.memory_space<hbm>>, %arg6: memref<2x10240x16xf32, #tpu.memory_space<hbm>>, %arg7: memref<10000xi32, #tpu.memory_space<vmem>>, %arg8: memref<10000xi32, #tpu.memory_space<vmem>>, %arg9: memref<80x16xf32, #tpu.memory_space<vmem>>, %arg10: memref<80x16xf32, #tpu.memory_space<vmem>>, %arg11: memref<80x16xf32, #tpu.memory_space<vmem>>, %arg12: memref<80x16xf32, #tpu.memory_space<vmem>>, %arg13: memref<80x16xf32, #tpu.memory_space<vmem>>, %arg14: memref<80x16xf32, #tpu.memory_space<vmem>>, %arg15: memref<80x16xf32, #tpu.memory_space<vmem>>, %arg16: memref<80x16xf32, #tpu.memory_space<vmem>>, %arg17: memref<80x16xf32, #tpu.memory_space<vmem>>, %arg18: memref<80x16xf32, #tpu.memory_space<vmem>>, %arg19: memref<80x16xf32, #tpu.memory_space<vmem>>, %arg20: memref<640x16xf32, #tpu.memory_space<vmem>>, %arg21: memref<640xf32, #tpu.memory_space<vmem>>, %arg22: memref<640xf32, #tpu.memory_space<vmem>>, %arg23: memref<!tpu.dma_semaphore, #tpu.memory_space<semaphore_mem>>, %arg24: memref<!tpu.dma_semaphore, #tpu.memory_space<semaphore_mem>>, %arg25: memref<!tpu.dma_semaphore, #tpu.memory_space<semaphore_mem>>, %arg26: memref<!tpu.dma_semaphore, #tpu.memory_space<semaphore_mem>>, %arg27: memref<!tpu.dma_semaphore, #tpu.memory_space<semaphore_mem>>, %arg28: memref<!tpu.dma_semaphore, #tpu.memory_space<semaphore_mem>>, %arg29: memref<!tpu.dma_semaphore, #tpu.memory_space<semaphore_mem>>, %arg30: memref<!tpu.dma_semaphore, #tpu.memory_space<semaphore_mem>>, %arg31: memref<!tpu.dma_semaphore, #tpu.memory_space<semaphore_mem>>, %arg32: memref<!tpu.dma_semaphore, #tpu.memory_space<semaphore_mem>>, %arg33: memref<!tpu.dma_semaphore, #tpu.memory_space<semaphore_mem>>, %arg34: memref<!tpu.dma_semaphore, #tpu.memory_space<semaphore_mem>>, %arg35: memref<!tpu.dma_semaphore, #tpu.memory_space<semaphore_mem>>, %arg36: memref<!tpu.dma_semaphore, #tpu.memory_space<semaphore_mem>>, %arg37: memref<!tpu.dma_semaphore, #tpu.memory_space<semaphore_mem>>, %arg38: memref<!tpu.dma_semaphore, #tpu.memory_space<semaphore_mem>>, %arg39: memref<!tpu.dma_semaphore, #tpu.memory_space<semaphore_mem>>, %arg40: memref<!tpu.dma_semaphore, #tpu.memory_space<semaphore_mem>>, %arg41: memref<!tpu.dma_semaphore, #tpu.memory_space<semaphore_mem>>, %arg42: memref<!tpu.dma_semaphore, #tpu.memory_space<semaphore_mem>>, %arg43: memref<10240x16xf32, #tpu.memory_space<vmem_shared>>, %arg44: memref<10240x16xf32, #tpu.memory_space<vmem_shared>>) attributes {dimension_semantics = [#tpu.dimension_semantics<core_parallel>, #tpu.dimension_semantics<subcore_parallel>], iteration_bounds = array<i64: 2, 16>, scalar_prefetch = 0 : i64, scratch_operands = 38 : i64, tpu.core_type = #tpu.core_type<sc_vector_subcore>, window_params = [{transform_indices = #map}, {transform_indices = #map}, {transform_indices = #map1}, {transform_indices = #map1}, {transform_indices = #map2}]} {
    %broadcast_in_dim3A = arith.constant 0.000000e+00 : f32
    %broadcast_in_dim3A_0 = vector.broadcast %broadcast_in_dim3A : f32 to vector<16xf32>
    %scan3A = arith.constant 0 : i32
    %scan3A_1 = arith.constant 0 : i32
    %scan3A_2 = arith.constant 80 : i32
    %scan3A_3 = arith.addi %scan3A_1, %scan3A_2 : i32
    %scan3A_4 = arith.constant 1 : i32
    %scan3A_5 = scf.for %scan3A_159 = %scan3A_1 to %scan3A_3 step %scan3A_4 iter_args(%scan3A_160 = %scan3A) -> (i32)  : i32 {
      %swap3A = arith.index_cast %scan3A_159 : i32 to index
      %swap3A_161 = arith.constant 0 : index
      %swap3A_162 = tpu.vector_load %arg19[%swap3A, %swap3A_161] {strides = array<i32>} : memref<80x16xf32, #tpu.memory_space<vmem>>, vector<16xf32>,
      tpu.vector_store %arg19[%swap3A, %swap3A_161], %broadcast_in_dim3A_0 {strides = array<i32>} : memref<80x16xf32, #tpu.memory_space<vmem>>, vector<16xf32>,
      %scan3A_163 = arith.constant 0 : i32
      scf.yield %scan3A_163 : i32
    }
    %scan3A_6 = arith.constant 80 : i32
    %mul3A = arith.constant 640 : i32
    %mul3A_7 = arith.muli %arg1, %mul3A : i32
    %multiple_of3A = tpu.assume_multiple %mul3A_7, 8 : i32
    %scan3A_8 = arith.constant 0 : i32
    %scan3A_9 = arith.constant 0 : i32
    %scan3A_10 = arith.constant 8 : i32
    %scan3A_11 = arith.addi %scan3A_9, %scan3A_10 : i32
    %scan3A_12 = arith.constant 1 : i32
    %scan3A_13 = scf.for %scan3A_159 = %scan3A_9 to %scan3A_11 step %scan3A_12 iter_args(%scan3A_160 = %scan3A_8) -> (i32)  : i32 {
      %mul3A_161 = arith.constant 80 : i32
      %mul3A_162 = arith.muli %scan3A_159, %mul3A_161 : i32
      %add3A_163 = arith.addi %multiple_of3A, %mul3A_162 : i32
      %multiple_of3A_164 = tpu.assume_multiple %add3A_163, 8 : i32
      "tpu.region"() ({
        %run_scoped3A_166 = tpu.sem_alloc : memref<!tpu.dma_semaphore, #tpu.memory_space<semaphore_mem>>
        %dma_start3A_167 = arith.constant 0 : i32
        %dma_start3A_168 = tpu.memref_slice %arg44[%multiple_of3A_164, %dma_start3A_167] : memref<10240x16xf32, #tpu.memory_space<vmem_shared>> -> memref<80x16xf32, #tpu.memory_space<vmem_shared>>
        %dma_start3A_169 = arith.constant 0 : i32
        %dma_start3A_170 = tpu.memref_slice %arg44[%multiple_of3A_164, %dma_start3A_169] : memref<10240x16xf32, #tpu.memory_space<vmem_shared>> -> memref<80x16xf32, #tpu.memory_space<vmem_shared>>
        tpu.enqueue_dma source(%arg19 : memref<80x16xf32, #tpu.memory_space<vmem>>) target(%dma_start3A_170 : memref<80x16xf32, #tpu.memory_space<vmem_shared>>) target_semaphore(%run_scoped3A_166 : memref<!tpu.dma_semaphore, #tpu.memory_space<semaphore_mem>>)
        %dma_wait3A_171 = arith.constant 0 : i32
        %dma_wait3A_172 = tpu.memref_slice %arg44[%multiple_of3A_164, %dma_wait3A_171] : memref<10240x16xf32, #tpu.memory_space<vmem_shared>> -> memref<80x16xf32, #tpu.memory_space<vmem_shared>>
        %dma_wait3A_173 = arith.constant 0 : i32
        %dma_wait3A_174 = tpu.memref_slice %arg44[%multiple_of3A_164, %dma_wait3A_173] : memref<10240x16xf32, #tpu.memory_space<vmem_shared>> -> memref<80x16xf32, #tpu.memory_space<vmem_shared>>
        tpu.wait_dma2 semaphore(%run_scoped3A_166 : memref<!tpu.dma_semaphore, #tpu.memory_space<semaphore_mem>>) src(%arg19 : memref<80x16xf32, #tpu.memory_space<vmem>>) dst(%dma_wait3A_174 : memref<80x16xf32, #tpu.memory_space<vmem_shared>>)
        tpu.yield
      }) : () -> ()
      %scan3A_165 = arith.constant 0 : i32
      scf.yield %scan3A_165 : i32
    }
    %scan3A_14 = arith.constant 8 : i32
    "tpu.region"() ({
      %run_scoped3A_159 = tpu.sem_alloc : memref<!tpu.dma_semaphore, #tpu.memory_space<semaphore_mem>>
      %dma_start3A_160 = arith.constant 0 : i32
      %dma_start3A_161 = tpu.memref_slice %arg2[%multiple_of3A, %dma_start3A_160] : memref<10240x16xf32, #tpu.memory_space<hbm>> -> memref<640x16xf32, #tpu.memory_space<hbm>>
      %dma_start3A_162 = arith.constant 0 : i32
      %dma_start3A_163 = tpu.memref_slice %arg2[%multiple_of3A, %dma_start3A_162] : memref<10240x16xf32, #tpu.memory_space<hbm>> -> memref<640x16xf32, #tpu.memory_space<hbm>>
      tpu.enqueue_dma source(%dma_start3A_163 : memref<640x16xf32, #tpu.memory_space<hbm>>) target(%arg20 : memref<640x16xf32, #tpu.memory_space<vmem>>) target_semaphore(%run_scoped3A_159 : memref<!tpu.dma_semaphore, #tpu.memory_space<semaphore_mem>>)
      %dma_wait3A_164 = arith.constant 0 : i32
      %dma_wait3A_165 = tpu.memref_slice %arg2[%multiple_of3A, %dma_wait3A_164] : memref<10240x16xf32, #tpu.memory_space<hbm>> -> memref<640x16xf32, #tpu.memory_space<hbm>>
      %dma_wait3A_166 = arith.constant 0 : i32
      %dma_wait3A_167 = tpu.memref_slice %arg2[%multiple_of3A, %dma_wait3A_166] : memref<10240x16xf32, #tpu.memory_space<hbm>> -> memref<640x16xf32, #tpu.memory_space<hbm>>
      tpu.wait_dma2 semaphore(%run_scoped3A_159 : memref<!tpu.dma_semaphore, #tpu.memory_space<semaphore_mem>>) src(%dma_wait3A_167 : memref<640x16xf32, #tpu.memory_space<hbm>>) dst(%arg20 : memref<640x16xf32, #tpu.memory_space<vmem>>)
      tpu.yield
    }) : () -> ()
    %run_scoped3A = arith.constant 0 : i32
    "tpu.region"() ({
      %run_scoped3A_159 = tpu.sem_alloc : memref<!tpu.dma_semaphore, #tpu.memory_space<semaphore_mem>>
      %dma_start3A_160 = tpu.memref_slice %arg3[%run_scoped3A, %multiple_of3A] : memref<2x10240xf32, #tpu.memory_space<hbm>> -> memref<1x640xf32, #tpu.memory_space<hbm>>
      %dma_start3A_161 = tpu.memref_squeeze %dma_start3A_160 : memref<1x640xf32, #tpu.memory_space<hbm>> -> memref<640xf32, #tpu.memory_space<hbm>>
      %dma_start3A_162 = tpu.memref_slice %arg3[%run_scoped3A, %multiple_of3A] : memref<2x10240xf32, #tpu.memory_space<hbm>> -> memref<1x640xf32, #tpu.memory_space<hbm>>
      %dma_start3A_163 = tpu.memref_squeeze %dma_start3A_162 : memref<1x640xf32, #tpu.memory_space<hbm>> -> memref<640xf32, #tpu.memory_space<hbm>>
      tpu.enqueue_dma source(%dma_start3A_163 : memref<640xf32, #tpu.memory_space<hbm>>) target(%arg21 : memref<640xf32, #tpu.memory_space<vmem>>) target_semaphore(%run_scoped3A_159 : memref<!tpu.dma_semaphore, #tpu.memory_space<semaphore_mem>>)
      %dma_wait3A_164 = tpu.memref_slice %arg3[%run_scoped3A, %multiple_of3A] : memref<2x10240xf32, #tpu.memory_space<hbm>> -> memref<1x640xf32, #tpu.memory_space<hbm>>
      %dma_wait3A_165 = tpu.memref_squeeze %dma_wait3A_164 : memref<1x640xf32, #tpu.memory_space<hbm>> -> memref<640xf32, #tpu.memory_space<hbm>>
      %dma_wait3A_166 = tpu.memref_slice %arg3[%run_scoped3A, %multiple_of3A] : memref<2x10240xf32, #tpu.memory_space<hbm>> -> memref<1x640xf32, #tpu.memory_space<hbm>>
      %dma_wait3A_167 = tpu.memref_squeeze %dma_wait3A_166 : memref<1x640xf32, #tpu.memory_space<hbm>> -> memref<640xf32, #tpu.memory_space<hbm>>
      tpu.wait_dma2 semaphore(%run_scoped3A_159 : memref<!tpu.dma_semaphore, #tpu.memory_space<semaphore_mem>>) src(%dma_wait3A_167 : memref<640xf32, #tpu.memory_space<hbm>>) dst(%arg21 : memref<640xf32, #tpu.memory_space<vmem>>)
      tpu.yield
    }) : () -> ()
    %run_scoped3A_15 = arith.constant 1 : i32
    "tpu.region"() ({
      %run_scoped3A_159 = tpu.sem_alloc : memref<!tpu.dma_semaphore, #tpu.memory_space<semaphore_mem>>
      %dma_start3A_160 = tpu.memref_slice %arg3[%run_scoped3A_15, %multiple_of3A] : memref<2x10240xf32, #tpu.memory_space<hbm>> -> memref<1x640xf32, #tpu.memory_space<hbm>>
      %dma_start3A_161 = tpu.memref_squeeze %dma_start3A_160 : memref<1x640xf32, #tpu.memory_space<hbm>> -> memref<640xf32, #tpu.memory_space<hbm>>
      %dma_start3A_162 = tpu.memref_slice %arg3[%run_scoped3A_15, %multiple_of3A] : memref<2x10240xf32, #tpu.memory_space<hbm>> -> memref<1x640xf32, #tpu.memory_space<hbm>>
      %dma_start3A_163 = tpu.memref_squeeze %dma_start3A_162 : memref<1x640xf32, #tpu.memory_space<hbm>> -> memref<640xf32, #tpu.memory_space<hbm>>
      tpu.enqueue_dma source(%dma_start3A_163 : memref<640xf32, #tpu.memory_space<hbm>>) target(%arg22 : memref<640xf32, #tpu.memory_space<vmem>>) target_semaphore(%run_scoped3A_159 : memref<!tpu.dma_semaphore, #tpu.memory_space<semaphore_mem>>)
      %dma_wait3A_164 = tpu.memref_slice %arg3[%run_scoped3A_15, %multiple_of3A] : memref<2x10240xf32, #tpu.memory_space<hbm>> -> memref<1x640xf32, #tpu.memory_space<hbm>>
      %dma_wait3A_165 = tpu.memref_squeeze %dma_wait3A_164 : memref<1x640xf32, #tpu.memory_space<hbm>> -> memref<640xf32, #tpu.memory_space<hbm>>
      %dma_wait3A_166 = tpu.memref_slice %arg3[%run_scoped3A_15, %multiple_of3A] : memref<2x10240xf32, #tpu.memory_space<hbm>> -> memref<1x640xf32, #tpu.memory_space<hbm>>
      %dma_wait3A_167 = tpu.memref_squeeze %dma_wait3A_166 : memref<1x640xf32, #tpu.memory_space<hbm>> -> memref<640xf32, #tpu.memory_space<hbm>>
      tpu.wait_dma2 semaphore(%run_scoped3A_159 : memref<!tpu.dma_semaphore, #tpu.memory_space<semaphore_mem>>) src(%dma_wait3A_167 : memref<640xf32, #tpu.memory_space<hbm>>) dst(%arg22 : memref<640xf32, #tpu.memory_space<vmem>>)
      tpu.yield
    }) : () -> ()
    %iota3A = tpu.iota {dimensions = array<i32: 0>} : vector<16xi32>
    %scan3A_16 = arith.constant 0 : i32
    %scan3A_17 = arith.constant 0 : i32
    %scan3A_18 = arith.constant 40 : i32
    %scan3A_19 = arith.addi %scan3A_17, %scan3A_18 : i32
    %scan3A_20 = arith.constant 1 : i32
    %scan3A_21 = scf.for %scan3A_159 = %scan3A_17 to %scan3A_19 step %scan3A_20 iter_args(%scan3A_160 = %scan3A_16) -> (i32)  : i32 {
      %mul3A_161 = arith.constant 16 : i32
      %mul3A_162 = arith.muli %scan3A_159, %mul3A_161 : i32
      %get3A = arith.index_cast %mul3A_162 : i32 to index
      %get3A_163 = tpu.vector_load %arg21[%get3A] {strides = array<i32>} : memref<640xf32, #tpu.memory_space<vmem>>, vector<16xf32>,
      %get3A_164 = arith.index_cast %mul3A_162 : i32 to index
      %get3A_165 = tpu.vector_load %arg22[%get3A_164] {strides = array<i32>} : memref<640xf32, #tpu.memory_space<vmem>>, vector<16xf32>,
      %add3A_166 = arith.addf %get3A_163, %get3A_165 : vector<16xf32>
      %max3A = arith.constant 1.000000e+00 : f32
      %max3A_167 = vector.broadcast %max3A : f32 to vector<16xf32>
      %max3A_168 = arith.maximumf %add3A_166, %max3A_167 : vector<16xf32>
      %bitcast_convert_type3A = tpu.bitcast %max3A_168 : vector<16xf32> -> vector<16xi32>
      %shift_right_arithmetic3A = arith.constant 1 : i32
      %shift_right_arithmetic3A_169 = vector.broadcast %shift_right_arithmetic3A : i32 to vector<16xi32>
      %shift_right_arithmetic3A_170 = arith.shrsi %bitcast_convert_type3A, %shift_right_arithmetic3A_169 : vector<16xi32>
      %sub3A = arith.constant 1597463007 : i32
      %sub3A_171 = vector.broadcast %sub3A : i32 to vector<16xi32>
      %sub3A_172 = arith.subi %sub3A_171, %shift_right_arithmetic3A_170 : vector<16xi32>
      %bitcast_convert_type3A_173 = tpu.bitcast %sub3A_172 : vector<16xi32> -> vector<16xf32>
      %mul3A_174 = arith.constant 5.000000e-01 : f32
      %mul3A_175 = vector.broadcast %mul3A_174 : f32 to vector<16xf32>
      %mul3A_176 = arith.mulf %mul3A_175, %max3A_168 : vector<16xf32>
      %mul3A_177 = arith.mulf %mul3A_176, %bitcast_convert_type3A_173 : vector<16xf32>
      %mul3A_178 = arith.mulf %mul3A_177, %bitcast_convert_type3A_173 : vector<16xf32>
      %sub3A_179 = arith.constant 1.500000e+00 : f32
      %sub3A_180 = vector.broadcast %sub3A_179 : f32 to vector<16xf32>
      %sub3A_181 = arith.subf %sub3A_180, %mul3A_178 : vector<16xf32>
      %mul3A_182 = arith.mulf %bitcast_convert_type3A_173, %sub3A_181 : vector<16xf32>
      %mul3A_183 = arith.constant 5.000000e-01 : f32
      %mul3A_184 = vector.broadcast %mul3A_183 : f32 to vector<16xf32>
      %mul3A_185 = arith.mulf %mul3A_184, %max3A_168 : vector<16xf32>
      %mul3A_186 = arith.mulf %mul3A_185, %mul3A_182 : vector<16xf32>
      %mul3A_187 = arith.mulf %mul3A_186, %mul3A_182 : vector<16xf32>
      %sub3A_188 = arith.constant 1.500000e+00 : f32
      %sub3A_189 = vector.broadcast %sub3A_188 : f32 to vector<16xf32>
      %sub3A_190 = arith.subf %sub3A_189, %mul3A_187 : vector<16xf32>
      %mul3A_191 = arith.mulf %mul3A_182, %sub3A_190 : vector<16xf32>
      %mul3A_192 = arith.constant 5.000000e-01 : f32
      %mul3A_193 = vector.broadcast %mul3A_192 : f32 to vector<16xf32>
      %mul3A_194 = arith.mulf %mul3A_193, %max3A_168 : vector<16xf32>
      %mul3A_195 = arith.mulf %mul3A_194, %mul3A_191 : vector<16xf32>
      %mul3A_196 = arith.mulf %mul3A_195, %mul3A_191 : vector<16xf32>
      %sub3A_197 = arith.constant 1.500000e+00 : f32
      %sub3A_198 = vector.broadcast %sub3A_197 : f32 to vector<16xf32>
      %sub3A_199 = arith.subf %sub3A_198, %mul3A_196 : vector<16xf32>
      %mul3A_200 = arith.mulf %mul3A_191, %sub3A_199 : vector<16xf32>
      %add3A_201 = vector.broadcast %mul3A_162 : i32 to vector<16xi32>
      %add3A_202 = arith.addi %add3A_201, %iota3A : vector<16xi32>
      %broadcast_in_dim3A_203 = arith.constant 0 : i32
      %broadcast_in_dim3A_204 = vector.broadcast %broadcast_in_dim3A_203 : i32 to vector<16xi32>
      %gather3A = tpu.vector_load_idx %arg20[%add3A_202, %broadcast_in_dim3A_204] : memref<640x16xf32, #tpu.memory_space<vmem>>[vector<16xi32>, vector<16xi32>], vector<16xf32>,
      %mul3A_205 = arith.mulf %gather3A, %mul3A_200 : vector<16xf32>
      tpu.vector_store_idx %arg20[%add3A_202, %broadcast_in_dim3A_204], %mul3A_205 : memref<640x16xf32, #tpu.memory_space<vmem>>[vector<16xi32>, vector<16xi32>], vector<16xf32>,
      %broadcast_in_dim3A_206 = arith.constant 1 : i32
      %broadcast_in_dim3A_207 = vector.broadcast %broadcast_in_dim3A_206 : i32 to vector<16xi32>
      %gather3A_208 = tpu.vector_load_idx %arg20[%add3A_202, %broadcast_in_dim3A_207] : memref<640x16xf32, #tpu.memory_space<vmem>>[vector<16xi32>, vector<16xi32>], vector<16xf32>,
      %mul3A_209 = arith.mulf %gather3A_208, %mul3A_200 : vector<16xf32>
      tpu.vector_store_idx %arg20[%add3A_202, %broadcast_in_dim3A_207], %mul3A_209 : memref<640x16xf32, #tpu.memory_space<vmem>>[vector<16xi32>, vector<16xi32>], vector<16xf32>,
      %broadcast_in_dim3A_210 = arith.constant 2 : i32
      %broadcast_in_dim3A_211 = vector.broadcast %broadcast_in_dim3A_210 : i32 to vector<16xi32>
      %gather3A_212 = tpu.vector_load_idx %arg20[%add3A_202, %broadcast_in_dim3A_211] : memref<640x16xf32, #tpu.memory_space<vmem>>[vector<16xi32>, vector<16xi32>], vector<16xf32>,
      %mul3A_213 = arith.mulf %gather3A_212, %mul3A_200 : vector<16xf32>
      tpu.vector_store_idx %arg20[%add3A_202, %broadcast_in_dim3A_211], %mul3A_213 : memref<640x16xf32, #tpu.memory_space<vmem>>[vector<16xi32>, vector<16xi32>], vector<16xf32>,
      %broadcast_in_dim3A_214 = arith.constant 3 : i32
      %broadcast_in_dim3A_215 = vector.broadcast %broadcast_in_dim3A_214 : i32 to vector<16xi32>
      %gather3A_216 = tpu.vector_load_idx %arg20[%add3A_202, %broadcast_in_dim3A_215] : memref<640x16xf32, #tpu.memory_space<vmem>>[vector<16xi32>, vector<16xi32>], vector<16xf32>,
      %mul3A_217 = arith.mulf %gather3A_216, %mul3A_200 : vector<16xf32>
      tpu.vector_store_idx %arg20[%add3A_202, %broadcast_in_dim3A_215], %mul3A_217 : memref<640x16xf32, #tpu.memory_space<vmem>>[vector<16xi32>, vector<16xi32>], vector<16xf32>,
      %broadcast_in_dim3A_218 = arith.constant 4 : i32
      %broadcast_in_dim3A_219 = vector.broadcast %broadcast_in_dim3A_218 : i32 to vector<16xi32>
      %gather3A_220 = tpu.vector_load_idx %arg20[%add3A_202, %broadcast_in_dim3A_219] : memref<640x16xf32, #tpu.memory_space<vmem>>[vector<16xi32>, vector<16xi32>], vector<16xf32>,
      %mul3A_221 = arith.mulf %gather3A_220, %mul3A_200 : vector<16xf32>
      tpu.vector_store_idx %arg20[%add3A_202, %broadcast_in_dim3A_219], %mul3A_221 : memref<640x16xf32, #tpu.memory_space<vmem>>[vector<16xi32>, vector<16xi32>], vector<16xf32>,
      %broadcast_in_dim3A_222 = arith.constant 5 : i32
      %broadcast_in_dim3A_223 = vector.broadcast %broadcast_in_dim3A_222 : i32 to vector<16xi32>
      %gather3A_224 = tpu.vector_load_idx %arg20[%add3A_202, %broadcast_in_dim3A_223] : memref<640x16xf32, #tpu.memory_space<vmem>>[vector<16xi32>, vector<16xi32>], vector<16xf32>,
      %mul3A_225 = arith.mulf %gather3A_224, %mul3A_200 : vector<16xf32>
      tpu.vector_store_idx %arg20[%add3A_202, %broadcast_in_dim3A_223], %mul3A_225 : memref<640x16xf32, #tpu.memory_space<vmem>>[vector<16xi32>, vector<16xi32>], vector<16xf32>,
      %broadcast_in_dim3A_226 = arith.constant 6 : i32
      %broadcast_in_dim3A_227 = vector.broadcast %broadcast_in_dim3A_226 : i32 to vector<16xi32>
      %gather3A_228 = tpu.vector_load_idx %arg20[%add3A_202, %broadcast_in_dim3A_227] : memref<640x16xf32, #tpu.memory_space<vmem>>[vector<16xi32>, vector<16xi32>], vector<16xf32>,
      %mul3A_229 = arith.mulf %gather3A_228, %mul3A_200 : vector<16xf32>
      tpu.vector_store_idx %arg20[%add3A_202, %broadcast_in_dim3A_227], %mul3A_229 : memref<640x16xf32, #tpu.memory_space<vmem>>[vector<16xi32>, vector<16xi32>], vector<16xf32>,
      %broadcast_in_dim3A_230 = arith.constant 7 : i32
      %broadcast_in_dim3A_231 = vector.broadcast %broadcast_in_dim3A_230 : i32 to vector<16xi32>
      %gather3A_232 = tpu.vector_load_idx %arg20[%add3A_202, %broadcast_in_dim3A_231] : memref<640x16xf32, #tpu.memory_space<vmem>>[vector<16xi32>, vector<16xi32>], vector<16xf32>,
      %mul3A_233 = arith.mulf %gather3A_232, %mul3A_200 : vector<16xf32>
      tpu.vector_store_idx %arg20[%add3A_202, %broadcast_in_dim3A_231], %mul3A_233 : memref<640x16xf32, #tpu.memory_space<vmem>>[vector<16xi32>, vector<16xi32>], vector<16xf32>,
      %broadcast_in_dim3A_234 = arith.constant 8 : i32
      %broadcast_in_dim3A_235 = vector.broadcast %broadcast_in_dim3A_234 : i32 to vector<16xi32>
      %gather3A_236 = tpu.vector_load_idx %arg20[%add3A_202, %broadcast_in_dim3A_235] : memref<640x16xf32, #tpu.memory_space<vmem>>[vector<16xi32>, vector<16xi32>], vector<16xf32>,
      %mul3A_237 = arith.mulf %gather3A_236, %mul3A_200 : vector<16xf32>
      tpu.vector_store_idx %arg20[%add3A_202, %broadcast_in_dim3A_235], %mul3A_237 : memref<640x16xf32, #tpu.memory_space<vmem>>[vector<16xi32>, vector<16xi32>], vector<16xf32>,
      %broadcast_in_dim3A_238 = arith.constant 9 : i32
      %broadcast_in_dim3A_239 = vector.broadcast %broadcast_in_dim3A_238 : i32 to vector<16xi32>
      %gather3A_240 = tpu.vector_load_idx %arg20[%add3A_202, %broadcast_in_dim3A_239] : memref<640x16xf32, #tpu.memory_space<vmem>>[vector<16xi32>, vector<16xi32>], vector<16xf32>,
      %mul3A_241 = arith.mulf %gather3A_240, %mul3A_200 : vector<16xf32>
      tpu.vector_store_idx %arg20[%add3A_202, %broadcast_in_dim3A_239], %mul3A_241 : memref<640x16xf32, #tpu.memory_space<vmem>>[vector<16xi32>, vector<16xi32>], vector<16xf32>,
      %broadcast_in_dim3A_242 = arith.constant 10 : i32
      %broadcast_in_dim3A_243 = vector.broadcast %broadcast_in_dim3A_242 : i32 to vector<16xi32>
      %gather3A_244 = tpu.vector_load_idx %arg20[%add3A_202, %broadcast_in_dim3A_243] : memref<640x16xf32, #tpu.memory_space<vmem>>[vector<16xi32>, vector<16xi32>], vector<16xf32>,
      %mul3A_245 = arith.mulf %gather3A_244, %mul3A_200 : vector<16xf32>
      tpu.vector_store_idx %arg20[%add3A_202, %broadcast_in_dim3A_243], %mul3A_245 : memref<640x16xf32, #tpu.memory_space<vmem>>[vector<16xi32>, vector<16xi32>], vector<16xf32>,
      %broadcast_in_dim3A_246 = arith.constant 11 : i32
      %broadcast_in_dim3A_247 = vector.broadcast %broadcast_in_dim3A_246 : i32 to vector<16xi32>
      %gather3A_248 = tpu.vector_load_idx %arg20[%add3A_202, %broadcast_in_dim3A_247] : memref<640x16xf32, #tpu.memory_space<vmem>>[vector<16xi32>, vector<16xi32>], vector<16xf32>,
      %mul3A_249 = arith.mulf %gather3A_248, %mul3A_200 : vector<16xf32>
      tpu.vector_store_idx %arg20[%add3A_202, %broadcast_in_dim3A_247], %mul3A_249 : memref<640x16xf32, #tpu.memory_space<vmem>>[vector<16xi32>, vector<16xi32>], vector<16xf32>,
      %broadcast_in_dim3A_250 = arith.constant 12 : i32
      %broadcast_in_dim3A_251 = vector.broadcast %broadcast_in_dim3A_250 : i32 to vector<16xi32>
      %gather3A_252 = tpu.vector_load_idx %arg20[%add3A_202, %broadcast_in_dim3A_251] : memref<640x16xf32, #tpu.memory_space<vmem>>[vector<16xi32>, vector<16xi32>], vector<16xf32>,
      %mul3A_253 = arith.mulf %gather3A_252, %mul3A_200 : vector<16xf32>
      tpu.vector_store_idx %arg20[%add3A_202, %broadcast_in_dim3A_251], %mul3A_253 : memref<640x16xf32, #tpu.memory_space<vmem>>[vector<16xi32>, vector<16xi32>], vector<16xf32>,
      %broadcast_in_dim3A_254 = arith.constant 13 : i32
      %broadcast_in_dim3A_255 = vector.broadcast %broadcast_in_dim3A_254 : i32 to vector<16xi32>
      %gather3A_256 = tpu.vector_load_idx %arg20[%add3A_202, %broadcast_in_dim3A_255] : memref<640x16xf32, #tpu.memory_space<vmem>>[vector<16xi32>, vector<16xi32>], vector<16xf32>,
      %mul3A_257 = arith.mulf %gather3A_256, %mul3A_200 : vector<16xf32>
      tpu.vector_store_idx %arg20[%add3A_202, %broadcast_in_dim3A_255], %mul3A_257 : memref<640x16xf32, #tpu.memory_space<vmem>>[vector<16xi32>, vector<16xi32>], vector<16xf32>,
      %broadcast_in_dim3A_258 = arith.constant 14 : i32
      %broadcast_in_dim3A_259 = vector.broadcast %broadcast_in_dim3A_258 : i32 to vector<16xi32>
      %gather3A_260 = tpu.vector_load_idx %arg20[%add3A_202, %broadcast_in_dim3A_259] : memref<640x16xf32, #tpu.memory_space<vmem>>[vector<16xi32>, vector<16xi32>], vector<16xf32>,
      %mul3A_261 = arith.mulf %gather3A_260, %mul3A_200 : vector<16xf32>
      tpu.vector_store_idx %arg20[%add3A_202, %broadcast_in_dim3A_259], %mul3A_261 : memref<640x16xf32, #tpu.memory_space<vmem>>[vector<16xi32>, vector<16xi32>], vector<16xf32>,
      %broadcast_in_dim3A_262 = arith.constant 15 : i32
      %broadcast_in_dim3A_263 = vector.broadcast %broadcast_in_dim3A_262 : i32 to vector<16xi32>
      %gather3A_264 = tpu.vector_load_idx %arg20[%add3A_202, %broadcast_in_dim3A_263] : memref<640x16xf32, #tpu.memory_space<vmem>>[vector<16xi32>, vector<16xi32>], vector<16xf32>,
      %mul3A_265 = arith.mulf %gather3A_264, %mul3A_200 : vector<16xf32>
      tpu.vector_store_idx %arg20[%add3A_202, %broadcast_in_dim3A_263], %mul3A_265 : memref<640x16xf32, #tpu.memory_space<vmem>>[vector<16xi32>, vector<16xi32>], vector<16xf32>,
      %scan3A_266 = arith.constant 0 : i32
      scf.yield %scan3A_266 : i32
    }
    %scan3A_22 = arith.constant 40 : i32
    "tpu.region"() ({
      %run_scoped3A_159 = tpu.sem_alloc : memref<!tpu.dma_semaphore, #tpu.memory_space<semaphore_mem>>
      %dma_start3A_160 = arith.constant 0 : i32
      %dma_start3A_161 = tpu.memref_slice %arg43[%multiple_of3A, %dma_start3A_160] : memref<10240x16xf32, #tpu.memory_space<vmem_shared>> -> memref<640x16xf32, #tpu.memory_space<vmem_shared>>
      %dma_start3A_162 = arith.constant 0 : i32
      %dma_start3A_163 = tpu.memref_slice %arg43[%multiple_of3A, %dma_start3A_162] : memref<10240x16xf32, #tpu.memory_space<vmem_shared>> -> memref<640x16xf32, #tpu.memory_space<vmem_shared>>
      tpu.enqueue_dma source(%arg20 : memref<640x16xf32, #tpu.memory_space<vmem>>) target(%dma_start3A_163 : memref<640x16xf32, #tpu.memory_space<vmem_shared>>) target_semaphore(%run_scoped3A_159 : memref<!tpu.dma_semaphore, #tpu.memory_space<semaphore_mem>>)
      %dma_wait3A_164 = arith.constant 0 : i32
      %dma_wait3A_165 = tpu.memref_slice %arg43[%multiple_of3A, %dma_wait3A_164] : memref<10240x16xf32, #tpu.memory_space<vmem_shared>> -> memref<640x16xf32, #tpu.memory_space<vmem_shared>>
      %dma_wait3A_166 = arith.constant 0 : i32
      %dma_wait3A_167 = tpu.memref_slice %arg43[%multiple_of3A, %dma_wait3A_166] : memref<10240x16xf32, #tpu.memory_space<vmem_shared>> -> memref<640x16xf32, #tpu.memory_space<vmem_shared>>
      tpu.wait_dma2 semaphore(%run_scoped3A_159 : memref<!tpu.dma_semaphore, #tpu.memory_space<semaphore_mem>>) src(%arg20 : memref<640x16xf32, #tpu.memory_space<vmem>>) dst(%dma_wait3A_167 : memref<640x16xf32, #tpu.memory_space<vmem_shared>>)
      tpu.yield
    }) : () -> ()
    %barrier3A = arith.constant 0 : index
    tpu.barrier barrier_id(%barrier3A)
    %mul3A_23 = arith.constant 16 : i32
    %mul3A_24 = arith.muli %arg0, %mul3A_23 : i32
    %add3A = arith.addi %mul3A_24, %arg1 : i32
    %mul3A_25 = arith.constant 10000 : i32
    %mul3A_26 = arith.muli %add3A, %mul3A_25 : i32
    %multiple_of3A_27 = tpu.assume_multiple %mul3A_26, 8 : i32
    "tpu.region"() ({
      %run_scoped3A_159 = tpu.sem_alloc : memref<!tpu.dma_semaphore, #tpu.memory_space<semaphore_mem>>
      %dma_start3A_160 = tpu.memref_slice %arg4[%multiple_of3A_27] : memref<320000xi32, #tpu.memory_space<hbm>> -> memref<10000xi32, #tpu.memory_space<hbm>>
      %dma_start3A_161 = tpu.memref_slice %arg4[%multiple_of3A_27] : memref<320000xi32, #tpu.memory_space<hbm>> -> memref<10000xi32, #tpu.memory_space<hbm>>
      tpu.enqueue_dma source(%dma_start3A_161 : memref<10000xi32, #tpu.memory_space<hbm>>) target(%arg7 : memref<10000xi32, #tpu.memory_space<vmem>>) target_semaphore(%run_scoped3A_159 : memref<!tpu.dma_semaphore, #tpu.memory_space<semaphore_mem>>)
      %dma_wait3A_162 = tpu.memref_slice %arg4[%multiple_of3A_27] : memref<320000xi32, #tpu.memory_space<hbm>> -> memref<10000xi32, #tpu.memory_space<hbm>>
      %dma_wait3A_163 = tpu.memref_slice %arg4[%multiple_of3A_27] : memref<320000xi32, #tpu.memory_space<hbm>> -> memref<10000xi32, #tpu.memory_space<hbm>>
      tpu.wait_dma2 semaphore(%run_scoped3A_159 : memref<!tpu.dma_semaphore, #tpu.memory_space<semaphore_mem>>) src(%dma_wait3A_163 : memref<10000xi32, #tpu.memory_space<hbm>>) dst(%arg7 : memref<10000xi32, #tpu.memory_space<vmem>>)
      tpu.yield
    }) : () -> ()
    "tpu.region"() ({
      %run_scoped3A_159 = tpu.sem_alloc : memref<!tpu.dma_semaphore, #tpu.memory_space<semaphore_mem>>
      %dma_start3A_160 = tpu.memref_slice %arg5[%multiple_of3A_27] : memref<320000xi32, #tpu.memory_space<hbm>> -> memref<10000xi32, #tpu.memory_space<hbm>>
      %dma_start3A_161 = tpu.memref_slice %arg5[%multiple_of3A_27] : memref<320000xi32, #tpu.memory_space<hbm>> -> memref<10000xi32, #tpu.memory_space<hbm>>
      tpu.enqueue_dma source(%dma_start3A_161 : memref<10000xi32, #tpu.memory_space<hbm>>) target(%arg8 : memref<10000xi32, #tpu.memory_space<vmem>>) target_semaphore(%run_scoped3A_159 : memref<!tpu.dma_semaphore, #tpu.memory_space<semaphore_mem>>)
      %dma_wait3A_162 = tpu.memref_slice %arg5[%multiple_of3A_27] : memref<320000xi32, #tpu.memory_space<hbm>> -> memref<10000xi32, #tpu.memory_space<hbm>>
      %dma_wait3A_163 = tpu.memref_slice %arg5[%multiple_of3A_27] : memref<320000xi32, #tpu.memory_space<hbm>> -> memref<10000xi32, #tpu.memory_space<hbm>>
      tpu.wait_dma2 semaphore(%run_scoped3A_159 : memref<!tpu.dma_semaphore, #tpu.memory_space<semaphore_mem>>) src(%dma_wait3A_163 : memref<10000xi32, #tpu.memory_space<hbm>>) dst(%arg8 : memref<10000xi32, #tpu.memory_space<vmem>>)
      tpu.yield
    }) : () -> ()
    %dma_start3A = arith.constant 0 : i32
    %dma_start3A_28 = tpu.memref_slice %arg7[%dma_start3A] : memref<10000xi32, #tpu.memory_space<vmem>> -> memref<80xi32, #tpu.memory_space<vmem>>
    %dma_start3A_29 = arith.constant 0 : i32
    %dma_start3A_30 = arith.constant 0 : i32
    %dma_start3A_31 = tpu.memref_slice %arg43[%dma_start3A_29, %dma_start3A_30] : memref<10240x16xf32, #tpu.memory_space<vmem_shared>> -> memref<10240x16xf32, #tpu.memory_space<vmem_shared>>
    tpu.enqueue_indirect_dma source(%dma_start3A_31 : memref<10240x16xf32, #tpu.memory_space<vmem_shared>>) target(%arg9 : memref<80x16xf32, #tpu.memory_space<vmem>>) offsets(%dma_start3A_28 : memref<80xi32, #tpu.memory_space<vmem>>) semaphore(%arg23 : memref<!tpu.dma_semaphore, #tpu.memory_space<semaphore_mem>>)
    %dma_start3A_32 = arith.constant 80 : i32
    %dma_start3A_33 = tpu.memref_slice %arg7[%dma_start3A_32] : memref<10000xi32, #tpu.memory_space<vmem>> -> memref<80xi32, #tpu.memory_space<vmem>>
    %dma_start3A_34 = arith.constant 0 : i32
    %dma_start3A_35 = arith.constant 0 : i32
    %dma_start3A_36 = tpu.memref_slice %arg43[%dma_start3A_34, %dma_start3A_35] : memref<10240x16xf32, #tpu.memory_space<vmem_shared>> -> memref<10240x16xf32, #tpu.memory_space<vmem_shared>>
    tpu.enqueue_indirect_dma source(%dma_start3A_36 : memref<10240x16xf32, #tpu.memory_space<vmem_shared>>) target(%arg10 : memref<80x16xf32, #tpu.memory_space<vmem>>) offsets(%dma_start3A_33 : memref<80xi32, #tpu.memory_space<vmem>>) semaphore(%arg24 : memref<!tpu.dma_semaphore, #tpu.memory_space<semaphore_mem>>)
    %dma_start3A_37 = arith.constant 160 : i32
    %dma_start3A_38 = tpu.memref_slice %arg7[%dma_start3A_37] : memref<10000xi32, #tpu.memory_space<vmem>> -> memref<80xi32, #tpu.memory_space<vmem>>
    %dma_start3A_39 = arith.constant 0 : i32
    %dma_start3A_40 = arith.constant 0 : i32
    %dma_start3A_41 = tpu.memref_slice %arg43[%dma_start3A_39, %dma_start3A_40] : memref<10240x16xf32, #tpu.memory_space<vmem_shared>> -> memref<10240x16xf32, #tpu.memory_space<vmem_shared>>
    tpu.enqueue_indirect_dma source(%dma_start3A_41 : memref<10240x16xf32, #tpu.memory_space<vmem_shared>>) target(%arg11 : memref<80x16xf32, #tpu.memory_space<vmem>>) offsets(%dma_start3A_38 : memref<80xi32, #tpu.memory_space<vmem>>) semaphore(%arg25 : memref<!tpu.dma_semaphore, #tpu.memory_space<semaphore_mem>>)
    %dma_start3A_42 = arith.constant 240 : i32
    %dma_start3A_43 = tpu.memref_slice %arg7[%dma_start3A_42] : memref<10000xi32, #tpu.memory_space<vmem>> -> memref<80xi32, #tpu.memory_space<vmem>>
    %dma_start3A_44 = arith.constant 0 : i32
    %dma_start3A_45 = arith.constant 0 : i32
    %dma_start3A_46 = tpu.memref_slice %arg43[%dma_start3A_44, %dma_start3A_45] : memref<10240x16xf32, #tpu.memory_space<vmem_shared>> -> memref<10240x16xf32, #tpu.memory_space<vmem_shared>>
    tpu.enqueue_indirect_dma source(%dma_start3A_46 : memref<10240x16xf32, #tpu.memory_space<vmem_shared>>) target(%arg12 : memref<80x16xf32, #tpu.memory_space<vmem>>) offsets(%dma_start3A_43 : memref<80xi32, #tpu.memory_space<vmem>>) semaphore(%arg26 : memref<!tpu.dma_semaphore, #tpu.memory_space<semaphore_mem>>)
    %dma_start3A_47 = arith.constant 320 : i32
    %dma_start3A_48 = tpu.memref_slice %arg7[%dma_start3A_47] : memref<10000xi32, #tpu.memory_space<vmem>> -> memref<80xi32, #tpu.memory_space<vmem>>
    %dma_start3A_49 = arith.constant 0 : i32
    %dma_start3A_50 = arith.constant 0 : i32
    %dma_start3A_51 = tpu.memref_slice %arg43[%dma_start3A_49, %dma_start3A_50] : memref<10240x16xf32, #tpu.memory_space<vmem_shared>> -> memref<10240x16xf32, #tpu.memory_space<vmem_shared>>
    tpu.enqueue_indirect_dma source(%dma_start3A_51 : memref<10240x16xf32, #tpu.memory_space<vmem_shared>>) target(%arg13 : memref<80x16xf32, #tpu.memory_space<vmem>>) offsets(%dma_start3A_48 : memref<80xi32, #tpu.memory_space<vmem>>) semaphore(%arg27 : memref<!tpu.dma_semaphore, #tpu.memory_space<semaphore_mem>>)
    %dma_start3A_52 = arith.constant 400 : i32
    %dma_start3A_53 = tpu.memref_slice %arg7[%dma_start3A_52] : memref<10000xi32, #tpu.memory_space<vmem>> -> memref<80xi32, #tpu.memory_space<vmem>>
    %dma_start3A_54 = arith.constant 0 : i32
    %dma_start3A_55 = arith.constant 0 : i32
    %dma_start3A_56 = tpu.memref_slice %arg43[%dma_start3A_54, %dma_start3A_55] : memref<10240x16xf32, #tpu.memory_space<vmem_shared>> -> memref<10240x16xf32, #tpu.memory_space<vmem_shared>>
    tpu.enqueue_indirect_dma source(%dma_start3A_56 : memref<10240x16xf32, #tpu.memory_space<vmem_shared>>) target(%arg14 : memref<80x16xf32, #tpu.memory_space<vmem>>) offsets(%dma_start3A_53 : memref<80xi32, #tpu.memory_space<vmem>>) semaphore(%arg28 : memref<!tpu.dma_semaphore, #tpu.memory_space<semaphore_mem>>)
    %dma_start3A_57 = arith.constant 480 : i32
    %dma_start3A_58 = tpu.memref_slice %arg7[%dma_start3A_57] : memref<10000xi32, #tpu.memory_space<vmem>> -> memref<80xi32, #tpu.memory_space<vmem>>
    %dma_start3A_59 = arith.constant 0 : i32
    %dma_start3A_60 = arith.constant 0 : i32
    %dma_start3A_61 = tpu.memref_slice %arg43[%dma_start3A_59, %dma_start3A_60] : memref<10240x16xf32, #tpu.memory_space<vmem_shared>> -> memref<10240x16xf32, #tpu.memory_space<vmem_shared>>
    tpu.enqueue_indirect_dma source(%dma_start3A_61 : memref<10240x16xf32, #tpu.memory_space<vmem_shared>>) target(%arg15 : memref<80x16xf32, #tpu.memory_space<vmem>>) offsets(%dma_start3A_58 : memref<80xi32, #tpu.memory_space<vmem>>) semaphore(%arg29 : memref<!tpu.dma_semaphore, #tpu.memory_space<semaphore_mem>>)
    %dma_start3A_62 = arith.constant 560 : i32
    %dma_start3A_63 = tpu.memref_slice %arg7[%dma_start3A_62] : memref<10000xi32, #tpu.memory_space<vmem>> -> memref<80xi32, #tpu.memory_space<vmem>>
    %dma_start3A_64 = arith.constant 0 : i32
    %dma_start3A_65 = arith.constant 0 : i32
    %dma_start3A_66 = tpu.memref_slice %arg43[%dma_start3A_64, %dma_start3A_65] : memref<10240x16xf32, #tpu.memory_space<vmem_shared>> -> memref<10240x16xf32, #tpu.memory_space<vmem_shared>>
    tpu.enqueue_indirect_dma source(%dma_start3A_66 : memref<10240x16xf32, #tpu.memory_space<vmem_shared>>) target(%arg16 : memref<80x16xf32, #tpu.memory_space<vmem>>) offsets(%dma_start3A_63 : memref<80xi32, #tpu.memory_space<vmem>>) semaphore(%arg30 : memref<!tpu.dma_semaphore, #tpu.memory_space<semaphore_mem>>)
    %dma_start3A_67 = arith.constant 640 : i32
    %dma_start3A_68 = tpu.memref_slice %arg7[%dma_start3A_67] : memref<10000xi32, #tpu.memory_space<vmem>> -> memref<80xi32, #tpu.memory_space<vmem>>
    %dma_start3A_69 = arith.constant 0 : i32
    %dma_start3A_70 = arith.constant 0 : i32
    %dma_start3A_71 = tpu.memref_slice %arg43[%dma_start3A_69, %dma_start3A_70] : memref<10240x16xf32, #tpu.memory_space<vmem_shared>> -> memref<10240x16xf32, #tpu.memory_space<vmem_shared>>
    tpu.enqueue_indirect_dma source(%dma_start3A_71 : memref<10240x16xf32, #tpu.memory_space<vmem_shared>>) target(%arg17 : memref<80x16xf32, #tpu.memory_space<vmem>>) offsets(%dma_start3A_68 : memref<80xi32, #tpu.memory_space<vmem>>) semaphore(%arg31 : memref<!tpu.dma_semaphore, #tpu.memory_space<semaphore_mem>>)
    %dma_start3A_72 = arith.constant 720 : i32
    %dma_start3A_73 = tpu.memref_slice %arg7[%dma_start3A_72] : memref<10000xi32, #tpu.memory_space<vmem>> -> memref<80xi32, #tpu.memory_space<vmem>>
    %dma_start3A_74 = arith.constant 0 : i32
    %dma_start3A_75 = arith.constant 0 : i32
    %dma_start3A_76 = tpu.memref_slice %arg43[%dma_start3A_74, %dma_start3A_75] : memref<10240x16xf32, #tpu.memory_space<vmem_shared>> -> memref<10240x16xf32, #tpu.memory_space<vmem_shared>>
    tpu.enqueue_indirect_dma source(%dma_start3A_76 : memref<10240x16xf32, #tpu.memory_space<vmem_shared>>) target(%arg18 : memref<80x16xf32, #tpu.memory_space<vmem>>) offsets(%dma_start3A_73 : memref<80xi32, #tpu.memory_space<vmem>>) semaphore(%arg32 : memref<!tpu.dma_semaphore, #tpu.memory_space<semaphore_mem>>)
    %scan3A_77 = arith.constant 0 : i32
    %scan3A_78 = arith.constant 0 : i32
    %scan3A_79 = arith.constant 12 : i32
    %scan3A_80 = arith.addi %scan3A_78, %scan3A_79 : i32
    %scan3A_81 = arith.constant 1 : i32
    %scan3A_82 = scf.for %scan3A_159 = %scan3A_78 to %scan3A_80 step %scan3A_81 iter_args(%scan3A_160 = %scan3A_77) -> (i32)  : i32 {
      %mul3A_161 = arith.constant 10 : i32
      %mul3A_162 = arith.muli %scan3A_159, %mul3A_161 : i32
      %add3A_163 = arith.constant 0 : i32
      %add3A_164 = arith.addi %mul3A_162, %add3A_163 : i32
      %mul3A_165 = arith.constant 80 : i32
      %mul3A_166 = arith.muli %add3A_164, %mul3A_165 : i32
      %multiple_of3A_167 = tpu.assume_multiple %mul3A_166, 8 : i32
      %dma_wait3A_168 = tpu.memref_slice %arg7[%multiple_of3A_167] : memref<10000xi32, #tpu.memory_space<vmem>> -> memref<80xi32, #tpu.memory_space<vmem>>
      %dma_wait3A_169 = arith.constant 0 : i32
      %dma_wait3A_170 = arith.constant 0 : i32
      %dma_wait3A_171 = tpu.memref_slice %arg43[%dma_wait3A_169, %dma_wait3A_170] : memref<10240x16xf32, #tpu.memory_space<vmem_shared>> -> memref<10240x16xf32, #tpu.memory_space<vmem_shared>>
      tpu.wait_indirect_dma semaphore(%arg23 : memref<!tpu.dma_semaphore, #tpu.memory_space<semaphore_mem>>) src(%dma_wait3A_171 : memref<10240x16xf32, #tpu.memory_space<vmem_shared>>) dst(%arg9 : memref<80x16xf32, #tpu.memory_space<vmem>>)
      %mul3A_172 = arith.constant 80 : i32
      %mul3A_173 = arith.muli %add3A_164, %mul3A_172 : i32
      %multiple_of3A_174 = tpu.assume_multiple %mul3A_173, 8 : i32
      %dma_start3A_175 = tpu.memref_slice %arg8[%multiple_of3A_174] : memref<10000xi32, #tpu.memory_space<vmem>> -> memref<80xi32, #tpu.memory_space<vmem>>
      %dma_start3A_176 = arith.constant 0 : i32
      %dma_start3A_177 = arith.constant 0 : i32
      %dma_start3A_178 = tpu.memref_slice %arg44[%dma_start3A_176, %dma_start3A_177] : memref<10240x16xf32, #tpu.memory_space<vmem_shared>> -> memref<10240x16xf32, #tpu.memory_space<vmem_shared>>
      tpu.enqueue_indirect_dma source(%arg9 : memref<80x16xf32, #tpu.memory_space<vmem>>) target(%dma_start3A_178 : memref<10240x16xf32, #tpu.memory_space<vmem_shared>>) offsets(%dma_start3A_175 : memref<80xi32, #tpu.memory_space<vmem>>) semaphore(%arg33 : memref<!tpu.dma_semaphore, #tpu.memory_space<semaphore_mem>>) {add = true}
      %mul3A_179 = arith.constant 10 : i32
      %mul3A_180 = arith.muli %scan3A_159, %mul3A_179 : i32
      %add3A_181 = arith.constant 1 : i32
      %add3A_182 = arith.addi %mul3A_180, %add3A_181 : i32
      %mul3A_183 = arith.constant 80 : i32
      %mul3A_184 = arith.muli %add3A_182, %mul3A_183 : i32
      %multiple_of3A_185 = tpu.assume_multiple %mul3A_184, 8 : i32
      %dma_wait3A_186 = tpu.memref_slice %arg7[%multiple_of3A_185] : memref<10000xi32, #tpu.memory_space<vmem>> -> memref<80xi32, #tpu.memory_space<vmem>>
      %dma_wait3A_187 = arith.constant 0 : i32
      %dma_wait3A_188 = arith.constant 0 : i32
      %dma_wait3A_189 = tpu.memref_slice %arg43[%dma_wait3A_187, %dma_wait3A_188] : memref<10240x16xf32, #tpu.memory_space<vmem_shared>> -> memref<10240x16xf32, #tpu.memory_space<vmem_shared>>
      tpu.wait_indirect_dma semaphore(%arg24 : memref<!tpu.dma_semaphore, #tpu.memory_space<semaphore_mem>>) src(%dma_wait3A_189 : memref<10240x16xf32, #tpu.memory_space<vmem_shared>>) dst(%arg10 : memref<80x16xf32, #tpu.memory_space<vmem>>)
      %mul3A_190 = arith.constant 80 : i32
      %mul3A_191 = arith.muli %add3A_182, %mul3A_190 : i32
      %multiple_of3A_192 = tpu.assume_multiple %mul3A_191, 8 : i32
      %dma_start3A_193 = tpu.memref_slice %arg8[%multiple_of3A_192] : memref<10000xi32, #tpu.memory_space<vmem>> -> memref<80xi32, #tpu.memory_space<vmem>>
      %dma_start3A_194 = arith.constant 0 : i32
      %dma_start3A_195 = arith.constant 0 : i32
      %dma_start3A_196 = tpu.memref_slice %arg44[%dma_start3A_194, %dma_start3A_195] : memref<10240x16xf32, #tpu.memory_space<vmem_shared>> -> memref<10240x16xf32, #tpu.memory_space<vmem_shared>>
      tpu.enqueue_indirect_dma source(%arg10 : memref<80x16xf32, #tpu.memory_space<vmem>>) target(%dma_start3A_196 : memref<10240x16xf32, #tpu.memory_space<vmem_shared>>) offsets(%dma_start3A_193 : memref<80xi32, #tpu.memory_space<vmem>>) semaphore(%arg34 : memref<!tpu.dma_semaphore, #tpu.memory_space<semaphore_mem>>) {add = true}
      %mul3A_197 = arith.constant 10 : i32
      %mul3A_198 = arith.muli %scan3A_159, %mul3A_197 : i32
      %add3A_199 = arith.constant 2 : i32
      %add3A_200 = arith.addi %mul3A_198, %add3A_199 : i32
      %mul3A_201 = arith.constant 80 : i32
      %mul3A_202 = arith.muli %add3A_200, %mul3A_201 : i32
      %multiple_of3A_203 = tpu.assume_multiple %mul3A_202, 8 : i32
      %dma_wait3A_204 = tpu.memref_slice %arg7[%multiple_of3A_203] : memref<10000xi32, #tpu.memory_space<vmem>> -> memref<80xi32, #tpu.memory_space<vmem>>
      %dma_wait3A_205 = arith.constant 0 : i32
      %dma_wait3A_206 = arith.constant 0 : i32
      %dma_wait3A_207 = tpu.memref_slice %arg43[%dma_wait3A_205, %dma_wait3A_206] : memref<10240x16xf32, #tpu.memory_space<vmem_shared>> -> memref<10240x16xf32, #tpu.memory_space<vmem_shared>>
      tpu.wait_indirect_dma semaphore(%arg25 : memref<!tpu.dma_semaphore, #tpu.memory_space<semaphore_mem>>) src(%dma_wait3A_207 : memref<10240x16xf32, #tpu.memory_space<vmem_shared>>) dst(%arg11 : memref<80x16xf32, #tpu.memory_space<vmem>>)
      %mul3A_208 = arith.constant 80 : i32
      %mul3A_209 = arith.muli %add3A_200, %mul3A_208 : i32
      %multiple_of3A_210 = tpu.assume_multiple %mul3A_209, 8 : i32
      %dma_start3A_211 = tpu.memref_slice %arg8[%multiple_of3A_210] : memref<10000xi32, #tpu.memory_space<vmem>> -> memref<80xi32, #tpu.memory_space<vmem>>
      %dma_start3A_212 = arith.constant 0 : i32
      %dma_start3A_213 = arith.constant 0 : i32
      %dma_start3A_214 = tpu.memref_slice %arg44[%dma_start3A_212, %dma_start3A_213] : memref<10240x16xf32, #tpu.memory_space<vmem_shared>> -> memref<10240x16xf32, #tpu.memory_space<vmem_shared>>
      tpu.enqueue_indirect_dma source(%arg11 : memref<80x16xf32, #tpu.memory_space<vmem>>) target(%dma_start3A_214 : memref<10240x16xf32, #tpu.memory_space<vmem_shared>>) offsets(%dma_start3A_211 : memref<80xi32, #tpu.memory_space<vmem>>) semaphore(%arg35 : memref<!tpu.dma_semaphore, #tpu.memory_space<semaphore_mem>>) {add = true}
      %mul3A_215 = arith.constant 10 : i32
      %mul3A_216 = arith.muli %scan3A_159, %mul3A_215 : i32
      %add3A_217 = arith.constant 3 : i32
      %add3A_218 = arith.addi %mul3A_216, %add3A_217 : i32
      %mul3A_219 = arith.constant 80 : i32
      %mul3A_220 = arith.muli %add3A_218, %mul3A_219 : i32
      %multiple_of3A_221 = tpu.assume_multiple %mul3A_220, 8 : i32
      %dma_wait3A_222 = tpu.memref_slice %arg7[%multiple_of3A_221] : memref<10000xi32, #tpu.memory_space<vmem>> -> memref<80xi32, #tpu.memory_space<vmem>>
      %dma_wait3A_223 = arith.constant 0 : i32
      %dma_wait3A_224 = arith.constant 0 : i32
      %dma_wait3A_225 = tpu.memref_slice %arg43[%dma_wait3A_223, %dma_wait3A_224] : memref<10240x16xf32, #tpu.memory_space<vmem_shared>> -> memref<10240x16xf32, #tpu.memory_space<vmem_shared>>
      tpu.wait_indirect_dma semaphore(%arg26 : memref<!tpu.dma_semaphore, #tpu.memory_space<semaphore_mem>>) src(%dma_wait3A_225 : memref<10240x16xf32, #tpu.memory_space<vmem_shared>>) dst(%arg12 : memref<80x16xf32, #tpu.memory_space<vmem>>)
      %mul3A_226 = arith.constant 80 : i32
      %mul3A_227 = arith.muli %add3A_218, %mul3A_226 : i32
      %multiple_of3A_228 = tpu.assume_multiple %mul3A_227, 8 : i32
      %dma_start3A_229 = tpu.memref_slice %arg8[%multiple_of3A_228] : memref<10000xi32, #tpu.memory_space<vmem>> -> memref<80xi32, #tpu.memory_space<vmem>>
      %dma_start3A_230 = arith.constant 0 : i32
      %dma_start3A_231 = arith.constant 0 : i32
      %dma_start3A_232 = tpu.memref_slice %arg44[%dma_start3A_230, %dma_start3A_231] : memref<10240x16xf32, #tpu.memory_space<vmem_shared>> -> memref<10240x16xf32, #tpu.memory_space<vmem_shared>>
      tpu.enqueue_indirect_dma source(%arg12 : memref<80x16xf32, #tpu.memory_space<vmem>>) target(%dma_start3A_232 : memref<10240x16xf32, #tpu.memory_space<vmem_shared>>) offsets(%dma_start3A_229 : memref<80xi32, #tpu.memory_space<vmem>>) semaphore(%arg36 : memref<!tpu.dma_semaphore, #tpu.memory_space<semaphore_mem>>) {add = true}
      %mul3A_233 = arith.constant 10 : i32
      %mul3A_234 = arith.muli %scan3A_159, %mul3A_233 : i32
      %add3A_235 = arith.constant 4 : i32
      %add3A_236 = arith.addi %mul3A_234, %add3A_235 : i32
      %mul3A_237 = arith.constant 80 : i32
      %mul3A_238 = arith.muli %add3A_236, %mul3A_237 : i32
      %multiple_of3A_239 = tpu.assume_multiple %mul3A_238, 8 : i32
      %dma_wait3A_240 = tpu.memref_slice %arg7[%multiple_of3A_239] : memref<10000xi32, #tpu.memory_space<vmem>> -> memref<80xi32, #tpu.memory_space<vmem>>
      %dma_wait3A_241 = arith.constant 0 : i32
      %dma_wait3A_242 = arith.constant 0 : i32
      %dma_wait3A_243 = tpu.memref_slice %arg43[%dma_wait3A_241, %dma_wait3A_242] : memref<10240x16xf32, #tpu.memory_space<vmem_shared>> -> memref<10240x16xf32, #tpu.memory_space<vmem_shared>>
      tpu.wait_indirect_dma semaphore(%arg27 : memref<!tpu.dma_semaphore, #tpu.memory_space<semaphore_mem>>) src(%dma_wait3A_243 : memref<10240x16xf32, #tpu.memory_space<vmem_shared>>) dst(%arg13 : memref<80x16xf32, #tpu.memory_space<vmem>>)
      %mul3A_244 = arith.constant 80 : i32
      %mul3A_245 = arith.muli %add3A_236, %mul3A_244 : i32
      %multiple_of3A_246 = tpu.assume_multiple %mul3A_245, 8 : i32
      %dma_start3A_247 = tpu.memref_slice %arg8[%multiple_of3A_246] : memref<10000xi32, #tpu.memory_space<vmem>> -> memref<80xi32, #tpu.memory_space<vmem>>
      %dma_start3A_248 = arith.constant 0 : i32
      %dma_start3A_249 = arith.constant 0 : i32
      %dma_start3A_250 = tpu.memref_slice %arg44[%dma_start3A_248, %dma_start3A_249] : memref<10240x16xf32, #tpu.memory_space<vmem_shared>> -> memref<10240x16xf32, #tpu.memory_space<vmem_shared>>
      tpu.enqueue_indirect_dma source(%arg13 : memref<80x16xf32, #tpu.memory_space<vmem>>) target(%dma_start3A_250 : memref<10240x16xf32, #tpu.memory_space<vmem_shared>>) offsets(%dma_start3A_247 : memref<80xi32, #tpu.memory_space<vmem>>) semaphore(%arg37 : memref<!tpu.dma_semaphore, #tpu.memory_space<semaphore_mem>>) {add = true}
      %mul3A_251 = arith.constant 10 : i32
      %mul3A_252 = arith.muli %scan3A_159, %mul3A_251 : i32
      %add3A_253 = arith.constant 5 : i32
      %add3A_254 = arith.addi %mul3A_252, %add3A_253 : i32
      %mul3A_255 = arith.constant 80 : i32
      %mul3A_256 = arith.muli %add3A_254, %mul3A_255 : i32
      %multiple_of3A_257 = tpu.assume_multiple %mul3A_256, 8 : i32
      %dma_wait3A_258 = tpu.memref_slice %arg7[%multiple_of3A_257] : memref<10000xi32, #tpu.memory_space<vmem>> -> memref<80xi32, #tpu.memory_space<vmem>>
      %dma_wait3A_259 = arith.constant 0 : i32
      %dma_wait3A_260 = arith.constant 0 : i32
      %dma_wait3A_261 = tpu.memref_slice %arg43[%dma_wait3A_259, %dma_wait3A_260] : memref<10240x16xf32, #tpu.memory_space<vmem_shared>> -> memref<10240x16xf32, #tpu.memory_space<vmem_shared>>
      tpu.wait_indirect_dma semaphore(%arg28 : memref<!tpu.dma_semaphore, #tpu.memory_space<semaphore_mem>>) src(%dma_wait3A_261 : memref<10240x16xf32, #tpu.memory_space<vmem_shared>>) dst(%arg14 : memref<80x16xf32, #tpu.memory_space<vmem>>)
      %mul3A_262 = arith.constant 80 : i32
      %mul3A_263 = arith.muli %add3A_254, %mul3A_262 : i32
      %multiple_of3A_264 = tpu.assume_multiple %mul3A_263, 8 : i32
      %dma_start3A_265 = tpu.memref_slice %arg8[%multiple_of3A_264] : memref<10000xi32, #tpu.memory_space<vmem>> -> memref<80xi32, #tpu.memory_space<vmem>>
      %dma_start3A_266 = arith.constant 0 : i32
      %dma_start3A_267 = arith.constant 0 : i32
      %dma_start3A_268 = tpu.memref_slice %arg44[%dma_start3A_266, %dma_start3A_267] : memref<10240x16xf32, #tpu.memory_space<vmem_shared>> -> memref<10240x16xf32, #tpu.memory_space<vmem_shared>>
      tpu.enqueue_indirect_dma source(%arg14 : memref<80x16xf32, #tpu.memory_space<vmem>>) target(%dma_start3A_268 : memref<10240x16xf32, #tpu.memory_space<vmem_shared>>) offsets(%dma_start3A_265 : memref<80xi32, #tpu.memory_space<vmem>>) semaphore(%arg38 : memref<!tpu.dma_semaphore, #tpu.memory_space<semaphore_mem>>) {add = true}
      %mul3A_269 = arith.constant 10 : i32
      %mul3A_270 = arith.muli %scan3A_159, %mul3A_269 : i32
      %add3A_271 = arith.constant 6 : i32
      %add3A_272 = arith.addi %mul3A_270, %add3A_271 : i32
      %mul3A_273 = arith.constant 80 : i32
      %mul3A_274 = arith.muli %add3A_272, %mul3A_273 : i32
      %multiple_of3A_275 = tpu.assume_multiple %mul3A_274, 8 : i32
      %dma_wait3A_276 = tpu.memref_slice %arg7[%multiple_of3A_275] : memref<10000xi32, #tpu.memory_space<vmem>> -> memref<80xi32, #tpu.memory_space<vmem>>
      %dma_wait3A_277 = arith.constant 0 : i32
      %dma_wait3A_278 = arith.constant 0 : i32
      %dma_wait3A_279 = tpu.memref_slice %arg43[%dma_wait3A_277, %dma_wait3A_278] : memref<10240x16xf32, #tpu.memory_space<vmem_shared>> -> memref<10240x16xf32, #tpu.memory_space<vmem_shared>>
      tpu.wait_indirect_dma semaphore(%arg29 : memref<!tpu.dma_semaphore, #tpu.memory_space<semaphore_mem>>) src(%dma_wait3A_279 : memref<10240x16xf32, #tpu.memory_space<vmem_shared>>) dst(%arg15 : memref<80x16xf32, #tpu.memory_space<vmem>>)
      %mul3A_280 = arith.constant 80 : i32
      %mul3A_281 = arith.muli %add3A_272, %mul3A_280 : i32
      %multiple_of3A_282 = tpu.assume_multiple %mul3A_281, 8 : i32
      %dma_start3A_283 = tpu.memref_slice %arg8[%multiple_of3A_282] : memref<10000xi32, #tpu.memory_space<vmem>> -> memref<80xi32, #tpu.memory_space<vmem>>
      %dma_start3A_284 = arith.constant 0 : i32
      %dma_start3A_285 = arith.constant 0 : i32
      %dma_start3A_286 = tpu.memref_slice %arg44[%dma_start3A_284, %dma_start3A_285] : memref<10240x16xf32, #tpu.memory_space<vmem_shared>> -> memref<10240x16xf32, #tpu.memory_space<vmem_shared>>
      tpu.enqueue_indirect_dma source(%arg15 : memref<80x16xf32, #tpu.memory_space<vmem>>) target(%dma_start3A_286 : memref<10240x16xf32, #tpu.memory_space<vmem_shared>>) offsets(%dma_start3A_283 : memref<80xi32, #tpu.memory_space<vmem>>) semaphore(%arg39 : memref<!tpu.dma_semaphore, #tpu.memory_space<semaphore_mem>>) {add = true}
      %mul3A_287 = arith.constant 10 : i32
      %mul3A_288 = arith.muli %scan3A_159, %mul3A_287 : i32
      %add3A_289 = arith.constant 7 : i32
      %add3A_290 = arith.addi %mul3A_288, %add3A_289 : i32
      %mul3A_291 = arith.constant 80 : i32
      %mul3A_292 = arith.muli %add3A_290, %mul3A_291 : i32
      %multiple_of3A_293 = tpu.assume_multiple %mul3A_292, 8 : i32
      %dma_wait3A_294 = tpu.memref_slice %arg7[%multiple_of3A_293] : memref<10000xi32, #tpu.memory_space<vmem>> -> memref<80xi32, #tpu.memory_space<vmem>>
      %dma_wait3A_295 = arith.constant 0 : i32
      %dma_wait3A_296 = arith.constant 0 : i32
      %dma_wait3A_297 = tpu.memref_slice %arg43[%dma_wait3A_295, %dma_wait3A_296] : memref<10240x16xf32, #tpu.memory_space<vmem_shared>> -> memref<10240x16xf32, #tpu.memory_space<vmem_shared>>
      tpu.wait_indirect_dma semaphore(%arg30 : memref<!tpu.dma_semaphore, #tpu.memory_space<semaphore_mem>>) src(%dma_wait3A_297 : memref<10240x16xf32, #tpu.memory_space<vmem_shared>>) dst(%arg16 : memref<80x16xf32, #tpu.memory_space<vmem>>)
      %mul3A_298 = arith.constant 80 : i32
      %mul3A_299 = arith.muli %add3A_290, %mul3A_298 : i32
      %multiple_of3A_300 = tpu.assume_multiple %mul3A_299, 8 : i32
      %dma_start3A_301 = tpu.memref_slice %arg8[%multiple_of3A_300] : memref<10000xi32, #tpu.memory_space<vmem>> -> memref<80xi32, #tpu.memory_space<vmem>>
      %dma_start3A_302 = arith.constant 0 : i32
      %dma_start3A_303 = arith.constant 0 : i32
      %dma_start3A_304 = tpu.memref_slice %arg44[%dma_start3A_302, %dma_start3A_303] : memref<10240x16xf32, #tpu.memory_space<vmem_shared>> -> memref<10240x16xf32, #tpu.memory_space<vmem_shared>>
      tpu.enqueue_indirect_dma source(%arg16 : memref<80x16xf32, #tpu.memory_space<vmem>>) target(%dma_start3A_304 : memref<10240x16xf32, #tpu.memory_space<vmem_shared>>) offsets(%dma_start3A_301 : memref<80xi32, #tpu.memory_space<vmem>>) semaphore(%arg40 : memref<!tpu.dma_semaphore, #tpu.memory_space<semaphore_mem>>) {add = true}
      %mul3A_305 = arith.constant 10 : i32
      %mul3A_306 = arith.muli %scan3A_159, %mul3A_305 : i32
      %add3A_307 = arith.constant 8 : i32
      %add3A_308 = arith.addi %mul3A_306, %add3A_307 : i32
      %mul3A_309 = arith.constant 80 : i32
      %mul3A_310 = arith.muli %add3A_308, %mul3A_309 : i32
      %multiple_of3A_311 = tpu.assume_multiple %mul3A_310, 8 : i32
      %dma_wait3A_312 = tpu.memref_slice %arg7[%multiple_of3A_311] : memref<10000xi32, #tpu.memory_space<vmem>> -> memref<80xi32, #tpu.memory_space<vmem>>
      %dma_wait3A_313 = arith.constant 0 : i32
      %dma_wait3A_314 = arith.constant 0 : i32
      %dma_wait3A_315 = tpu.memref_slice %arg43[%dma_wait3A_313, %dma_wait3A_314] : memref<10240x16xf32, #tpu.memory_space<vmem_shared>> -> memref<10240x16xf32, #tpu.memory_space<vmem_shared>>
      tpu.wait_indirect_dma semaphore(%arg31 : memref<!tpu.dma_semaphore, #tpu.memory_space<semaphore_mem>>) src(%dma_wait3A_315 : memref<10240x16xf32, #tpu.memory_space<vmem_shared>>) dst(%arg17 : memref<80x16xf32, #tpu.memory_space<vmem>>)
      %mul3A_316 = arith.constant 80 : i32
      %mul3A_317 = arith.muli %add3A_308, %mul3A_316 : i32
      %multiple_of3A_318 = tpu.assume_multiple %mul3A_317, 8 : i32
      %dma_start3A_319 = tpu.memref_slice %arg8[%multiple_of3A_318] : memref<10000xi32, #tpu.memory_space<vmem>> -> memref<80xi32, #tpu.memory_space<vmem>>
      %dma_start3A_320 = arith.constant 0 : i32
      %dma_start3A_321 = arith.constant 0 : i32
      %dma_start3A_322 = tpu.memref_slice %arg44[%dma_start3A_320, %dma_start3A_321] : memref<10240x16xf32, #tpu.memory_space<vmem_shared>> -> memref<10240x16xf32, #tpu.memory_space<vmem_shared>>
      tpu.enqueue_indirect_dma source(%arg17 : memref<80x16xf32, #tpu.memory_space<vmem>>) target(%dma_start3A_322 : memref<10240x16xf32, #tpu.memory_space<vmem_shared>>) offsets(%dma_start3A_319 : memref<80xi32, #tpu.memory_space<vmem>>) semaphore(%arg41 : memref<!tpu.dma_semaphore, #tpu.memory_space<semaphore_mem>>) {add = true}
      %mul3A_323 = arith.constant 10 : i32
      %mul3A_324 = arith.muli %scan3A_159, %mul3A_323 : i32
      %add3A_325 = arith.constant 9 : i32
      %add3A_326 = arith.addi %mul3A_324, %add3A_325 : i32
      %mul3A_327 = arith.constant 80 : i32
      %mul3A_328 = arith.muli %add3A_326, %mul3A_327 : i32
      %multiple_of3A_329 = tpu.assume_multiple %mul3A_328, 8 : i32
      %dma_wait3A_330 = tpu.memref_slice %arg7[%multiple_of3A_329] : memref<10000xi32, #tpu.memory_space<vmem>> -> memref<80xi32, #tpu.memory_space<vmem>>
      %dma_wait3A_331 = arith.constant 0 : i32
      %dma_wait3A_332 = arith.constant 0 : i32
      %dma_wait3A_333 = tpu.memref_slice %arg43[%dma_wait3A_331, %dma_wait3A_332] : memref<10240x16xf32, #tpu.memory_space<vmem_shared>> -> memref<10240x16xf32, #tpu.memory_space<vmem_shared>>
      tpu.wait_indirect_dma semaphore(%arg32 : memref<!tpu.dma_semaphore, #tpu.memory_space<semaphore_mem>>) src(%dma_wait3A_333 : memref<10240x16xf32, #tpu.memory_space<vmem_shared>>) dst(%arg18 : memref<80x16xf32, #tpu.memory_space<vmem>>)
      %mul3A_334 = arith.constant 80 : i32
      %mul3A_335 = arith.muli %add3A_326, %mul3A_334 : i32
      %multiple_of3A_336 = tpu.assume_multiple %mul3A_335, 8 : i32
      %dma_start3A_337 = tpu.memref_slice %arg8[%multiple_of3A_336] : memref<10000xi32, #tpu.memory_space<vmem>> -> memref<80xi32, #tpu.memory_space<vmem>>
      %dma_start3A_338 = arith.constant 0 : i32
      %dma_start3A_339 = arith.constant 0 : i32
      %dma_start3A_340 = tpu.memref_slice %arg44[%dma_start3A_338, %dma_start3A_339] : memref<10240x16xf32, #tpu.memory_space<vmem_shared>> -> memref<10240x16xf32, #tpu.memory_space<vmem_shared>>
      tpu.enqueue_indirect_dma source(%arg18 : memref<80x16xf32, #tpu.memory_space<vmem>>) target(%dma_start3A_340 : memref<10240x16xf32, #tpu.memory_space<vmem_shared>>) offsets(%dma_start3A_337 : memref<80xi32, #tpu.memory_space<vmem>>) semaphore(%arg42 : memref<!tpu.dma_semaphore, #tpu.memory_space<semaphore_mem>>) {add = true}
      %mul3A_341 = arith.constant 10 : i32
      %mul3A_342 = arith.muli %scan3A_159, %mul3A_341 : i32
      %add3A_343 = arith.constant 0 : i32
      %add3A_344 = arith.addi %mul3A_342, %add3A_343 : i32
      %mul3A_345 = arith.constant 80 : i32
      %mul3A_346 = arith.muli %add3A_344, %mul3A_345 : i32
      %multiple_of3A_347 = tpu.assume_multiple %mul3A_346, 8 : i32
      %dma_wait3A_348 = tpu.memref_slice %arg8[%multiple_of3A_347] : memref<10000xi32, #tpu.memory_space<vmem>> -> memref<80xi32, #tpu.memory_space<vmem>>
      %dma_wait3A_349 = arith.constant 0 : i32
      %dma_wait3A_350 = arith.constant 0 : i32
      %dma_wait3A_351 = tpu.memref_slice %arg44[%dma_wait3A_349, %dma_wait3A_350] : memref<10240x16xf32, #tpu.memory_space<vmem_shared>> -> memref<10240x16xf32, #tpu.memory_space<vmem_shared>>
      tpu.wait_indirect_dma semaphore(%arg33 : memref<!tpu.dma_semaphore, #tpu.memory_space<semaphore_mem>>) src(%arg9 : memref<80x16xf32, #tpu.memory_space<vmem>>) dst(%dma_wait3A_351 : memref<10240x16xf32, #tpu.memory_space<vmem_shared>>)
      %add3A_352 = arith.constant 10 : i32
      %add3A_353 = arith.addi %add3A_344, %add3A_352 : i32
      %lt3A = arith.constant 125 : i32
      %lt3A_354 = arith.cmpi slt, %add3A_353, %lt3A : i32
      %convert_element_type3A = arith.extui %lt3A_354 : i1 to i32
      %cond3A = arith.constant 0 : i32
      %cond3A_355 = arith.cmpi ne, %convert_element_type3A, %cond3A : i32
      scf.if %cond3A_355 {
        %mul3A_519 = arith.constant 80 : i32
        %mul3A_520 = arith.muli %add3A_353, %mul3A_519 : i32
        %multiple_of3A_521 = tpu.assume_multiple %mul3A_520, 8 : i32
        %dma_start3A_522 = tpu.memref_slice %arg7[%multiple_of3A_521] : memref<10000xi32, #tpu.memory_space<vmem>> -> memref<80xi32, #tpu.memory_space<vmem>>
        %dma_start3A_523 = arith.constant 0 : i32
        %dma_start3A_524 = arith.constant 0 : i32
        %dma_start3A_525 = tpu.memref_slice %arg43[%dma_start3A_523, %dma_start3A_524] : memref<10240x16xf32, #tpu.memory_space<vmem_shared>> -> memref<10240x16xf32, #tpu.memory_space<vmem_shared>>
        tpu.enqueue_indirect_dma source(%dma_start3A_525 : memref<10240x16xf32, #tpu.memory_space<vmem_shared>>) target(%arg9 : memref<80x16xf32, #tpu.memory_space<vmem>>) offsets(%dma_start3A_522 : memref<80xi32, #tpu.memory_space<vmem>>) semaphore(%arg23 : memref<!tpu.dma_semaphore, #tpu.memory_space<semaphore_mem>>)
      } else {
      }
      %mul3A_356 = arith.constant 10 : i32
      %mul3A_357 = arith.muli %scan3A_159, %mul3A_356 : i32
      %add3A_358 = arith.constant 1 : i32
      %add3A_359 = arith.addi %mul3A_357, %add3A_358 : i32
      %mul3A_360 = arith.constant 80 : i32
      %mul3A_361 = arith.muli %add3A_359, %mul3A_360 : i32
      %multiple_of3A_362 = tpu.assume_multiple %mul3A_361, 8 : i32
      %dma_wait3A_363 = tpu.memref_slice %arg8[%multiple_of3A_362] : memref<10000xi32, #tpu.memory_space<vmem>> -> memref<80xi32, #tpu.memory_space<vmem>>
      %dma_wait3A_364 = arith.constant 0 : i32
      %dma_wait3A_365 = arith.constant 0 : i32
      %dma_wait3A_366 = tpu.memref_slice %arg44[%dma_wait3A_364, %dma_wait3A_365] : memref<10240x16xf32, #tpu.memory_space<vmem_shared>> -> memref<10240x16xf32, #tpu.memory_space<vmem_shared>>
      tpu.wait_indirect_dma semaphore(%arg34 : memref<!tpu.dma_semaphore, #tpu.memory_space<semaphore_mem>>) src(%arg10 : memref<80x16xf32, #tpu.memory_space<vmem>>) dst(%dma_wait3A_366 : memref<10240x16xf32, #tpu.memory_space<vmem_shared>>)
      %add3A_367 = arith.constant 10 : i32
      %add3A_368 = arith.addi %add3A_359, %add3A_367 : i32
      %lt3A_369 = arith.constant 125 : i32
      %lt3A_370 = arith.cmpi slt, %add3A_368, %lt3A_369 : i32
      %convert_element_type3A_371 = arith.extui %lt3A_370 : i1 to i32
      %cond3A_372 = arith.constant 0 : i32
      %cond3A_373 = arith.cmpi ne, %convert_element_type3A_371, %cond3A_372 : i32
      scf.if %cond3A_373 {
        %mul3A_519 = arith.constant 80 : i32
        %mul3A_520 = arith.muli %add3A_368, %mul3A_519 : i32
        %multiple_of3A_521 = tpu.assume_multiple %mul3A_520, 8 : i32
        %dma_start3A_522 = tpu.memref_slice %arg7[%multiple_of3A_521] : memref<10000xi32, #tpu.memory_space<vmem>> -> memref<80xi32, #tpu.memory_space<vmem>>
        %dma_start3A_523 = arith.constant 0 : i32
        %dma_start3A_524 = arith.constant 0 : i32
        %dma_start3A_525 = tpu.memref_slice %arg43[%dma_start3A_523, %dma_start3A_524] : memref<10240x16xf32, #tpu.memory_space<vmem_shared>> -> memref<10240x16xf32, #tpu.memory_space<vmem_shared>>
        tpu.enqueue_indirect_dma source(%dma_start3A_525 : memref<10240x16xf32, #tpu.memory_space<vmem_shared>>) target(%arg10 : memref<80x16xf32, #tpu.memory_space<vmem>>) offsets(%dma_start3A_522 : memref<80xi32, #tpu.memory_space<vmem>>) semaphore(%arg24 : memref<!tpu.dma_semaphore, #tpu.memory_space<semaphore_mem>>)
      } else {
      }
      %mul3A_374 = arith.constant 10 : i32
      %mul3A_375 = arith.muli %scan3A_159, %mul3A_374 : i32
      %add3A_376 = arith.constant 2 : i32
      %add3A_377 = arith.addi %mul3A_375, %add3A_376 : i32
      %mul3A_378 = arith.constant 80 : i32
      %mul3A_379 = arith.muli %add3A_377, %mul3A_378 : i32
      %multiple_of3A_380 = tpu.assume_multiple %mul3A_379, 8 : i32
      %dma_wait3A_381 = tpu.memref_slice %arg8[%multiple_of3A_380] : memref<10000xi32, #tpu.memory_space<vmem>> -> memref<80xi32, #tpu.memory_space<vmem>>
      %dma_wait3A_382 = arith.constant 0 : i32
      %dma_wait3A_383 = arith.constant 0 : i32
      %dma_wait3A_384 = tpu.memref_slice %arg44[%dma_wait3A_382, %dma_wait3A_383] : memref<10240x16xf32, #tpu.memory_space<vmem_shared>> -> memref<10240x16xf32, #tpu.memory_space<vmem_shared>>
      tpu.wait_indirect_dma semaphore(%arg35 : memref<!tpu.dma_semaphore, #tpu.memory_space<semaphore_mem>>) src(%arg11 : memref<80x16xf32, #tpu.memory_space<vmem>>) dst(%dma_wait3A_384 : memref<10240x16xf32, #tpu.memory_space<vmem_shared>>)
      %add3A_385 = arith.constant 10 : i32
      %add3A_386 = arith.addi %add3A_377, %add3A_385 : i32
      %lt3A_387 = arith.constant 125 : i32
      %lt3A_388 = arith.cmpi slt, %add3A_386, %lt3A_387 : i32
      %convert_element_type3A_389 = arith.extui %lt3A_388 : i1 to i32
      %cond3A_390 = arith.constant 0 : i32
      %cond3A_391 = arith.cmpi ne, %convert_element_type3A_389, %cond3A_390 : i32
      scf.if %cond3A_391 {
        %mul3A_519 = arith.constant 80 : i32
        %mul3A_520 = arith.muli %add3A_386, %mul3A_519 : i32
        %multiple_of3A_521 = tpu.assume_multiple %mul3A_520, 8 : i32
        %dma_start3A_522 = tpu.memref_slice %arg7[%multiple_of3A_521] : memref<10000xi32, #tpu.memory_space<vmem>> -> memref<80xi32, #tpu.memory_space<vmem>>
        %dma_start3A_523 = arith.constant 0 : i32
        %dma_start3A_524 = arith.constant 0 : i32
        %dma_start3A_525 = tpu.memref_slice %arg43[%dma_start3A_523, %dma_start3A_524] : memref<10240x16xf32, #tpu.memory_space<vmem_shared>> -> memref<10240x16xf32, #tpu.memory_space<vmem_shared>>
        tpu.enqueue_indirect_dma source(%dma_start3A_525 : memref<10240x16xf32, #tpu.memory_space<vmem_shared>>) target(%arg11 : memref<80x16xf32, #tpu.memory_space<vmem>>) offsets(%dma_start3A_522 : memref<80xi32, #tpu.memory_space<vmem>>) semaphore(%arg25 : memref<!tpu.dma_semaphore, #tpu.memory_space<semaphore_mem>>)
      } else {
      }
      %mul3A_392 = arith.constant 10 : i32
      %mul3A_393 = arith.muli %scan3A_159, %mul3A_392 : i32
      %add3A_394 = arith.constant 3 : i32
      %add3A_395 = arith.addi %mul3A_393, %add3A_394 : i32
      %mul3A_396 = arith.constant 80 : i32
      %mul3A_397 = arith.muli %add3A_395, %mul3A_396 : i32
      %multiple_of3A_398 = tpu.assume_multiple %mul3A_397, 8 : i32
      %dma_wait3A_399 = tpu.memref_slice %arg8[%multiple_of3A_398] : memref<10000xi32, #tpu.memory_space<vmem>> -> memref<80xi32, #tpu.memory_space<vmem>>
      %dma_wait3A_400 = arith.constant 0 : i32
      %dma_wait3A_401 = arith.constant 0 : i32
      %dma_wait3A_402 = tpu.memref_slice %arg44[%dma_wait3A_400, %dma_wait3A_401] : memref<10240x16xf32, #tpu.memory_space<vmem_shared>> -> memref<10240x16xf32, #tpu.memory_space<vmem_shared>>
      tpu.wait_indirect_dma semaphore(%arg36 : memref<!tpu.dma_semaphore, #tpu.memory_space<semaphore_mem>>) src(%arg12 : memref<80x16xf32, #tpu.memory_space<vmem>>) dst(%dma_wait3A_402 : memref<10240x16xf32, #tpu.memory_space<vmem_shared>>)
      %add3A_403 = arith.constant 10 : i32
      %add3A_404 = arith.addi %add3A_395, %add3A_403 : i32
      %lt3A_405 = arith.constant 125 : i32
      %lt3A_406 = arith.cmpi slt, %add3A_404, %lt3A_405 : i32
      %convert_element_type3A_407 = arith.extui %lt3A_406 : i1 to i32
      %cond3A_408 = arith.constant 0 : i32
      %cond3A_409 = arith.cmpi ne, %convert_element_type3A_407, %cond3A_408 : i32
      scf.if %cond3A_409 {
        %mul3A_519 = arith.constant 80 : i32
        %mul3A_520 = arith.muli %add3A_404, %mul3A_519 : i32
        %multiple_of3A_521 = tpu.assume_multiple %mul3A_520, 8 : i32
        %dma_start3A_522 = tpu.memref_slice %arg7[%multiple_of3A_521] : memref<10000xi32, #tpu.memory_space<vmem>> -> memref<80xi32, #tpu.memory_space<vmem>>
        %dma_start3A_523 = arith.constant 0 : i32
        %dma_start3A_524 = arith.constant 0 : i32
        %dma_start3A_525 = tpu.memref_slice %arg43[%dma_start3A_523, %dma_start3A_524] : memref<10240x16xf32, #tpu.memory_space<vmem_shared>> -> memref<10240x16xf32, #tpu.memory_space<vmem_shared>>
        tpu.enqueue_indirect_dma source(%dma_start3A_525 : memref<10240x16xf32, #tpu.memory_space<vmem_shared>>) target(%arg12 : memref<80x16xf32, #tpu.memory_space<vmem>>) offsets(%dma_start3A_522 : memref<80xi32, #tpu.memory_space<vmem>>) semaphore(%arg26 : memref<!tpu.dma_semaphore, #tpu.memory_space<semaphore_mem>>)
      } else {
      }
      %mul3A_410 = arith.constant 10 : i32
      %mul3A_411 = arith.muli %scan3A_159, %mul3A_410 : i32
      %add3A_412 = arith.constant 4 : i32
      %add3A_413 = arith.addi %mul3A_411, %add3A_412 : i32
      %mul3A_414 = arith.constant 80 : i32
      %mul3A_415 = arith.muli %add3A_413, %mul3A_414 : i32
      %multiple_of3A_416 = tpu.assume_multiple %mul3A_415, 8 : i32
      %dma_wait3A_417 = tpu.memref_slice %arg8[%multiple_of3A_416] : memref<10000xi32, #tpu.memory_space<vmem>> -> memref<80xi32, #tpu.memory_space<vmem>>
      %dma_wait3A_418 = arith.constant 0 : i32
      %dma_wait3A_419 = arith.constant 0 : i32
      %dma_wait3A_420 = tpu.memref_slice %arg44[%dma_wait3A_418, %dma_wait3A_419] : memref<10240x16xf32, #tpu.memory_space<vmem_shared>> -> memref<10240x16xf32, #tpu.memory_space<vmem_shared>>
      tpu.wait_indirect_dma semaphore(%arg37 : memref<!tpu.dma_semaphore, #tpu.memory_space<semaphore_mem>>) src(%arg13 : memref<80x16xf32, #tpu.memory_space<vmem>>) dst(%dma_wait3A_420 : memref<10240x16xf32, #tpu.memory_space<vmem_shared>>)
      %add3A_421 = arith.constant 10 : i32
      %add3A_422 = arith.addi %add3A_413, %add3A_421 : i32
      %lt3A_423 = arith.constant 125 : i32
      %lt3A_424 = arith.cmpi slt, %add3A_422, %lt3A_423 : i32
      %convert_element_type3A_425 = arith.extui %lt3A_424 : i1 to i32
      %cond3A_426 = arith.constant 0 : i32
      %cond3A_427 = arith.cmpi ne, %convert_element_type3A_425, %cond3A_426 : i32
      scf.if %cond3A_427 {
        %mul3A_519 = arith.constant 80 : i32
        %mul3A_520 = arith.muli %add3A_422, %mul3A_519 : i32
        %multiple_of3A_521 = tpu.assume_multiple %mul3A_520, 8 : i32
        %dma_start3A_522 = tpu.memref_slice %arg7[%multiple_of3A_521] : memref<10000xi32, #tpu.memory_space<vmem>> -> memref<80xi32, #tpu.memory_space<vmem>>
        %dma_start3A_523 = arith.constant 0 : i32
        %dma_start3A_524 = arith.constant 0 : i32
        %dma_start3A_525 = tpu.memref_slice %arg43[%dma_start3A_523, %dma_start3A_524] : memref<10240x16xf32, #tpu.memory_space<vmem_shared>> -> memref<10240x16xf32, #tpu.memory_space<vmem_shared>>
        tpu.enqueue_indirect_dma source(%dma_start3A_525 : memref<10240x16xf32, #tpu.memory_space<vmem_shared>>) target(%arg13 : memref<80x16xf32, #tpu.memory_space<vmem>>) offsets(%dma_start3A_522 : memref<80xi32, #tpu.memory_space<vmem>>) semaphore(%arg27 : memref<!tpu.dma_semaphore, #tpu.memory_space<semaphore_mem>>)
      } else {
      }
      %mul3A_428 = arith.constant 10 : i32
      %mul3A_429 = arith.muli %scan3A_159, %mul3A_428 : i32
      %add3A_430 = arith.constant 5 : i32
      %add3A_431 = arith.addi %mul3A_429, %add3A_430 : i32
      %mul3A_432 = arith.constant 80 : i32
      %mul3A_433 = arith.muli %add3A_431, %mul3A_432 : i32
      %multiple_of3A_434 = tpu.assume_multiple %mul3A_433, 8 : i32
      %dma_wait3A_435 = tpu.memref_slice %arg8[%multiple_of3A_434] : memref<10000xi32, #tpu.memory_space<vmem>> -> memref<80xi32, #tpu.memory_space<vmem>>
      %dma_wait3A_436 = arith.constant 0 : i32
      %dma_wait3A_437 = arith.constant 0 : i32
      %dma_wait3A_438 = tpu.memref_slice %arg44[%dma_wait3A_436, %dma_wait3A_437] : memref<10240x16xf32, #tpu.memory_space<vmem_shared>> -> memref<10240x16xf32, #tpu.memory_space<vmem_shared>>
      tpu.wait_indirect_dma semaphore(%arg38 : memref<!tpu.dma_semaphore, #tpu.memory_space<semaphore_mem>>) src(%arg14 : memref<80x16xf32, #tpu.memory_space<vmem>>) dst(%dma_wait3A_438 : memref<10240x16xf32, #tpu.memory_space<vmem_shared>>)
      %add3A_439 = arith.constant 10 : i32
      %add3A_440 = arith.addi %add3A_431, %add3A_439 : i32
      %lt3A_441 = arith.constant 125 : i32
      %lt3A_442 = arith.cmpi slt, %add3A_440, %lt3A_441 : i32
      %convert_element_type3A_443 = arith.extui %lt3A_442 : i1 to i32
      %cond3A_444 = arith.constant 0 : i32
      %cond3A_445 = arith.cmpi ne, %convert_element_type3A_443, %cond3A_444 : i32
      scf.if %cond3A_445 {
        %mul3A_519 = arith.constant 80 : i32
        %mul3A_520 = arith.muli %add3A_440, %mul3A_519 : i32
        %multiple_of3A_521 = tpu.assume_multiple %mul3A_520, 8 : i32
        %dma_start3A_522 = tpu.memref_slice %arg7[%multiple_of3A_521] : memref<10000xi32, #tpu.memory_space<vmem>> -> memref<80xi32, #tpu.memory_space<vmem>>
        %dma_start3A_523 = arith.constant 0 : i32
        %dma_start3A_524 = arith.constant 0 : i32
        %dma_start3A_525 = tpu.memref_slice %arg43[%dma_start3A_523, %dma_start3A_524] : memref<10240x16xf32, #tpu.memory_space<vmem_shared>> -> memref<10240x16xf32, #tpu.memory_space<vmem_shared>>
        tpu.enqueue_indirect_dma source(%dma_start3A_525 : memref<10240x16xf32, #tpu.memory_space<vmem_shared>>) target(%arg14 : memref<80x16xf32, #tpu.memory_space<vmem>>) offsets(%dma_start3A_522 : memref<80xi32, #tpu.memory_space<vmem>>) semaphore(%arg28 : memref<!tpu.dma_semaphore, #tpu.memory_space<semaphore_mem>>)
      } else {
      }
      %mul3A_446 = arith.constant 10 : i32
      %mul3A_447 = arith.muli %scan3A_159, %mul3A_446 : i32
      %add3A_448 = arith.constant 6 : i32
      %add3A_449 = arith.addi %mul3A_447, %add3A_448 : i32
      %mul3A_450 = arith.constant 80 : i32
      %mul3A_451 = arith.muli %add3A_449, %mul3A_450 : i32
      %multiple_of3A_452 = tpu.assume_multiple %mul3A_451, 8 : i32
      %dma_wait3A_453 = tpu.memref_slice %arg8[%multiple_of3A_452] : memref<10000xi32, #tpu.memory_space<vmem>> -> memref<80xi32, #tpu.memory_space<vmem>>
      %dma_wait3A_454 = arith.constant 0 : i32
      %dma_wait3A_455 = arith.constant 0 : i32
      %dma_wait3A_456 = tpu.memref_slice %arg44[%dma_wait3A_454, %dma_wait3A_455] : memref<10240x16xf32, #tpu.memory_space<vmem_shared>> -> memref<10240x16xf32, #tpu.memory_space<vmem_shared>>
      tpu.wait_indirect_dma semaphore(%arg39 : memref<!tpu.dma_semaphore, #tpu.memory_space<semaphore_mem>>) src(%arg15 : memref<80x16xf32, #tpu.memory_space<vmem>>) dst(%dma_wait3A_456 : memref<10240x16xf32, #tpu.memory_space<vmem_shared>>)
      %add3A_457 = arith.constant 10 : i32
      %add3A_458 = arith.addi %add3A_449, %add3A_457 : i32
      %lt3A_459 = arith.constant 125 : i32
      %lt3A_460 = arith.cmpi slt, %add3A_458, %lt3A_459 : i32
      %convert_element_type3A_461 = arith.extui %lt3A_460 : i1 to i32
      %cond3A_462 = arith.constant 0 : i32
      %cond3A_463 = arith.cmpi ne, %convert_element_type3A_461, %cond3A_462 : i32
      scf.if %cond3A_463 {
        %mul3A_519 = arith.constant 80 : i32
        %mul3A_520 = arith.muli %add3A_458, %mul3A_519 : i32
        %multiple_of3A_521 = tpu.assume_multiple %mul3A_520, 8 : i32
        %dma_start3A_522 = tpu.memref_slice %arg7[%multiple_of3A_521] : memref<10000xi32, #tpu.memory_space<vmem>> -> memref<80xi32, #tpu.memory_space<vmem>>
        %dma_start3A_523 = arith.constant 0 : i32
        %dma_start3A_524 = arith.constant 0 : i32
        %dma_start3A_525 = tpu.memref_slice %arg43[%dma_start3A_523, %dma_start3A_524] : memref<10240x16xf32, #tpu.memory_space<vmem_shared>> -> memref<10240x16xf32, #tpu.memory_space<vmem_shared>>
        tpu.enqueue_indirect_dma source(%dma_start3A_525 : memref<10240x16xf32, #tpu.memory_space<vmem_shared>>) target(%arg15 : memref<80x16xf32, #tpu.memory_space<vmem>>) offsets(%dma_start3A_522 : memref<80xi32, #tpu.memory_space<vmem>>) semaphore(%arg29 : memref<!tpu.dma_semaphore, #tpu.memory_space<semaphore_mem>>)
      } else {
      }
      %mul3A_464 = arith.constant 10 : i32
      %mul3A_465 = arith.muli %scan3A_159, %mul3A_464 : i32
      %add3A_466 = arith.constant 7 : i32
      %add3A_467 = arith.addi %mul3A_465, %add3A_466 : i32
      %mul3A_468 = arith.constant 80 : i32
      %mul3A_469 = arith.muli %add3A_467, %mul3A_468 : i32
      %multiple_of3A_470 = tpu.assume_multiple %mul3A_469, 8 : i32
      %dma_wait3A_471 = tpu.memref_slice %arg8[%multiple_of3A_470] : memref<10000xi32, #tpu.memory_space<vmem>> -> memref<80xi32, #tpu.memory_space<vmem>>
      %dma_wait3A_472 = arith.constant 0 : i32
      %dma_wait3A_473 = arith.constant 0 : i32
      %dma_wait3A_474 = tpu.memref_slice %arg44[%dma_wait3A_472, %dma_wait3A_473] : memref<10240x16xf32, #tpu.memory_space<vmem_shared>> -> memref<10240x16xf32, #tpu.memory_space<vmem_shared>>
      tpu.wait_indirect_dma semaphore(%arg40 : memref<!tpu.dma_semaphore, #tpu.memory_space<semaphore_mem>>) src(%arg16 : memref<80x16xf32, #tpu.memory_space<vmem>>) dst(%dma_wait3A_474 : memref<10240x16xf32, #tpu.memory_space<vmem_shared>>)
      %add3A_475 = arith.constant 10 : i32
      %add3A_476 = arith.addi %add3A_467, %add3A_475 : i32
      %lt3A_477 = arith.constant 125 : i32
      %lt3A_478 = arith.cmpi slt, %add3A_476, %lt3A_477 : i32
      %convert_element_type3A_479 = arith.extui %lt3A_478 : i1 to i32
      %cond3A_480 = arith.constant 0 : i32
      %cond3A_481 = arith.cmpi ne, %convert_element_type3A_479, %cond3A_480 : i32
      scf.if %cond3A_481 {
        %mul3A_519 = arith.constant 80 : i32
        %mul3A_520 = arith.muli %add3A_476, %mul3A_519 : i32
        %multiple_of3A_521 = tpu.assume_multiple %mul3A_520, 8 : i32
        %dma_start3A_522 = tpu.memref_slice %arg7[%multiple_of3A_521] : memref<10000xi32, #tpu.memory_space<vmem>> -> memref<80xi32, #tpu.memory_space<vmem>>
        %dma_start3A_523 = arith.constant 0 : i32
        %dma_start3A_524 = arith.constant 0 : i32
        %dma_start3A_525 = tpu.memref_slice %arg43[%dma_start3A_523, %dma_start3A_524] : memref<10240x16xf32, #tpu.memory_space<vmem_shared>> -> memref<10240x16xf32, #tpu.memory_space<vmem_shared>>
        tpu.enqueue_indirect_dma source(%dma_start3A_525 : memref<10240x16xf32, #tpu.memory_space<vmem_shared>>) target(%arg16 : memref<80x16xf32, #tpu.memory_space<vmem>>) offsets(%dma_start3A_522 : memref<80xi32, #tpu.memory_space<vmem>>) semaphore(%arg30 : memref<!tpu.dma_semaphore, #tpu.memory_space<semaphore_mem>>)
      } else {
      }
      %mul3A_482 = arith.constant 10 : i32
      %mul3A_483 = arith.muli %scan3A_159, %mul3A_482 : i32
      %add3A_484 = arith.constant 8 : i32
      %add3A_485 = arith.addi %mul3A_483, %add3A_484 : i32
      %mul3A_486 = arith.constant 80 : i32
      %mul3A_487 = arith.muli %add3A_485, %mul3A_486 : i32
      %multiple_of3A_488 = tpu.assume_multiple %mul3A_487, 8 : i32
      %dma_wait3A_489 = tpu.memref_slice %arg8[%multiple_of3A_488] : memref<10000xi32, #tpu.memory_space<vmem>> -> memref<80xi32, #tpu.memory_space<vmem>>
      %dma_wait3A_490 = arith.constant 0 : i32
      %dma_wait3A_491 = arith.constant 0 : i32
      %dma_wait3A_492 = tpu.memref_slice %arg44[%dma_wait3A_490, %dma_wait3A_491] : memref<10240x16xf32, #tpu.memory_space<vmem_shared>> -> memref<10240x16xf32, #tpu.memory_space<vmem_shared>>
      tpu.wait_indirect_dma semaphore(%arg41 : memref<!tpu.dma_semaphore, #tpu.memory_space<semaphore_mem>>) src(%arg17 : memref<80x16xf32, #tpu.memory_space<vmem>>) dst(%dma_wait3A_492 : memref<10240x16xf32, #tpu.memory_space<vmem_shared>>)
      %add3A_493 = arith.constant 10 : i32
      %add3A_494 = arith.addi %add3A_485, %add3A_493 : i32
      %lt3A_495 = arith.constant 125 : i32
      %lt3A_496 = arith.cmpi slt, %add3A_494, %lt3A_495 : i32
      %convert_element_type3A_497 = arith.extui %lt3A_496 : i1 to i32
      %cond3A_498 = arith.constant 0 : i32
      %cond3A_499 = arith.cmpi ne, %convert_element_type3A_497, %cond3A_498 : i32
      scf.if %cond3A_499 {
        %mul3A_519 = arith.constant 80 : i32
        %mul3A_520 = arith.muli %add3A_494, %mul3A_519 : i32
        %multiple_of3A_521 = tpu.assume_multiple %mul3A_520, 8 : i32
        %dma_start3A_522 = tpu.memref_slice %arg7[%multiple_of3A_521] : memref<10000xi32, #tpu.memory_space<vmem>> -> memref<80xi32, #tpu.memory_space<vmem>>
        %dma_start3A_523 = arith.constant 0 : i32
        %dma_start3A_524 = arith.constant 0 : i32
        %dma_start3A_525 = tpu.memref_slice %arg43[%dma_start3A_523, %dma_start3A_524] : memref<10240x16xf32, #tpu.memory_space<vmem_shared>> -> memref<10240x16xf32, #tpu.memory_space<vmem_shared>>
        tpu.enqueue_indirect_dma source(%dma_start3A_525 : memref<10240x16xf32, #tpu.memory_space<vmem_shared>>) target(%arg17 : memref<80x16xf32, #tpu.memory_space<vmem>>) offsets(%dma_start3A_522 : memref<80xi32, #tpu.memory_space<vmem>>) semaphore(%arg31 : memref<!tpu.dma_semaphore, #tpu.memory_space<semaphore_mem>>)
      } else {
      }
      %mul3A_500 = arith.constant 10 : i32
      %mul3A_501 = arith.muli %scan3A_159, %mul3A_500 : i32
      %add3A_502 = arith.constant 9 : i32
      %add3A_503 = arith.addi %mul3A_501, %add3A_502 : i32
      %mul3A_504 = arith.constant 80 : i32
      %mul3A_505 = arith.muli %add3A_503, %mul3A_504 : i32
      %multiple_of3A_506 = tpu.assume_multiple %mul3A_505, 8 : i32
      %dma_wait3A_507 = tpu.memref_slice %arg8[%multiple_of3A_506] : memref<10000xi32, #tpu.memory_space<vmem>> -> memref<80xi32, #tpu.memory_space<vmem>>
      %dma_wait3A_508 = arith.constant 0 : i32
      %dma_wait3A_509 = arith.constant 0 : i32
      %dma_wait3A_510 = tpu.memref_slice %arg44[%dma_wait3A_508, %dma_wait3A_509] : memref<10240x16xf32, #tpu.memory_space<vmem_shared>> -> memref<10240x16xf32, #tpu.memory_space<vmem_shared>>
      tpu.wait_indirect_dma semaphore(%arg42 : memref<!tpu.dma_semaphore, #tpu.memory_space<semaphore_mem>>) src(%arg18 : memref<80x16xf32, #tpu.memory_space<vmem>>) dst(%dma_wait3A_510 : memref<10240x16xf32, #tpu.memory_space<vmem_shared>>)
      %add3A_511 = arith.constant 10 : i32
      %add3A_512 = arith.addi %add3A_503, %add3A_511 : i32
      %lt3A_513 = arith.constant 125 : i32
      %lt3A_514 = arith.cmpi slt, %add3A_512, %lt3A_513 : i32
      %convert_element_type3A_515 = arith.extui %lt3A_514 : i1 to i32
      %cond3A_516 = arith.constant 0 : i32
      %cond3A_517 = arith.cmpi ne, %convert_element_type3A_515, %cond3A_516 : i32
      scf.if %cond3A_517 {
        %mul3A_519 = arith.constant 80 : i32
        %mul3A_520 = arith.muli %add3A_512, %mul3A_519 : i32
        %multiple_of3A_521 = tpu.assume_multiple %mul3A_520, 8 : i32
        %dma_start3A_522 = tpu.memref_slice %arg7[%multiple_of3A_521] : memref<10000xi32, #tpu.memory_space<vmem>> -> memref<80xi32, #tpu.memory_space<vmem>>
        %dma_start3A_523 = arith.constant 0 : i32
        %dma_start3A_524 = arith.constant 0 : i32
        %dma_start3A_525 = tpu.memref_slice %arg43[%dma_start3A_523, %dma_start3A_524] : memref<10240x16xf32, #tpu.memory_space<vmem_shared>> -> memref<10240x16xf32, #tpu.memory_space<vmem_shared>>
        tpu.enqueue_indirect_dma source(%dma_start3A_525 : memref<10240x16xf32, #tpu.memory_space<vmem_shared>>) target(%arg18 : memref<80x16xf32, #tpu.memory_space<vmem>>) offsets(%dma_start3A_522 : memref<80xi32, #tpu.memory_space<vmem>>) semaphore(%arg32 : memref<!tpu.dma_semaphore, #tpu.memory_space<semaphore_mem>>)
      } else {
      }
      %scan3A_518 = arith.constant 0 : i32
      scf.yield %scan3A_518 : i32
    }
    %scan3A_83 = arith.constant 12 : i32
    %dma_wait3A = arith.constant 9600 : i32
    %dma_wait3A_84 = tpu.memref_slice %arg7[%dma_wait3A] : memref<10000xi32, #tpu.memory_space<vmem>> -> memref<80xi32, #tpu.memory_space<vmem>>
    %dma_wait3A_85 = arith.constant 0 : i32
    %dma_wait3A_86 = arith.constant 0 : i32
    %dma_wait3A_87 = tpu.memref_slice %arg43[%dma_wait3A_85, %dma_wait3A_86] : memref<10240x16xf32, #tpu.memory_space<vmem_shared>> -> memref<10240x16xf32, #tpu.memory_space<vmem_shared>>
    tpu.wait_indirect_dma semaphore(%arg23 : memref<!tpu.dma_semaphore, #tpu.memory_space<semaphore_mem>>) src(%dma_wait3A_87 : memref<10240x16xf32, #tpu.memory_space<vmem_shared>>) dst(%arg9 : memref<80x16xf32, #tpu.memory_space<vmem>>)
    %dma_start3A_88 = arith.constant 9600 : i32
    %dma_start3A_89 = tpu.memref_slice %arg8[%dma_start3A_88] : memref<10000xi32, #tpu.memory_space<vmem>> -> memref<80xi32, #tpu.memory_space<vmem>>
    %dma_start3A_90 = arith.constant 0 : i32
    %dma_start3A_91 = arith.constant 0 : i32
    %dma_start3A_92 = tpu.memref_slice %arg44[%dma_start3A_90, %dma_start3A_91] : memref<10240x16xf32, #tpu.memory_space<vmem_shared>> -> memref<10240x16xf32, #tpu.memory_space<vmem_shared>>
    tpu.enqueue_indirect_dma source(%arg9 : memref<80x16xf32, #tpu.memory_space<vmem>>) target(%dma_start3A_92 : memref<10240x16xf32, #tpu.memory_space<vmem_shared>>) offsets(%dma_start3A_89 : memref<80xi32, #tpu.memory_space<vmem>>) semaphore(%arg33 : memref<!tpu.dma_semaphore, #tpu.memory_space<semaphore_mem>>) {add = true}
    %dma_wait3A_93 = arith.constant 9680 : i32
    %dma_wait3A_94 = tpu.memref_slice %arg7[%dma_wait3A_93] : memref<10000xi32, #tpu.memory_space<vmem>> -> memref<80xi32, #tpu.memory_space<vmem>>
    %dma_wait3A_95 = arith.constant 0 : i32
    %dma_wait3A_96 = arith.constant 0 : i32
    %dma_wait3A_97 = tpu.memref_slice %arg43[%dma_wait3A_95, %dma_wait3A_96] : memref<10240x16xf32, #tpu.memory_space<vmem_shared>> -> memref<10240x16xf32, #tpu.memory_space<vmem_shared>>
    tpu.wait_indirect_dma semaphore(%arg24 : memref<!tpu.dma_semaphore, #tpu.memory_space<semaphore_mem>>) src(%dma_wait3A_97 : memref<10240x16xf32, #tpu.memory_space<vmem_shared>>) dst(%arg10 : memref<80x16xf32, #tpu.memory_space<vmem>>)
    %dma_start3A_98 = arith.constant 9680 : i32
    %dma_start3A_99 = tpu.memref_slice %arg8[%dma_start3A_98] : memref<10000xi32, #tpu.memory_space<vmem>> -> memref<80xi32, #tpu.memory_space<vmem>>
    %dma_start3A_100 = arith.constant 0 : i32
    %dma_start3A_101 = arith.constant 0 : i32
    %dma_start3A_102 = tpu.memref_slice %arg44[%dma_start3A_100, %dma_start3A_101] : memref<10240x16xf32, #tpu.memory_space<vmem_shared>> -> memref<10240x16xf32, #tpu.memory_space<vmem_shared>>
    tpu.enqueue_indirect_dma source(%arg10 : memref<80x16xf32, #tpu.memory_space<vmem>>) target(%dma_start3A_102 : memref<10240x16xf32, #tpu.memory_space<vmem_shared>>) offsets(%dma_start3A_99 : memref<80xi32, #tpu.memory_space<vmem>>) semaphore(%arg34 : memref<!tpu.dma_semaphore, #tpu.memory_space<semaphore_mem>>) {add = true}
    %dma_wait3A_103 = arith.constant 9760 : i32
    %dma_wait3A_104 = tpu.memref_slice %arg7[%dma_wait3A_103] : memref<10000xi32, #tpu.memory_space<vmem>> -> memref<80xi32, #tpu.memory_space<vmem>>
    %dma_wait3A_105 = arith.constant 0 : i32
    %dma_wait3A_106 = arith.constant 0 : i32
    %dma_wait3A_107 = tpu.memref_slice %arg43[%dma_wait3A_105, %dma_wait3A_106] : memref<10240x16xf32, #tpu.memory_space<vmem_shared>> -> memref<10240x16xf32, #tpu.memory_space<vmem_shared>>
    tpu.wait_indirect_dma semaphore(%arg25 : memref<!tpu.dma_semaphore, #tpu.memory_space<semaphore_mem>>) src(%dma_wait3A_107 : memref<10240x16xf32, #tpu.memory_space<vmem_shared>>) dst(%arg11 : memref<80x16xf32, #tpu.memory_space<vmem>>)
    %dma_start3A_108 = arith.constant 9760 : i32
    %dma_start3A_109 = tpu.memref_slice %arg8[%dma_start3A_108] : memref<10000xi32, #tpu.memory_space<vmem>> -> memref<80xi32, #tpu.memory_space<vmem>>
    %dma_start3A_110 = arith.constant 0 : i32
    %dma_start3A_111 = arith.constant 0 : i32
    %dma_start3A_112 = tpu.memref_slice %arg44[%dma_start3A_110, %dma_start3A_111] : memref<10240x16xf32, #tpu.memory_space<vmem_shared>> -> memref<10240x16xf32, #tpu.memory_space<vmem_shared>>
    tpu.enqueue_indirect_dma source(%arg11 : memref<80x16xf32, #tpu.memory_space<vmem>>) target(%dma_start3A_112 : memref<10240x16xf32, #tpu.memory_space<vmem_shared>>) offsets(%dma_start3A_109 : memref<80xi32, #tpu.memory_space<vmem>>) semaphore(%arg35 : memref<!tpu.dma_semaphore, #tpu.memory_space<semaphore_mem>>) {add = true}
    %dma_wait3A_113 = arith.constant 9840 : i32
    %dma_wait3A_114 = tpu.memref_slice %arg7[%dma_wait3A_113] : memref<10000xi32, #tpu.memory_space<vmem>> -> memref<80xi32, #tpu.memory_space<vmem>>
    %dma_wait3A_115 = arith.constant 0 : i32
    %dma_wait3A_116 = arith.constant 0 : i32
    %dma_wait3A_117 = tpu.memref_slice %arg43[%dma_wait3A_115, %dma_wait3A_116] : memref<10240x16xf32, #tpu.memory_space<vmem_shared>> -> memref<10240x16xf32, #tpu.memory_space<vmem_shared>>
    tpu.wait_indirect_dma semaphore(%arg26 : memref<!tpu.dma_semaphore, #tpu.memory_space<semaphore_mem>>) src(%dma_wait3A_117 : memref<10240x16xf32, #tpu.memory_space<vmem_shared>>) dst(%arg12 : memref<80x16xf32, #tpu.memory_space<vmem>>)
    %dma_start3A_118 = arith.constant 9840 : i32
    %dma_start3A_119 = tpu.memref_slice %arg8[%dma_start3A_118] : memref<10000xi32, #tpu.memory_space<vmem>> -> memref<80xi32, #tpu.memory_space<vmem>>
    %dma_start3A_120 = arith.constant 0 : i32
    %dma_start3A_121 = arith.constant 0 : i32
    %dma_start3A_122 = tpu.memref_slice %arg44[%dma_start3A_120, %dma_start3A_121] : memref<10240x16xf32, #tpu.memory_space<vmem_shared>> -> memref<10240x16xf32, #tpu.memory_space<vmem_shared>>
    tpu.enqueue_indirect_dma source(%arg12 : memref<80x16xf32, #tpu.memory_space<vmem>>) target(%dma_start3A_122 : memref<10240x16xf32, #tpu.memory_space<vmem_shared>>) offsets(%dma_start3A_119 : memref<80xi32, #tpu.memory_space<vmem>>) semaphore(%arg36 : memref<!tpu.dma_semaphore, #tpu.memory_space<semaphore_mem>>) {add = true}
    %dma_wait3A_123 = arith.constant 9920 : i32
    %dma_wait3A_124 = tpu.memref_slice %arg7[%dma_wait3A_123] : memref<10000xi32, #tpu.memory_space<vmem>> -> memref<80xi32, #tpu.memory_space<vmem>>
    %dma_wait3A_125 = arith.constant 0 : i32
    %dma_wait3A_126 = arith.constant 0 : i32
    %dma_wait3A_127 = tpu.memref_slice %arg43[%dma_wait3A_125, %dma_wait3A_126] : memref<10240x16xf32, #tpu.memory_space<vmem_shared>> -> memref<10240x16xf32, #tpu.memory_space<vmem_shared>>
    tpu.wait_indirect_dma semaphore(%arg27 : memref<!tpu.dma_semaphore, #tpu.memory_space<semaphore_mem>>) src(%dma_wait3A_127 : memref<10240x16xf32, #tpu.memory_space<vmem_shared>>) dst(%arg13 : memref<80x16xf32, #tpu.memory_space<vmem>>)
    %dma_start3A_128 = arith.constant 9920 : i32
    %dma_start3A_129 = tpu.memref_slice %arg8[%dma_start3A_128] : memref<10000xi32, #tpu.memory_space<vmem>> -> memref<80xi32, #tpu.memory_space<vmem>>
    %dma_start3A_130 = arith.constant 0 : i32
    %dma_start3A_131 = arith.constant 0 : i32
    %dma_start3A_132 = tpu.memref_slice %arg44[%dma_start3A_130, %dma_start3A_131] : memref<10240x16xf32, #tpu.memory_space<vmem_shared>> -> memref<10240x16xf32, #tpu.memory_space<vmem_shared>>
    tpu.enqueue_indirect_dma source(%arg13 : memref<80x16xf32, #tpu.memory_space<vmem>>) target(%dma_start3A_132 : memref<10240x16xf32, #tpu.memory_space<vmem_shared>>) offsets(%dma_start3A_129 : memref<80xi32, #tpu.memory_space<vmem>>) semaphore(%arg37 : memref<!tpu.dma_semaphore, #tpu.memory_space<semaphore_mem>>) {add = true}
    %dma_wait3A_133 = arith.constant 9600 : i32
    %dma_wait3A_134 = tpu.memref_slice %arg8[%dma_wait3A_133] : memref<10000xi32, #tpu.memory_space<vmem>> -> memref<80xi32, #tpu.memory_space<vmem>>
    %dma_wait3A_135 = arith.constant 0 : i32
    %dma_wait3A_136 = arith.constant 0 : i32
    %dma_wait3A_137 = tpu.memref_slice %arg44[%dma_wait3A_135, %dma_wait3A_136] : memref<10240x16xf32, #tpu.memory_space<vmem_shared>> -> memref<10240x16xf32, #tpu.memory_space<vmem_shared>>
    tpu.wait_indirect_dma semaphore(%arg33 : memref<!tpu.dma_semaphore, #tpu.memory_space<semaphore_mem>>) src(%arg9 : memref<80x16xf32, #tpu.memory_space<vmem>>) dst(%dma_wait3A_137 : memref<10240x16xf32, #tpu.memory_space<vmem_shared>>)
    %dma_wait3A_138 = arith.constant 9680 : i32
    %dma_wait3A_139 = tpu.memref_slice %arg8[%dma_wait3A_138] : memref<10000xi32, #tpu.memory_space<vmem>> -> memref<80xi32, #tpu.memory_space<vmem>>
    %dma_wait3A_140 = arith.constant 0 : i32
    %dma_wait3A_141 = arith.constant 0 : i32
    %dma_wait3A_142 = tpu.memref_slice %arg44[%dma_wait3A_140, %dma_wait3A_141] : memref<10240x16xf32, #tpu.memory_space<vmem_shared>> -> memref<10240x16xf32, #tpu.memory_space<vmem_shared>>
    tpu.wait_indirect_dma semaphore(%arg34 : memref<!tpu.dma_semaphore, #tpu.memory_space<semaphore_mem>>) src(%arg10 : memref<80x16xf32, #tpu.memory_space<vmem>>) dst(%dma_wait3A_142 : memref<10240x16xf32, #tpu.memory_space<vmem_shared>>)
    %dma_wait3A_143 = arith.constant 9760 : i32
    %dma_wait3A_144 = tpu.memref_slice %arg8[%dma_wait3A_143] : memref<10000xi32, #tpu.memory_space<vmem>> -> memref<80xi32, #tpu.memory_space<vmem>>
    %dma_wait3A_145 = arith.constant 0 : i32
    %dma_wait3A_146 = arith.constant 0 : i32
    %dma_wait3A_147 = tpu.memref_slice %arg44[%dma_wait3A_145, %dma_wait3A_146] : memref<10240x16xf32, #tpu.memory_space<vmem_shared>> -> memref<10240x16xf32, #tpu.memory_space<vmem_shared>>
    tpu.wait_indirect_dma semaphore(%arg35 : memref<!tpu.dma_semaphore, #tpu.memory_space<semaphore_mem>>) src(%arg11 : memref<80x16xf32, #tpu.memory_space<vmem>>) dst(%dma_wait3A_147 : memref<10240x16xf32, #tpu.memory_space<vmem_shared>>)
    %dma_wait3A_148 = arith.constant 9840 : i32
    %dma_wait3A_149 = tpu.memref_slice %arg8[%dma_wait3A_148] : memref<10000xi32, #tpu.memory_space<vmem>> -> memref<80xi32, #tpu.memory_space<vmem>>
    %dma_wait3A_150 = arith.constant 0 : i32
    %dma_wait3A_151 = arith.constant 0 : i32
    %dma_wait3A_152 = tpu.memref_slice %arg44[%dma_wait3A_150, %dma_wait3A_151] : memref<10240x16xf32, #tpu.memory_space<vmem_shared>> -> memref<10240x16xf32, #tpu.memory_space<vmem_shared>>
    tpu.wait_indirect_dma semaphore(%arg36 : memref<!tpu.dma_semaphore, #tpu.memory_space<semaphore_mem>>) src(%arg12 : memref<80x16xf32, #tpu.memory_space<vmem>>) dst(%dma_wait3A_152 : memref<10240x16xf32, #tpu.memory_space<vmem_shared>>)
    %dma_wait3A_153 = arith.constant 9920 : i32
    %dma_wait3A_154 = tpu.memref_slice %arg8[%dma_wait3A_153] : memref<10000xi32, #tpu.memory_space<vmem>> -> memref<80xi32, #tpu.memory_space<vmem>>
    %dma_wait3A_155 = arith.constant 0 : i32
    %dma_wait3A_156 = arith.constant 0 : i32
    %dma_wait3A_157 = tpu.memref_slice %arg44[%dma_wait3A_155, %dma_wait3A_156] : memref<10240x16xf32, #tpu.memory_space<vmem_shared>> -> memref<10240x16xf32, #tpu.memory_space<vmem_shared>>
    tpu.wait_indirect_dma semaphore(%arg37 : memref<!tpu.dma_semaphore, #tpu.memory_space<semaphore_mem>>) src(%arg13 : memref<80x16xf32, #tpu.memory_space<vmem>>) dst(%dma_wait3A_157 : memref<10240x16xf32, #tpu.memory_space<vmem_shared>>)
    %barrier3A_158 = arith.constant 0 : index
    tpu.barrier barrier_id(%barrier3A_158)
    "tpu.region"() ({
      %run_scoped3A_159 = tpu.sem_alloc : memref<!tpu.dma_semaphore, #tpu.memory_space<semaphore_mem>>
      %dma_start3A_160 = arith.constant 0 : i32
      %dma_start3A_161 = tpu.memref_slice %arg6[%arg0, %multiple_of3A, %dma_start3A_160] : memref<2x10240x16xf32, #tpu.memory_space<hbm>> -> memref<1x640x16xf32, #tpu.memory_space<hbm>>
      %dma_start3A_162 = tpu.memref_squeeze %dma_start3A_161 : memref<1x640x16xf32, #tpu.memory_space<hbm>> -> memref<640x16xf32, #tpu.memory_space<hbm>>
      %dma_start3A_163 = arith.constant 0 : i32
      %dma_start3A_164 = tpu.memref_slice %arg44[%multiple_of3A, %dma_start3A_163] : memref<10240x16xf32, #tpu.memory_space<vmem_shared>> -> memref<640x16xf32, #tpu.memory_space<vmem_shared>>
      tpu.enqueue_dma source(%dma_start3A_164 : memref<640x16xf32, #tpu.memory_space<vmem_shared>>) target(%dma_start3A_162 : memref<640x16xf32, #tpu.memory_space<hbm>>) target_semaphore(%run_scoped3A_159 : memref<!tpu.dma_semaphore, #tpu.memory_space<semaphore_mem>>)
      %dma_wait3A_165 = arith.constant 0 : i32
      %dma_wait3A_166 = tpu.memref_slice %arg6[%arg0, %multiple_of3A, %dma_wait3A_165] : memref<2x10240x16xf32, #tpu.memory_space<hbm>> -> memref<1x640x16xf32, #tpu.memory_space<hbm>>
      %dma_wait3A_167 = tpu.memref_squeeze %dma_wait3A_166 : memref<1x640x16xf32, #tpu.memory_space<hbm>> -> memref<640x16xf32, #tpu.memory_space<hbm>>
      %dma_wait3A_168 = arith.constant 0 : i32
      %dma_wait3A_169 = tpu.memref_slice %arg44[%multiple_of3A, %dma_wait3A_168] : memref<10240x16xf32, #tpu.memory_space<vmem_shared>> -> memref<640x16xf32, #tpu.memory_space<vmem_shared>>
      tpu.wait_dma2 semaphore(%run_scoped3A_159 : memref<!tpu.dma_semaphore, #tpu.memory_space<semaphore_mem>>) src(%dma_wait3A_169 : memref<640x16xf32, #tpu.memory_space<vmem_shared>>) dst(%dma_wait3A_167 : memref<640x16xf32, #tpu.memory_space<hbm>>)
      tpu.yield
    }) : () -> ()
    return
  }
}

module attributes {stable_mosaic.version = 14 : i64} {
  func.func @_p_body(%arg0: memref<10000x128xf32, #tpu.memory_space<vmem>>, %arg1: memref<128x16xf32, #tpu.memory_space<vmem>>, %arg2: memref<2x320000xi32, #tpu.memory_space<vmem>>, %arg3: memref<10240x16xf32, #tpu.memory_space<vmem>>, %arg4: memref<320000xi32, #tpu.memory_space<vmem>>, %arg5: memref<320000xi32, #tpu.memory_space<vmem>>) attributes {dimension_semantics = [], scalar_prefetch = 0 : i64, scratch_operands = 0 : i64, tpu.core_type = #tpu.core_type<tc>} {
    %get3A = arith.constant 0 : index
    %get3A_0 = arith.constant 0 : index
    %get3A_1 = vector.load %arg0[%get3A, %get3A_0] : memref<10000x128xf32, #tpu.memory_space<vmem>>, vector<10000x128xf32>
    %get3A_2 = arith.constant 0 : index
    %get3A_3 = arith.constant 0 : index
    %get3A_4 = vector.load %arg1[%get3A_2, %get3A_3] : memref<128x16xf32, #tpu.memory_space<vmem>>, vector<128x16xf32>
    %dot_general3A = arith.constant dense<0.000000e+00> : vector<10000x16xf32>
    %dot_general3A_5 = tpu.matmul %get3A_1, %get3A_4, %dot_general3A {dimension_numbers = #tpu.dot_dimension_numbers<[1], [0], [0], [1], [0, 0, 1, 1], [], []>, transpose_lhs_hint = false} : vector<10000x128xf32>, vector<128x16xf32>, vector<10000x16xf32> -> vector<10000x16xf32>
    %broadcast_in_dim3A = arith.constant 0.000000e+00 : f32
    %broadcast_in_dim3A_6 = vector.broadcast %broadcast_in_dim3A : f32 to vector<240x16xf32>
    %concatenate3A = tpu.concatenate %dot_general3A_5, %broadcast_in_dim3A_6 in 0 : vector<10000x16xf32>, vector<240x16xf32> -> vector<10240x16xf32>
    %swap3A = arith.constant 0 : index
    %swap3A_7 = arith.constant 0 : index
    %swap3A_8 = vector.load %arg3[%swap3A, %swap3A_7] : memref<10240x16xf32, #tpu.memory_space<vmem>>, vector<10240x16xf32>
    tpu.vector_store %arg3[%swap3A, %swap3A_7], %concatenate3A {strides = array<i32>} : memref<10240x16xf32, #tpu.memory_space<vmem>>, vector<10240x16xf32>,
    %get3A_9 = arith.constant 0 : index
    %get3A_10 = arith.constant 0 : index
    %get3A_11 = vector.load %arg2[%get3A_9, %get3A_10] : memref<2x320000xi32, #tpu.memory_space<vmem>>, vector<1x320000xi32>
    %get3A_12 = vector.shape_cast %get3A_11 : vector<1x320000xi32> to vector<320000xi32>
    %swap3A_13 = arith.constant 0 : index
    %swap3A_14 = vector.load %arg4[%swap3A_13] : memref<320000xi32, #tpu.memory_space<vmem>>, vector<320000xi32>
    tpu.vector_store %arg4[%swap3A_13], %get3A_12 {strides = array<i32>} : memref<320000xi32, #tpu.memory_space<vmem>>, vector<320000xi32>,
    %get3A_15 = arith.constant 1 : index
    %get3A_16 = arith.constant 0 : index
    %get3A_17 = vector.load %arg2[%get3A_15, %get3A_16] : memref<2x320000xi32, #tpu.memory_space<vmem>>, vector<1x320000xi32>
    %get3A_18 = vector.shape_cast %get3A_17 : vector<1x320000xi32> to vector<320000xi32>
    %swap3A_19 = arith.constant 0 : index
    %swap3A_20 = vector.load %arg5[%swap3A_19] : memref<320000xi32, #tpu.memory_space<vmem>>, vector<320000xi32>
    tpu.vector_store %arg5[%swap3A_19], %get3A_18 {strides = array<i32>} : memref<320000xi32, #tpu.memory_space<vmem>>, vector<320000xi32>,
    return
  }
}

module attributes {stable_mosaic.version = 14 : i64} {
  func.func @_out_body(%arg0: memref<2x10240x16xf32, #tpu.memory_space<vmem>>, %arg1: memref<2x10240xf32, #tpu.memory_space<vmem>>, %arg2: memref<16x40xf32, #tpu.memory_space<vmem>>, %arg3: memref<40xf32, #tpu.memory_space<vmem>>, %arg4: memref<10240x40xf32, #tpu.memory_space<vmem>>) attributes {dimension_semantics = [], scalar_prefetch = 0 : i64, scratch_operands = 0 : i64, tpu.core_type = #tpu.core_type<tc>} {
    %get3A = arith.constant 0 : index
    %get3A_0 = arith.constant 0 : index
    %get3A_1 = arith.constant 0 : index
    %get3A_2 = vector.load %arg0[%get3A, %get3A_0, %get3A_1] : memref<2x10240x16xf32, #tpu.memory_space<vmem>>, vector<1x10240x16xf32>
    %get3A_3 = vector.shape_cast %get3A_2 : vector<1x10240x16xf32> to vector<10240x16xf32>
    %get3A_4 = arith.constant 1 : index
    %get3A_5 = arith.constant 0 : index
    %get3A_6 = arith.constant 0 : index
    %get3A_7 = vector.load %arg0[%get3A_4, %get3A_5, %get3A_6] : memref<2x10240x16xf32, #tpu.memory_space<vmem>>, vector<1x10240x16xf32>
    %get3A_8 = vector.shape_cast %get3A_7 : vector<1x10240x16xf32> to vector<10240x16xf32>
    %add3A = arith.addf %get3A_3, %get3A_8 : vector<10240x16xf32>
    %get3A_9 = arith.constant 0 : index
    %get3A_10 = arith.constant 0 : index
    %get3A_11 = vector.load %arg1[%get3A_9, %get3A_10] : memref<2x10240xf32, #tpu.memory_space<vmem>>, vector<1x10240xf32>
    %get3A_12 = vector.shape_cast %get3A_11 : vector<1x10240xf32> to vector<10240xf32>
    %get3A_13 = arith.constant 1 : index
    %get3A_14 = arith.constant 0 : index
    %get3A_15 = vector.load %arg1[%get3A_13, %get3A_14] : memref<2x10240xf32, #tpu.memory_space<vmem>>, vector<1x10240xf32>
    %get3A_16 = vector.shape_cast %get3A_15 : vector<1x10240xf32> to vector<10240xf32>
    %add3A_17 = arith.addf %get3A_12, %get3A_16 : vector<10240xf32>
    %max3A = arith.constant 1.000000e+00 : f32
    %max3A_18 = vector.broadcast %max3A : f32 to vector<10240xf32>
    %max3A_19 = arith.maximumf %add3A_17, %max3A_18 : vector<10240xf32>
    %rsqrt3A = math.rsqrt %max3A_19 : vector<10240xf32>
    %broadcast_in_dim3A = vector.shape_cast %rsqrt3A : vector<10240xf32> to vector<10240x1xf32>
    %mul3A = vector.broadcast %broadcast_in_dim3A : vector<10240x1xf32> to vector<10240x16xf32>
    %mul3A_20 = arith.mulf %add3A, %mul3A : vector<10240x16xf32>
    %get3A_21 = arith.constant 0 : index
    %get3A_22 = arith.constant 0 : index
    %get3A_23 = vector.load %arg2[%get3A_21, %get3A_22] : memref<16x40xf32, #tpu.memory_space<vmem>>, vector<16x40xf32>
    %dot_general3A = arith.constant dense<0.000000e+00> : vector<10240x40xf32>
    %dot_general3A_24 = tpu.matmul %mul3A_20, %get3A_23, %dot_general3A {dimension_numbers = #tpu.dot_dimension_numbers<[1], [0], [0], [1], [0, 0, 1, 1], [], []>, transpose_lhs_hint = false} : vector<10240x16xf32>, vector<16x40xf32>, vector<10240x40xf32> -> vector<10240x40xf32>
    %get3A_25 = arith.constant 0 : index
    %get3A_26 = vector.load %arg3[%get3A_25] : memref<40xf32, #tpu.memory_space<vmem>>, vector<40xf32>
    %broadcast_in_dim3A_27 = vector.shape_cast %get3A_26 : vector<40xf32> to vector<1x40xf32>
    %add3A_28 = vector.broadcast %broadcast_in_dim3A_27 : vector<1x40xf32> to vector<10240x40xf32>
    %add3A_29 = arith.addf %dot_general3A_24, %add3A_28 : vector<10240x40xf32>
    %swap3A = arith.constant 0 : index
    %swap3A_30 = arith.constant 0 : index
    %swap3A_31 = vector.load %arg4[%swap3A, %swap3A_30] : memref<10240x40xf32, #tpu.memory_space<vmem>>, vector<10240x40xf32>
    tpu.vector_store %arg4[%swap3A, %swap3A_30], %add3A_29 {strides = array<i32>} : memref<10240x40xf32, #tpu.memory_space<vmem>>, vector<10240x40xf32>,
    return
  }
}

</mosaic_0001>

<sc_bundles>
// kernel: kernel.10.cloned.1.call-start
scs
__scs_entry_jumppad:
0x0: {  	(pc) =	sbr.rel $0x88, $3  }
0x1: {  	(tag) =	ssettag $0x0;
	lr =	simm.s32 $0x1  }
0x2: {  	[smem:$0x3F9B] =	sst lr;
	_ =	strace $0xD0000000  }
0x3: {  	_ = 	snop  }
0x4: {  	_ = 	snop  }
0x5: {  	_ = 	snop  }
0x6: {  	_ = 	snop  }
0x7: {  	_ = 	snop  }
__scs_overlays_trampoline_lowered:
0x8: {  	[smem:$0x3FAA] =	sst s0  }
0x9: {  	[smem:$0x3FAB] =	sst s1  }
0xa: {  	[smem:$0x3FAC] =	sst s2  }
0xb: {  	[smem:$0x3FAD] =	sst s3  }
0xc: {  	[smem:$0x3FAE] =	sst s4  }
0xd: {  	[smem:$0x3FAF] =	sst s5  }
0xe: {  	[smem:$0x3FB0] =	sst s6  }
0xf: {  	[smem:$0x3FB1] =	sst s7  }
0x10: {  	[smem:$0x3FB2] =	sst s8  }
0x11: {  	[smem:$0x3FB3] =	sst s9;
	s0 =	simm.s32 @!p0 $0x0  }
0x12: {  	s1 =	sld [smem:$0x3F99];
	s0 =	simm.s32 @p0 $0x1  }
0x13: {  	[smem:$0x3FB4] =	sst s0;
	s0 =	simm.s32 @!p1 $0x0  }
0x14: {  	s2 =	sld [smem:$0x3F98];
	s0 =	simm.s32 @p1 $0x1  }
0x15: {  	[smem:$0x3FB5] =	sst s0;
	s0 =	simm.s32 @!p2 $0x0  }
0x16: {  	s3 =	sld [smem:$0x3FDB];
	s0 =	simm.s32 @p2 $0x1  }
0x17: {  	s4 =	simm.s32 $0x1BF5;
	[smem:$0x3FB7] =	sst s0  }
0x18: {  	s0 =	sld [smem:$0x3F9A];
	_ =	swait.ge [sflag:s4], $0x0  }
0x19: {  	s7 =	sld [smem:$0x3F9B]  }
0x1a: {  	s8 =	sadd.s32 $0xFFFFE003, lr  }
0x1b: {  	s9 =	sadd.s32 $0xFFFFFEF7, lr;
	s5 =	simm.s32 $0xFFFFFFFF;
	p2 =	slt.u32 s8, $0xFFFFF086  }
0x1c: {  	p1 =	slt.u32 s9, $0xF7A;
	s5 =	simm.s32 @!p2 $0x0  }
0x1d: {  	s5 =	simm.s32 @p1 $0x1;
	p0 =	seq.s32 s7, s2  }
0x1e: {  	s7 =	smul.u32 @!p0 $0xF7A, s2;
	p2 =	seq.s32 @!p0 s5, $0x0  }
0x1f: {  	s9 =	smul.u32 $0xF7A, s1;
	s8 =	simm.s32 @!p0 $0x1BF5;
	p2 =	por !p2, p0  }
0x20: {  	[sflag:s8] =	ssyncset.s32 @!p0 $0xFFFFF086;
	s6 =	sadd.s32 @!p0 s3, s7;
	s7 =	simm.s32 @!p0 $0x108  }
0x21: {  	s3 =	sadd.s32 s3, s9;
	s6 =	sadd.s32 @!p0 $0x88, s6;
	s7 =	simm.s32 @p2 $0x1082  }
0x22: {  	[simem:s7], [sflag:s8] =	dma.local @!p0 [hbm:s6], $0xF7A  }
0x23: {  	s9 =	sor.u32 $0xD0000000, s2;
	s6 =	simm.s32 $0x108;
	_ =	swait.ge @!p0 [sflag:s8], $0x0  }
0x24: {  	s3 =	sadd.s32 $0x88, s3;
	s6 =	simm.s32 @!p1 $0x1082;
	[sflag:s4] =	ssyncset.s32 $0xFFFFF086  }
0x25: {  	[simem:s6], [sflag:s4] =	dma.local [hbm:s3], $0xF7A  }
0x26: {  	[smem:$0x3F9B] =	sst s1;
	(tag) =	ssettag s2;
	_ =	strace s9  }
0x27: {  	s1 =	sld [smem:$0x3FAB]  }
0x28: {  	s2 =	sld [smem:$0x3FAC]  }
0x29: {  	s4 =	sld [smem:$0x3FAE]  }
0x2a: {  	p0 =	seq.s32 s5, $0x0;
	s5 =	sld [smem:$0x3FAF]  }
0x2b: {  	s6 =	sld [smem:$0x3FB0]  }
0x2c: {  	s7 =	sld [smem:$0x3FB1]  }
0x2d: {  	s3 =	simm.s32 $0x108;
	s8 =	sld [smem:$0x3FB2]  }
0x2e: {  	s3 =	simm.s32 @!p0 $0x1082;
	s9 =	sld [smem:$0x3FB3]  }
0x2f: {  	lr =	sadd.s32 s0, s3;
	s0 =	sld [smem:$0x3FAA]  }
0x30: {  	s3 =	sld [smem:$0x3FAD]  }
0x31: {  	[smem:$0x3FB6] =	sst s10  }
0x32: {  	s10 =	sld [smem:$0x3FB4];
	_ =	sdelay $0x3  }
0x33: {  	p0 =	seq.s32 s10, $0x1;
	s10 =	sld [smem:$0x3FB6];
	_ =	sdelay $0x3  }
0x34: {  	[smem:$0x3FB6] =	sst s10  }
0x35: {  	s10 =	sld [smem:$0x3FB5];
	_ =	sdelay $0x3  }
0x36: {  	p1 =	seq.s32 s10, $0x1;
	s10 =	sld [smem:$0x3FB6];
	_ =	sdelay $0x3  }
0x37: {  	[smem:$0x3FB6] =	sst s10  }
0x38: {  	s10 =	sld [smem:$0x3FB7]  }
0x39: {  	_ = 	snop;
	(pc) =	sbr.ind lr, $3  }
0x3a: {  	_ = 	snop  }
0x3b: {  	_ = 	snop  }
0x3c: {  	p2 =	seq.s32 s10, $0x1;
	s10 =	sld [smem:$0x3FB6]  }
0x3d: {  	_ =	shalt  }
0x3e: {  	_ =	shalt  }
0x3f: {  	_ =	shalt  }
0x40: {  	_ =	shalt  }
0x41: {  	_ =	shalt  }
0x42: {  	_ =	shalt  }
0x43: {  	_ =	shalt  }
0x44: {  	_ =	shalt  }
0x45: {  	_ =	shalt  }
0x46: {  	_ =	shalt  }
0x47: {  	_ =	shalt  }
0x48: {  	_ =	shalt  }
0x49: {  	_ =	shalt  }
0x4a: {  	_ =	shalt  }
0x4b: {  	_ =	shalt  }
0x4c: {  	_ =	shalt  }
0x4d: {  	_ =	shalt  }
0x4e: {  	_ =	shalt  }
0x4f: {  	_ =	shalt  }
0x50: {  	_ =	shalt  }
0x51: {  	_ =	shalt  }
0x52: {  	_ =	shalt  }
0x53: {  	_ =	shalt  }
0x54: {  	_ =	shalt  }
0x55: {  	_ =	shalt  }
0x56: {  	_ =	shalt  }
0x57: {  	_ =	shalt  }
0x58: {  	_ =	shalt  }
0x59: {  	_ =	shalt  }
0x5a: {  	_ =	shalt  }
0x5b: {  	_ =	shalt  }
0x5c: {  	_ =	shalt  }
0x5d: {  	_ =	shalt  }
0x5e: {  	_ =	shalt  }
0x5f: {  	_ =	shalt  }
0x60: {  	_ =	shalt  }
0x61: {  	_ =	shalt  }
0x62: {  	_ =	shalt  }
0x63: {  	_ =	shalt  }
0x64: {  	_ =	shalt  }
0x65: {  	_ =	shalt  }
0x66: {  	_ =	shalt  }
0x67: {  	_ =	shalt  }
0x68: {  	_ =	shalt  }
0x69: {  	_ =	shalt  }
0x6a: {  	_ =	shalt  }
0x6b: {  	_ =	shalt  }
0x6c: {  	_ =	shalt  }
0x6d: {  	_ =	shalt  }
0x6e: {  	_ =	shalt  }
0x6f: {  	_ =	shalt  }
0x70: {  	_ =	shalt  }
0x71: {  	_ =	shalt  }
0x72: {  	_ =	shalt  }
0x73: {  	_ =	shalt  }
0x74: {  	_ =	shalt  }
0x75: {  	_ =	shalt  }
0x76: {  	_ =	shalt  }
0x77: {  	_ =	shalt  }
0x78: {  	_ =	shalt  }
0x79: {  	_ =	shalt  }
0x7a: {  	_ =	shalt  }
0x7b: {  	_ =	shalt  }
0x7c: {  	_ =	shalt  }
0x7d: {  	_ =	shalt  }
0x7e: {  	_ =	shalt  }
0x7f: {  	_ =	shalt  }
0x80: {  	_ =	shalt  }
0x81: {  	_ =	shalt  }
0x82: {  	_ =	shalt  }
0x83: {  	_ =	shalt  }
0x84: {  	_ =	shalt  }
0x85: {  	_ =	shalt  }
0x86: {  	_ =	shalt  }
0x87: {  	_ =	shalt  }
.Lfunc_end0:
.L_simem_size_0:
called_computation.1_lowered:
.L_overlay_start_0:
0x88: {  	s2 =	sld [smem:$0x3FD9]  }
0x89: {  	s3 =	sld [smem:$0x3FFE];
	_ =	sdelay $0x1  }
0x8a: {  	s1 =	srdreg.scid  }
0x8b: {  	s0 =	sand.u32 $0x1, s1  }
0x8c: {  	s17 =	sshll.u32 s0, $0xA;
	s2 =	sadd.s32 s3, s2  }
0x8d: {  	s2 =	sadd.s32 s2, s17  }
0x8e: {  	[smem:$0x3FC2] =	sst s2  }
0x8f: {  	_ = 	snop  }
0x90: {  	s2 =	sld [smem:$0x3FD0];
	(tm) =	ssettm $0x1  }
0x91: {  	s18 =	sld [smem:$0x3FFB];
	_ =	sdelay $0x3  }
0x92: {  	_ =	strace s18  }
0x93: {  	s3 =	sld [smem:$0x3FFC];
	_ =	sdelay $0x3  }
0x94: {  	_ =	strace s3  }
0x95: {  	s3 =	sld [smem:$0x3FFD];
	_ =	sdelay $0x3  }
0x96: {  	_ =	strace s3  }
0x97: {  	_ =	strace $0x8FFFFFFF  }
0x98: {  	s19 =	sld [smem:$0x3FDB];
	_ =	sdelay $0x1  }
0x99: {  	s4 =	simm.s32 $_scs_section_size  }
0x9a: {  	s5 =	simm.s32 $_size__tile_overlayer_lowered;
	s6 =	simm.s32 $_tile_overlayer_lowered  }
0x9b: {  	s22 =	simm.s32 $0x1BFF;
	s21 =	sshll.u32 s6, $0x1;
	s3 =	sadd.s32 s4, s19  }
0x9c: {  	s7 =	simm.s32 $0x0;
	s20 =	sshll.u32 s5, $0x1;
	s5 =	sadd.s32 s21, s3  }
0x9d: {  	[timem:s7], [sflag:s22] =	dma.local [hbm:s5], s20  }
0x9e: {  	_ =	swait.ge [sflag:s22], s20  }
0x9f: {  	s4 =	ssub.s32 $0x0, s20;
	[sflag:s22] =	ssyncset.done $0x0  }
0xa0: {  	[sflag:s22] =	ssyncadd.s32 s4;
	_ =	sdelay $0x1  }
0xa1: {  	s23 =	simm.s32 $0x1B8B  }
0xa2: {  	_ =	swait.ge [sflag:s23], $0x1  }
0xa3: {  	[sflag:s23] =	ssyncset.done $0x0  }
0xa4: {  	s25 =	simm.s32 $0x1B8E;
	s24 =	sld [smem:$0x3FFE];
	[sflag:s23] =	ssyncadd.s32 $0xFFFFFFFF  }
0xa5: {  	s26 =	simm.s32 $execute0_lowered;
	[smem:$0x3FD2] =	sst s25  }
0xa6: {  	s5 =	sshll.u32 s26, $0x1;
	_ =	strace $0x80000049;
	[dreg:$0x1] =	wrdreg $0xFFFFFFFF  }
0xa7: {  	s28 =	simm.s32 $_size_execute0_lowered;
	s3 =	sadd.s32 s3, s5;
	[dreg:$0x0] =	wrdreg $0x0  }
0xa8: {  	s5 =	sshll.u32 s28, $0x1;
	[dreg:$0x2] =	wrdreg s3  }
0xa9: {  	[dreg:$0x3] =	wrdreg s5  }
0xaa: {  	[dreg:$0x4] =	wrdreg $0xC0  }
0xab: {  	_ =	task [dreg:s7], $0x5FFFF  }
0xac: {  	[dreg:$0x1] =	wrdreg $0xFFFFFFFF  }
0xad: {  	[dreg:$0x0] =	wrdreg $0x60  }
0xae: {  	[dreg:$0x2] =	wrdreg s2  }
0xaf: {  	[dreg:$0x3] =	wrdreg s24  }
0xb0: {  	[dreg:$0x4] =	wrdreg $0xDA200  }
0xb1: {  	[dreg:$0x5] =	wrdreg $0xB2200  }
0xb2: {  	[dreg:$0x6] =	wrdreg $0x9  }
0xb3: {  	_ =	task.clear_ibuf [dreg:s7], $0x7FFFF;
	_ =	strace $0x90000049  }
0xb4: {  	s29 =	simm.s32 $0x9;
	_ =	strace $0x8000004B  }
0xb5: {  	_ =	swait.ge [sflag:s29], $0x1  }
0xb6: {  	[sflag:s29] =	ssyncadd.s32 $0xFFFFFFFF  }
0xb7: {  	_ =	strace $0x9000004B  }
0xb8: {  	_ =	sfence  }
0xb9: {  	s30 =	sld [smem:$0x0];
	_ =	sdelay $0x2  }
0xba: {  	s31 =	sshll.u32 s1, $0xD;
	s1 =	sshrl.u32 s1, $0x2  }
0xbb: {  	s3 =	sand.u32 $0x4000, s31;
	s1 =	sadd.s32 s1, s30  }
0xbc: {  	s0 =	sor.u32 s3, s0;
	s1 =	sshll.u32 s1, $0x11  }
0xbd: {  	s0 =	sor.u32 s1, s0  }
0xbe: {  	s0 =	sadd.s32 $0x8F2B, s0  }
0xbf: {  	[sflag:s0] =	ssyncadd.remote.s32 $0x1  }
0xc0: {  	_ =	sfence.sel $0xFFFF  }
0xc1: {  	[dreg:$0x0] =	wrdreg $0xFFFFFFFF;
	(pc) =	sbr.abs _section_cstart, $3  }
0xc2: {  	[dreg:$0x1] =	wrdreg $0xFFFFFFFF  }
0xc3: {  	_ =	task.clear_ibuf [dreg:s7], $0x2FFFF;
	_ =	strace $0x9FFFFFFF  }
0xc4: {  	(tm) =	ssettm $0x7FFFFFFF  }
0xc5: {  	_ =	shalt  }
tec
execute0_lowered:
.L_overlay_start_1:
0x0: {  	(tag) =	ssettag $0x1  }
0x1: {  	s0 =	rddreg [dreg:$0x0]  }
0x2: {  	s1 =	rddreg [dreg:$0x1]  }
0x3: {  	s2 =	rddreg [dreg:$0x2];
	s10 =	stileid.u32  }
0x4: {  	s4 =	srdreg.scid;
	s3 =	rddreg [dreg:$0x3];
	s28 =	simm.s32 $0x0  }
0x5: {  	s14 =	simm.s32 $0x5D20;
	s11 =	simm.s32 $0x4;
	s5 =	smul.u32 $0x280, s10  }
0x6: {  	s13 =	simm.s32 $0x5;
	s12 =	simm.s32 $0xE;
	s7 =	smul.u32 $0x2800, s10  }
0x7: {  	s30 =	simm.s32 $0x12;
	s4 =	sand.u32 $0x1, s4;
	s16 =	smul.u32 $0xA000, s10  }
0x8: {  	[smem:$0x7FF] =	sst s28;
	s6 =	sshll.u32 s4, $0x4;
	s8 =	smul.u32 $0x28000, s4  }
0x9: {  	_ =	strace $0x8000004A;
	s4 =	ssub.s32 $0x2, s4;
	s6 =	sor.u32 s10, s6  }
0xa: {  	s5 =	sshrl.u32 s5, $0x3;
	s15 =	sshrl.u32 s4, $0x1;
	s9 =	sshrl.u32 s7, $0x3  }
0xb: {  	s18 =	sadd.s32 s7, s3;
	s21 =	sadd.s32 s7, s2;
	s10 =	simm.s32 $0x3  }
0xc: {  	s6 =	smul.u32 $0x4E2, s6;
	s0 =	sadd.s32 s0, s9;
	[dreg:$0x9] =	wrdreg s18  }
0xd: {  	s5 =	sadd.s32 s5, s1;
	s31 =	sshrl.u32 s21, $0x3;
	[dreg:$0x6] =	wrdreg s0  }
0xe: {  	s8 =	sadd.s32 s7, s8;
	s17 =	sadd.s32 $0x15C00, s5;
	[dreg:$0x16] =	wrdreg s31  }
0xf: {  	s4 =	ssub.s32 s4, s15;
	s5 =	sadd.s32 $0x16100, s5;
	[dreg:$0x7] =	wrdreg s17  }
0x10: {  	s0 =	sshrl.u32 s16, $0x2;
	s4 =	smax.u32 s4, $0x1;
	[dreg:$0x8] =	wrdreg s5  }
0x11: {  	s6 =	sadd.s32 s6, s1;
	s0 =	sadd.s32 s0, s2;
	[dreg:$0xe] =	wrdreg s4  }
0x12: {  	s8 =	sshrl.u32 s8, $0x3;
	s19 =	sadd.s32 $0x2000, s6;
	[dreg:$0xd] =	wrdreg s0  }
0x13: {  	s1 =	sadd.s32 s8, s1;
	s20 =	sadd.s32 $0xBE00, s6;
	[dreg:$0xa] =	wrdreg s19  }
0x14: {  	s15 =	simm.s32 $0x6220;
	s1 =	sadd.s32 $0x17000, s1;
	[dreg:$0xb] =	wrdreg s20  }
0x15: {  	s18 =	simm.s32 $0x7620;
	s22 =	sadd.s32 $0x500, s0;
	[dreg:$0xc] =	wrdreg s1  }
0x16: {  	s9 =	simm.s32 $0x2;
	s23 =	sadd.s32 $0xA00, s0;
	[dreg:$0xf] =	wrdreg s22  }
0x17: {  	s21 =	simm.s32 $0xF;
	s24 =	sadd.s32 $0xF00, s0;
	[dreg:$0x10] =	wrdreg s23  }
0x18: {  	s17 =	simm.s32 $0x7120;
	s25 =	sadd.s32 $0x1400, s0;
	[dreg:$0x11] =	wrdreg s24  }
0x19: {  	s4 =	simm.s32 $0x7B20;
	s26 =	sadd.s32 $0x1900, s0;
	[dreg:$0x12] =	wrdreg s25  }
.Ltmp0:
0x1a: {  	s29 =	sadd.s32 $0x1E00, s0;
	[dreg:$0x13] =	wrdreg s26;
	(pc) =	sbr.rel .LBB2_1-.Ltmp0, $4  }
0x1b: {  	s8 =	simm.s32 $0x1;
	s0 =	sadd.s32 $0x2300, s0;
	[dreg:$0x14] =	wrdreg s29  }
0x1c: {  	s5 =	simm.s32 $0x14;
	[dreg:$0x15] =	wrdreg s0;
	s23 =	simm.s32 $0x8520  }
0x1d: {  	v1 =	vlaneseq.u32;
	s26 =	simm.s32 $0x50;
	s24 =	simm.s32 $0x5820;
	s19 =	simm.s32 $0xB  }
0x1e: {  	v0 =	vimm.f32 $0.0e+00;
	v1 =	vmul.u32 $0x10, v1;
	s20 =	simm.s32 $0xC;
	s25 =	simm.s32 $0xD;
	s0 =	simm.s32 $0x13  }
.LBB2_8:
0x1f: {  	s1 =	simm.s32 $0x11  }
0x20: {  	_ =	swait.ge [sflag:s1], $0x500  }
0x21: {  	[sflag:s1] =	ssyncset.done $0x0  }
0x22: {  	[sflag:s1] =	ssyncadd.s32 $0xFFFFFB00  }
0x23: {  	_ =	swait.ge [sflag:s30], $0x500  }
0x24: {  	[sflag:s30] =	ssyncset.done $0x0  }
0x25: {  	[sflag:s30] =	ssyncadd.s32 $0xFFFFFB00  }
0x26: {  	_ =	swait.ge [sflag:s0], $0x500  }
0x27: {  	[sflag:s0] =	ssyncset.done $0x0  }
0x28: {  	[sflag:s0] =	ssyncadd.s32 $0xFFFFFB00  }
0x29: {  	_ =	swait.ge [sflag:s5], $0x500  }
0x2a: {  	[sflag:s5] =	ssyncset.done $0x0  }
0x2b: {  	[sflag:s5] =	ssyncadd.s32 $0xFFFFFB00  }
0x2c: {  	_ =	swait.ge [sflag:s8], $0x500  }
0x2d: {  	[sflag:s8] =	ssyncset.done $0x0  }
0x2e: {  	s7 =	simm.s32 $0x4C90;
	[sflag:s8] =	ssyncadd.s32 $0xFFFFFB00  }
0x2f: {  	[spmem:s2] =	stream.indirect.scatter.add.f32 [tilespmem:s29], [sflag:$0xB], $0x10, s7, s26, $0xb8;
	[tilespmem:$0x10220] =	vst v63  }
0x30: {  	_ =	swait.ge [sflag:s9], $0x500  }
0x31: {  	[sflag:s9] =	ssyncset.done $0x0  }
0x32: {  	s16 =	simm.s32 $0x4CE0;
	[sflag:s9] =	ssyncadd.s32 $0xFFFFFB00  }
0x33: {  	[spmem:s2] =	stream.indirect.scatter.add.f32 [tilespmem:s31], [sflag:$0xC], $0x10, s16, s26, $0xb8;
	[tilespmem:$0x10220] =	vst v63  }
0x34: {  	_ =	swait.ge [sflag:s10], $0x500  }
0x35: {  	[sflag:s10] =	ssyncset.done $0x0  }
0x36: {  	s17 =	simm.s32 $0x4D30;
	[sflag:s10] =	ssyncadd.s32 $0xFFFFFB00  }
0x37: {  	[spmem:s2] =	stream.indirect.scatter.add.f32 [tilespmem:s24], [sflag:$0xD], $0x10, s17, s26, $0xb8;
	[tilespmem:$0x10220] =	vst v63  }
0x38: {  	_ =	swait.ge [sflag:s11], $0x500  }
0x39: {  	[sflag:s11] =	ssyncset.done $0x0  }
0x3a: {  	s18 =	simm.s32 $0x4D80;
	[sflag:s11] =	ssyncadd.s32 $0xFFFFFB00  }
0x3b: {  	[spmem:s2] =	stream.indirect.scatter.add.f32 [tilespmem:s14], [sflag:$0xE], $0x10, s18, s26, $0xb8;
	[tilespmem:$0x10220] =	vst v63  }
0x3c: {  	_ =	swait.ge [sflag:s13], $0x500  }
0x3d: {  	[sflag:s13] =	ssyncset.done $0x0  }
0x3e: {  	s22 =	simm.s32 $0x4DD0;
	[sflag:s13] =	ssyncadd.s32 $0xFFFFFB00  }
0x3f: {  	[spmem:s2] =	stream.indirect.scatter.add.f32 [tilespmem:s15], [sflag:$0xF], $0x10, s22, s26, $0xb8;
	[tilespmem:$0x10220] =	vst v63  }
0x40: {  	_ =	swait.ge [sflag:s19], $0x500  }
0x41: {  	[sflag:s19] =	ssyncset.done $0x0  }
0x42: {  	[sflag:s19] =	ssyncadd.s32 $0xFFFFFB00  }
0x43: {  	_ =	swait.ge [sflag:s20], $0x500  }
0x44: {  	[sflag:s20] =	ssyncset.done $0x0  }
0x45: {  	[sflag:s20] =	ssyncadd.s32 $0xFFFFFB00  }
0x46: {  	_ =	swait.ge [sflag:s25], $0x500  }
0x47: {  	[sflag:s25] =	ssyncset.done $0x0  }
0x48: {  	[sflag:s25] =	ssyncadd.s32 $0xFFFFFB00  }
0x49: {  	_ =	swait.ge [sflag:s12], $0x500  }
0x4a: {  	[sflag:s12] =	ssyncset.done $0x0  }
0x4b: {  	[sflag:s12] =	ssyncadd.s32 $0xFFFFFB00  }
0x4c: {  	_ =	swait.ge [sflag:s21], $0x500  }
0x4d: {  	[sflag:s21] =	ssyncset.done $0x0  }
0x4e: {  	[sflag:s21] =	ssyncadd.s32 $0xFFFFFB00  }
0x4f: {  	s6 =	stileid.u32;
	[bflag:$0x0] =	sbarrier.arrive $0xFFFF  }
0x50: {  	s6 =	sshll.u32 s6, $0x6;
	s7 =	rddreg [dreg:$0xc]  }
0x51: {  	s6 =	sor.u32 $0x1C15, s6;
	s29 =	simm.s32 $0x15;
	s28 =	rddreg [dreg:$0x16]  }
0x52: {  	[hbm:s7], [sflag:s6] =	dma.local [spmem:s28], $0x500  }
0x53: {  	_ =	swait.ge [sflag:s29], $0x500  }
0x54: {  	s28 =	rddreg [dreg:$0x5]  }
0x55: {  	s31 =	rddreg [dreg:$0xe];
	s28 =	sadd.s32 $0x1, s28  }
0x56: {  	p0 =	sne.s32 s28, s31  }
.Ltmp1:
0x57: {  	_ = 	snop;
	(pc) =	sbr.rel @!p0 .LBB2_9-.Ltmp1, $3  }
0x58: {  	_ =	sdelay $0x1  }
0x59: {  	s4 =	simm.s32 $0x7B20;
	[sflag:s29] =	ssyncset.done $0x0  }
0x5a: {  	s17 =	simm.s32 $0x7120;
	s18 =	simm.s32 $0x7620;
	[sflag:s29] =	ssyncadd.s32 $0xFFFFFB00  }
.LBB2_1:
0x5b: {  	[dreg:$0x5] =	wrdreg s28;
	s6 =	simm.s32 $0x40;
	s7 =	simm.s32 $0x0  }
.LBB2_2:
0x5c: {  	p0 =	sne.s32 s6, $0x13C0;
	[tilespmem:s7+$0x8020] =	vst v0;
	s7 =	smov.u32 s6;
	s6 =	sadd.s32 $0x40, s6  }
.Ltmp2:
0x5d: {  	(pc) =	sbr.rel @p0 .LBB2_2-.Ltmp2, $2  }
0x5e: {  	_ =	sdelay $0x2  }
0x5f: {  	s7 =	sshra.s32 s7, $0x2  }
0x60: {  	[tilespmem:s7+$0x8020] =	vst v0;
	s6 =	rddreg [dreg:$0xd];
	s7 =	simm.s32 $0x8020;
	s31 =	simm.s32 $0x15  }
0x61: {  	[spmem:s6] =	stream.linear.scatter [tilespmem:s7], [sflag:$0x15], $0x500, $0x38;
	[tilespmem:$0x10220] =	vst v63  }
0x62: {  	_ =	swait.ge [sflag:s31], $0x500  }
0x63: {  	[sflag:s31] =	ssyncset.done $0x0  }
0x64: {  	s29 =	rddreg [dreg:$0xf];
	[sflag:s31] =	ssyncadd.s32 $0xFFFFFB00  }
0x65: {  	[spmem:s29] =	stream.linear.scatter [tilespmem:s7], [sflag:$0x15], $0x500, $0x38;
	[tilespmem:$0x10220] =	vst v63  }
0x66: {  	_ =	swait.ge [sflag:s31], $0x500  }
0x67: {  	[sflag:s31] =	ssyncset.done $0x0  }
0x68: {  	s1 =	rddreg [dreg:$0x10];
	[sflag:s31] =	ssyncadd.s32 $0xFFFFFB00  }
0x69: {  	[spmem:s1] =	stream.linear.scatter [tilespmem:s7], [sflag:$0x15], $0x500, $0x38;
	[tilespmem:$0x10220] =	vst v63  }
0x6a: {  	_ =	swait.ge [sflag:s31], $0x500  }
0x6b: {  	[sflag:s31] =	ssyncset.done $0x0  }
0x6c: {  	s16 =	rddreg [dreg:$0x11];
	[sflag:s31] =	ssyncadd.s32 $0xFFFFFB00  }
0x6d: {  	[spmem:s16] =	stream.linear.scatter [tilespmem:s7], [sflag:$0x15], $0x500, $0x38;
	[tilespmem:$0x10220] =	vst v63  }
0x6e: {  	_ =	swait.ge [sflag:s31], $0x500  }
0x6f: {  	[sflag:s31] =	ssyncset.done $0x0  }
0x70: {  	s22 =	rddreg [dreg:$0x12];
	[sflag:s31] =	ssyncadd.s32 $0xFFFFFB00  }
0x71: {  	[spmem:s22] =	stream.linear.scatter [tilespmem:s7], [sflag:$0x15], $0x500, $0x38;
	[tilespmem:$0x10220] =	vst v63  }
0x72: {  	_ =	swait.ge [sflag:s31], $0x500  }
0x73: {  	[sflag:s31] =	ssyncset.done $0x0  }
0x74: {  	s29 =	rddreg [dreg:$0x13];
	[sflag:s31] =	ssyncadd.s32 $0xFFFFFB00  }
0x75: {  	[spmem:s29] =	stream.linear.scatter [tilespmem:s7], [sflag:$0x15], $0x500, $0x38;
	[tilespmem:$0x10220] =	vst v63  }
0x76: {  	_ =	swait.ge [sflag:s31], $0x500  }
0x77: {  	[sflag:s31] =	ssyncset.done $0x0  }
0x78: {  	s1 =	rddreg [dreg:$0x14];
	[sflag:s31] =	ssyncadd.s32 $0xFFFFFB00  }
0x79: {  	[spmem:s1] =	stream.linear.scatter [tilespmem:s7], [sflag:$0x15], $0x500, $0x38;
	[tilespmem:$0x10220] =	vst v63  }
0x7a: {  	_ =	swait.ge [sflag:s31], $0x500  }
0x7b: {  	[sflag:s31] =	ssyncset.done $0x0  }
0x7c: {  	s16 =	rddreg [dreg:$0x15];
	[sflag:s31] =	ssyncadd.s32 $0xFFFFFB00  }
0x7d: {  	[spmem:s16] =	stream.linear.scatter [tilespmem:s7], [sflag:$0x15], $0x500, $0x38;
	[tilespmem:$0x10220] =	vst v63  }
0x7e: {  	_ =	swait.ge [sflag:s31], $0x500  }
0x7f: {  	[sflag:s31] =	ssyncset.done $0x0  }
0x80: {  	s28 =	simm.s32 $0x0;
	s22 =	rddreg [dreg:$0x6];
	[sflag:s31] =	ssyncadd.s32 $0xFFFFFB00  }
0x81: {  	[tilespmem:s23], [sflag:$0x15] =	stream.linear.gather [hbm4b:s22+s28], $0x2800, $0x38;
	[tilespmem:$0x10220] =	vst v63  }
0x82: {  	_ =	swait.ge [sflag:s31], $0x2800  }
0x83: {  	[sflag:s31] =	ssyncset.done $0x0  }
0x84: {  	s6 =	simm.s32 $0xAD20;
	s29 =	rddreg [dreg:$0x7];
	[sflag:s31] =	ssyncadd.s32 $0xFFFFD800  }
0x85: {  	[tilespmem:s6], [sflag:$0x15] =	stream.linear.gather [hbm4b:s29+s28], $0x280, $0x38;
	[tilespmem:$0x10220] =	vst v63  }
0x86: {  	_ =	swait.ge [sflag:s31], $0x280  }
0x87: {  	[sflag:s31] =	ssyncset.done $0x0  }
0x88: {  	s7 =	simm.s32 $0xAFA0;
	s29 =	rddreg [dreg:$0x8];
	[sflag:s31] =	ssyncadd.s32 $0xFFFFFD80  }
0x89: {  	[tilespmem:s7], [sflag:$0x15] =	stream.linear.gather [hbm4b:s29+s28], $0x280, $0x38;
	[tilespmem:$0x10220] =	vst v63  }
0x8a: {  	_ =	swait.ge [sflag:s31], $0x280  }
0x8b: {  	[sflag:s31] =	ssyncset.done $0x0  }
0x8c: {  	[sflag:s31] =	ssyncadd.s32 $0xFFFFFD80  }
0x8d: {  	v2 =	vld [tilespmem:s6+$0x0]  }
0x8e: {  	v3 =	vld [tilespmem:s7+$0x0];
	_ =	sdelay $0x4  }
0x8f: {  	v2 =	vadd.f32 v3, v2;
	_ =	sdelay $0x1  }
0x90: {  	v2 =	vmax.f32 v2, $1.000000000e+00  }
0x91: {  	v3 =	vshra.s32 v2, $0x1;
	v2 =	vmul.f32 $5.000000000e-01, v2  }
0x92: {  	v3 =	vsub.s32 $0x5F3759DF, v3  }
0x93: {  	v4 =	vmul.f32 v3, v2;
	_ =	sdelay $0x1  }
0x94: {  	v4 =	vmul.f32 v3, v4;
	_ =	sdelay $0x1  }
0x95: {  	v4 =	vsub.f32 $1.500000000e+00, v4;
	_ =	sdelay $0x1  }
0x96: {  	v3 =	vmul.f32 v3, v4;
	_ =	sdelay $0x1  }
0x97: {  	v4 =	vmul.f32 v3, v2;
	_ =	sdelay $0x1  }
0x98: {  	v4 =	vmul.f32 v4, v3;
	_ =	sdelay $0x1  }
0x99: {  	v5 =	vmov s28;
	v4 =	vsub.f32 $1.500000000e+00, v4  }
0x9a: {  	v5 =	vshll.u32 v5, $0x4  }
0x9b: {  	v5 =	vor.u32 v1, v5;
	v3 =	vmul.f32 v4, v3;
	_ =	sdelay $0x1  }
0x9c: {  	v2 =	vmul.f32 v3, v2;
	_ =	sdelay $0x1  }
0x9d: {  	v2 =	vmul.f32 v2, v3  }
0x9e: {  	v4 =	vld.idx.msk [tilespmem:v5+s23+$0x0], $0xffff  }
0x9f: {  	v2 =	vsub.f32 $1.500000000e+00, v2;
	_ =	sdelay $0x1  }
0xa0: {  	v2 =	vmul.f32 v2, v3;
	v3 =	vor.u32 $0x1, v5;
	_ =	sdelay $0x1  }
0xa1: {  	v4 =	vmul.f32 v2, v4;
	_ =	sdelay $0x1  }
0xa2: {  	[tilespmem:v5+s23+$0x0] =	vst.idx.msk $0xffff, v4  }
0xa3: {  	v4 =	vld.idx.msk [tilespmem:v3+s23+$0x0], $0xffff;
	_ =	sdelay $0x2  }
0xa4: {  	v6 =	vor.u32 $0x2, v5;
	_ =	sdelay $0x1  }
0xa5: {  	v4 =	vmul.f32 v2, v4;
	_ =	sdelay $0x1  }
0xa6: {  	[tilespmem:v3+s23+$0x0] =	vst.idx.msk $0xffff, v4  }
0xa7: {  	v3 =	vld.idx.msk [tilespmem:v6+s23+$0x0], $0xffff;
	_ =	sdelay $0x2  }
0xa8: {  	v4 =	vor.u32 $0x3, v5;
	_ =	sdelay $0x1  }
0xa9: {  	v3 =	vmul.f32 v2, v3;
	_ =	sdelay $0x1  }
0xaa: {  	[tilespmem:v6+s23+$0x0] =	vst.idx.msk $0xffff, v3  }
0xab: {  	v3 =	vld.idx.msk [tilespmem:v4+s23+$0x0], $0xffff;
	_ =	sdelay $0x2  }
0xac: {  	v58 =	vor.u32 $0x4, v5;
	_ =	sdelay $0x1  }
0xad: {  	v3 =	vmul.f32 v2, v3;
	_ =	sdelay $0x1  }
0xae: {  	[tilespmem:v4+s23+$0x0] =	vst.idx.msk $0xffff, v3  }
0xaf: {  	v3 =	vld.idx.msk [tilespmem:v58+s23+$0x0], $0xffff;
	_ =	sdelay $0x2  }
0xb0: {  	v4 =	vor.u32 $0x5, v5;
	_ =	sdelay $0x1  }
0xb1: {  	v3 =	vmul.f32 v2, v3;
	_ =	sdelay $0x1  }
0xb2: {  	[tilespmem:v58+s23+$0x0] =	vst.idx.msk $0xffff, v3  }
0xb3: {  	v3 =	vld.idx.msk [tilespmem:v4+s23+$0x0], $0xffff;
	_ =	sdelay $0x2  }
0xb4: {  	v59 =	vor.u32 $0x6, v5;
	_ =	sdelay $0x1  }
0xb5: {  	v3 =	vmul.f32 v2, v3;
	_ =	sdelay $0x1  }
0xb6: {  	[tilespmem:v4+s23+$0x0] =	vst.idx.msk $0xffff, v3  }
0xb7: {  	v3 =	vld.idx.msk [tilespmem:v59+s23+$0x0], $0xffff;
	_ =	sdelay $0x2  }
0xb8: {  	v4 =	vor.u32 $0x7, v5;
	_ =	sdelay $0x1  }
0xb9: {  	v3 =	vmul.f32 v2, v3;
	_ =	sdelay $0x1  }
0xba: {  	[tilespmem:v59+s23+$0x0] =	vst.idx.msk $0xffff, v3  }
0xbb: {  	v3 =	vld.idx.msk [tilespmem:v4+s23+$0x0], $0xffff;
	_ =	sdelay $0x2  }
0xbc: {  	v60 =	vor.u32 $0x8, v5;
	_ =	sdelay $0x1  }
0xbd: {  	v3 =	vmul.f32 v2, v3;
	_ =	sdelay $0x1  }
0xbe: {  	[tilespmem:v4+s23+$0x0] =	vst.idx.msk $0xffff, v3  }
0xbf: {  	v3 =	vld.idx.msk [tilespmem:v60+s23+$0x0], $0xffff;
	_ =	sdelay $0x2  }
0xc0: {  	v4 =	vor.u32 $0x9, v5;
	_ =	sdelay $0x1  }
0xc1: {  	v3 =	vmul.f32 v2, v3;
	_ =	sdelay $0x1  }
0xc2: {  	[tilespmem:v60+s23+$0x0] =	vst.idx.msk $0xffff, v3  }
0xc3: {  	v3 =	vld.idx.msk [tilespmem:v4+s23+$0x0], $0xffff;
	_ =	sdelay $0x2  }
0xc4: {  	v61 =	vor.u32 $0xA, v5;
	_ =	sdelay $0x1  }
0xc5: {  	v3 =	vmul.f32 v3, v2;
	_ =	sdelay $0x1  }
0xc6: {  	[tilespmem:v4+s23+$0x0] =	vst.idx.msk $0xffff, v3  }
0xc7: {  	v3 =	vld.idx.msk [tilespmem:v61+s23+$0x0], $0xffff;
	_ =	sdelay $0x2  }
0xc8: {  	v4 =	vor.u32 $0xB, v5;
	_ =	sdelay $0x1  }
0xc9: {  	v3 =	vmul.f32 v3, v2;
	_ =	sdelay $0x1  }
0xca: {  	[tilespmem:v61+s23+$0x0] =	vst.idx.msk $0xffff, v3  }
0xcb: {  	v3 =	vld.idx.msk [tilespmem:v4+s23+$0x0], $0xffff;
	_ =	sdelay $0x2  }
0xcc: {  	v62 =	vor.u32 $0xC, v5;
	_ =	sdelay $0x1  }
0xcd: {  	v3 =	vmul.f32 v3, v2;
	_ =	sdelay $0x1  }
0xce: {  	[tilespmem:v4+s23+$0x0] =	vst.idx.msk $0xffff, v3  }
0xcf: {  	v3 =	vld.idx.msk [tilespmem:v62+s23+$0x0], $0xffff;
	_ =	sdelay $0x2  }
0xd0: {  	v4 =	vor.u32 $0xD, v5;
	_ =	sdelay $0x1  }
0xd1: {  	v3 =	vmul.f32 v3, v2;
	_ =	sdelay $0x1  }
0xd2: {  	[tilespmem:v62+s23+$0x0] =	vst.idx.msk $0xffff, v3  }
0xd3: {  	v3 =	vld.idx.msk [tilespmem:v4+s23+$0x0], $0xffff;
	_ =	sdelay $0x2  }
0xd4: {  	v63 =	vor.u32 $0xE, v5;
	_ =	sdelay $0x1  }
0xd5: {  	v3 =	vmul.f32 v3, v2;
	_ =	sdelay $0x1  }
0xd6: {  	[tilespmem:v4+s23+$0x0] =	vst.idx.msk $0xffff, v3  }
0xd7: {  	v4 =	vld.idx.msk [tilespmem:v63+s23+$0x0], $0xffff;
	_ =	sdelay $0x2  }
0xd8: {  	v3 =	vor.u32 $0xF, v5;
	_ =	sdelay $0x1  }
0xd9: {  	v4 =	vmul.f32 v4, v2;
	_ =	sdelay $0x1  }
0xda: {  	[tilespmem:v63+s23+$0x0] =	vst.idx.msk $0xffff, v4  }
0xdb: {  	v4 =	vld.idx.msk [tilespmem:v3+s23+$0x0], $0xffff;
	_ =	sdelay $0x4  }
0xdc: {  	s28 =	simm.s32 $0x10;
	v2 =	vmul.f32 v4, v2  }
.LBB2_4:
0xdd: {  	_ = 	snop  }
0xde: {  	p0 =	sne.s32 s28, $0x270;
	s6 =	sadd.s32 $0x10, s6;
	s7 =	sadd.s32 $0x10, s7;
	[tilespmem:v3+s23+$0x0] =	vst.idx.msk $0xffff, v2  }
0xdf: {  	s29 =	smov.u32 s28;
	s28 =	sadd.s32 $0x10, s28;
	v2 =	vld [tilespmem:s6+$0x0]  }
0xe0: {  	v3 =	vld [tilespmem:s7+$0x0];
	_ =	sdelay $0x4  }
0xe1: {  	v2 =	vadd.f32 v3, v2;
	_ =	sdelay $0x1  }
0xe2: {  	v2 =	vmax.f32 v2, $1.000000000e+00  }
0xe3: {  	v3 =	vshra.s32 v2, $0x1;
	v2 =	vmul.f32 $5.000000000e-01, v2  }
0xe4: {  	v3 =	vsub.s32 $0x5F3759DF, v3  }
0xe5: {  	v4 =	vmul.f32 v3, v2;
	_ =	sdelay $0x1  }
0xe6: {  	v4 =	vmul.f32 v3, v4;
	_ =	sdelay $0x1  }
0xe7: {  	v4 =	vsub.f32 $1.500000000e+00, v4;
	_ =	sdelay $0x1  }
0xe8: {  	v4 =	vmul.f32 v3, v4;
	_ =	sdelay $0x1  }
0xe9: {  	v3 =	vmul.f32 v4, v2;
	_ =	sdelay $0x1  }
0xea: {  	v3 =	vmul.f32 v3, v4  }
0xeb: {  	v5 =	vmov s29  }
0xec: {  	v6 =	vsub.f32 $1.500000000e+00, v3;
	v3 =	vshll.u32 v5, $0x4  }
0xed: {  	v3 =	vor.u32 v1, v3  }
0xee: {  	v4 =	vmul.f32 v6, v4;
	_ =	sdelay $0x1  }
0xef: {  	v2 =	vmul.f32 v4, v2;
	_ =	sdelay $0x1  }
0xf0: {  	v2 =	vmul.f32 v2, v4;
	v5 =	vld.idx.msk [tilespmem:v3+s23+$0x0], $0xffff;
	_ =	sdelay $0x1  }
0xf1: {  	v2 =	vsub.f32 $1.500000000e+00, v2;
	_ =	sdelay $0x1  }
0xf2: {  	v2 =	vmul.f32 v2, v4;
	v4 =	vor.u32 $0x1, v3;
	_ =	sdelay $0x1  }
0xf3: {  	v5 =	vmul.f32 v2, v5;
	_ =	sdelay $0x1  }
0xf4: {  	[tilespmem:v3+s23+$0x0] =	vst.idx.msk $0xffff, v5  }
0xf5: {  	v5 =	vld.idx.msk [tilespmem:v4+s23+$0x0], $0xffff;
	_ =	sdelay $0x3  }
0xf6: {  	v6 =	vor.u32 $0x2, v3;
	_ =	sdelay $0x1  }
0xf7: {  	v5 =	vmul.f32 v2, v5;
	_ =	sdelay $0x1  }
0xf8: {  	[tilespmem:v4+s23+$0x0] =	vst.idx.msk $0xffff, v5  }
0xf9: {  	v4 =	vld.idx.msk [tilespmem:v6+s23+$0x0], $0xffff;
	_ =	sdelay $0x3  }
0xfa: {  	v5 =	vor.u32 $0x3, v3;
	_ =	sdelay $0x1  }
0xfb: {  	v4 =	vmul.f32 v2, v4;
	_ =	sdelay $0x1  }
0xfc: {  	[tilespmem:v6+s23+$0x0] =	vst.idx.msk $0xffff, v4  }
0xfd: {  	v4 =	vld.idx.msk [tilespmem:v5+s23+$0x0], $0xffff;
	_ =	sdelay $0x3  }
0xfe: {  	v6 =	vor.u32 $0x4, v3;
	_ =	sdelay $0x1  }
0xff: {  	v4 =	vmul.f32 v2, v4;
	_ =	sdelay $0x1  }
0x100: {  	[tilespmem:v5+s23+$0x0] =	vst.idx.msk $0xffff, v4  }
0x101: {  	v4 =	vld.idx.msk [tilespmem:v6+s23+$0x0], $0xffff;
	_ =	sdelay $0x3  }
0x102: {  	v5 =	vor.u32 $0x5, v3;
	_ =	sdelay $0x1  }
0x103: {  	v4 =	vmul.f32 v2, v4;
	_ =	sdelay $0x1  }
0x104: {  	[tilespmem:v6+s23+$0x0] =	vst.idx.msk $0xffff, v4  }
0x105: {  	v4 =	vld.idx.msk [tilespmem:v5+s23+$0x0], $0xffff;
	_ =	sdelay $0x3  }
0x106: {  	v6 =	vor.u32 $0x6, v3;
	_ =	sdelay $0x1  }
0x107: {  	v4 =	vmul.f32 v2, v4;
	_ =	sdelay $0x1  }
0x108: {  	[tilespmem:v5+s23+$0x0] =	vst.idx.msk $0xffff, v4  }
0x109: {  	v4 =	vld.idx.msk [tilespmem:v6+s23+$0x0], $0xffff;
	_ =	sdelay $0x3  }
0x10a: {  	v5 =	vor.u32 $0x7, v3;
	_ =	sdelay $0x1  }
0x10b: {  	v4 =	vmul.f32 v2, v4;
	_ =	sdelay $0x1  }
0x10c: {  	[tilespmem:v6+s23+$0x0] =	vst.idx.msk $0xffff, v4  }
0x10d: {  	v4 =	vld.idx.msk [tilespmem:v5+s23+$0x0], $0xffff;
	_ =	sdelay $0x3  }
0x10e: {  	v6 =	vor.u32 $0x8, v3;
	_ =	sdelay $0x1  }
0x10f: {  	v4 =	vmul.f32 v2, v4;
	_ =	sdelay $0x1  }
0x110: {  	[tilespmem:v5+s23+$0x0] =	vst.idx.msk $0xffff, v4  }
0x111: {  	v4 =	vld.idx.msk [tilespmem:v6+s23+$0x0], $0xffff;
	_ =	sdelay $0x3  }
0x112: {  	v5 =	vor.u32 $0x9, v3;
	_ =	sdelay $0x1  }
0x113: {  	v4 =	vmul.f32 v2, v4;
	_ =	sdelay $0x1  }
0x114: {  	[tilespmem:v6+s23+$0x0] =	vst.idx.msk $0xffff, v4  }
0x115: {  	v4 =	vld.idx.msk [tilespmem:v5+s23+$0x0], $0xffff;
	_ =	sdelay $0x3  }
0x116: {  	v6 =	vor.u32 $0xA, v3;
	_ =	sdelay $0x1  }
0x117: {  	v4 =	vmul.f32 v4, v2;
	_ =	sdelay $0x1  }
0x118: {  	[tilespmem:v5+s23+$0x0] =	vst.idx.msk $0xffff, v4  }
0x119: {  	v4 =	vld.idx.msk [tilespmem:v6+s23+$0x0], $0xffff;
	_ =	sdelay $0x3  }
0x11a: {  	v5 =	vor.u32 $0xB, v3;
	_ =	sdelay $0x1  }
0x11b: {  	v4 =	vmul.f32 v4, v2;
	_ =	sdelay $0x1  }
0x11c: {  	[tilespmem:v6+s23+$0x0] =	vst.idx.msk $0xffff, v4  }
0x11d: {  	v4 =	vld.idx.msk [tilespmem:v5+s23+$0x0], $0xffff;
	_ =	sdelay $0x3  }
0x11e: {  	v6 =	vor.u32 $0xC, v3;
	_ =	sdelay $0x1  }
0x11f: {  	v4 =	vmul.f32 v4, v2;
	_ =	sdelay $0x1  }
0x120: {  	[tilespmem:v5+s23+$0x0] =	vst.idx.msk $0xffff, v4  }
0x121: {  	v4 =	vld.idx.msk [tilespmem:v6+s23+$0x0], $0xffff;
	_ =	sdelay $0x3  }
0x122: {  	v5 =	vor.u32 $0xD, v3;
	_ =	sdelay $0x1  }
0x123: {  	v4 =	vmul.f32 v4, v2;
	_ =	sdelay $0x1  }
0x124: {  	[tilespmem:v6+s23+$0x0] =	vst.idx.msk $0xffff, v4  }
0x125: {  	v4 =	vld.idx.msk [tilespmem:v5+s23+$0x0], $0xffff;
	_ =	sdelay $0x3  }
0x126: {  	v6 =	vor.u32 $0xE, v3;
	_ =	sdelay $0x1  }
0x127: {  	v4 =	vmul.f32 v4, v2;
	_ =	sdelay $0x1  }
0x128: {  	[tilespmem:v5+s23+$0x0] =	vst.idx.msk $0xffff, v4  }
0x129: {  	v4 =	vld.idx.msk [tilespmem:v6+s23+$0x0], $0xffff;
	_ =	sdelay $0x3  }
0x12a: {  	v3 =	vor.u32 $0xF, v3;
	_ =	sdelay $0x1  }
0x12b: {  	v4 =	vmul.f32 v4, v2;
	_ =	sdelay $0x1  }
0x12c: {  	[tilespmem:v6+s23+$0x0] =	vst.idx.msk $0xffff, v4  }
0x12d: {  	v4 =	vld.idx.msk [tilespmem:v3+s23+$0x0], $0xffff;
	_ =	sdelay $0x1  }
.Ltmp3:
0x12e: {  	(pc) =	sbr.rel @p0 .LBB2_4-.Ltmp3, $2  }
0x12f: {  	_ =	sdelay $0x2  }
0x130: {  	v2 =	vmul.f32 v4, v2  }
0x131: {  	_ =	sdelay $0x3  }
0x132: {  	s6 =	rddreg [dreg:$0x9];
	s28 =	simm.s32 $0x15;
	[tilespmem:v3+s23+$0x0] =	vst.idx.msk $0xffff, v2  }
0x133: {  	[spmem:s6] =	stream.linear.scatter [tilespmem:s23], [sflag:$0x15], $0x2800, $0x38;
	[tilespmem:$0x10220] =	vst v63  }
0x134: {  	_ =	swait.ge [sflag:s28], $0x2800  }
0x135: {  	[sflag:s28] =	ssyncset.done $0x0  }
0x136: {  	[sflag:s28] =	ssyncadd.s32 $0xFFFFD800  }
0x137: {  	[bflag:$0x0] =	sbarrier.arrive $0xFFFF  }
0x138: {  	s6 =	simm.s32 $0x0;
	s7 =	rddreg [dreg:$0xa]  }
0x139: {  	[tilespmem:s6], [sflag:$0x15] =	stream.linear.gather [hbm4b:s7+s6], $0x2710, $0x38;
	[tilespmem:$0x10220] =	vst v63  }
0x13a: {  	_ =	swait.ge [sflag:s28], $0x2710  }
0x13b: {  	[sflag:s28] =	ssyncset.done $0x0  }
0x13c: {  	s29 =	simm.s32 $0x2710;
	s16 =	rddreg [dreg:$0xb];
	[sflag:s28] =	ssyncadd.s32 $0xFFFFD8F0  }
0x13d: {  	[tilespmem:s29], [sflag:$0x15] =	stream.linear.gather [hbm4b:s16+s6], $0x2710, $0x38;
	[tilespmem:$0x10220] =	vst v63  }
0x13e: {  	_ =	swait.ge [sflag:s28], $0x2710  }
0x13f: {  	[sflag:s28] =	ssyncset.done $0x0  }
0x140: {  	s29 =	simm.s32 $0x4E20;
	[sflag:s28] =	ssyncadd.s32 $0xFFFFD8F0  }
0x141: {  	[tilespmem:s29], [sflag:$0x1] =	stream.indirect.gather [spmem:s3], $0x10, s6, s26, $0xb8;
	[tilespmem:$0x10220] =	vst v63  }
0x142: {  	s31 =	simm.s32 $0x5320  }
0x143: {  	[tilespmem:s31], [sflag:$0x2] =	stream.indirect.gather [spmem:s3], $0x10, s26, s26, $0xb8;
	[tilespmem:$0x10220] =	vst v63  }
0x144: {  	s22 =	simm.s32 $0xA0  }
0x145: {  	[tilespmem:s24], [sflag:$0x3] =	stream.indirect.gather [spmem:s3], $0x10, s22, s26, $0xb8;
	[tilespmem:$0x10220] =	vst v63  }
0x146: {  	s1 =	simm.s32 $0xF0  }
0x147: {  	[tilespmem:s14], [sflag:$0x4] =	stream.indirect.gather [spmem:s3], $0x10, s1, s26, $0xb8;
	[tilespmem:$0x10220] =	vst v63  }
0x148: {  	s28 =	simm.s32 $0x140  }
0x149: {  	[tilespmem:s15], [sflag:$0x5] =	stream.indirect.gather [spmem:s3], $0x10, s28, s26, $0xb8;
	[tilespmem:$0x10220] =	vst v63  }
0x14a: {  	s7 =	simm.s32 $0x190;
	s14 =	simm.s32 $0x6720  }
0x14b: {  	[tilespmem:s14], [sflag:$0x6] =	stream.indirect.gather [spmem:s3], $0x10, s7, s26, $0xb8;
	[tilespmem:$0x10220] =	vst v63  }
0x14c: {  	s24 =	simm.s32 $0x6C20;
	s15 =	simm.s32 $0x1E0  }
0x14d: {  	[tilespmem:s24], [sflag:$0x7] =	stream.indirect.gather [spmem:s3], $0x10, s15, s26, $0xb8;
	[tilespmem:$0x10220] =	vst v63  }
0x14e: {  	s16 =	simm.s32 $0x230  }
0x14f: {  	[tilespmem:s17], [sflag:$0x8] =	stream.indirect.gather [spmem:s3], $0x10, s16, s26, $0xb8;
	[tilespmem:$0x10220] =	vst v63  }
0x150: {  	s22 =	simm.s32 $0x280  }
0x151: {  	[tilespmem:s18], [sflag:$0x9] =	stream.indirect.gather [spmem:s3], $0x10, s22, s26, $0xb8;
	[tilespmem:$0x10220] =	vst v63  }
0x152: {  	s28 =	simm.s32 $0x2D0  }
0x153: {  	[tilespmem:s4], [sflag:$0xA] =	stream.indirect.gather [spmem:s3], $0x10, s28, s26, $0xb8;
	[tilespmem:$0x10220] =	vst v63  }
.LBB2_6:
0x154: {  	_ =	swait.ge [sflag:s8], $0x500  }
0x155: {  	s7 =	sshra.s32 s6, $0x2;
	[sflag:s8] =	ssyncset.done $0x0  }
0x156: {  	s28 =	sadd.s32 $0x2710, s7;
	[sflag:s8] =	ssyncadd.s32 $0xFFFFFB00  }
0x157: {  	[spmem:s2] =	stream.indirect.scatter.add.f32 [tilespmem:s29], [sflag:$0xB], $0x10, s28, s26, $0xb8;
	[tilespmem:$0x10220] =	vst v63  }
0x158: {  	_ =	swait.ge [sflag:s9], $0x500  }
0x159: {  	[sflag:s9] =	ssyncset.done $0x0  }
0x15a: {  	s1 =	sadd.s32 $0x2760, s7;
	[sflag:s9] =	ssyncadd.s32 $0xFFFFFB00  }
0x15b: {  	[spmem:s2] =	stream.indirect.scatter.add.f32 [tilespmem:s31], [sflag:$0xC], $0x10, s1, s26, $0xb8;
	[tilespmem:$0x10220] =	vst v63  }
0x15c: {  	_ =	swait.ge [sflag:s10], $0x500  }
0x15d: {  	[sflag:s10] =	ssyncset.done $0x0  }
0x15e: {  	s15 =	sadd.s32 $0x27B0, s7;
	s1 =	simm.s32 $0x5820;
	[sflag:s10] =	ssyncadd.s32 $0xFFFFFB00  }
0x15f: {  	[spmem:s2] =	stream.indirect.scatter.add.f32 [tilespmem:s1], [sflag:$0xD], $0x10, s15, s26, $0xb8;
	[tilespmem:$0x10220] =	vst v63  }
0x160: {  	_ =	swait.ge [sflag:s11], $0x500  }
0x161: {  	[sflag:s11] =	ssyncset.done $0x0  }
0x162: {  	s16 =	sadd.s32 $0x2800, s7;
	s15 =	simm.s32 $0x5D20;
	[sflag:s11] =	ssyncadd.s32 $0xFFFFFB00  }
0x163: {  	[spmem:s2] =	stream.indirect.scatter.add.f32 [tilespmem:s15], [sflag:$0xE], $0x10, s16, s26, $0xb8;
	[tilespmem:$0x10220] =	vst v63  }
0x164: {  	_ =	swait.ge [sflag:s13], $0x500  }
0x165: {  	[sflag:s13] =	ssyncset.done $0x0  }
0x166: {  	s22 =	sadd.s32 $0x2850, s7;
	s16 =	simm.s32 $0x6220;
	[sflag:s13] =	ssyncadd.s32 $0xFFFFFB00  }
0x167: {  	[spmem:s2] =	stream.indirect.scatter.add.f32 [tilespmem:s16], [sflag:$0xF], $0x10, s22, s26, $0xb8;
	[tilespmem:$0x10220] =	vst v63  }
0x168: {  	s22 =	simm.s32 $0x6  }
0x169: {  	_ =	swait.ge [sflag:s22], $0x500  }
0x16a: {  	[sflag:s22] =	ssyncset.done $0x0  }
0x16b: {  	s28 =	simm.s32 $0x7;
	[sflag:s22] =	ssyncadd.s32 $0xFFFFFB00;
	s22 =	sadd.s32 $0x28A0, s7  }
0x16c: {  	[spmem:s2] =	stream.indirect.scatter.add.f32 [tilespmem:s14], [sflag:$0x10], $0x10, s22, s26, $0xb8;
	[tilespmem:$0x10220] =	vst v63  }
0x16d: {  	_ =	swait.ge [sflag:s28], $0x500  }
0x16e: {  	[sflag:s28] =	ssyncset.done $0x0  }
0x16f: {  	s14 =	sadd.s32 $0x28F0, s7;
	s22 =	simm.s32 $0x8;
	[sflag:s28] =	ssyncadd.s32 $0xFFFFFB00  }
0x170: {  	[spmem:s2] =	stream.indirect.scatter.add.f32 [tilespmem:s24], [sflag:$0x11], $0x10, s14, s26, $0xb8;
	[tilespmem:$0x10220] =	vst v63  }
0x171: {  	_ =	swait.ge [sflag:s22], $0x500  }
0x172: {  	[sflag:s22] =	ssyncset.done $0x0  }
0x173: {  	s28 =	simm.s32 $0x9;
	s24 =	sadd.s32 $0x2940, s7;
	[sflag:s22] =	ssyncadd.s32 $0xFFFFFB00  }
0x174: {  	[spmem:s2] =	stream.indirect.scatter.add.f32 [tilespmem:s17], [sflag:$0x12], $0x10, s24, s26, $0xb8;
	[tilespmem:$0x10220] =	vst v63  }
0x175: {  	_ =	swait.ge [sflag:s28], $0x500  }
0x176: {  	[sflag:s28] =	ssyncset.done $0x0  }
0x177: {  	s17 =	sadd.s32 $0x2990, s7;
	[sflag:s28] =	ssyncadd.s32 $0xFFFFFB00  }
0x178: {  	[spmem:s2] =	stream.indirect.scatter.add.f32 [tilespmem:s18], [sflag:$0x13], $0x10, s17, s26, $0xb8;
	[tilespmem:$0x10220] =	vst v63  }
0x179: {  	s18 =	simm.s32 $0xA  }
0x17a: {  	_ =	swait.ge [sflag:s18], $0x500  }
0x17b: {  	[sflag:s18] =	ssyncset.done $0x0  }
0x17c: {  	s22 =	sadd.s32 $0x29E0, s7;
	[sflag:s18] =	ssyncadd.s32 $0xFFFFFB00  }
0x17d: {  	[spmem:s2] =	stream.indirect.scatter.add.f32 [tilespmem:s4], [sflag:$0x14], $0x10, s22, s26, $0xb8;
	[tilespmem:$0x10220] =	vst v63  }
0x17e: {  	_ =	swait.ge [sflag:s19], $0x500  }
0x17f: {  	[sflag:s19] =	ssyncset.done $0x0  }
0x180: {  	s24 =	sadd.s32 $0x320, s7;
	[sflag:s19] =	ssyncadd.s32 $0xFFFFFB00  }
0x181: {  	[tilespmem:s29], [sflag:$0x1] =	stream.indirect.gather [spmem:s3], $0x10, s24, s26, $0xb8;
	[tilespmem:$0x10220] =	vst v63  }
0x182: {  	_ =	swait.ge [sflag:s20], $0x500  }
0x183: {  	[sflag:s20] =	ssyncset.done $0x0  }
0x184: {  	s4 =	sadd.s32 $0x370, s7;
	[sflag:s20] =	ssyncadd.s32 $0xFFFFFB00  }
0x185: {  	[tilespmem:s31], [sflag:$0x2] =	stream.indirect.gather [spmem:s3], $0x10, s4, s26, $0xb8;
	[tilespmem:$0x10220] =	vst v63  }
0x186: {  	_ =	swait.ge [sflag:s25], $0x500  }
0x187: {  	[sflag:s25] =	ssyncset.done $0x0  }
0x188: {  	s14 =	sadd.s32 $0x3C0, s7;
	[sflag:s25] =	ssyncadd.s32 $0xFFFFFB00  }
0x189: {  	[tilespmem:s1], [sflag:$0x3] =	stream.indirect.gather [spmem:s3], $0x10, s14, s26, $0xb8;
	[tilespmem:$0x10220] =	vst v63  }
0x18a: {  	_ =	swait.ge [sflag:s12], $0x500  }
0x18b: {  	[sflag:s12] =	ssyncset.done $0x0  }
0x18c: {  	s28 =	sadd.s32 $0x410, s7;
	[sflag:s12] =	ssyncadd.s32 $0xFFFFFB00  }
0x18d: {  	[tilespmem:s15], [sflag:$0x4] =	stream.indirect.gather [spmem:s3], $0x10, s28, s26, $0xb8;
	[tilespmem:$0x10220] =	vst v63  }
0x18e: {  	_ =	swait.ge [sflag:s21], $0x500  }
0x18f: {  	[sflag:s21] =	ssyncset.done $0x0  }
0x190: {  	p0 =	seq.s32 s6, $0x8980;
	s28 =	sadd.s32 $0x460, s7;
	[sflag:s21] =	ssyncadd.s32 $0xFFFFFB00  }
0x191: {  	[tilespmem:s16], [sflag:$0x5] =	stream.indirect.gather [spmem:s3], $0x10, s28, s26, $0xb8;
	[tilespmem:$0x10220] =	vst v63  }
.Ltmp4:
0x192: {  	_ = 	snop;
	(pc) =	sbr.rel @p0 .LBB2_8-.Ltmp4, $4  }
0x193: {  	s17 =	simm.s32 $0x6C20;
	s18 =	simm.s32 $0x7120;
	s28 =	simm.s32 $0x10  }
0x194: {  	s22 =	simm.s32 $0x7B20;
	s24 =	simm.s32 $0x5820;
	_ =	swait.ge [sflag:s28], $0x500  }
0x195: {  	s4 =	simm.s32 $0x7620;
	s1 =	simm.s32 $0x6720;
	[sflag:s28] =	ssyncset.done $0x0  }
0x196: {  	s14 =	simm.s32 $0x5D20;
	s15 =	simm.s32 $0x6220;
	[sflag:s28] =	ssyncadd.s32 $0xFFFFFB00  }
0x197: {  	s28 =	sadd.s32 $0x4B0, s7;
	s15 =	simm.s32 $0x11  }
0x198: {  	[tilespmem:s1], [sflag:$0x6] =	stream.indirect.gather [spmem:s3], $0x10, s28, s26, $0xb8;
	[tilespmem:$0x10220] =	vst v63  }
0x199: {  	_ =	swait.ge [sflag:s15], $0x500  }
0x19a: {  	[sflag:s15] =	ssyncset.done $0x0  }
0x19b: {  	s16 =	sadd.s32 $0x500, s7;
	[sflag:s15] =	ssyncadd.s32 $0xFFFFFB00  }
0x19c: {  	[tilespmem:s17], [sflag:$0x7] =	stream.indirect.gather [spmem:s3], $0x10, s16, s26, $0xb8;
	[tilespmem:$0x10220] =	vst v63  }
0x19d: {  	_ =	swait.ge [sflag:s30], $0x500  }
0x19e: {  	[sflag:s30] =	ssyncset.done $0x0  }
0x19f: {  	s17 =	sadd.s32 $0x550, s7;
	[sflag:s30] =	ssyncadd.s32 $0xFFFFFB00  }
0x1a0: {  	[tilespmem:s18], [sflag:$0x8] =	stream.indirect.gather [spmem:s3], $0x10, s17, s26, $0xb8;
	[tilespmem:$0x10220] =	vst v63  }
0x1a1: {  	_ =	swait.ge [sflag:s0], $0x500  }
0x1a2: {  	[sflag:s0] =	ssyncset.done $0x0  }
0x1a3: {  	s24 =	sadd.s32 $0x5A0, s7;
	[sflag:s0] =	ssyncadd.s32 $0xFFFFFB00  }
0x1a4: {  	[tilespmem:s4], [sflag:$0x9] =	stream.indirect.gather [spmem:s3], $0x10, s24, s26, $0xb8;
	[tilespmem:$0x10220] =	vst v63  }
.Ltmp5:
0x1a5: {  	s6 =	sadd.s32 $0xC80, s6;
	(pc) =	sbr.rel .LBB2_6-.Ltmp5, $4  }
0x1a6: {  	s14 =	simm.s32 $0x6720;
	s28 =	sadd.s32 $0x5F0, s7;
	_ =	swait.ge [sflag:s5], $0x500  }
0x1a7: {  	s17 =	simm.s32 $0x7120;
	s18 =	simm.s32 $0x7620;
	[sflag:s5] =	ssyncset.done $0x0  }
0x1a8: {  	s24 =	simm.s32 $0x6C20;
	s4 =	simm.s32 $0x7B20;
	[sflag:s5] =	ssyncadd.s32 $0xFFFFFB00  }
0x1a9: {  	[tilespmem:s22], [sflag:$0xA] =	stream.indirect.gather [spmem:s3], $0x10, s28, s26, $0xb8;
	[tilespmem:$0x10220] =	vst v63  }
.LBB2_9:
0x1aa: {  	_ =	sfence.sel $0x180000  }
0x1ab: {  	[bflag:$0x0] =	sbarrier.arrive $0xFFFF  }
0x1ac: {  	_ =	strace $0x9000004A  }
0x1ad: {  	s0 =	stileid.u32;
	[bflag:$0x2] =	sbarrier.arrive $0xFFFF  }
0x1ae: {  	p0 =	sne.s32 s0, $0x0;
	s0 =	rddreg [dreg:$0x4]  }
0x1af: {  	s0 =	sadd.s32 @!p0 $0x100000, s0  }
0x1b0: {  	[sflag:s0] =	ssyncadd.tile.s32 @!p0 $0x1;
	_ =	shalt  }
.Lfunc_end2:
_tile_overlayer_lowered:
.L_overlay_start_2:
0x1b1: {  	(tag) =	ssettag $0x2  }
0x1b2: {  	s0 =	rddreg [dreg:$0x0];
	s2 =	stileid.u32  }
0x1b3: {  	s1 =	rddreg [dreg:$0x1];
	p0 =	sne.s32 s2, $0x0  }
0x1b4: {  	s3 =	rddreg [dreg:$0x2];
	[bflag:$0x3] =	sbarrier.arrive $0xFFFF;
	s2 =	simm.s32 @!p0 $0x1C15  }
0x1b5: {  	[timem:s3], [sflag:s2] =	dma.local @!p0 [hbm:s0], s1  }
0x1b6: {  	s0 =	simm.s32 @!p0 $0x15  }
0x1b7: {  	_ =	swait.ge @!p0 [sflag:s0], s1  }
0x1b8: {  	s1 =	ssub.s32 @!p0 $0x0, s1;
	[sflag:s0] =	ssyncset.done @!p0 $0x0  }
0x1b9: {  	[sflag:s0] =	ssyncadd.s32 @!p0 s1  }
0x1ba: {  	[bflag:$0x3] =	sbarrier.arrive $0xFFFF  }
0x1bb: {  	_ =	shalt  }

// kernel: kernel.13.cloned.1.call-start
scs
__scs_entry_jumppad:
0x0: {  	(pc) =	sbr.rel $0x88, $3  }
0x1: {  	(tag) =	ssettag $0x0;
	lr =	simm.s32 $0x1  }
0x2: {  	[smem:$0x3F9B] =	sst lr;
	_ =	strace $0xD0000000  }
0x3: {  	_ = 	snop  }
0x4: {  	_ = 	snop  }
0x5: {  	_ = 	snop  }
0x6: {  	_ = 	snop  }
0x7: {  	_ = 	snop  }
__scs_overlays_trampoline_lowered:
0x8: {  	[smem:$0x3FAA] =	sst s0  }
0x9: {  	[smem:$0x3FAB] =	sst s1  }
0xa: {  	[smem:$0x3FAC] =	sst s2  }
0xb: {  	[smem:$0x3FAD] =	sst s3  }
0xc: {  	[smem:$0x3FAE] =	sst s4  }
0xd: {  	[smem:$0x3FAF] =	sst s5  }
0xe: {  	[smem:$0x3FB0] =	sst s6  }
0xf: {  	[smem:$0x3FB1] =	sst s7  }
0x10: {  	[smem:$0x3FB2] =	sst s8  }
0x11: {  	[smem:$0x3FB3] =	sst s9;
	s0 =	simm.s32 @!p0 $0x0  }
0x12: {  	s1 =	sld [smem:$0x3F99];
	s0 =	simm.s32 @p0 $0x1  }
0x13: {  	[smem:$0x3FB4] =	sst s0;
	s0 =	simm.s32 @!p1 $0x0  }
0x14: {  	s2 =	sld [smem:$0x3F98];
	s0 =	simm.s32 @p1 $0x1  }
0x15: {  	[smem:$0x3FB5] =	sst s0;
	s0 =	simm.s32 @!p2 $0x0  }
0x16: {  	s3 =	sld [smem:$0x3FDB];
	s0 =	simm.s32 @p2 $0x1  }
0x17: {  	s4 =	simm.s32 $0x1BF5;
	[smem:$0x3FB7] =	sst s0  }
0x18: {  	s0 =	sld [smem:$0x3F9A];
	_ =	swait.ge [sflag:s4], $0x0  }
0x19: {  	s7 =	sld [smem:$0x3F9B]  }
0x1a: {  	s8 =	sadd.s32 $0xFFFFE003, lr  }
0x1b: {  	s9 =	sadd.s32 $0xFFFFFEF7, lr;
	s5 =	simm.s32 $0xFFFFFFFF;
	p2 =	slt.u32 s8, $0xFFFFF086  }
0x1c: {  	p1 =	slt.u32 s9, $0xF7A;
	s5 =	simm.s32 @!p2 $0x0  }
0x1d: {  	s5 =	simm.s32 @p1 $0x1;
	p0 =	seq.s32 s7, s2  }
0x1e: {  	s7 =	smul.u32 @!p0 $0xF7A, s2;
	p2 =	seq.s32 @!p0 s5, $0x0  }
0x1f: {  	s9 =	smul.u32 $0xF7A, s1;
	s8 =	simm.s32 @!p0 $0x1BF5;
	p2 =	por !p2, p0  }
0x20: {  	[sflag:s8] =	ssyncset.s32 @!p0 $0xFFFFF086;
	s6 =	sadd.s32 @!p0 s3, s7;
	s7 =	simm.s32 @!p0 $0x108  }
0x21: {  	s3 =	sadd.s32 s3, s9;
	s6 =	sadd.s32 @!p0 $0x88, s6;
	s7 =	simm.s32 @p2 $0x1082  }
0x22: {  	[simem:s7], [sflag:s8] =	dma.local @!p0 [hbm:s6], $0xF7A  }
0x23: {  	s9 =	sor.u32 $0xD0000000, s2;
	s6 =	simm.s32 $0x108;
	_ =	swait.ge @!p0 [sflag:s8], $0x0  }
0x24: {  	s3 =	sadd.s32 $0x88, s3;
	s6 =	simm.s32 @!p1 $0x1082;
	[sflag:s4] =	ssyncset.s32 $0xFFFFF086  }
0x25: {  	[simem:s6], [sflag:s4] =	dma.local [hbm:s3], $0xF7A  }
0x26: {  	[smem:$0x3F9B] =	sst s1;
	(tag) =	ssettag s2;
	_ =	strace s9  }
0x27: {  	s1 =	sld [smem:$0x3FAB]  }
0x28: {  	s2 =	sld [smem:$0x3FAC]  }
0x29: {  	s4 =	sld [smem:$0x3FAE]  }
0x2a: {  	p0 =	seq.s32 s5, $0x0;
	s5 =	sld [smem:$0x3FAF]  }
0x2b: {  	s6 =	sld [smem:$0x3FB0]  }
0x2c: {  	s7 =	sld [smem:$0x3FB1]  }
0x2d: {  	s3 =	simm.s32 $0x108;
	s8 =	sld [smem:$0x3FB2]  }
0x2e: {  	s3 =	simm.s32 @!p0 $0x1082;
	s9 =	sld [smem:$0x3FB3]  }
0x2f: {  	lr =	sadd.s32 s0, s3;
	s0 =	sld [smem:$0x3FAA]  }
0x30: {  	s3 =	sld [smem:$0x3FAD]  }
0x31: {  	[smem:$0x3FB6] =	sst s10  }
0x32: {  	s10 =	sld [smem:$0x3FB4];
	_ =	sdelay $0x3  }
0x33: {  	p0 =	seq.s32 s10, $0x1;
	s10 =	sld [smem:$0x3FB6];
	_ =	sdelay $0x3  }
0x34: {  	[smem:$0x3FB6] =	sst s10  }
0x35: {  	s10 =	sld [smem:$0x3FB5];
	_ =	sdelay $0x3  }
0x36: {  	p1 =	seq.s32 s10, $0x1;
	s10 =	sld [smem:$0x3FB6];
	_ =	sdelay $0x3  }
0x37: {  	[smem:$0x3FB6] =	sst s10  }
0x38: {  	s10 =	sld [smem:$0x3FB7]  }
0x39: {  	_ = 	snop;
	(pc) =	sbr.ind lr, $3  }
0x3a: {  	_ = 	snop  }
0x3b: {  	_ = 	snop  }
0x3c: {  	p2 =	seq.s32 s10, $0x1;
	s10 =	sld [smem:$0x3FB6]  }
0x3d: {  	_ =	shalt  }
0x3e: {  	_ =	shalt  }
0x3f: {  	_ =	shalt  }
0x40: {  	_ =	shalt  }
0x41: {  	_ =	shalt  }
0x42: {  	_ =	shalt  }
0x43: {  	_ =	shalt  }
0x44: {  	_ =	shalt  }
0x45: {  	_ =	shalt  }
0x46: {  	_ =	shalt  }
0x47: {  	_ =	shalt  }
0x48: {  	_ =	shalt  }
0x49: {  	_ =	shalt  }
0x4a: {  	_ =	shalt  }
0x4b: {  	_ =	shalt  }
0x4c: {  	_ =	shalt  }
0x4d: {  	_ =	shalt  }
0x4e: {  	_ =	shalt  }
0x4f: {  	_ =	shalt  }
0x50: {  	_ =	shalt  }
0x51: {  	_ =	shalt  }
0x52: {  	_ =	shalt  }
0x53: {  	_ =	shalt  }
0x54: {  	_ =	shalt  }
0x55: {  	_ =	shalt  }
0x56: {  	_ =	shalt  }
0x57: {  	_ =	shalt  }
0x58: {  	_ =	shalt  }
0x59: {  	_ =	shalt  }
0x5a: {  	_ =	shalt  }
0x5b: {  	_ =	shalt  }
0x5c: {  	_ =	shalt  }
0x5d: {  	_ =	shalt  }
0x5e: {  	_ =	shalt  }
0x5f: {  	_ =	shalt  }
0x60: {  	_ =	shalt  }
0x61: {  	_ =	shalt  }
0x62: {  	_ =	shalt  }
0x63: {  	_ =	shalt  }
0x64: {  	_ =	shalt  }
0x65: {  	_ =	shalt  }
0x66: {  	_ =	shalt  }
0x67: {  	_ =	shalt  }
0x68: {  	_ =	shalt  }
0x69: {  	_ =	shalt  }
0x6a: {  	_ =	shalt  }
0x6b: {  	_ =	shalt  }
0x6c: {  	_ =	shalt  }
0x6d: {  	_ =	shalt  }
0x6e: {  	_ =	shalt  }
0x6f: {  	_ =	shalt  }
0x70: {  	_ =	shalt  }
0x71: {  	_ =	shalt  }
0x72: {  	_ =	shalt  }
0x73: {  	_ =	shalt  }
0x74: {  	_ =	shalt  }
0x75: {  	_ =	shalt  }
0x76: {  	_ =	shalt  }
0x77: {  	_ =	shalt  }
0x78: {  	_ =	shalt  }
0x79: {  	_ =	shalt  }
0x7a: {  	_ =	shalt  }
0x7b: {  	_ =	shalt  }
0x7c: {  	_ =	shalt  }
0x7d: {  	_ =	shalt  }
0x7e: {  	_ =	shalt  }
0x7f: {  	_ =	shalt  }
0x80: {  	_ =	shalt  }
0x81: {  	_ =	shalt  }
0x82: {  	_ =	shalt  }
0x83: {  	_ =	shalt  }
0x84: {  	_ =	shalt  }
0x85: {  	_ =	shalt  }
0x86: {  	_ =	shalt  }
0x87: {  	_ =	shalt  }
.Lfunc_end0:
.L_simem_size_0:
called_computation.2_lowered:
.L_overlay_start_0:
0x88: {  	s2 =	sld [smem:$0x3FD9]  }
0x89: {  	s3 =	sld [smem:$0x3FFE];
	_ =	sdelay $0x1  }
0x8a: {  	s1 =	srdreg.scid  }
0x8b: {  	s0 =	sand.u32 $0x1, s1  }
0x8c: {  	s17 =	sshll.u32 s0, $0xA;
	s2 =	sadd.s32 s3, s2  }
0x8d: {  	s2 =	sadd.s32 s2, s17  }
0x8e: {  	[smem:$0x3FC2] =	sst s2  }
0x8f: {  	_ = 	snop  }
0x90: {  	s2 =	sld [smem:$0x3FC6]  }
0x91: {  	s18 =	sld [smem:$0x3FD0];
	(tm) =	ssettm $0x1  }
0x92: {  	s4 =	sld [smem:$0x3FFB];
	_ =	sdelay $0x3  }
0x93: {  	_ =	strace s4  }
0x94: {  	s4 =	sld [smem:$0x3FFC];
	_ =	sdelay $0x3  }
0x95: {  	_ =	strace s4  }
0x96: {  	s4 =	sld [smem:$0x3FFD];
	_ =	sdelay $0x3  }
0x97: {  	_ =	strace s4  }
0x98: {  	_ =	strace $0x8FFFFFFF  }
0x99: {  	s19 =	sld [smem:$0x3FDB];
	_ =	sdelay $0x1  }
0x9a: {  	s5 =	simm.s32 $_scs_section_size  }
0x9b: {  	s6 =	simm.s32 $_size__tile_overlayer_lowered;
	s7 =	simm.s32 $_tile_overlayer_lowered  }
0x9c: {  	s22 =	simm.s32 $0x1BFF;
	s21 =	sshll.u32 s7, $0x1;
	s4 =	sadd.s32 s5, s19  }
0x9d: {  	s8 =	simm.s32 $0x0;
	s20 =	sshll.u32 s6, $0x1;
	s6 =	sadd.s32 s21, s4  }
0x9e: {  	[timem:s8], [sflag:s22] =	dma.local [hbm:s6], s20  }
0x9f: {  	_ =	swait.ge [sflag:s22], s20  }
0xa0: {  	s5 =	ssub.s32 $0x0, s20;
	[sflag:s22] =	ssyncset.done $0x0  }
0xa1: {  	[sflag:s22] =	ssyncadd.s32 s5;
	_ =	sdelay $0x1  }
0xa2: {  	s23 =	simm.s32 $0x1B8B  }
0xa3: {  	_ =	swait.ge [sflag:s23], $0x1  }
0xa4: {  	[sflag:s23] =	ssyncset.done $0x0  }
0xa5: {  	s25 =	simm.s32 $0x1B8E;
	s24 =	sld [smem:$0x3FFE];
	[sflag:s23] =	ssyncadd.s32 $0xFFFFFFFF  }
0xa6: {  	s26 =	simm.s32 $execute0_lowered;
	[smem:$0x3FD2] =	sst s25  }
0xa7: {  	s6 =	sshll.u32 s26, $0x1;
	_ =	strace $0x8000004C;
	[dreg:$0x1] =	wrdreg $0xFFFFFFFF  }
0xa8: {  	s28 =	simm.s32 $_size_execute0_lowered;
	s4 =	sadd.s32 s4, s6;
	[dreg:$0x0] =	wrdreg $0x0  }
0xa9: {  	s6 =	sshll.u32 s28, $0x1;
	[dreg:$0x2] =	wrdreg s4  }
0xaa: {  	[dreg:$0x3] =	wrdreg s6  }
0xab: {  	[dreg:$0x4] =	wrdreg $0xC0  }
0xac: {  	_ =	task [dreg:s8], $0x5FFFF  }
0xad: {  	[dreg:$0x1] =	wrdreg $0xFFFFFFFF  }
0xae: {  	[dreg:$0x0] =	wrdreg $0x60  }
0xaf: {  	[dreg:$0x2] =	wrdreg s24  }
0xb0: {  	[dreg:$0x3] =	wrdreg s2  }
0xb1: {  	[dreg:$0x4] =	wrdreg s18  }
0xb2: {  	[dreg:$0x5] =	wrdreg $0x104B00  }
0xb3: {  	[dreg:$0x6] =	wrdreg $0xDCB00  }
0xb4: {  	[dreg:$0x7] =	wrdreg $0x9  }
0xb5: {  	_ =	task.clear_ibuf [dreg:s8], $0x8FFFF;
	_ =	strace $0x9000004C  }
0xb6: {  	s29 =	simm.s32 $0x9;
	_ =	strace $0x8000004E  }
0xb7: {  	_ =	swait.ge [sflag:s29], $0x1  }
0xb8: {  	[sflag:s29] =	ssyncadd.s32 $0xFFFFFFFF  }
0xb9: {  	_ =	strace $0x9000004E  }
0xba: {  	_ =	sfence  }
0xbb: {  	s30 =	sld [smem:$0x0];
	_ =	sdelay $0x2  }
0xbc: {  	s31 =	sshll.u32 s1, $0xD;
	s1 =	sshrl.u32 s1, $0x2  }
0xbd: {  	s3 =	sand.u32 $0x4000, s31;
	s1 =	sadd.s32 s1, s30  }
0xbe: {  	s0 =	sor.u32 s3, s0;
	s1 =	sshll.u32 s1, $0x11  }
0xbf: {  	s0 =	sor.u32 s1, s0  }
0xc0: {  	s0 =	sadd.s32 $0x8F2B, s0  }
0xc1: {  	[sflag:s0] =	ssyncadd.remote.s32 $0x1  }
0xc2: {  	_ =	sfence.sel $0xFFFF  }
0xc3: {  	[dreg:$0x0] =	wrdreg $0xFFFFFFFF;
	(pc) =	sbr.abs _section_cstart, $3  }
0xc4: {  	[dreg:$0x1] =	wrdreg $0xFFFFFFFF  }
0xc5: {  	_ =	task.clear_ibuf [dreg:s8], $0x2FFFF;
	_ =	strace $0x9FFFFFFF  }
0xc6: {  	(tm) =	ssettm $0x7FFFFFFF  }
0xc7: {  	_ =	shalt  }
tec
execute0_lowered:
.L_overlay_start_1:
0x0: {  	(tag) =	ssettag $0x1  }
0x1: {  	s0 =	rddreg [dreg:$0x0]  }
0x2: {  	s1 =	rddreg [dreg:$0x2]  }
0x3: {  	s3 =	rddreg [dreg:$0x3]  }
0x4: {  	s4 =	rddreg [dreg:$0x4];
	s13 =	stileid.u32  }
0x5: {  	s2 =	srdreg.scid;
	s14 =	simm.s32 $0x0;
	s29 =	simm.s32 $0x8520  }
0x6: {  	s30 =	simm.s32 $0xAD20;
	s28 =	simm.s32 $0x7120;
	s31 =	simm.s32 $0xF  }
0x7: {  	s5 =	smul.u32 $0x2800, s13;
	s2 =	sand.u32 $0x1, s2;
	[smem:$0x7FF] =	sst s14  }
0x8: {  	s9 =	sadd.s32 $0x15C00, s0;
	s11 =	smul.u32 $0x280, s13;
	s12 =	sadd.s32 $0x16600, s0  }
0x9: {  	s6 =	sshll.u32 s2, $0x4;
	_ =	strace $0x8000004D;
	s8 =	ssub.s32 $0x2, s2  }
0xa: {  	s2 =	smul.u32 $0x28000, s2;
	s7 =	sshrl.u32 s5, $0x3;
	s6 =	sor.u32 s13, s6  }
0xb: {  	s10 =	sshrl.u32 s8, $0x1;
	s26 =	sshrl.u32 s11, $0x3;
	s13 =	smul.u32 $0xA000, s13  }
0xc: {  	s15 =	sadd.s32 s5, s4;
	s19 =	sadd.s32 s5, s3;
	s7 =	sadd.s32 s7, s0  }
0xd: {  	s6 =	smul.u32 $0x4E2, s6;
	s24 =	ssub.s32 s8, s10;
	s10 =	sadd.s32 s9, s26  }
0xe: {  	s11 =	sadd.s32 $0x500, s26;
	[dreg:$0xd] =	wrdreg s15;
	s2 =	sadd.s32 s5, s2  }
0xf: {  	s15 =	simm.s32 $0x1;
	s25 =	sadd.s32 $0x17000, s7;
	[dreg:$0x9] =	wrdreg s10  }
0x10: {  	s5 =	simm.s32 $0xE;
	s7 =	sadd.s32 $0x1C000, s7;
	[dreg:$0x7] =	wrdreg s25  }
0x11: {  	s9 =	sadd.s32 s9, s11;
	s8 =	sadd.s32 s12, s11;
	[dreg:$0x8] =	wrdreg s7  }
0x12: {  	s2 =	sshrl.u32 s2, $0x3;
	s20 =	smax.u32 s24, $0x1;
	[dreg:$0xa] =	wrdreg s9  }
0x13: {  	s10 =	simm.s32 $0x7620;
	s11 =	simm.s32 $0x7B20;
	[dreg:$0xc] =	wrdreg s8  }
0x14: {  	s0 =	sadd.s32 s6, s0;
	s7 =	sadd.s32 s12, s26;
	[dreg:$0x12] =	wrdreg s20  }
0x15: {  	s17 =	sadd.s32 s1, s2;
	s8 =	simm.s32 $0x4E20;
	[dreg:$0xb] =	wrdreg s7  }
0x16: {  	s9 =	simm.s32 $0x5320;
	s16 =	sadd.s32 $0x2000, s0;
	[dreg:$0x10] =	wrdreg s17  }
0x17: {  	s7 =	sshrl.u32 s13, $0x2;
	s0 =	sadd.s32 $0xBE00, s0;
	[dreg:$0xe] =	wrdreg s16  }
0x18: {  	s20 =	simm.s32 $0x5820;
	[dreg:$0xf] =	wrdreg s0;
	s18 =	sadd.s32 s7, s3  }
0x19: {  	s12 =	simm.s32 $0x7B20;
	s0 =	sshrl.u32 s19, $0x3;
	[dreg:$0x11] =	wrdreg s18  }
0x1a: {  	s17 =	simm.s32 $0x3;
	s21 =	sadd.s32 $0x500, s18;
	[dreg:$0x1a] =	wrdreg s0  }
0x1b: {  	s13 =	simm.s32 $0x14;
	s22 =	sadd.s32 $0xA00, s18;
	[dreg:$0x13] =	wrdreg s21  }
0x1c: {  	s7 =	simm.s32 $0x15;
	s23 =	sadd.s32 $0xF00, s18;
	[dreg:$0x14] =	wrdreg s22  }
0x1d: {  	s19 =	simm.s32 $0x5;
	s24 =	sadd.s32 $0x1400, s18;
	[dreg:$0x15] =	wrdreg s23  }
0x1e: {  	v0 =	vimm.f32 $0.0e+00;
	v1 =	vimm.s32 $0x1;
	v2 =	vimm.s32 $0x2;
	s16 =	simm.s32 $0xC;
	s25 =	sadd.s32 $0x1900, s18;
	[dreg:$0x16] =	wrdreg s24  }
.Ltmp0:
0x1f: {  	v3 =	vimm.s32 $0x3;
	v4 =	vimm.s32 $0x4;
	v5 =	vimm.s32 $0x5;
	s26 =	sadd.s32 $0x1E00, s18;
	[dreg:$0x17] =	wrdreg s25;
	(pc) =	sbr.rel .LBB2_1-.Ltmp0, $4  }
0x20: {  	v6 =	vimm.s32 $0x6;
	v7 =	vimm.s32 $0x7;
	v8 =	vimm.s32 $0x8;
	s1 =	sadd.s32 $0x2300, s18;
	s0 =	simm.s32 $0x50;
	[dreg:$0x18] =	wrdreg s26  }
0x21: {  	v9 =	vimm.s32 $0x9;
	v10 =	vimm.s32 $0xA;
	v11 =	vimm.s32 $0xB;
	s18 =	simm.s32 $0x4;
	[dreg:$0x19] =	wrdreg s1;
	s21 =	simm.s32 $0x5D20  }
0x22: {  	v12 =	vimm.s32 $0xC;
	v13 =	vimm.s32 $0xD;
	v16 =	vlaneseq.u32;
	s22 =	simm.s32 $0x6220;
	s24 =	simm.s32 $0x6C20;
	s1 =	simm.s32 $0x2  }
0x23: {  	v14 =	vimm.s32 $0xE;
	v15 =	vimm.s32 $0xF;
	v16 =	vmul.u32 $0x10, v16;
	s25 =	simm.s32 $0xB;
	s26 =	simm.s32 $0xD;
	s23 =	simm.s32 $0x6220  }
.LBB2_12:
0x24: {  	s2 =	simm.s32 $0x11  }
0x25: {  	_ =	swait.ge [sflag:s2], $0x500  }
0x26: {  	[sflag:s2] =	ssyncset.done $0x0  }
0x27: {  	s11 =	simm.s32 $0x12;
	[sflag:s2] =	ssyncadd.s32 $0xFFFFFB00  }
0x28: {  	_ =	swait.ge [sflag:s11], $0x500  }
0x29: {  	[sflag:s11] =	ssyncset.done $0x0  }
0x2a: {  	s14 =	simm.s32 $0x13;
	[sflag:s11] =	ssyncadd.s32 $0xFFFFFB00  }
0x2b: {  	_ =	swait.ge [sflag:s14], $0x500  }
0x2c: {  	[sflag:s14] =	ssyncset.done $0x0  }
0x2d: {  	[sflag:s14] =	ssyncadd.s32 $0xFFFFFB00  }
0x2e: {  	_ =	swait.ge [sflag:s13], $0x500  }
0x2f: {  	[sflag:s13] =	ssyncset.done $0x0  }
0x30: {  	[sflag:s13] =	ssyncadd.s32 $0xFFFFFB00  }
0x31: {  	_ =	swait.ge [sflag:s15], $0x500  }
0x32: {  	[sflag:s15] =	ssyncset.done $0x0  }
0x33: {  	s24 =	simm.s32 $0x4C90;
	[sflag:s15] =	ssyncadd.s32 $0xFFFFFB00  }
0x34: {  	[spmem:s3] =	stream.indirect.scatter.add.f32 [tilespmem:s8], [sflag:$0xB], $0x10, s24, s0, $0xb8;
	[tilespmem:$0x12CB0] =	vst v63  }
0x35: {  	_ =	swait.ge [sflag:s1], $0x500  }
0x36: {  	[sflag:s1] =	ssyncset.done $0x0  }
0x37: {  	s6 =	simm.s32 $0x4CE0;
	[sflag:s1] =	ssyncadd.s32 $0xFFFFFB00  }
0x38: {  	[spmem:s3] =	stream.indirect.scatter.add.f32 [tilespmem:s9], [sflag:$0xC], $0x10, s6, s0, $0xb8;
	[tilespmem:$0x12CB0] =	vst v63  }
0x39: {  	_ =	swait.ge [sflag:s17], $0x500  }
0x3a: {  	[sflag:s17] =	ssyncset.done $0x0  }
0x3b: {  	s7 =	simm.s32 $0x4D30;
	[sflag:s17] =	ssyncadd.s32 $0xFFFFFB00  }
0x3c: {  	[spmem:s3] =	stream.indirect.scatter.add.f32 [tilespmem:s20], [sflag:$0xD], $0x10, s7, s0, $0xb8;
	[tilespmem:$0x12CB0] =	vst v63  }
0x3d: {  	_ =	swait.ge [sflag:s18], $0x500  }
0x3e: {  	[sflag:s18] =	ssyncset.done $0x0  }
0x3f: {  	s10 =	simm.s32 $0x4D80;
	[sflag:s18] =	ssyncadd.s32 $0xFFFFFB00  }
0x40: {  	[spmem:s3] =	stream.indirect.scatter.add.f32 [tilespmem:s21], [sflag:$0xE], $0x10, s10, s0, $0xb8;
	[tilespmem:$0x12CB0] =	vst v63  }
0x41: {  	_ =	swait.ge [sflag:s19], $0x500  }
0x42: {  	[sflag:s19] =	ssyncset.done $0x0  }
0x43: {  	s11 =	simm.s32 $0x4DD0;
	[sflag:s19] =	ssyncadd.s32 $0xFFFFFB00  }
0x44: {  	[spmem:s3] =	stream.indirect.scatter.add.f32 [tilespmem:s22], [sflag:$0xF], $0x10, s11, s0, $0xb8;
	[tilespmem:$0x12CB0] =	vst v63  }
0x45: {  	_ =	swait.ge [sflag:s25], $0x500  }
0x46: {  	[sflag:s25] =	ssyncset.done $0x0  }
0x47: {  	[sflag:s25] =	ssyncadd.s32 $0xFFFFFB00  }
0x48: {  	_ =	swait.ge [sflag:s16], $0x500  }
0x49: {  	[sflag:s16] =	ssyncset.done $0x0  }
0x4a: {  	[sflag:s16] =	ssyncadd.s32 $0xFFFFFB00  }
0x4b: {  	_ =	swait.ge [sflag:s26], $0x500  }
0x4c: {  	[sflag:s26] =	ssyncset.done $0x0  }
0x4d: {  	[sflag:s26] =	ssyncadd.s32 $0xFFFFFB00  }
0x4e: {  	_ =	swait.ge [sflag:s5], $0x500  }
0x4f: {  	[sflag:s5] =	ssyncset.done $0x0  }
0x50: {  	[sflag:s5] =	ssyncadd.s32 $0xFFFFFB00  }
0x51: {  	_ =	swait.ge [sflag:s31], $0x500  }
0x52: {  	[sflag:s31] =	ssyncset.done $0x0  }
0x53: {  	[sflag:s31] =	ssyncadd.s32 $0xFFFFFB00  }
0x54: {  	s14 =	stileid.u32;
	[bflag:$0x0] =	sbarrier.arrive $0xFFFF  }
0x55: {  	s2 =	sshll.u32 s14, $0x6;
	s6 =	rddreg [dreg:$0x10]  }
0x56: {  	s2 =	sor.u32 $0x1C15, s2;
	s7 =	rddreg [dreg:$0x1a]  }
0x57: {  	[hbm:s6], [sflag:s2] =	dma.local [spmem:s7], $0x500  }
0x58: {  	s7 =	simm.s32 $0x15  }
0x59: {  	_ =	swait.ge [sflag:s7], $0x500  }
0x5a: {  	s14 =	rddreg [dreg:$0x6]  }
0x5b: {  	s24 =	rddreg [dreg:$0x12];
	s14 =	sadd.s32 $0x1, s14  }
0x5c: {  	p0 =	sne.s32 s14, s24  }
.Ltmp1:
0x5d: {  	_ = 	snop;
	(pc) =	sbr.rel @!p0 .LBB2_13-.Ltmp1, $3  }
0x5e: {  	_ =	sdelay $0x1  }
0x5f: {  	s28 =	simm.s32 $0x7120;
	s10 =	simm.s32 $0x7620;
	[sflag:s7] =	ssyncset.done $0x0  }
0x60: {  	s11 =	simm.s32 $0x7B20;
	[sflag:s7] =	ssyncadd.s32 $0xFFFFFB00;
	s24 =	simm.s32 $0x6C20  }
.LBB2_1:
0x61: {  	[dreg:$0x6] =	wrdreg s14;
	s2 =	simm.s32 $0x40;
	s6 =	simm.s32 $0x0  }
.LBB2_2:
0x62: {  	p0 =	sne.s32 s2, $0x13C0;
	[tilespmem:s6+$0x8020] =	vst v0;
	s6 =	smov.u32 s2;
	s2 =	sadd.s32 $0x40, s2  }
.Ltmp2:
0x63: {  	(pc) =	sbr.rel @p0 .LBB2_2-.Ltmp2, $2  }
0x64: {  	_ =	sdelay $0x2  }
0x65: {  	s6 =	sshra.s32 s6, $0x2  }
0x66: {  	[tilespmem:s6+$0x8020] =	vst v0;
	s2 =	rddreg [dreg:$0x11];
	s6 =	simm.s32 $0x8020  }
0x67: {  	[spmem:s2] =	stream.linear.scatter [tilespmem:s6], [sflag:$0x15], $0x500, $0x38;
	[tilespmem:$0x12CB0] =	vst v63  }
0x68: {  	_ =	swait.ge [sflag:s7], $0x500  }
0x69: {  	[sflag:s7] =	ssyncset.done $0x0  }
0x6a: {  	s14 =	rddreg [dreg:$0x13];
	[sflag:s7] =	ssyncadd.s32 $0xFFFFFB00  }
0x6b: {  	[spmem:s14] =	stream.linear.scatter [tilespmem:s6], [sflag:$0x15], $0x500, $0x38;
	[tilespmem:$0x12CB0] =	vst v63  }
0x6c: {  	_ =	swait.ge [sflag:s7], $0x500  }
0x6d: {  	[sflag:s7] =	ssyncset.done $0x0  }
0x6e: {  	s14 =	rddreg [dreg:$0x14];
	[sflag:s7] =	ssyncadd.s32 $0xFFFFFB00  }
0x6f: {  	[spmem:s14] =	stream.linear.scatter [tilespmem:s6], [sflag:$0x15], $0x500, $0x38;
	[tilespmem:$0x12CB0] =	vst v63  }
0x70: {  	_ =	swait.ge [sflag:s7], $0x500  }
0x71: {  	[sflag:s7] =	ssyncset.done $0x0  }
0x72: {  	s14 =	rddreg [dreg:$0x15];
	[sflag:s7] =	ssyncadd.s32 $0xFFFFFB00  }
0x73: {  	[spmem:s14] =	stream.linear.scatter [tilespmem:s6], [sflag:$0x15], $0x500, $0x38;
	[tilespmem:$0x12CB0] =	vst v63  }
0x74: {  	_ =	swait.ge [sflag:s7], $0x500  }
0x75: {  	[sflag:s7] =	ssyncset.done $0x0  }
0x76: {  	s14 =	rddreg [dreg:$0x16];
	[sflag:s7] =	ssyncadd.s32 $0xFFFFFB00  }
0x77: {  	[spmem:s14] =	stream.linear.scatter [tilespmem:s6], [sflag:$0x15], $0x500, $0x38;
	[tilespmem:$0x12CB0] =	vst v63  }
0x78: {  	_ =	swait.ge [sflag:s7], $0x500  }
0x79: {  	[sflag:s7] =	ssyncset.done $0x0  }
0x7a: {  	s14 =	rddreg [dreg:$0x17];
	[sflag:s7] =	ssyncadd.s32 $0xFFFFFB00  }
0x7b: {  	[spmem:s14] =	stream.linear.scatter [tilespmem:s6], [sflag:$0x15], $0x500, $0x38;
	[tilespmem:$0x12CB0] =	vst v63  }
0x7c: {  	_ =	swait.ge [sflag:s7], $0x500  }
0x7d: {  	[sflag:s7] =	ssyncset.done $0x0  }
0x7e: {  	s14 =	rddreg [dreg:$0x18];
	[sflag:s7] =	ssyncadd.s32 $0xFFFFFB00  }
0x7f: {  	[spmem:s14] =	stream.linear.scatter [tilespmem:s6], [sflag:$0x15], $0x500, $0x38;
	[tilespmem:$0x12CB0] =	vst v63  }
0x80: {  	_ =	swait.ge [sflag:s7], $0x500  }
0x81: {  	[sflag:s7] =	ssyncset.done $0x0  }
0x82: {  	s14 =	rddreg [dreg:$0x19];
	[sflag:s7] =	ssyncadd.s32 $0xFFFFFB00  }
0x83: {  	[spmem:s14] =	stream.linear.scatter [tilespmem:s6], [sflag:$0x15], $0x500, $0x38;
	[tilespmem:$0x12CB0] =	vst v63  }
0x84: {  	_ =	swait.ge [sflag:s7], $0x500  }
0x85: {  	[sflag:s7] =	ssyncset.done $0x0  }
0x86: {  	s2 =	simm.s32 $0x0;
	s14 =	rddreg [dreg:$0x7];
	[sflag:s7] =	ssyncadd.s32 $0xFFFFFB00  }
0x87: {  	[tilespmem:s29], [sflag:$0x15] =	stream.linear.gather [hbm4b:s14+s2], $0x2800, $0x38;
	[tilespmem:$0x12CB0] =	vst v63  }
0x88: {  	_ =	swait.ge [sflag:s7], $0x2800  }
0x89: {  	[sflag:s7] =	ssyncset.done $0x0  }
0x8a: {  	s14 =	rddreg [dreg:$0x8];
	[sflag:s7] =	ssyncadd.s32 $0xFFFFD800  }
0x8b: {  	[tilespmem:s30], [sflag:$0x15] =	stream.linear.gather [hbm4b:s14+s2], $0x2800, $0x38;
	[tilespmem:$0x12CB0] =	vst v63  }
0x8c: {  	_ =	swait.ge [sflag:s7], $0x2800  }
0x8d: {  	[sflag:s7] =	ssyncset.done $0x0  }
0x8e: {  	[sflag:s7] =	ssyncadd.s32 $0xFFFFD800  }
0x8f: {  	s14 =	simm.s32 $0xDCA0;
	s6 =	rddreg [dreg:$0x1]  }
0x90: {  	[tilespmem:s14], [sflag:$0x15] =	stream.linear.gather [hbm4b:s6+s2], $0x10, $0x38;
	[tilespmem:$0x12CB0] =	vst v63  }
0x91: {  	_ =	swait.ge [sflag:s7], $0x10  }
0x92: {  	[sflag:s7] =	ssyncset.done $0x0  }
0x93: {  	s14 =	simm.s32 $0xD520;
	s6 =	rddreg [dreg:$0x9];
	[sflag:s7] =	ssyncadd.s32 $0xFFFFFFF0  }
0x94: {  	[tilespmem:s14], [sflag:$0x15] =	stream.linear.gather [hbm4b:s6+s2], $0x280, $0x38;
	[tilespmem:$0x12CB0] =	vst v63  }
0x95: {  	_ =	swait.ge [sflag:s7], $0x280  }
0x96: {  	[sflag:s7] =	ssyncset.done $0x0  }
0x97: {  	s14 =	simm.s32 $0xDA20;
	s6 =	rddreg [dreg:$0xa];
	[sflag:s7] =	ssyncadd.s32 $0xFFFFFD80  }
0x98: {  	[tilespmem:s14], [sflag:$0x15] =	stream.linear.gather [hbm4b:s6+s2], $0x280, $0x38;
	[tilespmem:$0x12CB0] =	vst v63  }
0x99: {  	_ =	swait.ge [sflag:s7], $0x280  }
0x9a: {  	[sflag:s7] =	ssyncset.done $0x0  }
0x9b: {  	s2 =	simm.s32 $0x0;
	[sflag:s7] =	ssyncadd.s32 $0xFFFFFD80  }
0x9c: {  	s6 =	simm.s32 $0x40;
	v17 =	vld [tilespmem:s2+$0xDA20]  }
.LBB2_4:
0x9d: {  	p0 =	sne.s32 s6, $0x9C0;
	v18 =	vld [tilespmem:s2+$0xD520];
	_ =	sdelay $0x4  }
0x9e: {  	v17 =	vadd.f32 v17, v18;
	_ =	sdelay $0x1  }
0x9f: {  	v17 =	vmax.f32 v17, $1.000000000e+00  }
0xa0: {  	v18 =	vshra.s32 v17, $0x1;
	v17 =	vmul.f32 $5.000000000e-01, v17  }
0xa1: {  	v18 =	vsub.s32 $0x5F3759DF, v18  }
0xa2: {  	v19 =	vmul.f32 v18, v17;
	_ =	sdelay $0x1  }
0xa3: {  	v19 =	vmul.f32 v18, v19;
	_ =	sdelay $0x1  }
0xa4: {  	v19 =	vsub.f32 $1.500000000e+00, v19;
	_ =	sdelay $0x1  }
0xa5: {  	v18 =	vmul.f32 v18, v19;
	_ =	sdelay $0x1  }
0xa6: {  	v19 =	vmul.f32 v18, v17;
	_ =	sdelay $0x1  }
0xa7: {  	v19 =	vmul.f32 v19, v18;
	_ =	sdelay $0x1  }
0xa8: {  	v19 =	vsub.f32 $1.500000000e+00, v19;
	_ =	sdelay $0x1  }
0xa9: {  	v18 =	vmul.f32 v19, v18;
	_ =	sdelay $0x1  }
0xaa: {  	v17 =	vmul.f32 v18, v17;
	_ =	sdelay $0x1  }
0xab: {  	v17 =	vmul.f32 v17, v18;
	_ =	sdelay $0x1  }
.Ltmp3:
0xac: {  	v17 =	vsub.f32 $1.500000000e+00, v17;
	(pc) =	sbr.rel @p0 .LBB2_4-.Ltmp3, $4  }
0xad: {  	_ = 	snop  }
0xae: {  	v18 =	vmul.f32 v17, v18  }
0xaf: {  	s14 =	sshra.s32 s6, $0x2  }
0xb0: {  	s6 =	sadd.s32 $0x40, s6;
	v17 =	vld [tilespmem:s14+$0xDA20];
	[tilespmem:s2+$0xD520] =	vst v18;
	s2 =	smov.u32 s14  }
0xb1: {  	v18 =	vld [tilespmem:s2+$0xD520];
	_ =	sdelay $0x4  }
0xb2: {  	v17 =	vadd.f32 v17, v18;
	_ =	sdelay $0x1  }
0xb3: {  	v17 =	vmax.f32 v17, $1.000000000e+00  }
0xb4: {  	v18 =	vshra.s32 v17, $0x1;
	v17 =	vmul.f32 $5.000000000e-01, v17  }
0xb5: {  	v18 =	vsub.s32 $0x5F3759DF, v18  }
0xb6: {  	v19 =	vmul.f32 v18, v17;
	_ =	sdelay $0x1  }
0xb7: {  	v19 =	vmul.f32 v18, v19;
	_ =	sdelay $0x1  }
0xb8: {  	v19 =	vsub.f32 $1.500000000e+00, v19;
	_ =	sdelay $0x1  }
0xb9: {  	v18 =	vmul.f32 v18, v19;
	_ =	sdelay $0x1  }
0xba: {  	v19 =	vmul.f32 v18, v17;
	_ =	sdelay $0x1  }
0xbb: {  	v19 =	vmul.f32 v19, v18;
	_ =	sdelay $0x1  }
0xbc: {  	v19 =	vsub.f32 $1.500000000e+00, v19;
	_ =	sdelay $0x1  }
0xbd: {  	v18 =	vmul.f32 v19, v18;
	_ =	sdelay $0x1  }
0xbe: {  	v17 =	vmul.f32 v18, v17;
	_ =	sdelay $0x1  }
0xbf: {  	v17 =	vmul.f32 v17, v18;
	_ =	sdelay $0x1  }
0xc0: {  	v17 =	vsub.f32 $1.500000000e+00, v17;
	_ =	sdelay $0x1  }
0xc1: {  	v17 =	vmul.f32 v17, v18;
	_ =	sdelay $0x1  }
0xc2: {  	s6 =	rddreg [dreg:$0xb];
	s14 =	simm.s32 $0xD7A0;
	[tilespmem:s2+$0xD520] =	vst v17;
	s2 =	simm.s32 $0x0  }
0xc3: {  	[tilespmem:s14], [sflag:$0x15] =	stream.linear.gather [hbm4b:s6+s2], $0x280, $0x38;
	[tilespmem:$0x12CB0] =	vst v63  }
0xc4: {  	_ =	swait.ge [sflag:s7], $0x280  }
0xc5: {  	[sflag:s7] =	ssyncset.done $0x0  }
0xc6: {  	s14 =	simm.s32 $0xDA20;
	s6 =	rddreg [dreg:$0xc];
	[sflag:s7] =	ssyncadd.s32 $0xFFFFFD80  }
0xc7: {  	[tilespmem:s14], [sflag:$0x15] =	stream.linear.gather [hbm4b:s6+s2], $0x280, $0x38;
	[tilespmem:$0x12CB0] =	vst v63  }
0xc8: {  	_ =	swait.ge [sflag:s7], $0x280  }
0xc9: {  	[sflag:s7] =	ssyncset.done $0x0  }
0xca: {  	s2 =	simm.s32 $0x0;
	[sflag:s7] =	ssyncadd.s32 $0xFFFFFD80  }
0xcb: {  	s6 =	simm.s32 $0x40;
	v17 =	vld [tilespmem:s2+$0xDA20]  }
.LBB2_6:
0xcc: {  	p0 =	sne.s32 s6, $0x9C0;
	v18 =	vld [tilespmem:s2+$0xD7A0];
	_ =	sdelay $0x4  }
0xcd: {  	v17 =	vadd.f32 v17, v18;
	_ =	sdelay $0x1  }
0xce: {  	v17 =	vmax.f32 v17, $1.000000000e+00  }
0xcf: {  	v18 =	vshra.s32 v17, $0x1;
	v17 =	vmul.f32 $5.000000000e-01, v17  }
0xd0: {  	v18 =	vsub.s32 $0x5F3759DF, v18  }
0xd1: {  	v19 =	vmul.f32 v18, v17;
	_ =	sdelay $0x1  }
0xd2: {  	v19 =	vmul.f32 v18, v19;
	_ =	sdelay $0x1  }
0xd3: {  	v19 =	vsub.f32 $1.500000000e+00, v19;
	_ =	sdelay $0x1  }
0xd4: {  	v18 =	vmul.f32 v18, v19;
	_ =	sdelay $0x1  }
0xd5: {  	v19 =	vmul.f32 v18, v17;
	_ =	sdelay $0x1  }
0xd6: {  	v19 =	vmul.f32 v19, v18;
	_ =	sdelay $0x1  }
0xd7: {  	v19 =	vsub.f32 $1.500000000e+00, v19;
	_ =	sdelay $0x1  }
0xd8: {  	v18 =	vmul.f32 v19, v18;
	_ =	sdelay $0x1  }
0xd9: {  	v17 =	vmul.f32 v18, v17;
	_ =	sdelay $0x1  }
0xda: {  	v17 =	vmul.f32 v17, v18;
	_ =	sdelay $0x1  }
.Ltmp4:
0xdb: {  	v17 =	vsub.f32 $1.500000000e+00, v17;
	(pc) =	sbr.rel @p0 .LBB2_6-.Ltmp4, $4  }
0xdc: {  	_ = 	snop  }
0xdd: {  	v18 =	vmul.f32 v17, v18  }
0xde: {  	s14 =	sshra.s32 s6, $0x2  }
0xdf: {  	s6 =	sadd.s32 $0x40, s6;
	v17 =	vld [tilespmem:s14+$0xDA20];
	[tilespmem:s2+$0xD7A0] =	vst v18;
	s2 =	smov.u32 s14  }
0xe0: {  	v18 =	vld [tilespmem:s2+$0xD7A0];
	_ =	sdelay $0x4  }
0xe1: {  	v17 =	vadd.f32 v17, v18;
	_ =	sdelay $0x1  }
0xe2: {  	v17 =	vmax.f32 v17, $1.000000000e+00  }
0xe3: {  	v18 =	vshra.s32 v17, $0x1;
	v17 =	vmul.f32 $5.000000000e-01, v17  }
0xe4: {  	v18 =	vsub.s32 $0x5F3759DF, v18  }
0xe5: {  	v19 =	vmul.f32 v18, v17;
	_ =	sdelay $0x1  }
0xe6: {  	v19 =	vmul.f32 v18, v19;
	_ =	sdelay $0x1  }
0xe7: {  	v19 =	vsub.f32 $1.500000000e+00, v19;
	_ =	sdelay $0x1  }
0xe8: {  	v18 =	vmul.f32 v18, v19;
	_ =	sdelay $0x1  }
0xe9: {  	v19 =	vmul.f32 v18, v17;
	_ =	sdelay $0x1  }
0xea: {  	v19 =	vmul.f32 v19, v18;
	_ =	sdelay $0x1  }
0xeb: {  	v19 =	vsub.f32 $1.500000000e+00, v19;
	_ =	sdelay $0x1  }
0xec: {  	v18 =	vmul.f32 v19, v18;
	_ =	sdelay $0x1  }
0xed: {  	v17 =	vmul.f32 v18, v17;
	_ =	sdelay $0x1  }
0xee: {  	v17 =	vmul.f32 v17, v18;
	_ =	sdelay $0x1  }
0xef: {  	v17 =	vsub.f32 $1.500000000e+00, v17  }
0xf0: {  	s6 =	simm.s32 $0x0  }
0xf1: {  	v17 =	vmul.f32 v17, v18;
	v18 =	vmov s6  }
0xf2: {  	v18 =	vshll.u32 v18, $0x4  }
0xf3: {  	s7 =	simm.s32 $0xDCA0;
	[tilespmem:s2+$0xD7A0] =	vst v17;
	v35 =	vor.u32 v16, v18  }
0xf4: {  	v17 =	vld.msk [tilespmem:s7+$0x0], $0xffff  }
0xf5: {  	v18 =	vld.idx.msk [tilespmem:v1+s7+$0x0], $0xffff  }
0xf6: {  	v19 =	vld.idx.msk [tilespmem:v2+s7+$0x0], $0xffff  }
0xf7: {  	v20 =	vld.idx.msk [tilespmem:v3+s7+$0x0], $0xffff  }
0xf8: {  	v26 =	vld.idx.msk [tilespmem:v35+s29+$0x0], $0xffff  }
0xf9: {  	v27 =	vld.idx.msk [tilespmem:v35+s30+$0x0], $0xffff  }
0xfa: {  	s14 =	simm.s32 $0xD7A0;
	v21 =	vld.idx.msk [tilespmem:v4+s7+$0x0], $0xffff  }
0xfb: {  	v33 =	vld [tilespmem:s14+$0x0]  }
0xfc: {  	v22 =	vld.idx.msk [tilespmem:v5+s7+$0x0], $0xffff  }
0xfd: {  	v23 =	vld.idx.msk [tilespmem:v6+s7+$0x0], $0xffff  }
0xfe: {  	v24 =	vld.idx.msk [tilespmem:v7+s7+$0x0], $0xffff;
	v27 =	vadd.f32 v27, v26  }
0xff: {  	s2 =	simm.s32 $0xD520;
	v25 =	vld.idx.msk [tilespmem:v8+s7+$0x0], $0xffff  }
0x100: {  	v34 =	vld [tilespmem:s2+$0x0];
	v29 =	vmul.f32 v27, v33  }
0x101: {  	v28 =	vld.idx.msk [tilespmem:v11+s7+$0x0], $0xffff  }
0x102: {  	v31 =	vld.idx.msk [tilespmem:v13+s7+$0x0], $0xffff;
	v30 =	vadd.f32 v29, v17  }
0x103: {  	v36 =	vor.u32 $0x1, v35;
	v32 =	vld.idx.msk [tilespmem:v14+s7+$0x0], $0xffff  }
0x104: {  	v26 =	vld.idx.msk [tilespmem:v9+s7+$0x0], $0xffff;
	v30 =	vmax.f32 v30, $0.0e+00  }
0x105: {  	v27 =	vld.idx.msk [tilespmem:v10+s7+$0x0], $0xffff;
	v37 =	vmul.f32 v30, v34  }
0x106: {  	v29 =	vld.idx.msk [tilespmem:v12+s7+$0x0], $0xffff  }
0x107: {  	v30 =	vld.idx.msk [tilespmem:v15+s7+$0x0], $0xffff;
	[tilespmem:v35+s29+$0x0] =	vst.idx.msk $0xffff, v37  }
0x108: {  	v37 =	vld.idx.msk [tilespmem:v36+s29+$0x0], $0xffff  }
0x109: {  	v38 =	vld.idx.msk [tilespmem:v36+s30+$0x0], $0xffff;
	_ =	sdelay $0x4  }
0x10a: {  	v37 =	vadd.f32 v38, v37;
	_ =	sdelay $0x1  }
0x10b: {  	v37 =	vmul.f32 v37, v33;
	_ =	sdelay $0x1  }
0x10c: {  	v37 =	vadd.f32 v37, v18  }
0x10d: {  	v50 =	vor.u32 $0x2, v35  }
0x10e: {  	v37 =	vmax.f32 v37, $0.0e+00  }
0x10f: {  	v37 =	vmul.f32 v37, v34;
	_ =	sdelay $0x1  }
0x110: {  	[tilespmem:v36+s29+$0x0] =	vst.idx.msk $0xffff, v37  }
0x111: {  	v36 =	vld.idx.msk [tilespmem:v50+s29+$0x0], $0xffff  }
0x112: {  	v37 =	vld.idx.msk [tilespmem:v50+s30+$0x0], $0xffff;
	_ =	sdelay $0x4  }
0x113: {  	v36 =	vadd.f32 v37, v36;
	_ =	sdelay $0x1  }
0x114: {  	v36 =	vmul.f32 v36, v33;
	_ =	sdelay $0x1  }
0x115: {  	v36 =	vadd.f32 v36, v19  }
0x116: {  	v51 =	vor.u32 $0x3, v35  }
0x117: {  	v36 =	vmax.f32 v36, $0.0e+00  }
0x118: {  	v36 =	vmul.f32 v36, v34;
	_ =	sdelay $0x1  }
0x119: {  	[tilespmem:v50+s29+$0x0] =	vst.idx.msk $0xffff, v36  }
0x11a: {  	v36 =	vld.idx.msk [tilespmem:v51+s29+$0x0], $0xffff  }
0x11b: {  	v38 =	vld.idx.msk [tilespmem:v51+s30+$0x0], $0xffff;
	_ =	sdelay $0x4  }
0x11c: {  	v36 =	vadd.f32 v38, v36;
	_ =	sdelay $0x1  }
0x11d: {  	v36 =	vmul.f32 v36, v33;
	_ =	sdelay $0x1  }
0x11e: {  	v36 =	vadd.f32 v36, v20  }
0x11f: {  	v52 =	vor.u32 $0x4, v35  }
0x120: {  	v36 =	vmax.f32 v36, $0.0e+00  }
0x121: {  	v36 =	vmul.f32 v36, v34;
	_ =	sdelay $0x1  }
0x122: {  	[tilespmem:v51+s29+$0x0] =	vst.idx.msk $0xffff, v36  }
0x123: {  	v36 =	vld.idx.msk [tilespmem:v52+s29+$0x0], $0xffff  }
0x124: {  	v37 =	vld.idx.msk [tilespmem:v52+s30+$0x0], $0xffff;
	_ =	sdelay $0x4  }
0x125: {  	v36 =	vadd.f32 v37, v36;
	_ =	sdelay $0x1  }
0x126: {  	v36 =	vmul.f32 v36, v33;
	_ =	sdelay $0x1  }
0x127: {  	v36 =	vadd.f32 v36, v21  }
0x128: {  	v53 =	vor.u32 $0x5, v35  }
0x129: {  	v36 =	vmax.f32 v36, $0.0e+00  }
0x12a: {  	v36 =	vmul.f32 v36, v34;
	_ =	sdelay $0x1  }
0x12b: {  	[tilespmem:v52+s29+$0x0] =	vst.idx.msk $0xffff, v36  }
0x12c: {  	v36 =	vld.idx.msk [tilespmem:v53+s29+$0x0], $0xffff  }
0x12d: {  	v38 =	vld.idx.msk [tilespmem:v53+s30+$0x0], $0xffff;
	_ =	sdelay $0x4  }
0x12e: {  	v36 =	vadd.f32 v38, v36;
	_ =	sdelay $0x1  }
0x12f: {  	v36 =	vmul.f32 v36, v33;
	_ =	sdelay $0x1  }
0x130: {  	v36 =	vadd.f32 v36, v22  }
0x131: {  	v54 =	vor.u32 $0x6, v35  }
0x132: {  	v36 =	vmax.f32 v36, $0.0e+00  }
0x133: {  	v36 =	vmul.f32 v36, v34;
	_ =	sdelay $0x1  }
0x134: {  	[tilespmem:v53+s29+$0x0] =	vst.idx.msk $0xffff, v36  }
0x135: {  	v36 =	vld.idx.msk [tilespmem:v54+s29+$0x0], $0xffff  }
0x136: {  	v37 =	vld.idx.msk [tilespmem:v54+s30+$0x0], $0xffff;
	_ =	sdelay $0x4  }
0x137: {  	v36 =	vadd.f32 v37, v36;
	_ =	sdelay $0x1  }
0x138: {  	v36 =	vmul.f32 v36, v33;
	_ =	sdelay $0x1  }
0x139: {  	v36 =	vadd.f32 v36, v23  }
0x13a: {  	v55 =	vor.u32 $0x7, v35  }
0x13b: {  	v36 =	vmax.f32 v36, $0.0e+00  }
0x13c: {  	v36 =	vmul.f32 v36, v34;
	_ =	sdelay $0x1  }
0x13d: {  	[tilespmem:v54+s29+$0x0] =	vst.idx.msk $0xffff, v36  }
0x13e: {  	v36 =	vld.idx.msk [tilespmem:v55+s29+$0x0], $0xffff  }
0x13f: {  	v38 =	vld.idx.msk [tilespmem:v55+s30+$0x0], $0xffff;
	_ =	sdelay $0x4  }
0x140: {  	v36 =	vadd.f32 v38, v36;
	_ =	sdelay $0x1  }
0x141: {  	v36 =	vmul.f32 v36, v33;
	_ =	sdelay $0x1  }
0x142: {  	v36 =	vadd.f32 v36, v24  }
0x143: {  	v56 =	vor.u32 $0x8, v35  }
0x144: {  	v36 =	vmax.f32 v36, $0.0e+00  }
0x145: {  	v36 =	vmul.f32 v36, v34;
	_ =	sdelay $0x1  }
0x146: {  	[tilespmem:v55+s29+$0x0] =	vst.idx.msk $0xffff, v36  }
0x147: {  	v36 =	vld.idx.msk [tilespmem:v56+s29+$0x0], $0xffff  }
0x148: {  	v37 =	vld.idx.msk [tilespmem:v56+s30+$0x0], $0xffff;
	_ =	sdelay $0x4  }
0x149: {  	v36 =	vadd.f32 v37, v36;
	_ =	sdelay $0x1  }
0x14a: {  	v36 =	vmul.f32 v36, v33;
	_ =	sdelay $0x1  }
0x14b: {  	v36 =	vadd.f32 v36, v25  }
0x14c: {  	v57 =	vor.u32 $0x9, v35  }
0x14d: {  	v36 =	vmax.f32 v36, $0.0e+00  }
0x14e: {  	v36 =	vmul.f32 v36, v34;
	_ =	sdelay $0x1  }
0x14f: {  	[tilespmem:v56+s29+$0x0] =	vst.idx.msk $0xffff, v36  }
0x150: {  	v36 =	vld.idx.msk [tilespmem:v57+s29+$0x0], $0xffff  }
0x151: {  	v38 =	vld.idx.msk [tilespmem:v57+s30+$0x0], $0xffff;
	_ =	sdelay $0x4  }
0x152: {  	v36 =	vadd.f32 v38, v36;
	_ =	sdelay $0x1  }
0x153: {  	v36 =	vmul.f32 v36, v33;
	_ =	sdelay $0x1  }
0x154: {  	v36 =	vadd.f32 v36, v26  }
0x155: {  	v58 =	vor.u32 $0xA, v35  }
0x156: {  	v36 =	vmax.f32 v36, $0.0e+00  }
0x157: {  	v36 =	vmul.f32 v36, v34;
	_ =	sdelay $0x1  }
0x158: {  	[tilespmem:v57+s29+$0x0] =	vst.idx.msk $0xffff, v36  }
0x159: {  	v36 =	vld.idx.msk [tilespmem:v58+s29+$0x0], $0xffff  }
0x15a: {  	v37 =	vld.idx.msk [tilespmem:v58+s30+$0x0], $0xffff;
	_ =	sdelay $0x4  }
0x15b: {  	v36 =	vadd.f32 v37, v36;
	_ =	sdelay $0x1  }
0x15c: {  	v36 =	vmul.f32 v36, v33;
	_ =	sdelay $0x1  }
0x15d: {  	v36 =	vadd.f32 v36, v27  }
0x15e: {  	v59 =	vor.u32 $0xB, v35  }
0x15f: {  	v36 =	vmax.f32 v36, $0.0e+00  }
0x160: {  	v36 =	vmul.f32 v36, v34;
	_ =	sdelay $0x1  }
0x161: {  	[tilespmem:v58+s29+$0x0] =	vst.idx.msk $0xffff, v36  }
0x162: {  	v36 =	vld.idx.msk [tilespmem:v59+s29+$0x0], $0xffff  }
0x163: {  	v38 =	vld.idx.msk [tilespmem:v59+s30+$0x0], $0xffff;
	_ =	sdelay $0x4  }
0x164: {  	v36 =	vadd.f32 v38, v36;
	_ =	sdelay $0x1  }
0x165: {  	v36 =	vmul.f32 v36, v33;
	_ =	sdelay $0x1  }
0x166: {  	v36 =	vadd.f32 v36, v28  }
0x167: {  	v60 =	vor.u32 $0xC, v35  }
0x168: {  	v36 =	vmax.f32 v36, $0.0e+00  }
0x169: {  	v36 =	vmul.f32 v36, v34;
	_ =	sdelay $0x1  }
0x16a: {  	[tilespmem:v59+s29+$0x0] =	vst.idx.msk $0xffff, v36  }
0x16b: {  	v36 =	vld.idx.msk [tilespmem:v60+s29+$0x0], $0xffff  }
0x16c: {  	v37 =	vld.idx.msk [tilespmem:v60+s30+$0x0], $0xffff;
	_ =	sdelay $0x4  }
0x16d: {  	v36 =	vadd.f32 v37, v36;
	_ =	sdelay $0x1  }
0x16e: {  	v36 =	vmul.f32 v36, v33;
	_ =	sdelay $0x1  }
0x16f: {  	v36 =	vadd.f32 v36, v29  }
0x170: {  	v61 =	vor.u32 $0xD, v35  }
0x171: {  	v36 =	vmax.f32 v36, $0.0e+00  }
0x172: {  	v36 =	vmul.f32 v36, v34;
	_ =	sdelay $0x1  }
0x173: {  	[tilespmem:v60+s29+$0x0] =	vst.idx.msk $0xffff, v36  }
0x174: {  	v36 =	vld.idx.msk [tilespmem:v61+s29+$0x0], $0xffff  }
0x175: {  	v38 =	vld.idx.msk [tilespmem:v61+s30+$0x0], $0xffff;
	_ =	sdelay $0x4  }
0x176: {  	v36 =	vadd.f32 v38, v36;
	_ =	sdelay $0x1  }
0x177: {  	v36 =	vmul.f32 v36, v33;
	_ =	sdelay $0x1  }
0x178: {  	v36 =	vadd.f32 v36, v31  }
0x179: {  	v62 =	vor.u32 $0xE, v35  }
0x17a: {  	v36 =	vmax.f32 v36, $0.0e+00  }
0x17b: {  	v36 =	vmul.f32 v36, v34;
	_ =	sdelay $0x1  }
0x17c: {  	[tilespmem:v61+s29+$0x0] =	vst.idx.msk $0xffff, v36  }
0x17d: {  	v36 =	vld.idx.msk [tilespmem:v62+s29+$0x0], $0xffff  }
0x17e: {  	v37 =	vld.idx.msk [tilespmem:v62+s30+$0x0], $0xffff;
	_ =	sdelay $0x4  }
0x17f: {  	v36 =	vadd.f32 v37, v36;
	_ =	sdelay $0x1  }
0x180: {  	v36 =	vmul.f32 v36, v33;
	_ =	sdelay $0x1  }
0x181: {  	v36 =	vadd.f32 v36, v32;
	_ =	sdelay $0x1  }
0x182: {  	v36 =	vmax.f32 v36, $0.0e+00  }
0x183: {  	v63 =	vmul.f32 v36, v34;
	v36 =	vor.u32 $0xF, v35;
	_ =	sdelay $0x3  }
0x184: {  	s6 =	simm.s32 $0x10;
	[tilespmem:v62+s29+$0x0] =	vst.idx.msk $0xffff, v63  }
.LBB2_8:
0x185: {  	p0 =	sne.s32 s6, $0x270;
	v35 =	vld.idx.msk [tilespmem:v36+s29+$0x0], $0xffff;
	s2 =	sadd.s32 $0x10, s2;
	s14 =	sadd.s32 $0x10, s14  }
0x186: {  	s7 =	smov.u32 s6;
	s6 =	sadd.s32 $0x10, s6;
	v37 =	vld.idx.msk [tilespmem:v36+s30+$0x0], $0xffff;
	_ =	sdelay $0x5  }
0x187: {  	v35 =	vadd.f32 v37, v35;
	_ =	sdelay $0x1  }
0x188: {  	v33 =	vmul.f32 v35, v33  }
0x189: {  	v35 =	vmov s7  }
0x18a: {  	v35 =	vshll.u32 v35, $0x4;
	v33 =	vadd.f32 v33, v30  }
0x18b: {  	v35 =	vor.u32 v16, v35  }
0x18c: {  	v33 =	vmax.f32 v33, $0.0e+00  }
0x18d: {  	v33 =	vmul.f32 v33, v34;
	_ =	sdelay $0x1  }
0x18e: {  	[tilespmem:v36+s29+$0x0] =	vst.idx.msk $0xffff, v33  }
0x18f: {  	v34 =	vld.idx.msk [tilespmem:v35+s29+$0x0], $0xffff  }
0x190: {  	v36 =	vld.idx.msk [tilespmem:v35+s30+$0x0], $0xffff;
	_ =	sdelay $0x1  }
0x191: {  	v33 =	vld [tilespmem:s14+$0x0];
	_ =	sdelay $0x3  }
0x192: {  	v36 =	vadd.f32 v36, v34  }
0x193: {  	v34 =	vld [tilespmem:s2+$0x0]  }
0x194: {  	v36 =	vmul.f32 v36, v33;
	_ =	sdelay $0x1  }
0x195: {  	v36 =	vadd.f32 v36, v17  }
0x196: {  	v37 =	vor.u32 $0x1, v35  }
0x197: {  	v36 =	vmax.f32 v36, $0.0e+00  }
0x198: {  	v36 =	vmul.f32 v36, v34;
	_ =	sdelay $0x1  }
0x199: {  	[tilespmem:v35+s29+$0x0] =	vst.idx.msk $0xffff, v36  }
0x19a: {  	v36 =	vld.idx.msk [tilespmem:v37+s29+$0x0], $0xffff  }
0x19b: {  	v38 =	vld.idx.msk [tilespmem:v37+s30+$0x0], $0xffff;
	_ =	sdelay $0x5  }
0x19c: {  	v36 =	vadd.f32 v38, v36;
	_ =	sdelay $0x1  }
0x19d: {  	v36 =	vmul.f32 v36, v33;
	_ =	sdelay $0x1  }
0x19e: {  	v36 =	vadd.f32 v36, v18  }
0x19f: {  	v38 =	vor.u32 $0x2, v35  }
0x1a0: {  	v36 =	vmax.f32 v36, $0.0e+00  }
0x1a1: {  	v36 =	vmul.f32 v36, v34;
	_ =	sdelay $0x1  }
0x1a2: {  	[tilespmem:v37+s29+$0x0] =	vst.idx.msk $0xffff, v36  }
0x1a3: {  	v36 =	vld.idx.msk [tilespmem:v38+s29+$0x0], $0xffff  }
0x1a4: {  	v37 =	vld.idx.msk [tilespmem:v38+s30+$0x0], $0xffff;
	_ =	sdelay $0x5  }
0x1a5: {  	v36 =	vadd.f32 v37, v36;
	_ =	sdelay $0x1  }
0x1a6: {  	v36 =	vmul.f32 v36, v33;
	_ =	sdelay $0x1  }
0x1a7: {  	v36 =	vadd.f32 v36, v19  }
0x1a8: {  	v37 =	vor.u32 $0x3, v35  }
0x1a9: {  	v36 =	vmax.f32 v36, $0.0e+00  }
0x1aa: {  	v36 =	vmul.f32 v36, v34;
	_ =	sdelay $0x1  }
0x1ab: {  	[tilespmem:v38+s29+$0x0] =	vst.idx.msk $0xffff, v36  }
0x1ac: {  	v36 =	vld.idx.msk [tilespmem:v37+s29+$0x0], $0xffff  }
0x1ad: {  	v38 =	vld.idx.msk [tilespmem:v37+s30+$0x0], $0xffff;
	_ =	sdelay $0x5  }
0x1ae: {  	v36 =	vadd.f32 v38, v36;
	_ =	sdelay $0x1  }
0x1af: {  	v36 =	vmul.f32 v36, v33;
	_ =	sdelay $0x1  }
0x1b0: {  	v36 =	vadd.f32 v36, v20  }
0x1b1: {  	v38 =	vor.u32 $0x4, v35  }
0x1b2: {  	v36 =	vmax.f32 v36, $0.0e+00  }
0x1b3: {  	v36 =	vmul.f32 v36, v34;
	_ =	sdelay $0x1  }
0x1b4: {  	[tilespmem:v37+s29+$0x0] =	vst.idx.msk $0xffff, v36  }
0x1b5: {  	v36 =	vld.idx.msk [tilespmem:v38+s29+$0x0], $0xffff  }
0x1b6: {  	v37 =	vld.idx.msk [tilespmem:v38+s30+$0x0], $0xffff;
	_ =	sdelay $0x5  }
0x1b7: {  	v36 =	vadd.f32 v37, v36;
	_ =	sdelay $0x1  }
0x1b8: {  	v36 =	vmul.f32 v36, v33;
	_ =	sdelay $0x1  }
0x1b9: {  	v36 =	vadd.f32 v36, v21  }
0x1ba: {  	v37 =	vor.u32 $0x5, v35  }
0x1bb: {  	v36 =	vmax.f32 v36, $0.0e+00  }
0x1bc: {  	v36 =	vmul.f32 v36, v34;
	_ =	sdelay $0x1  }
0x1bd: {  	[tilespmem:v38+s29+$0x0] =	vst.idx.msk $0xffff, v36  }
0x1be: {  	v36 =	vld.idx.msk [tilespmem:v37+s29+$0x0], $0xffff  }
0x1bf: {  	v38 =	vld.idx.msk [tilespmem:v37+s30+$0x0], $0xffff;
	_ =	sdelay $0x5  }
0x1c0: {  	v36 =	vadd.f32 v38, v36;
	_ =	sdelay $0x1  }
0x1c1: {  	v36 =	vmul.f32 v36, v33;
	_ =	sdelay $0x1  }
0x1c2: {  	v36 =	vadd.f32 v36, v22  }
0x1c3: {  	v38 =	vor.u32 $0x6, v35  }
0x1c4: {  	v36 =	vmax.f32 v36, $0.0e+00  }
0x1c5: {  	v36 =	vmul.f32 v36, v34;
	_ =	sdelay $0x1  }
0x1c6: {  	[tilespmem:v37+s29+$0x0] =	vst.idx.msk $0xffff, v36  }
0x1c7: {  	v36 =	vld.idx.msk [tilespmem:v38+s29+$0x0], $0xffff  }
0x1c8: {  	v37 =	vld.idx.msk [tilespmem:v38+s30+$0x0], $0xffff;
	_ =	sdelay $0x5  }
0x1c9: {  	v36 =	vadd.f32 v37, v36;
	_ =	sdelay $0x1  }
0x1ca: {  	v36 =	vmul.f32 v36, v33;
	_ =	sdelay $0x1  }
0x1cb: {  	v36 =	vadd.f32 v36, v23  }
0x1cc: {  	v37 =	vor.u32 $0x7, v35  }
0x1cd: {  	v36 =	vmax.f32 v36, $0.0e+00  }
0x1ce: {  	v36 =	vmul.f32 v36, v34;
	_ =	sdelay $0x1  }
0x1cf: {  	[tilespmem:v38+s29+$0x0] =	vst.idx.msk $0xffff, v36  }
0x1d0: {  	v36 =	vld.idx.msk [tilespmem:v37+s29+$0x0], $0xffff  }
0x1d1: {  	v38 =	vld.idx.msk [tilespmem:v37+s30+$0x0], $0xffff;
	_ =	sdelay $0x5  }
0x1d2: {  	v36 =	vadd.f32 v38, v36;
	_ =	sdelay $0x1  }
0x1d3: {  	v36 =	vmul.f32 v36, v33;
	_ =	sdelay $0x1  }
0x1d4: {  	v36 =	vadd.f32 v36, v24  }
0x1d5: {  	v38 =	vor.u32 $0x8, v35  }
0x1d6: {  	v36 =	vmax.f32 v36, $0.0e+00  }
0x1d7: {  	v36 =	vmul.f32 v36, v34;
	_ =	sdelay $0x1  }
0x1d8: {  	[tilespmem:v37+s29+$0x0] =	vst.idx.msk $0xffff, v36  }
0x1d9: {  	v36 =	vld.idx.msk [tilespmem:v38+s29+$0x0], $0xffff  }
0x1da: {  	v37 =	vld.idx.msk [tilespmem:v38+s30+$0x0], $0xffff;
	_ =	sdelay $0x5  }
0x1db: {  	v36 =	vadd.f32 v37, v36;
	_ =	sdelay $0x1  }
0x1dc: {  	v36 =	vmul.f32 v36, v33;
	_ =	sdelay $0x1  }
0x1dd: {  	v36 =	vadd.f32 v36, v25  }
0x1de: {  	v37 =	vor.u32 $0x9, v35  }
0x1df: {  	v36 =	vmax.f32 v36, $0.0e+00  }
0x1e0: {  	v36 =	vmul.f32 v36, v34;
	_ =	sdelay $0x1  }
0x1e1: {  	[tilespmem:v38+s29+$0x0] =	vst.idx.msk $0xffff, v36  }
0x1e2: {  	v36 =	vld.idx.msk [tilespmem:v37+s29+$0x0], $0xffff  }
0x1e3: {  	v38 =	vld.idx.msk [tilespmem:v37+s30+$0x0], $0xffff;
	_ =	sdelay $0x5  }
0x1e4: {  	v36 =	vadd.f32 v38, v36;
	_ =	sdelay $0x1  }
0x1e5: {  	v36 =	vmul.f32 v36, v33;
	_ =	sdelay $0x1  }
0x1e6: {  	v36 =	vadd.f32 v36, v26  }
0x1e7: {  	v38 =	vor.u32 $0xA, v35  }
0x1e8: {  	v36 =	vmax.f32 v36, $0.0e+00  }
0x1e9: {  	v36 =	vmul.f32 v36, v34;
	_ =	sdelay $0x1  }
0x1ea: {  	[tilespmem:v37+s29+$0x0] =	vst.idx.msk $0xffff, v36  }
0x1eb: {  	v36 =	vld.idx.msk [tilespmem:v38+s29+$0x0], $0xffff  }
0x1ec: {  	v37 =	vld.idx.msk [tilespmem:v38+s30+$0x0], $0xffff;
	_ =	sdelay $0x5  }
0x1ed: {  	v36 =	vadd.f32 v37, v36;
	_ =	sdelay $0x1  }
0x1ee: {  	v36 =	vmul.f32 v36, v33;
	_ =	sdelay $0x1  }
0x1ef: {  	v36 =	vadd.f32 v36, v27  }
0x1f0: {  	v37 =	vor.u32 $0xB, v35  }
0x1f1: {  	v36 =	vmax.f32 v36, $0.0e+00  }
0x1f2: {  	v36 =	vmul.f32 v36, v34;
	_ =	sdelay $0x1  }
0x1f3: {  	[tilespmem:v38+s29+$0x0] =	vst.idx.msk $0xffff, v36  }
0x1f4: {  	v36 =	vld.idx.msk [tilespmem:v37+s29+$0x0], $0xffff  }
0x1f5: {  	v38 =	vld.idx.msk [tilespmem:v37+s30+$0x0], $0xffff;
	_ =	sdelay $0x5  }
0x1f6: {  	v36 =	vadd.f32 v38, v36;
	_ =	sdelay $0x1  }
0x1f7: {  	v36 =	vmul.f32 v36, v33;
	_ =	sdelay $0x1  }
0x1f8: {  	v36 =	vadd.f32 v36, v28  }
0x1f9: {  	v38 =	vor.u32 $0xC, v35  }
0x1fa: {  	v36 =	vmax.f32 v36, $0.0e+00  }
0x1fb: {  	v36 =	vmul.f32 v36, v34;
	_ =	sdelay $0x1  }
0x1fc: {  	[tilespmem:v37+s29+$0x0] =	vst.idx.msk $0xffff, v36  }
0x1fd: {  	v36 =	vld.idx.msk [tilespmem:v38+s29+$0x0], $0xffff  }
0x1fe: {  	v37 =	vld.idx.msk [tilespmem:v38+s30+$0x0], $0xffff;
	_ =	sdelay $0x5  }
0x1ff: {  	v36 =	vadd.f32 v37, v36;
	_ =	sdelay $0x1  }
0x200: {  	v36 =	vmul.f32 v36, v33;
	_ =	sdelay $0x1  }
0x201: {  	v36 =	vadd.f32 v36, v29  }
0x202: {  	v37 =	vor.u32 $0xD, v35  }
0x203: {  	v36 =	vmax.f32 v36, $0.0e+00  }
0x204: {  	v36 =	vmul.f32 v36, v34;
	_ =	sdelay $0x1  }
0x205: {  	[tilespmem:v38+s29+$0x0] =	vst.idx.msk $0xffff, v36  }
0x206: {  	v36 =	vld.idx.msk [tilespmem:v37+s29+$0x0], $0xffff  }
0x207: {  	v38 =	vld.idx.msk [tilespmem:v37+s30+$0x0], $0xffff;
	_ =	sdelay $0x5  }
0x208: {  	v36 =	vadd.f32 v38, v36;
	_ =	sdelay $0x1  }
0x209: {  	v36 =	vmul.f32 v36, v33;
	_ =	sdelay $0x1  }
0x20a: {  	v36 =	vadd.f32 v36, v31  }
0x20b: {  	v38 =	vor.u32 $0xE, v35  }
0x20c: {  	v36 =	vmax.f32 v36, $0.0e+00  }
0x20d: {  	v36 =	vmul.f32 v36, v34;
	_ =	sdelay $0x1  }
0x20e: {  	[tilespmem:v37+s29+$0x0] =	vst.idx.msk $0xffff, v36  }
0x20f: {  	v36 =	vld.idx.msk [tilespmem:v38+s29+$0x0], $0xffff  }
0x210: {  	v37 =	vld.idx.msk [tilespmem:v38+s30+$0x0], $0xffff;
	_ =	sdelay $0x5  }
0x211: {  	v36 =	vadd.f32 v37, v36;
	_ =	sdelay $0x1  }
0x212: {  	v36 =	vmul.f32 v36, v33;
	_ =	sdelay $0x1  }
0x213: {  	v37 =	vadd.f32 v36, v32  }
.Ltmp5:
0x214: {  	v36 =	vor.u32 $0xF, v35;
	(pc) =	sbr.rel @p0 .LBB2_8-.Ltmp5, $3  }
0x215: {  	v35 =	vmax.f32 v37, $0.0e+00  }
0x216: {  	v35 =	vmul.f32 v35, v34;
	_ =	sdelay $0x1  }
0x217: {  	[tilespmem:v38+s29+$0x0] =	vst.idx.msk $0xffff, v35  }
0x218: {  	_ =	sdelay $0x3  }
0x219: {  	v17 =	vld.idx.msk [tilespmem:v36+s29+$0x0], $0xffff  }
0x21a: {  	v18 =	vld.idx.msk [tilespmem:v36+s30+$0x0], $0xffff;
	_ =	sdelay $0x4  }
0x21b: {  	v17 =	vadd.f32 v18, v17;
	_ =	sdelay $0x1  }
0x21c: {  	v17 =	vmul.f32 v17, v33;
	_ =	sdelay $0x1  }
0x21d: {  	v17 =	vadd.f32 v17, v30;
	_ =	sdelay $0x1  }
0x21e: {  	v17 =	vmax.f32 v17, $0.0e+00  }
0x21f: {  	v17 =	vmul.f32 v17, v34;
	_ =	sdelay $0x1  }
0x220: {  	s2 =	rddreg [dreg:$0xd];
	s7 =	simm.s32 $0x15;
	[tilespmem:v36+s29+$0x0] =	vst.idx.msk $0xffff, v17  }
0x221: {  	[spmem:s2] =	stream.linear.scatter [tilespmem:s29], [sflag:$0x15], $0x2800, $0x38;
	[tilespmem:$0x12CB0] =	vst v63  }
0x222: {  	_ =	swait.ge [sflag:s7], $0x2800  }
0x223: {  	[sflag:s7] =	ssyncset.done $0x0  }
0x224: {  	[sflag:s7] =	ssyncadd.s32 $0xFFFFD800  }
0x225: {  	[bflag:$0x0] =	sbarrier.arrive $0xFFFF  }
0x226: {  	s2 =	simm.s32 $0x0;
	s6 =	rddreg [dreg:$0xe]  }
0x227: {  	[tilespmem:s2], [sflag:$0x15] =	stream.linear.gather [hbm4b:s6+s2], $0x2710, $0x38;
	[tilespmem:$0x12CB0] =	vst v63  }
0x228: {  	_ =	swait.ge [sflag:s7], $0x2710  }
0x229: {  	[sflag:s7] =	ssyncset.done $0x0  }
0x22a: {  	s14 =	simm.s32 $0x2710;
	s6 =	rddreg [dreg:$0xf];
	[sflag:s7] =	ssyncadd.s32 $0xFFFFD8F0  }
0x22b: {  	[tilespmem:s14], [sflag:$0x15] =	stream.linear.gather [hbm4b:s6+s2], $0x2710, $0x38;
	[tilespmem:$0x12CB0] =	vst v63  }
0x22c: {  	_ =	swait.ge [sflag:s7], $0x2710  }
0x22d: {  	[sflag:s7] =	ssyncset.done $0x0  }
0x22e: {  	[sflag:s7] =	ssyncadd.s32 $0xFFFFD8F0  }
0x22f: {  	[tilespmem:s8], [sflag:$0x1] =	stream.indirect.gather [spmem:s4], $0x10, s2, s0, $0xb8;
	[tilespmem:$0x12CB0] =	vst v63  }
0x230: {  	_ = 	snop  }
0x231: {  	[tilespmem:s9], [sflag:$0x2] =	stream.indirect.gather [spmem:s4], $0x10, s0, s0, $0xb8;
	[tilespmem:$0x12CB0] =	vst v63  }
0x232: {  	s14 =	simm.s32 $0xA0  }
0x233: {  	[tilespmem:s20], [sflag:$0x3] =	stream.indirect.gather [spmem:s4], $0x10, s14, s0, $0xb8;
	[tilespmem:$0x12CB0] =	vst v63  }
0x234: {  	s7 =	simm.s32 $0xF0  }
0x235: {  	[tilespmem:s21], [sflag:$0x4] =	stream.indirect.gather [spmem:s4], $0x10, s7, s0, $0xb8;
	[tilespmem:$0x12CB0] =	vst v63  }
0x236: {  	s8 =	simm.s32 $0x140  }
0x237: {  	[tilespmem:s22], [sflag:$0x5] =	stream.indirect.gather [spmem:s4], $0x10, s8, s0, $0xb8;
	[tilespmem:$0x12CB0] =	vst v63  }
0x238: {  	s9 =	simm.s32 $0x190;
	s8 =	simm.s32 $0x6720  }
0x239: {  	[tilespmem:s8], [sflag:$0x6] =	stream.indirect.gather [spmem:s4], $0x10, s9, s0, $0xb8;
	[tilespmem:$0x12CB0] =	vst v63  }
0x23a: {  	s14 =	simm.s32 $0x1E0  }
0x23b: {  	[tilespmem:s24], [sflag:$0x7] =	stream.indirect.gather [spmem:s4], $0x10, s14, s0, $0xb8;
	[tilespmem:$0x12CB0] =	vst v63  }
0x23c: {  	s20 =	simm.s32 $0x230  }
0x23d: {  	[tilespmem:s28], [sflag:$0x8] =	stream.indirect.gather [spmem:s4], $0x10, s20, s0, $0xb8;
	[tilespmem:$0x12CB0] =	vst v63  }
0x23e: {  	s21 =	simm.s32 $0x280  }
0x23f: {  	[tilespmem:s10], [sflag:$0x9] =	stream.indirect.gather [spmem:s4], $0x10, s21, s0, $0xb8;
	[tilespmem:$0x12CB0] =	vst v63  }
0x240: {  	s22 =	simm.s32 $0x2D0  }
0x241: {  	[tilespmem:s11], [sflag:$0xA] =	stream.indirect.gather [spmem:s4], $0x10, s22, s0, $0xb8;
	[tilespmem:$0x12CB0] =	vst v63  }
.LBB2_10:
0x242: {  	_ =	swait.ge [sflag:s15], $0x500  }
0x243: {  	s6 =	sshra.s32 s2, $0x2;
	[sflag:s15] =	ssyncset.done $0x0  }
0x244: {  	s9 =	simm.s32 $0x4E20;
	s7 =	sadd.s32 $0x2710, s6;
	[sflag:s15] =	ssyncadd.s32 $0xFFFFFB00  }
0x245: {  	[spmem:s3] =	stream.indirect.scatter.add.f32 [tilespmem:s9], [sflag:$0xB], $0x10, s7, s0, $0xb8;
	[tilespmem:$0x12CB0] =	vst v63  }
0x246: {  	_ =	swait.ge [sflag:s1], $0x500  }
0x247: {  	[sflag:s1] =	ssyncset.done $0x0  }
0x248: {  	s14 =	simm.s32 $0x5320;
	s21 =	sadd.s32 $0x2760, s6;
	[sflag:s1] =	ssyncadd.s32 $0xFFFFFB00  }
0x249: {  	[spmem:s3] =	stream.indirect.scatter.add.f32 [tilespmem:s14], [sflag:$0xC], $0x10, s21, s0, $0xb8;
	[tilespmem:$0x12CB0] =	vst v63  }
0x24a: {  	_ =	swait.ge [sflag:s17], $0x500  }
0x24b: {  	[sflag:s17] =	ssyncset.done $0x0  }
0x24c: {  	s22 =	sadd.s32 $0x27B0, s6;
	s21 =	simm.s32 $0x5820;
	[sflag:s17] =	ssyncadd.s32 $0xFFFFFB00  }
0x24d: {  	[spmem:s3] =	stream.indirect.scatter.add.f32 [tilespmem:s21], [sflag:$0xD], $0x10, s22, s0, $0xb8;
	[tilespmem:$0x12CB0] =	vst v63  }
0x24e: {  	_ =	swait.ge [sflag:s18], $0x500  }
0x24f: {  	[sflag:s18] =	ssyncset.done $0x0  }
0x250: {  	s20 =	sadd.s32 $0x2800, s6;
	s22 =	simm.s32 $0x5D20;
	[sflag:s18] =	ssyncadd.s32 $0xFFFFFB00  }
0x251: {  	[spmem:s3] =	stream.indirect.scatter.add.f32 [tilespmem:s22], [sflag:$0xE], $0x10, s20, s0, $0xb8;
	[tilespmem:$0x12CB0] =	vst v63  }
0x252: {  	_ =	swait.ge [sflag:s19], $0x500  }
0x253: {  	[sflag:s19] =	ssyncset.done $0x0  }
0x254: {  	s20 =	sadd.s32 $0x2850, s6;
	[sflag:s19] =	ssyncadd.s32 $0xFFFFFB00  }
0x255: {  	[spmem:s3] =	stream.indirect.scatter.add.f32 [tilespmem:s23], [sflag:$0xF], $0x10, s20, s0, $0xb8;
	[tilespmem:$0x12CB0] =	vst v63  }
0x256: {  	s20 =	simm.s32 $0x6  }
0x257: {  	_ =	swait.ge [sflag:s20], $0x500  }
0x258: {  	[sflag:s20] =	ssyncset.done $0x0  }
0x259: {  	[sflag:s20] =	ssyncadd.s32 $0xFFFFFB00;
	s20 =	sadd.s32 $0x28A0, s6  }
0x25a: {  	[spmem:s3] =	stream.indirect.scatter.add.f32 [tilespmem:s8], [sflag:$0x10], $0x10, s20, s0, $0xb8;
	[tilespmem:$0x12CB0] =	vst v63  }
0x25b: {  	s8 =	simm.s32 $0x7  }
0x25c: {  	_ =	swait.ge [sflag:s8], $0x500  }
0x25d: {  	[sflag:s8] =	ssyncset.done $0x0  }
0x25e: {  	s20 =	sadd.s32 $0x28F0, s6;
	[sflag:s8] =	ssyncadd.s32 $0xFFFFFB00  }
0x25f: {  	[spmem:s3] =	stream.indirect.scatter.add.f32 [tilespmem:s24], [sflag:$0x11], $0x10, s20, s0, $0xb8;
	[tilespmem:$0x12CB0] =	vst v63  }
0x260: {  	s24 =	simm.s32 $0x8  }
0x261: {  	_ =	swait.ge [sflag:s24], $0x500  }
0x262: {  	[sflag:s24] =	ssyncset.done $0x0  }
0x263: {  	s8 =	sadd.s32 $0x2940, s6;
	s20 =	simm.s32 $0x9;
	[sflag:s24] =	ssyncadd.s32 $0xFFFFFB00  }
0x264: {  	[spmem:s3] =	stream.indirect.scatter.add.f32 [tilespmem:s28], [sflag:$0x12], $0x10, s8, s0, $0xb8;
	[tilespmem:$0x12CB0] =	vst v63  }
0x265: {  	_ =	swait.ge [sflag:s20], $0x500  }
0x266: {  	[sflag:s20] =	ssyncset.done $0x0  }
0x267: {  	s24 =	sadd.s32 $0x2990, s6;
	s8 =	simm.s32 $0xA;
	[sflag:s20] =	ssyncadd.s32 $0xFFFFFB00  }
0x268: {  	[spmem:s3] =	stream.indirect.scatter.add.f32 [tilespmem:s10], [sflag:$0x13], $0x10, s24, s0, $0xb8;
	[tilespmem:$0x12CB0] =	vst v63  }
0x269: {  	_ =	swait.ge [sflag:s8], $0x500  }
0x26a: {  	[sflag:s8] =	ssyncset.done $0x0  }
0x26b: {  	s10 =	sadd.s32 $0x29E0, s6;
	[sflag:s8] =	ssyncadd.s32 $0xFFFFFB00  }
0x26c: {  	[spmem:s3] =	stream.indirect.scatter.add.f32 [tilespmem:s11], [sflag:$0x14], $0x10, s10, s0, $0xb8;
	[tilespmem:$0x12CB0] =	vst v63  }
0x26d: {  	_ =	swait.ge [sflag:s25], $0x500  }
0x26e: {  	[sflag:s25] =	ssyncset.done $0x0  }
0x26f: {  	s20 =	sadd.s32 $0x320, s6;
	[sflag:s25] =	ssyncadd.s32 $0xFFFFFB00  }
0x270: {  	[tilespmem:s9], [sflag:$0x1] =	stream.indirect.gather [spmem:s4], $0x10, s20, s0, $0xb8;
	[tilespmem:$0x12CB0] =	vst v63  }
0x271: {  	_ =	swait.ge [sflag:s16], $0x500  }
0x272: {  	[sflag:s16] =	ssyncset.done $0x0  }
0x273: {  	s20 =	sadd.s32 $0x370, s6;
	[sflag:s16] =	ssyncadd.s32 $0xFFFFFB00  }
0x274: {  	[tilespmem:s14], [sflag:$0x2] =	stream.indirect.gather [spmem:s4], $0x10, s20, s0, $0xb8;
	[tilespmem:$0x12CB0] =	vst v63  }
0x275: {  	_ =	swait.ge [sflag:s26], $0x500  }
0x276: {  	[sflag:s26] =	ssyncset.done $0x0  }
0x277: {  	s14 =	sadd.s32 $0x3C0, s6;
	[sflag:s26] =	ssyncadd.s32 $0xFFFFFB00  }
0x278: {  	[tilespmem:s21], [sflag:$0x3] =	stream.indirect.gather [spmem:s4], $0x10, s14, s0, $0xb8;
	[tilespmem:$0x12CB0] =	vst v63  }
0x279: {  	_ =	swait.ge [sflag:s5], $0x500  }
0x27a: {  	[sflag:s5] =	ssyncset.done $0x0  }
0x27b: {  	s14 =	sadd.s32 $0x410, s6;
	[sflag:s5] =	ssyncadd.s32 $0xFFFFFB00  }
0x27c: {  	[tilespmem:s22], [sflag:$0x4] =	stream.indirect.gather [spmem:s4], $0x10, s14, s0, $0xb8;
	[tilespmem:$0x12CB0] =	vst v63  }
0x27d: {  	_ =	swait.ge [sflag:s31], $0x500  }
0x27e: {  	[sflag:s31] =	ssyncset.done $0x0  }
0x27f: {  	p0 =	seq.s32 s2, $0x8980;
	s14 =	sadd.s32 $0x460, s6;
	[sflag:s31] =	ssyncadd.s32 $0xFFFFFB00  }
0x280: {  	[tilespmem:s23], [sflag:$0x5] =	stream.indirect.gather [spmem:s4], $0x10, s14, s0, $0xb8;
	[tilespmem:$0x12CB0] =	vst v63  }
.Ltmp6:
0x281: {  	s28 =	simm.s32 $0x6C20;
	(pc) =	sbr.rel @p0 .LBB2_12-.Ltmp6, $4  }
0x282: {  	s24 =	simm.s32 $0x6720;
	s8 =	simm.s32 $0x4E20;
	s14 =	simm.s32 $0x10  }
0x283: {  	s11 =	simm.s32 $0x7620;
	s10 =	simm.s32 $0x7120;
	_ =	swait.ge [sflag:s14], $0x500  }
0x284: {  	s9 =	simm.s32 $0x5320;
	s20 =	simm.s32 $0x5820;
	[sflag:s14] =	ssyncset.done $0x0  }
0x285: {  	s21 =	simm.s32 $0x5D20;
	s22 =	simm.s32 $0x6220;
	[sflag:s14] =	ssyncadd.s32 $0xFFFFFB00  }
0x286: {  	s7 =	sadd.s32 $0x4B0, s6;
	s8 =	simm.s32 $0x11  }
0x287: {  	[tilespmem:s24], [sflag:$0x6] =	stream.indirect.gather [spmem:s4], $0x10, s7, s0, $0xb8;
	[tilespmem:$0x12CB0] =	vst v63  }
0x288: {  	_ =	swait.ge [sflag:s8], $0x500  }
0x289: {  	[sflag:s8] =	ssyncset.done $0x0  }
0x28a: {  	s9 =	sadd.s32 $0x500, s6;
	s14 =	simm.s32 $0x12;
	[sflag:s8] =	ssyncadd.s32 $0xFFFFFB00  }
0x28b: {  	[tilespmem:s28], [sflag:$0x7] =	stream.indirect.gather [spmem:s4], $0x10, s9, s0, $0xb8;
	[tilespmem:$0x12CB0] =	vst v63  }
0x28c: {  	_ =	swait.ge [sflag:s14], $0x500  }
0x28d: {  	[sflag:s14] =	ssyncset.done $0x0  }
0x28e: {  	s20 =	sadd.s32 $0x550, s6;
	s21 =	simm.s32 $0x13;
	[sflag:s14] =	ssyncadd.s32 $0xFFFFFB00  }
0x28f: {  	[tilespmem:s10], [sflag:$0x8] =	stream.indirect.gather [spmem:s4], $0x10, s20, s0, $0xb8;
	[tilespmem:$0x12CB0] =	vst v63  }
0x290: {  	_ =	swait.ge [sflag:s21], $0x500  }
0x291: {  	[sflag:s21] =	ssyncset.done $0x0  }
0x292: {  	s22 =	sadd.s32 $0x5A0, s6;
	[sflag:s21] =	ssyncadd.s32 $0xFFFFFB00  }
0x293: {  	[tilespmem:s11], [sflag:$0x9] =	stream.indirect.gather [spmem:s4], $0x10, s22, s0, $0xb8;
	[tilespmem:$0x12CB0] =	vst v63  }
.Ltmp7:
0x294: {  	_ =	swait.ge [sflag:s13], $0x500;
	(pc) =	sbr.rel .LBB2_10-.Ltmp7, $4  }
0x295: {  	s2 =	sadd.s32 $0xC80, s2;
	s24 =	sadd.s32 $0x5F0, s6;
	[sflag:s13] =	ssyncset.done $0x0  }
0x296: {  	s8 =	simm.s32 $0x6720;
	s28 =	simm.s32 $0x7120;
	[sflag:s13] =	ssyncadd.s32 $0xFFFFFB00  }
0x297: {  	[tilespmem:s12], [sflag:$0xA] =	stream.indirect.gather [spmem:s4], $0x10, s24, s0, $0xb8;
	[tilespmem:$0x12CB0] =	vst v63  }
0x298: {  	s10 =	simm.s32 $0x7620;
	s11 =	simm.s32 $0x7B20;
	s24 =	simm.s32 $0x6C20  }
.LBB2_13:
0x299: {  	_ =	sfence.sel $0x180000  }
0x29a: {  	[bflag:$0x0] =	sbarrier.arrive $0xFFFF  }
0x29b: {  	_ =	strace $0x9000004D  }
0x29c: {  	s0 =	stileid.u32;
	[bflag:$0x2] =	sbarrier.arrive $0xFFFF  }
0x29d: {  	p0 =	sne.s32 s0, $0x0;
	s0 =	rddreg [dreg:$0x5]  }
0x29e: {  	s0 =	sadd.s32 @!p0 $0x100000, s0  }
0x29f: {  	[sflag:s0] =	ssyncadd.tile.s32 @!p0 $0x1;
	_ =	shalt  }
.Lfunc_end2:
_tile_overlayer_lowered:
.L_overlay_start_2:
0x2a0: {  	(tag) =	ssettag $0x2  }
0x2a1: {  	s0 =	rddreg [dreg:$0x0];
	s2 =	stileid.u32  }
0x2a2: {  	s1 =	rddreg [dreg:$0x1];
	p0 =	sne.s32 s2, $0x0  }
0x2a3: {  	s3 =	rddreg [dreg:$0x2];
	[bflag:$0x3] =	sbarrier.arrive $0xFFFF;
	s2 =	simm.s32 @!p0 $0x1C15  }
0x2a4: {  	[timem:s3], [sflag:s2] =	dma.local @!p0 [hbm:s0], s1  }
0x2a5: {  	s0 =	simm.s32 @!p0 $0x15  }
0x2a6: {  	_ =	swait.ge @!p0 [sflag:s0], s1  }
0x2a7: {  	s1 =	ssub.s32 @!p0 $0x0, s1;
	[sflag:s0] =	ssyncset.done @!p0 $0x0  }
0x2a8: {  	[sflag:s0] =	ssyncadd.s32 @!p0 s1  }
0x2a9: {  	[bflag:$0x3] =	sbarrier.arrive $0xFFFF  }
0x2aa: {  	_ =	shalt  }

// kernel: kernel.7.cloned.1.call-start
scs
__scs_entry_jumppad:
0x0: {  	(pc) =	sbr.rel $0x88, $3  }
0x1: {  	(tag) =	ssettag $0x0;
	lr =	simm.s32 $0x1  }
0x2: {  	[smem:$0x3F9B] =	sst lr;
	_ =	strace $0xD0000000  }
0x3: {  	_ = 	snop  }
0x4: {  	_ = 	snop  }
0x5: {  	_ = 	snop  }
0x6: {  	_ = 	snop  }
0x7: {  	_ = 	snop  }
__scs_overlays_trampoline_lowered:
0x8: {  	[smem:$0x3FAA] =	sst s0  }
0x9: {  	[smem:$0x3FAB] =	sst s1  }
0xa: {  	[smem:$0x3FAC] =	sst s2  }
0xb: {  	[smem:$0x3FAD] =	sst s3  }
0xc: {  	[smem:$0x3FAE] =	sst s4  }
0xd: {  	[smem:$0x3FAF] =	sst s5  }
0xe: {  	[smem:$0x3FB0] =	sst s6  }
0xf: {  	[smem:$0x3FB1] =	sst s7  }
0x10: {  	[smem:$0x3FB2] =	sst s8  }
0x11: {  	[smem:$0x3FB3] =	sst s9;
	s0 =	simm.s32 @!p0 $0x0  }
0x12: {  	s1 =	sld [smem:$0x3F99];
	s0 =	simm.s32 @p0 $0x1  }
0x13: {  	[smem:$0x3FB4] =	sst s0;
	s0 =	simm.s32 @!p1 $0x0  }
0x14: {  	s2 =	sld [smem:$0x3F98];
	s0 =	simm.s32 @p1 $0x1  }
0x15: {  	[smem:$0x3FB5] =	sst s0;
	s0 =	simm.s32 @!p2 $0x0  }
0x16: {  	s3 =	sld [smem:$0x3FDB];
	s0 =	simm.s32 @p2 $0x1  }
0x17: {  	s4 =	simm.s32 $0x1BF5;
	[smem:$0x3FB7] =	sst s0  }
0x18: {  	s0 =	sld [smem:$0x3F9A];
	_ =	swait.ge [sflag:s4], $0x0  }
0x19: {  	s7 =	sld [smem:$0x3F9B]  }
0x1a: {  	s8 =	sadd.s32 $0xFFFFE003, lr  }
0x1b: {  	s9 =	sadd.s32 $0xFFFFFEF7, lr;
	s5 =	simm.s32 $0xFFFFFFFF;
	p2 =	slt.u32 s8, $0xFFFFF086  }
0x1c: {  	p1 =	slt.u32 s9, $0xF7A;
	s5 =	simm.s32 @!p2 $0x0  }
0x1d: {  	s5 =	simm.s32 @p1 $0x1;
	p0 =	seq.s32 s7, s2  }
0x1e: {  	s7 =	smul.u32 @!p0 $0xF7A, s2;
	p2 =	seq.s32 @!p0 s5, $0x0  }
0x1f: {  	s9 =	smul.u32 $0xF7A, s1;
	s8 =	simm.s32 @!p0 $0x1BF5;
	p2 =	por !p2, p0  }
0x20: {  	[sflag:s8] =	ssyncset.s32 @!p0 $0xFFFFF086;
	s6 =	sadd.s32 @!p0 s3, s7;
	s7 =	simm.s32 @!p0 $0x108  }
0x21: {  	s3 =	sadd.s32 s3, s9;
	s6 =	sadd.s32 @!p0 $0x88, s6;
	s7 =	simm.s32 @p2 $0x1082  }
0x22: {  	[simem:s7], [sflag:s8] =	dma.local @!p0 [hbm:s6], $0xF7A  }
0x23: {  	s9 =	sor.u32 $0xD0000000, s2;
	s6 =	simm.s32 $0x108;
	_ =	swait.ge @!p0 [sflag:s8], $0x0  }
0x24: {  	s3 =	sadd.s32 $0x88, s3;
	s6 =	simm.s32 @!p1 $0x1082;
	[sflag:s4] =	ssyncset.s32 $0xFFFFF086  }
0x25: {  	[simem:s6], [sflag:s4] =	dma.local [hbm:s3], $0xF7A  }
0x26: {  	[smem:$0x3F9B] =	sst s1;
	(tag) =	ssettag s2;
	_ =	strace s9  }
0x27: {  	s1 =	sld [smem:$0x3FAB]  }
0x28: {  	s2 =	sld [smem:$0x3FAC]  }
0x29: {  	s4 =	sld [smem:$0x3FAE]  }
0x2a: {  	p0 =	seq.s32 s5, $0x0;
	s5 =	sld [smem:$0x3FAF]  }
0x2b: {  	s6 =	sld [smem:$0x3FB0]  }
0x2c: {  	s7 =	sld [smem:$0x3FB1]  }
0x2d: {  	s3 =	simm.s32 $0x108;
	s8 =	sld [smem:$0x3FB2]  }
0x2e: {  	s3 =	simm.s32 @!p0 $0x1082;
	s9 =	sld [smem:$0x3FB3]  }
0x2f: {  	lr =	sadd.s32 s0, s3;
	s0 =	sld [smem:$0x3FAA]  }
0x30: {  	s3 =	sld [smem:$0x3FAD]  }
0x31: {  	[smem:$0x3FB6] =	sst s10  }
0x32: {  	s10 =	sld [smem:$0x3FB4];
	_ =	sdelay $0x3  }
0x33: {  	p0 =	seq.s32 s10, $0x1;
	s10 =	sld [smem:$0x3FB6];
	_ =	sdelay $0x3  }
0x34: {  	[smem:$0x3FB6] =	sst s10  }
0x35: {  	s10 =	sld [smem:$0x3FB5];
	_ =	sdelay $0x3  }
0x36: {  	p1 =	seq.s32 s10, $0x1;
	s10 =	sld [smem:$0x3FB6];
	_ =	sdelay $0x3  }
0x37: {  	[smem:$0x3FB6] =	sst s10  }
0x38: {  	s10 =	sld [smem:$0x3FB7]  }
0x39: {  	_ = 	snop;
	(pc) =	sbr.ind lr, $3  }
0x3a: {  	_ = 	snop  }
0x3b: {  	_ = 	snop  }
0x3c: {  	p2 =	seq.s32 s10, $0x1;
	s10 =	sld [smem:$0x3FB6]  }
0x3d: {  	_ =	shalt  }
0x3e: {  	_ =	shalt  }
0x3f: {  	_ =	shalt  }
0x40: {  	_ =	shalt  }
0x41: {  	_ =	shalt  }
0x42: {  	_ =	shalt  }
0x43: {  	_ =	shalt  }
0x44: {  	_ =	shalt  }
0x45: {  	_ =	shalt  }
0x46: {  	_ =	shalt  }
0x47: {  	_ =	shalt  }
0x48: {  	_ =	shalt  }
0x49: {  	_ =	shalt  }
0x4a: {  	_ =	shalt  }
0x4b: {  	_ =	shalt  }
0x4c: {  	_ =	shalt  }
0x4d: {  	_ =	shalt  }
0x4e: {  	_ =	shalt  }
0x4f: {  	_ =	shalt  }
0x50: {  	_ =	shalt  }
0x51: {  	_ =	shalt  }
0x52: {  	_ =	shalt  }
0x53: {  	_ =	shalt  }
0x54: {  	_ =	shalt  }
0x55: {  	_ =	shalt  }
0x56: {  	_ =	shalt  }
0x57: {  	_ =	shalt  }
0x58: {  	_ =	shalt  }
0x59: {  	_ =	shalt  }
0x5a: {  	_ =	shalt  }
0x5b: {  	_ =	shalt  }
0x5c: {  	_ =	shalt  }
0x5d: {  	_ =	shalt  }
0x5e: {  	_ =	shalt  }
0x5f: {  	_ =	shalt  }
0x60: {  	_ =	shalt  }
0x61: {  	_ =	shalt  }
0x62: {  	_ =	shalt  }
0x63: {  	_ =	shalt  }
0x64: {  	_ =	shalt  }
0x65: {  	_ =	shalt  }
0x66: {  	_ =	shalt  }
0x67: {  	_ =	shalt  }
0x68: {  	_ =	shalt  }
0x69: {  	_ =	shalt  }
0x6a: {  	_ =	shalt  }
0x6b: {  	_ =	shalt  }
0x6c: {  	_ =	shalt  }
0x6d: {  	_ =	shalt  }
0x6e: {  	_ =	shalt  }
0x6f: {  	_ =	shalt  }
0x70: {  	_ =	shalt  }
0x71: {  	_ =	shalt  }
0x72: {  	_ =	shalt  }
0x73: {  	_ =	shalt  }
0x74: {  	_ =	shalt  }
0x75: {  	_ =	shalt  }
0x76: {  	_ =	shalt  }
0x77: {  	_ =	shalt  }
0x78: {  	_ =	shalt  }
0x79: {  	_ =	shalt  }
0x7a: {  	_ =	shalt  }
0x7b: {  	_ =	shalt  }
0x7c: {  	_ =	shalt  }
0x7d: {  	_ =	shalt  }
0x7e: {  	_ =	shalt  }
0x7f: {  	_ =	shalt  }
0x80: {  	_ =	shalt  }
0x81: {  	_ =	shalt  }
0x82: {  	_ =	shalt  }
0x83: {  	_ =	shalt  }
0x84: {  	_ =	shalt  }
0x85: {  	_ =	shalt  }
0x86: {  	_ =	shalt  }
0x87: {  	_ =	shalt  }
.Lfunc_end0:
.L_simem_size_0:
called_computation_lowered:
.L_overlay_start_0:
0x88: {  	s2 =	sld [smem:$0x3FD9]  }
0x89: {  	s3 =	sld [smem:$0x3FFE];
	_ =	sdelay $0x1  }
0x8a: {  	s1 =	srdreg.scid  }
0x8b: {  	s0 =	sand.u32 $0x1, s1  }
0x8c: {  	s16 =	sshll.u32 s0, $0xA;
	s2 =	sadd.s32 s3, s2  }
0x8d: {  	s2 =	sadd.s32 s2, s16  }
0x8e: {  	[smem:$0x3FC2] =	sst s2  }
0x8f: {  	_ = 	snop  }
0x90: {  	(tm) =	ssettm $0x1  }
0x91: {  	s17 =	sld [smem:$0x3FFB];
	_ =	sdelay $0x3  }
0x92: {  	_ =	strace s17  }
0x93: {  	s2 =	sld [smem:$0x3FFC];
	_ =	sdelay $0x3  }
0x94: {  	_ =	strace s2  }
0x95: {  	s2 =	sld [smem:$0x3FFD];
	_ =	sdelay $0x3  }
0x96: {  	_ =	strace s2  }
0x97: {  	_ =	strace $0x8FFFFFFF  }
0x98: {  	s18 =	sld [smem:$0x3FDB];
	_ =	sdelay $0x1  }
0x99: {  	s19 =	simm.s32 $_scs_section_size  }
0x9a: {  	s4 =	simm.s32 $_size__tile_overlayer_lowered;
	s5 =	simm.s32 $_tile_overlayer_lowered  }
0x9b: {  	s22 =	simm.s32 $0x1BFF;
	s21 =	sshll.u32 s5, $0x1;
	s2 =	sadd.s32 s19, s18  }
0x9c: {  	s6 =	simm.s32 $0x0;
	s20 =	sshll.u32 s4, $0x1;
	s4 =	sadd.s32 s21, s2  }
0x9d: {  	[timem:s6], [sflag:s22] =	dma.local [hbm:s4], s20  }
0x9e: {  	_ =	swait.ge [sflag:s22], s20  }
0x9f: {  	s3 =	ssub.s32 $0x0, s20;
	[sflag:s22] =	ssyncset.done $0x0  }
0xa0: {  	[sflag:s22] =	ssyncadd.s32 s3;
	_ =	sdelay $0x1  }
0xa1: {  	s23 =	simm.s32 $0x1B8B  }
0xa2: {  	_ =	swait.ge [sflag:s23], $0x1  }
0xa3: {  	[sflag:s23] =	ssyncset.done $0x0  }
0xa4: {  	s25 =	simm.s32 $0x1B8E;
	s24 =	sld [smem:$0x3FFE];
	[sflag:s23] =	ssyncadd.s32 $0xFFFFFFFF  }
0xa5: {  	s26 =	simm.s32 $execute0_lowered;
	[smem:$0x3FD2] =	sst s25  }
0xa6: {  	s4 =	sshll.u32 s26, $0x1;
	_ =	strace $0x80000046;
	[dreg:$0x1] =	wrdreg $0xFFFFFFFF  }
0xa7: {  	s28 =	simm.s32 $_size_execute0_lowered;
	s2 =	sadd.s32 s2, s4;
	[dreg:$0x0] =	wrdreg $0x0  }
0xa8: {  	s4 =	sshll.u32 s28, $0x1;
	[dreg:$0x2] =	wrdreg s2  }
0xa9: {  	[dreg:$0x3] =	wrdreg s4  }
0xaa: {  	[dreg:$0x4] =	wrdreg $0xC0  }
0xab: {  	_ =	task [dreg:s6], $0x5FFFF  }
0xac: {  	[dreg:$0x1] =	wrdreg $0xFFFFFFFF  }
0xad: {  	[dreg:$0x0] =	wrdreg $0x60  }
0xae: {  	[dreg:$0x2] =	wrdreg s24  }
0xaf: {  	[dreg:$0x3] =	wrdreg $0x4F200  }
0xb0: {  	[dreg:$0x4] =	wrdreg $0x51A00  }
0xb1: {  	[dreg:$0x5] =	wrdreg $0x9  }
0xb2: {  	_ =	task.clear_ibuf [dreg:s6], $0x6FFFF;
	_ =	strace $0x90000046  }
0xb3: {  	s29 =	simm.s32 $0x9;
	_ =	strace $0x80000048  }
0xb4: {  	_ =	swait.ge [sflag:s29], $0x1  }
0xb5: {  	[sflag:s29] =	ssyncadd.s32 $0xFFFFFFFF  }
0xb6: {  	_ =	strace $0x90000048  }
0xb7: {  	_ =	sfence  }
0xb8: {  	s30 =	sld [smem:$0x0];
	_ =	sdelay $0x2  }
0xb9: {  	s31 =	sshll.u32 s1, $0xD;
	s1 =	sshrl.u32 s1, $0x2  }
0xba: {  	s3 =	sand.u32 $0x4000, s31;
	s1 =	sadd.s32 s1, s30  }
0xbb: {  	s0 =	sor.u32 s3, s0;
	s1 =	sshll.u32 s1, $0x11  }
0xbc: {  	s0 =	sor.u32 s1, s0  }
0xbd: {  	s0 =	sadd.s32 $0x8F2B, s0  }
0xbe: {  	[sflag:s0] =	ssyncadd.remote.s32 $0x1  }
0xbf: {  	_ =	sfence.sel $0xFFFF  }
0xc0: {  	[dreg:$0x0] =	wrdreg $0xFFFFFFFF;
	(pc) =	sbr.abs _section_cstart, $3  }
0xc1: {  	[dreg:$0x1] =	wrdreg $0xFFFFFFFF  }
0xc2: {  	_ =	task.clear_ibuf [dreg:s6], $0x2FFFF;
	_ =	strace $0x9FFFFFFF  }
0xc3: {  	(tm) =	ssettm $0x7FFFFFFF  }
tec
execute0_lowered:
.L_overlay_start_1:
0x0: {  	(tag) =	ssettag $0x1  }
0x1: {  	s0 =	rddreg [dreg:$0x0]  }
0x2: {  	s2 =	rddreg [dreg:$0x1]  }
0x3: {  	s3 =	rddreg [dreg:$0x2]  }
0x4: {  	s1 =	srdreg.scid;
	s7 =	stileid.u32;
	s4 =	simm.s32 $0x0  }
0x5: {  	s20 =	simm.s32 $0x4EA0;
	s21 =	simm.s32 $0x3;
	s28 =	simm.s32 $0x4E10  }
0x6: {  	s29 =	simm.s32 $0x1;
	s30 =	simm.s32 $0x2;
	s31 =	simm.s32 $0x0  }
0x7: {  	s1 =	sand.u32 $0x1, s1;
	s16 =	smul.u32 $0x280, s7;
	[smem:$0x7FF] =	sst s4  }
0x8: {  	s5 =	sshll.u32 s1, $0x4;
	s6 =	smul.u32 $0x2800, s1;
	s1 =	ssub.s32 $0x2, s1  }
0x9: {  	_ =	strace $0x80000047;
	s5 =	sor.u32 s7, s5;
	s22 =	sshrl.u32 s1, $0x1  }
0xa: {  	s10 =	sadd.s32 s16, s3;
	s23 =	sadd.s32 $0x80, s16;
	s24 =	sadd.s32 $0x100, s16  }
0xb: {  	s25 =	sadd.s32 $0x180, s16;
	s26 =	sadd.s32 $0x200, s16;
	s5 =	smul.u32 $0x4E2, s5  }
0xc: {  	s6 =	sadd.s32 s16, s6;
	s1 =	ssub.s32 s1, s22;
	s12 =	sadd.s32 s23, s2  }
0xd: {  	s13 =	sadd.s32 s23, s3;
	s14 =	sadd.s32 s24, s2;
	s15 =	sadd.s32 s24, s3  }
0xe: {  	s17 =	sadd.s32 s25, s3;
	s18 =	sadd.s32 s26, s2;
	s19 =	sadd.s32 s26, s3  }
0xf: {  	s22 =	simm.s32 $0x2710;
	s23 =	simm.s32 $0x80;
	s24 =	simm.s32 $0x4E20  }
0x10: {  	s26 =	simm.s32 $0x2700;
	s6 =	sshrl.u32 s6, $0x3;
	s8 =	sadd.s32 s5, s0  }
0x11: {  	s11 =	smax.u32 s1, $0x1;
	s0 =	sadd.s32 s6, s0;
	s5 =	sadd.s32 $0x2000, s8  }
0x12: {  	s6 =	sadd.s32 $0xBE00, s8;
	s7 =	sadd.s32 $0x15C00, s0;
	s8 =	sadd.s32 s16, s2  }
0x13: {  	v0 =	vimm.f32 $1.000000000e+00;
	v1 =	vimm.f32 $0.0e+00;
	s9 =	sadd.s32 $0x16600, s0;
	s16 =	sadd.s32 s25, s2;
	s25 =	simm.s32 $0x10  }
.LBB2_1:
0x14: {  	[tilespmem:$0x4E20] =	vst v0  }
0x15: {  	[tilespmem:$0x4E30] =	vst v0  }
0x16: {  	[tilespmem:$0x4E40] =	vst v0  }
0x17: {  	[tilespmem:$0x4E50] =	vst v0  }
0x18: {  	[tilespmem:$0x4E60] =	vst v0  }
0x19: {  	[tilespmem:$0x4E70] =	vst v0  }
0x1a: {  	[tilespmem:$0x4E80] =	vst v0  }
0x1b: {  	[tilespmem:$0x4E90] =	vst v0  }
0x1c: {  	[tilespmem:$0x4EA0] =	vst v1  }
0x1d: {  	[tilespmem:$0x4EB0] =	vst v1  }
0x1e: {  	[tilespmem:$0x4EC0] =	vst v1  }
0x1f: {  	[tilespmem:$0x4ED0] =	vst v1  }
0x20: {  	[tilespmem:$0x4EE0] =	vst v1  }
0x21: {  	[tilespmem:$0x4EF0] =	vst v1  }
0x22: {  	[tilespmem:$0x4F00] =	vst v1  }
0x23: {  	[tilespmem:$0x4F10] =	vst v1  }
0x24: {  	[spmem:s8] =	stream.linear.scatter [tilespmem:s20], [sflag:$0x3], $0x80, $0x38;
	[tilespmem:$0x5420] =	vst v63  }
0x25: {  	_ =	swait.ge [sflag:s21], $0x80  }
0x26: {  	[sflag:s21] =	ssyncset.done $0x0  }
0x27: {  	[sflag:s21] =	ssyncadd.s32 $0xFFFFFF80  }
0x28: {  	[spmem:s10] =	stream.linear.scatter [tilespmem:s20], [sflag:$0x3], $0x80, $0x38;
	[tilespmem:$0x5420] =	vst v63  }
0x29: {  	_ =	swait.ge [sflag:s21], $0x80  }
0x2a: {  	[sflag:s21] =	ssyncset.done $0x0  }
0x2b: {  	[sflag:s21] =	ssyncadd.s32 $0xFFFFFF80  }
0x2c: {  	[spmem:s12] =	stream.linear.scatter [tilespmem:s20], [sflag:$0x3], $0x80, $0x38;
	[tilespmem:$0x5420] =	vst v63  }
0x2d: {  	_ =	swait.ge [sflag:s21], $0x80  }
0x2e: {  	[sflag:s21] =	ssyncset.done $0x0  }
0x2f: {  	[sflag:s21] =	ssyncadd.s32 $0xFFFFFF80  }
0x30: {  	[spmem:s13] =	stream.linear.scatter [tilespmem:s20], [sflag:$0x3], $0x80, $0x38;
	[tilespmem:$0x5420] =	vst v63  }
0x31: {  	_ =	swait.ge [sflag:s21], $0x80  }
0x32: {  	[sflag:s21] =	ssyncset.done $0x0  }
0x33: {  	[sflag:s21] =	ssyncadd.s32 $0xFFFFFF80  }
0x34: {  	[spmem:s14] =	stream.linear.scatter [tilespmem:s20], [sflag:$0x3], $0x80, $0x38;
	[tilespmem:$0x5420] =	vst v63  }
0x35: {  	_ =	swait.ge [sflag:s21], $0x80  }
0x36: {  	[sflag:s21] =	ssyncset.done $0x0  }
0x37: {  	[sflag:s21] =	ssyncadd.s32 $0xFFFFFF80  }
0x38: {  	[spmem:s15] =	stream.linear.scatter [tilespmem:s20], [sflag:$0x3], $0x80, $0x38;
	[tilespmem:$0x5420] =	vst v63  }
0x39: {  	_ =	swait.ge [sflag:s21], $0x80  }
0x3a: {  	[sflag:s21] =	ssyncset.done $0x0  }
0x3b: {  	[sflag:s21] =	ssyncadd.s32 $0xFFFFFF80  }
0x3c: {  	[spmem:s16] =	stream.linear.scatter [tilespmem:s20], [sflag:$0x3], $0x80, $0x38;
	[tilespmem:$0x5420] =	vst v63  }
0x3d: {  	_ =	swait.ge [sflag:s21], $0x80  }
0x3e: {  	[sflag:s21] =	ssyncset.done $0x0  }
0x3f: {  	[sflag:s21] =	ssyncadd.s32 $0xFFFFFF80  }
0x40: {  	[spmem:s17] =	stream.linear.scatter [tilespmem:s20], [sflag:$0x3], $0x80, $0x38;
	[tilespmem:$0x5420] =	vst v63  }
0x41: {  	_ =	swait.ge [sflag:s21], $0x80  }
0x42: {  	[sflag:s21] =	ssyncset.done $0x0  }
0x43: {  	[sflag:s21] =	ssyncadd.s32 $0xFFFFFF80  }
0x44: {  	[spmem:s18] =	stream.linear.scatter [tilespmem:s20], [sflag:$0x3], $0x80, $0x38;
	[tilespmem:$0x5420] =	vst v63  }
0x45: {  	_ =	swait.ge [sflag:s21], $0x80  }
0x46: {  	[sflag:s21] =	ssyncset.done $0x0  }
0x47: {  	[sflag:s21] =	ssyncadd.s32 $0xFFFFFF80  }
0x48: {  	[spmem:s19] =	stream.linear.scatter [tilespmem:s20], [sflag:$0x3], $0x80, $0x38;
	[tilespmem:$0x5420] =	vst v63  }
0x49: {  	_ =	swait.ge [sflag:s21], $0x80  }
0x4a: {  	[sflag:s21] =	ssyncset.done $0x0  }
0x4b: {  	[sflag:s21] =	ssyncadd.s32 $0xFFFFFF80  }
0x4c: {  	[bflag:$0x0] =	sbarrier.arrive $0xFFFF  }
0x4d: {  	[tilespmem:s4], [sflag:$0x3] =	stream.linear.gather [hbm4b:s5+s4], $0x2710, $0x38;
	[tilespmem:$0x5420] =	vst v63  }
0x4e: {  	_ =	swait.ge [sflag:s21], $0x2710  }
0x4f: {  	[sflag:s21] =	ssyncset.done $0x0  }
0x50: {  	[sflag:s21] =	ssyncadd.s32 $0xFFFFD8F0  }
0x51: {  	[tilespmem:s22], [sflag:$0x3] =	stream.linear.gather [hbm4b:s6+s4], $0x2710, $0x38;
	[tilespmem:$0x5420] =	vst v63  }
0x52: {  	_ =	swait.ge [sflag:s21], $0x2710  }
0x53: {  	[sflag:s21] =	ssyncset.done $0x0  }
0x54: {  	s0 =	simm.s32 $0x0;
	[sflag:s21] =	ssyncadd.s32 $0xFFFFD8F0  }
0x55: {  	[spmem:s2] =	stream.indirect.scatter.add.f32 [tilespmem:s24], [sflag:$0x1], $0x1, s0, s23, $0xb8;
	[tilespmem:$0x5420] =	vst v63  }
0x56: {  	s1 =	simm.s32 $0x2710;
	s0 =	simm.s32 $0x200  }
.LBB2_2:
0x57: {  	[spmem:s3] =	stream.indirect.scatter.add.f32 [tilespmem:s24], [sflag:$0x2], $0x1, s1, s23, $0xb8;
	[tilespmem:$0x5420] =	vst v63  }
0x58: {  	s1 =	smov.u32 s0;
	p0 =	sne.s32 s0, $0x9A00  }
.Ltmp0:
0x59: {  	s0 =	sadd.s32 $0x200, s0;
	(pc) =	sbr.rel @p0 .LBB2_2-.Ltmp0, $4  }
0x5a: {  	_ = 	snop  }
0x5b: {  	s1 =	sshra.s32 s1, $0x2  }
0x5c: {  	[spmem:s2] =	stream.indirect.scatter.add.f32 [tilespmem:s24], [sflag:$0x1], $0x1, s1, s23, $0xb8;
	[tilespmem:$0x5420] =	vst v63  }
0x5d: {  	s1 =	sadd.s32 $0x2710, s1  }
0x5e: {  	[spmem:s3] =	stream.indirect.scatter.add.f32 [tilespmem:s24], [sflag:$0x2], $0x1, s1, s23, $0xb8;
	[tilespmem:$0x5420] =	vst v63  }
0x5f: {  	_ = 	snop  }
0x60: {  	[spmem:s2] =	stream.indirect.scatter.add.f32 [tilespmem:s24], [sflag:$0x1], $0x1, s26, s25, $0xb8;
	[tilespmem:$0x5420] =	vst v63  }
0x61: {  	_ = 	snop  }
0x62: {  	[spmem:s3] =	stream.indirect.scatter.add.f32 [tilespmem:s24], [sflag:$0x2], $0x1, s28, s25, $0xb8;
	[tilespmem:$0x5420] =	vst v63  }
0x63: {  	_ =	swait.ge [sflag:s29], $0x80  }
0x64: {  	[sflag:s29] =	ssyncset.done $0x0  }
0x65: {  	[sflag:s29] =	ssyncadd.s32 $0xFFFFFF80  }
0x66: {  	_ =	swait.ge [sflag:s30], $0x80  }
0x67: {  	s0 =	simm.s32 $0x4D;
	[sflag:s30] =	ssyncset.done $0x0  }
.LBB2_4:
0x68: {  	p0 =	sne.s32 s0, $0x1;
	s0 =	sadd.s32 $0xFFFFFFFF, s0;
	[sflag:s30] =	ssyncadd.s32 $0xFFFFFF80  }
.Ltmp1:
0x69: {  	_ =	swait.ge [sflag:s29], $0x80;
	(pc) =	sbr.rel @p0 .LBB2_4-.Ltmp1, $4  }
0x6a: {  	[sflag:s29] =	ssyncset.done $0x0  }
0x6b: {  	[sflag:s29] =	ssyncadd.s32 $0xFFFFFF80  }
0x6c: {  	_ =	swait.ge [sflag:s30], $0x80  }
0x6d: {  	[sflag:s30] =	ssyncset.done $0x0  }
0x6e: {  	[sflag:s30] =	ssyncadd.s32 $0xFFFFFF80  }
0x6f: {  	_ =	swait.ge [sflag:s29], $0x10  }
0x70: {  	[sflag:s29] =	ssyncset.done $0x0  }
0x71: {  	[sflag:s29] =	ssyncadd.s32 $0xFFFFFFF0  }
0x72: {  	_ =	swait.ge [sflag:s30], $0x10  }
0x73: {  	s0 =	stileid.u32;
	[sflag:s30] =	ssyncset.done $0x0  }
0x74: {  	s0 =	sshll.u32 s0, $0x6;
	[sflag:s30] =	ssyncadd.s32 $0xFFFFFFF0  }
0x75: {  	s1 =	sshrl.u32 s8, $0x3;
	s0 =	sor.u32 $0x1C03, s0;
	[bflag:$0x0] =	sbarrier.arrive $0xFFFF  }
0x76: {  	[hbm:s7], [sflag:s0] =	dma.local [spmem:s1], $0x50  }
0x77: {  	s31 =	sadd.s32 $0x1, s31;
	_ =	swait.ge [sflag:s21], $0x50  }
0x78: {  	p0 =	sne.s32 s31, s11;
	[sflag:s21] =	ssyncset.done $0x0  }
.Ltmp2:
0x79: {  	s1 =	sshrl.u32 s10, $0x3;
	[sflag:s21] =	ssyncadd.s32 $0xFFFFFFB0;
	(pc) =	sbr.rel @p0 .LBB2_1-.Ltmp2, $4  }
0x7a: {  	[hbm:s9], [sflag:s0] =	dma.local [spmem:s1], $0x50  }
0x7b: {  	_ =	swait.ge [sflag:s21], $0x50  }
0x7c: {  	[sflag:s21] =	ssyncset.done $0x0  }
0x7d: {  	[sflag:s21] =	ssyncadd.s32 $0xFFFFFFB0  }
0x7e: {  	_ =	sfence.sel $0x180000  }
0x7f: {  	[bflag:$0x0] =	sbarrier.arrive $0xFFFF  }
0x80: {  	_ =	strace $0x90000047  }
0x81: {  	s0 =	stileid.u32;
	[bflag:$0x2] =	sbarrier.arrive $0xFFFF  }
0x82: {  	p0 =	sne.s32 s0, $0x0;
	s0 =	rddreg [dreg:$0x3]  }
0x83: {  	s0 =	sadd.s32 @!p0 $0x100000, s0  }
0x84: {  	[sflag:s0] =	ssyncadd.tile.s32 @!p0 $0x1;
	_ =	shalt  }
.Lfunc_end2:
_tile_overlayer_lowered:
.L_overlay_start_2:
0x85: {  	(tag) =	ssettag $0x2  }
0x86: {  	s0 =	rddreg [dreg:$0x0];
	s2 =	stileid.u32  }
0x87: {  	s1 =	rddreg [dreg:$0x1];
	p0 =	sne.s32 s2, $0x0  }
0x88: {  	s3 =	rddreg [dreg:$0x2];
	[bflag:$0x3] =	sbarrier.arrive $0xFFFF;
	s2 =	simm.s32 @!p0 $0x1C03  }
0x89: {  	[timem:s3], [sflag:s2] =	dma.local @!p0 [hbm:s0], s1  }
0x8a: {  	s0 =	simm.s32 @!p0 $0x3  }
0x8b: {  	_ =	swait.ge @!p0 [sflag:s0], s1  }
0x8c: {  	s1 =	ssub.s32 @!p0 $0x0, s1;
	[sflag:s0] =	ssyncset.done @!p0 $0x0  }
0x8d: {  	[sflag:s0] =	ssyncadd.s32 @!p0 s1  }
0x8e: {  	[bflag:$0x3] =	sbarrier.arrive $0xFFFF  }
0x8f: {  	_ =	shalt  }

</sc_bundles>
